<compile_context>
chip_gen: v7x
topology: tpu7x:2x2x1
jax: 0.10.2.dev20260603
libtpu: 0.0.44.dev20260713+nightly
codegen_flags: <defaults>
</compile_context>

<pallas_src>
import functools

import jax
import jax.numpy as jnp
from jax import lax
from jax.experimental import pallas as pl
from jax.experimental.pallas import tpu as pltpu
from jax.experimental.pallas import tpu_sc as plsc

Q = 1024
D = 128
NKEYS = 100000
KPAD = 100352
BK = 2048
NB = KPAD // BK
G = 128
NGB = BK // G
NG = KPAD // G
TOPK = 16
VOCAB = 32000
BW = 10.0
NEG = -3.4e38
BIGI = 1 << 30

NC = 2
NS = 16
NW = NC * NS
QW = Q // NW
HALF = VOCAB // 2



def _score_groupmax_body(q_ref, k_ref, s_ref, gm_ref):
    j = pl.program_id(0)
    k = k_ref[...]
    knorm = jnp.sum(k * k, axis=1)
    s = 2.0 * jax.lax.dot_general(
        q_ref[...], k, (((1,), (1,)), ((), ())),
        preferred_element_type=jnp.float32) - knorm[None, :]

    nvalid = NKEYS - (NB - 1) * BK

    def _emit(sv):
        sv3 = sv.reshape(Q, NGB, G)
        s_ref[...] = sv3
        gm_ref[0] = jnp.max(sv3, axis=2)

    @pl.when(j < NB - 1)
    def _():
        _emit(s)

    @pl.when(j == NB - 1)
    def _():
        lanes = lax.broadcasted_iota(jnp.int32, (Q, BK), 1)
        _emit(jnp.where(lanes < nvalid, s, NEG))


def _scores_and_groupmax(queries, keys_p):
    return pl.pallas_call(
        _score_groupmax_body,
        grid=(NB,),
        in_specs=[
            pl.BlockSpec((Q, D), lambda j: (0, 0)),
            pl.BlockSpec((BK, D), lambda j: (j, 0)),
        ],
        out_specs=[
            pl.BlockSpec((Q, NGB, G), lambda j: (0, j, 0)),
            pl.BlockSpec((1, Q, NGB), lambda j: (j, 0, 0)),
        ],
        out_shape=[
            jax.ShapeDtypeStruct((Q, NG, G), jnp.float32),
            jax.ShapeDtypeStruct((NB, Q, NGB), jnp.float32),
        ],
    )(queries, keys_p)



def _group_select_body(gm_ref, gidx_ref, fid_ref):
    v = gm_ref[...]
    giota = lax.broadcasted_iota(jnp.int32, (Q, NG), 1)
    sel_cols = []
    for _ in range(TOPK):
        m = jnp.max(v, axis=1, keepdims=True)
        sel = jnp.min(jnp.where(v == m, giota, BIGI), axis=1, keepdims=True)
        sel_cols.append(sel)
        v = jnp.where(giota == sel, NEG, v)
    gidx = jnp.concatenate(sel_cols, axis=1)
    gidx_ref[...] = gidx
    rows = lax.broadcasted_iota(jnp.int32, (Q, TOPK), 0)
    fid_ref[...] = rows * NG + gidx


def _group_select(gm):
    return pl.pallas_call(
        _group_select_body,
        out_shape=[
            jax.ShapeDtypeStruct((Q, TOPK), jnp.int32),
            jax.ShapeDtypeStruct((Q, TOPK), jnp.int32),
        ],
    )(gm)



@functools.lru_cache(maxsize=None)
def _sc_mesh():
    return plsc.VectorSubcoreMesh(core_axis_name="c", subcore_axis_name="s")


@functools.lru_cache(maxsize=None)
def _pool_gather_kernel():
    @functools.partial(
        pl.kernel,
        out_type=jax.ShapeDtypeStruct((Q * TOPK, G), jnp.float32),
        mesh=_sc_mesh(),
        compiler_params=pltpu.CompilerParams(needs_layout_passes=False),
        scratch_types=[
            pltpu.VMEM((4, 128), jnp.int32),
            pltpu.VMEM((128, G), jnp.float32),
            pltpu.SemaphoreType.DMA,
        ],
    )
    def _pool_gather(table_hbm, fid_hbm, out_hbm, idx_v, rows_v, sem):
        wid = lax.axis_index("s") * NC + lax.axis_index("c")
        pltpu.sync_copy(fid_hbm.at[pl.ds(wid * 4, 4)], idx_v)
        for t in range(4):
            pltpu.async_copy(table_hbm.at[idx_v.at[t]], rows_v, sem).wait()
            pltpu.sync_copy(rows_v,
                            out_hbm.at[pl.ds(wid * 512 + t * 128, 128)])

    return _pool_gather



G2 = 16
NS2 = TOPK * G // G2


def _subchunk_select_body(p_ref, gidx_ref, pos_ref, base_ref, fid2_ref):
    pool3 = p_ref[...]
    gidx = gidx_ref[...]
    nsub = G // G2
    giota16 = lax.broadcasted_iota(jnp.int32, (Q, TOPK), 1)
    sm = jnp.concatenate(
        [jnp.max(pool3[:, :, s * G2:(s + 1) * G2], axis=2)
         for s in range(nsub)], axis=1)
    gbase = jnp.concatenate(
        [gidx * G + s * G2 for s in range(nsub)], axis=1)
    pos_iota = jnp.concatenate(
        [giota16 * nsub + s for s in range(nsub)], axis=1)

    poss, bases = [], []
    for _ in range(TOPK):
        m = jnp.max(sm, axis=1, keepdims=True)
        b = jnp.min(jnp.where(sm == m, gbase, BIGI), axis=1, keepdims=True)
        p = jnp.min(jnp.where(gbase == b, pos_iota, BIGI), axis=1,
                    keepdims=True)
        bases.append(b)
        poss.append(p)
        sm = jnp.where(gbase == b, NEG, sm)
    pos = jnp.concatenate(poss, axis=1)
    pos_ref[...] = pos
    base_ref[...] = jnp.concatenate(bases, axis=1)
    rows = lax.broadcasted_iota(jnp.int32, (Q, TOPK), 0)
    fid2_ref[...] = rows * NS2 + pos


def _subchunk_select(pool3d, gidx):
    return pl.pallas_call(
        _subchunk_select_body,
        out_shape=[
            jax.ShapeDtypeStruct((Q, TOPK), jnp.int32),
            jax.ShapeDtypeStruct((Q, TOPK), jnp.int32),
            jax.ShapeDtypeStruct((Q, TOPK), jnp.int32),
        ],
    )(pool3d, gidx)


@functools.lru_cache(maxsize=None)
def _subpool_gather_kernel():
    @functools.partial(
        pl.kernel,
        out_type=jax.ShapeDtypeStruct((Q, TOPK * G2), jnp.float32),
        mesh=_sc_mesh(),
        compiler_params=pltpu.CompilerParams(needs_layout_passes=False),
        scratch_types=[
            pltpu.VMEM((QW, TOPK, G), jnp.float32),
            pltpu.VMEM((QW, TOPK), jnp.int32),
            pltpu.VMEM((QW, TOPK * G2), jnp.float32),
        ],
    )
    def _subpool_gather(pool_hbm, pos_hbm, out_hbm, prow_v, pos_v, out_v):
        wid = lax.axis_index("s") * NC + lax.axis_index("c")
        qbase = wid * QW
        pltpu.sync_copy(pool_hbm.at[pl.ds(qbase, QW)], prow_v)
        pltpu.sync_copy(pos_hbm.at[pl.ds(qbase, QW)], pos_v)
        lane = lax.iota(jnp.int32, 16)

        def qbody(qi, c):
            posrow = pos_v[qi]
            for j in range(TOPK):
                p = jnp.max(jnp.where(lane == j, posrow, -1))
                g = p >> 3
                off = (p & 7) * G2 + lane
                row = lane * 0 + qi
                vals = plsc.load_gather(prow_v, [row, lane * 0 + g, off])
                out_v[qi, pl.ds(j * G2, G2)] = vals
            return c

        lax.fori_loop(0, QW, qbody, 0)
        pltpu.sync_copy(out_v, out_hbm.at[pl.ds(qbase, QW)])

    return _subpool_gather


def _final_topk_body(p_ref, base_ref, idx_ref, probs_ref):
    pool = p_ref[...]
    base = base_ref[...]
    lane = lax.broadcasted_iota(jnp.int32, (Q, G2), 1)
    ki = jnp.concatenate(
        [base[:, j:j + 1] + lane for j in range(TOPK)], axis=1)

    vals, idxs = [], []
    p = pool
    for _ in range(TOPK):
        m = jnp.max(p, axis=1, keepdims=True)
        sel = jnp.min(jnp.where(p == m, ki, BIGI), axis=1, keepdims=True)
        vals.append(m)
        idxs.append(sel)
        p = jnp.where(ki == sel, NEG, p)
    v = jnp.concatenate(vals, axis=1)
    idx_ref[...] = jnp.concatenate(idxs, axis=1)
    e = jnp.exp((v - v[:, 0:1]) * (1.0 / BW))
    probs_ref[...] = e / jnp.sum(e, axis=1, keepdims=True)


def _final_topk(subpool2d, base2):
    return pl.pallas_call(
        _final_topk_body,
        out_shape=[
            jax.ShapeDtypeStruct((Q, TOPK), jnp.int32),
            jax.ShapeDtypeStruct((Q, TOPK), jnp.float32),
        ],
    )(subpool2d, base2)



@functools.lru_cache(maxsize=None)
def _vocab_scatter_kernel():
    @functools.partial(
        pl.kernel,
        out_type=jax.ShapeDtypeStruct((Q, VOCAB), jnp.float32),
        mesh=_sc_mesh(),
        compiler_params=pltpu.CompilerParams(needs_layout_passes=False),
        scratch_types=[
            pltpu.VMEM((NKEYS,), jnp.int32),
            pltpu.VMEM((QW * TOPK,), jnp.int32),
            pltpu.VMEM((QW * TOPK,), jnp.float32),
            pltpu.VMEM((HALF,), jnp.float32),
        ],
    )
    def _vocab_scatter(idx_hbm, probs_hbm, tm_hbm, out_hbm,
                       tm_v, idx_v, probs_v, buf):
        wid = lax.axis_index("s") * NC + lax.axis_index("c")
        qbase = wid * QW
        pltpu.sync_copy(tm_hbm, tm_v)
        pltpu.sync_copy(idx_hbm.at[pl.ds(qbase * TOPK, QW * TOPK)], idx_v)
        pltpu.sync_copy(probs_hbm.at[pl.ds(qbase * TOPK, QW * TOPK)],
                        probs_v)

        def zbody(i, c):
            buf[pl.ds(i * 16, 16)] = jnp.zeros((16,), jnp.float32)
            return c

        lax.fori_loop(0, HALF // 16, zbody, 0)
        lane = lax.iota(jnp.int32, 16)

        def qbody(qi, c):
            kidx = idx_v[pl.ds(qi * TOPK, TOPK)]
            pr = probs_v[pl.ds(qi * TOPK, TOPK)]
            tok = plsc.load_gather(tm_v, [kidx])
            keep = lane < 0
            val = jnp.zeros((16,), jnp.float32)
            for k in range(TOPK):
                tk = jnp.max(jnp.where(lane == k, tok, -1))
                eqk = tok == tk
                first = jnp.min(jnp.where(eqk, lane, 99))
                comb = jnp.sum(jnp.where(eqk, pr, 0.0))
                isfirst = lane == first
                keep = keep | isfirst
                val = jnp.where(isfirst, comb, val)
            for half in range(2):
                m = keep & (tok >= half * HALF) & (tok < (half + 1) * HALF)
                t2 = jnp.where(m, tok - half * HALF, 0)
                plsc.addupdate_scatter(buf, [t2], val, mask=m)
                pltpu.sync_copy(
                    buf, out_hbm.at[qbase + qi, pl.ds(half * HALF, HALF)])
                plsc.addupdate_scatter(buf, [t2], -val, mask=m)
            return c

        lax.fori_loop(0, QW, qbody, 0)

    return _vocab_scatter



def kernel(queries, keys, token_map):
    keys_p = jnp.pad(keys, ((0, KPAD - NKEYS), (0, 0)))
    s_full, gm3 = _scores_and_groupmax(queries, keys_p)
    gm = jnp.transpose(gm3, (1, 0, 2)).reshape(Q, NG)
    gidx, fid = _group_select(gm)
    pool = _pool_gather_kernel()(s_full.reshape(Q * NG, G),
                                 fid.reshape(128, 128))
    pool3d = pool.reshape(Q, TOPK, G)
    pos2, base2, fid2 = _subchunk_select(pool3d, gidx)
    subpool = _subpool_gather_kernel()(pool3d, pos2)
    idx, probs = _final_topk(subpool, base2)
    return _vocab_scatter_kernel()(idx.reshape(Q * TOPK),
                                   probs.reshape(Q * TOPK), token_map)

# --- scband reference (transcript-rebuilt; emitter-appended) ---
"""Pipeline reference for scband-static-retriever-58626303590824 (READ-ONLY COPY).

The authoritative reference and input builder live on the scoring server;
editing this copy changes nothing except your own understanding.
"""

import jax, jax.numpy as jnp
import numpy as np

TOP_K = 16
BANDWIDTH = 10.0
VOCAB_SIZE = 32000

def setup_inputs(seed: int = 0) -> dict:
    key = jax.random.key(seed)
    k1, k2, k3 = jax.random.split(key, 3)
    queries = jax.random.normal(k1, (1024, 128), dtype=jnp.float32)
    keys = jax.random.normal(k2, (100000, 128), dtype=jnp.float32)
    token_map = jax.random.randint(k3, (100000,), 0, VOCAB_SIZE, dtype=jnp.int32)
    return {"queries": queries, "keys": keys, "token_map": token_map}

def reference(queries, keys, token_map):
    # Brute-force L2 kNN search (FlatL2 index equivalent).
    q_norm = jnp.sum(queries * queries, axis=1, keepdims=True)  # [Q, 1]
    k_norm = jnp.sum(keys * keys, axis=1)                        # [K]
    # squared L2 distances [Q, K]
    d2 = q_norm + k_norm[None, :] - 2.0 * (queries @ keys.T)
    # top-k nearest = top-k of negative distance
    neg_d, idx = jax.lax.top_k(-d2, TOP_K)
    distances = -neg_d  # [Q, top_k], ascending-ish
    # Gaussian kernel similarity: -distance / bandwidth, softmax over retrieved set
    scores = -distances / BANDWIDTH
    sparse_distribution = jax.nn.softmax(scores, axis=-1)  # [Q, top_k]
    # Map retrieval indices to token ids, scatter-add into vocab distribution
    token_indices = jnp.take(token_map, idx, axis=0)  # [Q, top_k]
    Q = queries.shape[0]
    zeros = jnp.zeros((Q, VOCAB_SIZE), dtype=sparse_distribution.dtype)
    row_ids = jnp.arange(Q, dtype=jnp.int32)[:, None]
    distribution = zeros.at[row_ids, token_indices].add(sparse_distribution)
    return distribution

if __name__ == "__main__":
    import jax
    _d = setup_inputs()
    print(jax.jit(kernel)(*tuple(_d.values())))

</pallas_src>

<mosaic_0001>
#map = affine_map<(d0, d1) -> (0, 0)>
module attributes {stable_mosaic.version = 14 : i64} {
  func.func @_pool_gather(%arg0: i32, %arg1: i32, %arg2: memref<802816x128xf32, #tpu.memory_space<hbm>>, %arg3: memref<128x128xi32, #tpu.memory_space<hbm>>, %arg4: memref<16384x128xf32, #tpu.memory_space<hbm>>, %arg5: memref<4x128xi32, #tpu.memory_space<vmem>>, %arg6: memref<128x128xf32, #tpu.memory_space<vmem>>, %arg7: memref<!tpu.dma_semaphore, #tpu.memory_space<semaphore_mem>>) attributes {dimension_semantics = [#tpu.dimension_semantics<core_parallel>, #tpu.dimension_semantics<subcore_parallel>], iteration_bounds = array<i64: 2, 16>, scalar_prefetch = 0 : i64, scratch_operands = 3 : i64, tpu.core_type = #tpu.core_type<sc_vector_subcore>, window_params = [{transform_indices = #map}, {transform_indices = #map}, {transform_indices = #map}]} {
    %mul3A = arith.constant 2 : i32
    %mul3A_0 = arith.muli %arg1, %mul3A : i32
    %add3A = arith.addi %mul3A_0, %arg0 : i32
    %mul3A_1 = arith.constant 4 : i32
    %mul3A_2 = arith.muli %add3A, %mul3A_1 : i32
    "tpu.region"() ({
      %run_scoped3A = tpu.sem_alloc : memref<!tpu.dma_semaphore, #tpu.memory_space<semaphore_mem>>
      %dma_start3A_73 = arith.constant 0 : i32
      %dma_start3A_74 = tpu.memref_slice %arg3[%mul3A_2, %dma_start3A_73] : memref<128x128xi32, #tpu.memory_space<hbm>> -> memref<4x128xi32, #tpu.memory_space<hbm>>
      %dma_start3A_75 = arith.constant 0 : i32
      %dma_start3A_76 = tpu.memref_slice %arg3[%mul3A_2, %dma_start3A_75] : memref<128x128xi32, #tpu.memory_space<hbm>> -> memref<4x128xi32, #tpu.memory_space<hbm>>
      tpu.enqueue_dma source(%dma_start3A_76 : memref<4x128xi32, #tpu.memory_space<hbm>>) target(%arg5 : memref<4x128xi32, #tpu.memory_space<vmem>>) target_semaphore(%run_scoped3A : memref<!tpu.dma_semaphore, #tpu.memory_space<semaphore_mem>>)
      %dma_wait3A_77 = arith.constant 0 : i32
      %dma_wait3A_78 = tpu.memref_slice %arg3[%mul3A_2, %dma_wait3A_77] : memref<128x128xi32, #tpu.memory_space<hbm>> -> memref<4x128xi32, #tpu.memory_space<hbm>>
      %dma_wait3A_79 = arith.constant 0 : i32
      %dma_wait3A_80 = tpu.memref_slice %arg3[%mul3A_2, %dma_wait3A_79] : memref<128x128xi32, #tpu.memory_space<hbm>> -> memref<4x128xi32, #tpu.memory_space<hbm>>
      tpu.wait_dma2 semaphore(%run_scoped3A : memref<!tpu.dma_semaphore, #tpu.memory_space<semaphore_mem>>) src(%dma_wait3A_80 : memref<4x128xi32, #tpu.memory_space<hbm>>) dst(%arg5 : memref<4x128xi32, #tpu.memory_space<vmem>>)
      tpu.yield
    }) : () -> ()
    %dma_start3A = arith.constant 0 : i32
    %dma_start3A_3 = arith.constant 0 : i32
    %dma_start3A_4 = tpu.memref_slice %arg5[%dma_start3A, %dma_start3A_3] : memref<4x128xi32, #tpu.memory_space<vmem>> -> memref<1x128xi32, #tpu.memory_space<vmem>>
    %dma_start3A_5 = tpu.memref_squeeze %dma_start3A_4 : memref<1x128xi32, #tpu.memory_space<vmem>> -> memref<128xi32, #tpu.memory_space<vmem>>
    %dma_start3A_6 = arith.constant 0 : i32
    %dma_start3A_7 = arith.constant 0 : i32
    %dma_start3A_8 = tpu.memref_slice %arg2[%dma_start3A_6, %dma_start3A_7] : memref<802816x128xf32, #tpu.memory_space<hbm>> -> memref<802816x128xf32, #tpu.memory_space<hbm>>
    tpu.enqueue_indirect_dma source(%dma_start3A_8 : memref<802816x128xf32, #tpu.memory_space<hbm>>) target(%arg6 : memref<128x128xf32, #tpu.memory_space<vmem>>) offsets(%dma_start3A_5 : memref<128xi32, #tpu.memory_space<vmem>>) semaphore(%arg7 : memref<!tpu.dma_semaphore, #tpu.memory_space<semaphore_mem>>)
    %dma_wait3A = arith.constant 0 : i32
    %dma_wait3A_9 = arith.constant 0 : i32
    %dma_wait3A_10 = tpu.memref_slice %arg5[%dma_wait3A, %dma_wait3A_9] : memref<4x128xi32, #tpu.memory_space<vmem>> -> memref<1x128xi32, #tpu.memory_space<vmem>>
    %dma_wait3A_11 = tpu.memref_squeeze %dma_wait3A_10 : memref<1x128xi32, #tpu.memory_space<vmem>> -> memref<128xi32, #tpu.memory_space<vmem>>
    %dma_wait3A_12 = arith.constant 0 : i32
    %dma_wait3A_13 = arith.constant 0 : i32
    %dma_wait3A_14 = tpu.memref_slice %arg2[%dma_wait3A_12, %dma_wait3A_13] : memref<802816x128xf32, #tpu.memory_space<hbm>> -> memref<802816x128xf32, #tpu.memory_space<hbm>>
    tpu.wait_indirect_dma semaphore(%arg7 : memref<!tpu.dma_semaphore, #tpu.memory_space<semaphore_mem>>) src(%dma_wait3A_14 : memref<802816x128xf32, #tpu.memory_space<hbm>>) dst(%arg6 : memref<128x128xf32, #tpu.memory_space<vmem>>)
    %mul3A_15 = arith.constant 512 : i32
    %mul3A_16 = arith.muli %add3A, %mul3A_15 : i32
    %add3A_17 = arith.constant 0 : i32
    %add3A_18 = arith.addi %mul3A_16, %add3A_17 : i32
    "tpu.region"() ({
      %run_scoped3A = tpu.sem_alloc : memref<!tpu.dma_semaphore, #tpu.memory_space<semaphore_mem>>
      %dma_start3A_73 = arith.constant 0 : i32
      %dma_start3A_74 = tpu.memref_slice %arg4[%add3A_18, %dma_start3A_73] : memref<16384x128xf32, #tpu.memory_space<hbm>> -> memref<128x128xf32, #tpu.memory_space<hbm>>
      %dma_start3A_75 = arith.constant 0 : i32
      %dma_start3A_76 = tpu.memref_slice %arg4[%add3A_18, %dma_start3A_75] : memref<16384x128xf32, #tpu.memory_space<hbm>> -> memref<128x128xf32, #tpu.memory_space<hbm>>
      tpu.enqueue_dma source(%arg6 : memref<128x128xf32, #tpu.memory_space<vmem>>) target(%dma_start3A_76 : memref<128x128xf32, #tpu.memory_space<hbm>>) target_semaphore(%run_scoped3A : memref<!tpu.dma_semaphore, #tpu.memory_space<semaphore_mem>>)
      %dma_wait3A_77 = arith.constant 0 : i32
      %dma_wait3A_78 = tpu.memref_slice %arg4[%add3A_18, %dma_wait3A_77] : memref<16384x128xf32, #tpu.memory_space<hbm>> -> memref<128x128xf32, #tpu.memory_space<hbm>>
      %dma_wait3A_79 = arith.constant 0 : i32
      %dma_wait3A_80 = tpu.memref_slice %arg4[%add3A_18, %dma_wait3A_79] : memref<16384x128xf32, #tpu.memory_space<hbm>> -> memref<128x128xf32, #tpu.memory_space<hbm>>
      tpu.wait_dma2 semaphore(%run_scoped3A : memref<!tpu.dma_semaphore, #tpu.memory_space<semaphore_mem>>) src(%arg6 : memref<128x128xf32, #tpu.memory_space<vmem>>) dst(%dma_wait3A_80 : memref<128x128xf32, #tpu.memory_space<hbm>>)
      tpu.yield
    }) : () -> ()
    %dma_start3A_19 = arith.constant 1 : i32
    %dma_start3A_20 = arith.constant 0 : i32
    %dma_start3A_21 = tpu.memref_slice %arg5[%dma_start3A_19, %dma_start3A_20] : memref<4x128xi32, #tpu.memory_space<vmem>> -> memref<1x128xi32, #tpu.memory_space<vmem>>
    %dma_start3A_22 = tpu.memref_squeeze %dma_start3A_21 : memref<1x128xi32, #tpu.memory_space<vmem>> -> memref<128xi32, #tpu.memory_space<vmem>>
    %dma_start3A_23 = arith.constant 0 : i32
    %dma_start3A_24 = arith.constant 0 : i32
    %dma_start3A_25 = tpu.memref_slice %arg2[%dma_start3A_23, %dma_start3A_24] : memref<802816x128xf32, #tpu.memory_space<hbm>> -> memref<802816x128xf32, #tpu.memory_space<hbm>>
    tpu.enqueue_indirect_dma source(%dma_start3A_25 : memref<802816x128xf32, #tpu.memory_space<hbm>>) target(%arg6 : memref<128x128xf32, #tpu.memory_space<vmem>>) offsets(%dma_start3A_22 : memref<128xi32, #tpu.memory_space<vmem>>) semaphore(%arg7 : memref<!tpu.dma_semaphore, #tpu.memory_space<semaphore_mem>>)
    %dma_wait3A_26 = arith.constant 1 : i32
    %dma_wait3A_27 = arith.constant 0 : i32
    %dma_wait3A_28 = tpu.memref_slice %arg5[%dma_wait3A_26, %dma_wait3A_27] : memref<4x128xi32, #tpu.memory_space<vmem>> -> memref<1x128xi32, #tpu.memory_space<vmem>>
    %dma_wait3A_29 = tpu.memref_squeeze %dma_wait3A_28 : memref<1x128xi32, #tpu.memory_space<vmem>> -> memref<128xi32, #tpu.memory_space<vmem>>
    %dma_wait3A_30 = arith.constant 0 : i32
    %dma_wait3A_31 = arith.constant 0 : i32
    %dma_wait3A_32 = tpu.memref_slice %arg2[%dma_wait3A_30, %dma_wait3A_31] : memref<802816x128xf32, #tpu.memory_space<hbm>> -> memref<802816x128xf32, #tpu.memory_space<hbm>>
    tpu.wait_indirect_dma semaphore(%arg7 : memref<!tpu.dma_semaphore, #tpu.memory_space<semaphore_mem>>) src(%dma_wait3A_32 : memref<802816x128xf32, #tpu.memory_space<hbm>>) dst(%arg6 : memref<128x128xf32, #tpu.memory_space<vmem>>)
    %mul3A_33 = arith.constant 512 : i32
    %mul3A_34 = arith.muli %add3A, %mul3A_33 : i32
    %add3A_35 = arith.constant 128 : i32
    %add3A_36 = arith.addi %mul3A_34, %add3A_35 : i32
    "tpu.region"() ({
      %run_scoped3A = tpu.sem_alloc : memref<!tpu.dma_semaphore, #tpu.memory_space<semaphore_mem>>
      %dma_start3A_73 = arith.constant 0 : i32
      %dma_start3A_74 = tpu.memref_slice %arg4[%add3A_36, %dma_start3A_73] : memref<16384x128xf32, #tpu.memory_space<hbm>> -> memref<128x128xf32, #tpu.memory_space<hbm>>
      %dma_start3A_75 = arith.constant 0 : i32
      %dma_start3A_76 = tpu.memref_slice %arg4[%add3A_36, %dma_start3A_75] : memref<16384x128xf32, #tpu.memory_space<hbm>> -> memref<128x128xf32, #tpu.memory_space<hbm>>
      tpu.enqueue_dma source(%arg6 : memref<128x128xf32, #tpu.memory_space<vmem>>) target(%dma_start3A_76 : memref<128x128xf32, #tpu.memory_space<hbm>>) target_semaphore(%run_scoped3A : memref<!tpu.dma_semaphore, #tpu.memory_space<semaphore_mem>>)
      %dma_wait3A_77 = arith.constant 0 : i32
      %dma_wait3A_78 = tpu.memref_slice %arg4[%add3A_36, %dma_wait3A_77] : memref<16384x128xf32, #tpu.memory_space<hbm>> -> memref<128x128xf32, #tpu.memory_space<hbm>>
      %dma_wait3A_79 = arith.constant 0 : i32
      %dma_wait3A_80 = tpu.memref_slice %arg4[%add3A_36, %dma_wait3A_79] : memref<16384x128xf32, #tpu.memory_space<hbm>> -> memref<128x128xf32, #tpu.memory_space<hbm>>
      tpu.wait_dma2 semaphore(%run_scoped3A : memref<!tpu.dma_semaphore, #tpu.memory_space<semaphore_mem>>) src(%arg6 : memref<128x128xf32, #tpu.memory_space<vmem>>) dst(%dma_wait3A_80 : memref<128x128xf32, #tpu.memory_space<hbm>>)
      tpu.yield
    }) : () -> ()
    %dma_start3A_37 = arith.constant 2 : i32
    %dma_start3A_38 = arith.constant 0 : i32
    %dma_start3A_39 = tpu.memref_slice %arg5[%dma_start3A_37, %dma_start3A_38] : memref<4x128xi32, #tpu.memory_space<vmem>> -> memref<1x128xi32, #tpu.memory_space<vmem>>
    %dma_start3A_40 = tpu.memref_squeeze %dma_start3A_39 : memref<1x128xi32, #tpu.memory_space<vmem>> -> memref<128xi32, #tpu.memory_space<vmem>>
    %dma_start3A_41 = arith.constant 0 : i32
    %dma_start3A_42 = arith.constant 0 : i32
    %dma_start3A_43 = tpu.memref_slice %arg2[%dma_start3A_41, %dma_start3A_42] : memref<802816x128xf32, #tpu.memory_space<hbm>> -> memref<802816x128xf32, #tpu.memory_space<hbm>>
    tpu.enqueue_indirect_dma source(%dma_start3A_43 : memref<802816x128xf32, #tpu.memory_space<hbm>>) target(%arg6 : memref<128x128xf32, #tpu.memory_space<vmem>>) offsets(%dma_start3A_40 : memref<128xi32, #tpu.memory_space<vmem>>) semaphore(%arg7 : memref<!tpu.dma_semaphore, #tpu.memory_space<semaphore_mem>>)
    %dma_wait3A_44 = arith.constant 2 : i32
    %dma_wait3A_45 = arith.constant 0 : i32
    %dma_wait3A_46 = tpu.memref_slice %arg5[%dma_wait3A_44, %dma_wait3A_45] : memref<4x128xi32, #tpu.memory_space<vmem>> -> memref<1x128xi32, #tpu.memory_space<vmem>>
    %dma_wait3A_47 = tpu.memref_squeeze %dma_wait3A_46 : memref<1x128xi32, #tpu.memory_space<vmem>> -> memref<128xi32, #tpu.memory_space<vmem>>
    %dma_wait3A_48 = arith.constant 0 : i32
    %dma_wait3A_49 = arith.constant 0 : i32
    %dma_wait3A_50 = tpu.memref_slice %arg2[%dma_wait3A_48, %dma_wait3A_49] : memref<802816x128xf32, #tpu.memory_space<hbm>> -> memref<802816x128xf32, #tpu.memory_space<hbm>>
    tpu.wait_indirect_dma semaphore(%arg7 : memref<!tpu.dma_semaphore, #tpu.memory_space<semaphore_mem>>) src(%dma_wait3A_50 : memref<802816x128xf32, #tpu.memory_space<hbm>>) dst(%arg6 : memref<128x128xf32, #tpu.memory_space<vmem>>)
    %mul3A_51 = arith.constant 512 : i32
    %mul3A_52 = arith.muli %add3A, %mul3A_51 : i32
    %add3A_53 = arith.constant 256 : i32
    %add3A_54 = arith.addi %mul3A_52, %add3A_53 : i32
    "tpu.region"() ({
      %run_scoped3A = tpu.sem_alloc : memref<!tpu.dma_semaphore, #tpu.memory_space<semaphore_mem>>
      %dma_start3A_73 = arith.constant 0 : i32
      %dma_start3A_74 = tpu.memref_slice %arg4[%add3A_54, %dma_start3A_73] : memref<16384x128xf32, #tpu.memory_space<hbm>> -> memref<128x128xf32, #tpu.memory_space<hbm>>
      %dma_start3A_75 = arith.constant 0 : i32
      %dma_start3A_76 = tpu.memref_slice %arg4[%add3A_54, %dma_start3A_75] : memref<16384x128xf32, #tpu.memory_space<hbm>> -> memref<128x128xf32, #tpu.memory_space<hbm>>
      tpu.enqueue_dma source(%arg6 : memref<128x128xf32, #tpu.memory_space<vmem>>) target(%dma_start3A_76 : memref<128x128xf32, #tpu.memory_space<hbm>>) target_semaphore(%run_scoped3A : memref<!tpu.dma_semaphore, #tpu.memory_space<semaphore_mem>>)
      %dma_wait3A_77 = arith.constant 0 : i32
      %dma_wait3A_78 = tpu.memref_slice %arg4[%add3A_54, %dma_wait3A_77] : memref<16384x128xf32, #tpu.memory_space<hbm>> -> memref<128x128xf32, #tpu.memory_space<hbm>>
      %dma_wait3A_79 = arith.constant 0 : i32
      %dma_wait3A_80 = tpu.memref_slice %arg4[%add3A_54, %dma_wait3A_79] : memref<16384x128xf32, #tpu.memory_space<hbm>> -> memref<128x128xf32, #tpu.memory_space<hbm>>
      tpu.wait_dma2 semaphore(%run_scoped3A : memref<!tpu.dma_semaphore, #tpu.memory_space<semaphore_mem>>) src(%arg6 : memref<128x128xf32, #tpu.memory_space<vmem>>) dst(%dma_wait3A_80 : memref<128x128xf32, #tpu.memory_space<hbm>>)
      tpu.yield
    }) : () -> ()
    %dma_start3A_55 = arith.constant 3 : i32
    %dma_start3A_56 = arith.constant 0 : i32
    %dma_start3A_57 = tpu.memref_slice %arg5[%dma_start3A_55, %dma_start3A_56] : memref<4x128xi32, #tpu.memory_space<vmem>> -> memref<1x128xi32, #tpu.memory_space<vmem>>
    %dma_start3A_58 = tpu.memref_squeeze %dma_start3A_57 : memref<1x128xi32, #tpu.memory_space<vmem>> -> memref<128xi32, #tpu.memory_space<vmem>>
    %dma_start3A_59 = arith.constant 0 : i32
    %dma_start3A_60 = arith.constant 0 : i32
    %dma_start3A_61 = tpu.memref_slice %arg2[%dma_start3A_59, %dma_start3A_60] : memref<802816x128xf32, #tpu.memory_space<hbm>> -> memref<802816x128xf32, #tpu.memory_space<hbm>>
    tpu.enqueue_indirect_dma source(%dma_start3A_61 : memref<802816x128xf32, #tpu.memory_space<hbm>>) target(%arg6 : memref<128x128xf32, #tpu.memory_space<vmem>>) offsets(%dma_start3A_58 : memref<128xi32, #tpu.memory_space<vmem>>) semaphore(%arg7 : memref<!tpu.dma_semaphore, #tpu.memory_space<semaphore_mem>>)
    %dma_wait3A_62 = arith.constant 3 : i32
    %dma_wait3A_63 = arith.constant 0 : i32
    %dma_wait3A_64 = tpu.memref_slice %arg5[%dma_wait3A_62, %dma_wait3A_63] : memref<4x128xi32, #tpu.memory_space<vmem>> -> memref<1x128xi32, #tpu.memory_space<vmem>>
    %dma_wait3A_65 = tpu.memref_squeeze %dma_wait3A_64 : memref<1x128xi32, #tpu.memory_space<vmem>> -> memref<128xi32, #tpu.memory_space<vmem>>
    %dma_wait3A_66 = arith.constant 0 : i32
    %dma_wait3A_67 = arith.constant 0 : i32
    %dma_wait3A_68 = tpu.memref_slice %arg2[%dma_wait3A_66, %dma_wait3A_67] : memref<802816x128xf32, #tpu.memory_space<hbm>> -> memref<802816x128xf32, #tpu.memory_space<hbm>>
    tpu.wait_indirect_dma semaphore(%arg7 : memref<!tpu.dma_semaphore, #tpu.memory_space<semaphore_mem>>) src(%dma_wait3A_68 : memref<802816x128xf32, #tpu.memory_space<hbm>>) dst(%arg6 : memref<128x128xf32, #tpu.memory_space<vmem>>)
    %mul3A_69 = arith.constant 512 : i32
    %mul3A_70 = arith.muli %add3A, %mul3A_69 : i32
    %add3A_71 = arith.constant 384 : i32
    %add3A_72 = arith.addi %mul3A_70, %add3A_71 : i32
    "tpu.region"() ({
      %run_scoped3A = tpu.sem_alloc : memref<!tpu.dma_semaphore, #tpu.memory_space<semaphore_mem>>
      %dma_start3A_73 = arith.constant 0 : i32
      %dma_start3A_74 = tpu.memref_slice %arg4[%add3A_72, %dma_start3A_73] : memref<16384x128xf32, #tpu.memory_space<hbm>> -> memref<128x128xf32, #tpu.memory_space<hbm>>
      %dma_start3A_75 = arith.constant 0 : i32
      %dma_start3A_76 = tpu.memref_slice %arg4[%add3A_72, %dma_start3A_75] : memref<16384x128xf32, #tpu.memory_space<hbm>> -> memref<128x128xf32, #tpu.memory_space<hbm>>
      tpu.enqueue_dma source(%arg6 : memref<128x128xf32, #tpu.memory_space<vmem>>) target(%dma_start3A_76 : memref<128x128xf32, #tpu.memory_space<hbm>>) target_semaphore(%run_scoped3A : memref<!tpu.dma_semaphore, #tpu.memory_space<semaphore_mem>>)
      %dma_wait3A_77 = arith.constant 0 : i32
      %dma_wait3A_78 = tpu.memref_slice %arg4[%add3A_72, %dma_wait3A_77] : memref<16384x128xf32, #tpu.memory_space<hbm>> -> memref<128x128xf32, #tpu.memory_space<hbm>>
      %dma_wait3A_79 = arith.constant 0 : i32
      %dma_wait3A_80 = tpu.memref_slice %arg4[%add3A_72, %dma_wait3A_79] : memref<16384x128xf32, #tpu.memory_space<hbm>> -> memref<128x128xf32, #tpu.memory_space<hbm>>
      tpu.wait_dma2 semaphore(%run_scoped3A : memref<!tpu.dma_semaphore, #tpu.memory_space<semaphore_mem>>) src(%arg6 : memref<128x128xf32, #tpu.memory_space<vmem>>) dst(%dma_wait3A_80 : memref<128x128xf32, #tpu.memory_space<hbm>>)
      tpu.yield
    }) : () -> ()
    return
  }
}

#map = affine_map<(d0, d1) -> (0)>
#map1 = affine_map<(d0, d1) -> (0, 0)>
module attributes {stable_mosaic.version = 14 : i64} {
  func.func @_vocab_scatter(%arg0: i32, %arg1: i32, %arg2: memref<16384xi32, #tpu.memory_space<hbm>>, %arg3: memref<16384xf32, #tpu.memory_space<hbm>>, %arg4: memref<100000xi32, #tpu.memory_space<hbm>>, %arg5: memref<1024x32000xf32, #tpu.memory_space<hbm>>, %arg6: memref<100000xi32, #tpu.memory_space<vmem>>, %arg7: memref<512xi32, #tpu.memory_space<vmem>>, %arg8: memref<512xf32, #tpu.memory_space<vmem>>, %arg9: memref<16000xf32, #tpu.memory_space<vmem>>) attributes {dimension_semantics = [#tpu.dimension_semantics<core_parallel>, #tpu.dimension_semantics<subcore_parallel>], iteration_bounds = array<i64: 2, 16>, scalar_prefetch = 0 : i64, scratch_operands = 4 : i64, tpu.core_type = #tpu.core_type<sc_vector_subcore>, window_params = [{transform_indices = #map}, {transform_indices = #map}, {transform_indices = #map}, {transform_indices = #map1}]} {
    %mul3A = arith.constant 2 : i32
    %mul3A_0 = arith.muli %arg1, %mul3A : i32
    %add3A = arith.addi %mul3A_0, %arg0 : i32
    %mul3A_1 = arith.constant 32 : i32
    %mul3A_2 = arith.muli %add3A, %mul3A_1 : i32
    "tpu.region"() ({
      %run_scoped3A = tpu.sem_alloc : memref<!tpu.dma_semaphore, #tpu.memory_space<semaphore_mem>>
      tpu.enqueue_dma source(%arg4 : memref<100000xi32, #tpu.memory_space<hbm>>) target(%arg6 : memref<100000xi32, #tpu.memory_space<vmem>>) target_semaphore(%run_scoped3A : memref<!tpu.dma_semaphore, #tpu.memory_space<semaphore_mem>>)
      tpu.wait_dma2 semaphore(%run_scoped3A : memref<!tpu.dma_semaphore, #tpu.memory_space<semaphore_mem>>) src(%arg4 : memref<100000xi32, #tpu.memory_space<hbm>>) dst(%arg6 : memref<100000xi32, #tpu.memory_space<vmem>>)
      tpu.yield
    }) : () -> ()
    %mul3A_3 = arith.constant 16 : i32
    %mul3A_4 = arith.muli %mul3A_2, %mul3A_3 : i32
    "tpu.region"() ({
      %run_scoped3A = tpu.sem_alloc : memref<!tpu.dma_semaphore, #tpu.memory_space<semaphore_mem>>
      %dma_start3A = tpu.memref_slice %arg2[%mul3A_4] : memref<16384xi32, #tpu.memory_space<hbm>> -> memref<512xi32, #tpu.memory_space<hbm>>
      %dma_start3A_18 = tpu.memref_slice %arg2[%mul3A_4] : memref<16384xi32, #tpu.memory_space<hbm>> -> memref<512xi32, #tpu.memory_space<hbm>>
      tpu.enqueue_dma source(%dma_start3A_18 : memref<512xi32, #tpu.memory_space<hbm>>) target(%arg7 : memref<512xi32, #tpu.memory_space<vmem>>) target_semaphore(%run_scoped3A : memref<!tpu.dma_semaphore, #tpu.memory_space<semaphore_mem>>)
      %dma_wait3A = tpu.memref_slice %arg2[%mul3A_4] : memref<16384xi32, #tpu.memory_space<hbm>> -> memref<512xi32, #tpu.memory_space<hbm>>
      %dma_wait3A_19 = tpu.memref_slice %arg2[%mul3A_4] : memref<16384xi32, #tpu.memory_space<hbm>> -> memref<512xi32, #tpu.memory_space<hbm>>
      tpu.wait_dma2 semaphore(%run_scoped3A : memref<!tpu.dma_semaphore, #tpu.memory_space<semaphore_mem>>) src(%dma_wait3A_19 : memref<512xi32, #tpu.memory_space<hbm>>) dst(%arg7 : memref<512xi32, #tpu.memory_space<vmem>>)
      tpu.yield
    }) : () -> ()
    %mul3A_5 = arith.constant 16 : i32
    %mul3A_6 = arith.muli %mul3A_2, %mul3A_5 : i32
    "tpu.region"() ({
      %run_scoped3A = tpu.sem_alloc : memref<!tpu.dma_semaphore, #tpu.memory_space<semaphore_mem>>
      %dma_start3A = tpu.memref_slice %arg3[%mul3A_6] : memref<16384xf32, #tpu.memory_space<hbm>> -> memref<512xf32, #tpu.memory_space<hbm>>
      %dma_start3A_18 = tpu.memref_slice %arg3[%mul3A_6] : memref<16384xf32, #tpu.memory_space<hbm>> -> memref<512xf32, #tpu.memory_space<hbm>>
      tpu.enqueue_dma source(%dma_start3A_18 : memref<512xf32, #tpu.memory_space<hbm>>) target(%arg8 : memref<512xf32, #tpu.memory_space<vmem>>) target_semaphore(%run_scoped3A : memref<!tpu.dma_semaphore, #tpu.memory_space<semaphore_mem>>)
      %dma_wait3A = tpu.memref_slice %arg3[%mul3A_6] : memref<16384xf32, #tpu.memory_space<hbm>> -> memref<512xf32, #tpu.memory_space<hbm>>
      %dma_wait3A_19 = tpu.memref_slice %arg3[%mul3A_6] : memref<16384xf32, #tpu.memory_space<hbm>> -> memref<512xf32, #tpu.memory_space<hbm>>
      tpu.wait_dma2 semaphore(%run_scoped3A : memref<!tpu.dma_semaphore, #tpu.memory_space<semaphore_mem>>) src(%dma_wait3A_19 : memref<512xf32, #tpu.memory_space<hbm>>) dst(%arg8 : memref<512xf32, #tpu.memory_space<vmem>>)
      tpu.yield
    }) : () -> ()
    %scan3A = arith.constant 0 : i32
    %scan3A_7 = arith.constant 0 : i32
    %scan3A_8 = arith.constant 1000 : i32
    %scan3A_9 = arith.addi %scan3A_7, %scan3A_8 : i32
    %scan3A_10 = arith.constant 1 : i32
    scf.for %scan3A_18 = %scan3A_7 to %scan3A_9 step %scan3A_10  : i32 {
      %broadcast_in_dim3A = arith.constant 0.000000e+00 : f32
      %broadcast_in_dim3A_19 = vector.broadcast %broadcast_in_dim3A : f32 to vector<16xf32>
      %mul3A_20 = arith.constant 16 : i32
      %mul3A_21 = arith.muli %scan3A_18, %mul3A_20 : i32
      %swap3A = arith.index_cast %mul3A_21 : i32 to index
      %swap3A_22 = tpu.vector_load %arg9[%swap3A] {strides = array<i32>} : memref<16000xf32, #tpu.memory_space<vmem>>, vector<16xf32>,
      tpu.vector_store %arg9[%swap3A], %broadcast_in_dim3A_19 {strides = array<i32>} : memref<16000xf32, #tpu.memory_space<vmem>>, vector<16xf32>,
    }
    %scan3A_11 = arith.constant 1000 : i32
    %iota3A = tpu.iota {dimensions = array<i32: 0>} : vector<16xi32>
    %scan3A_12 = arith.constant 0 : i32
    %scan3A_13 = arith.constant 0 : i32
    %scan3A_14 = arith.constant 32 : i32
    %scan3A_15 = arith.addi %scan3A_13, %scan3A_14 : i32
    %scan3A_16 = arith.constant 1 : i32
    scf.for %scan3A_18 = %scan3A_13 to %scan3A_15 step %scan3A_16  : i32 {
      %mul3A_19 = arith.constant 16 : i32
      %mul3A_20 = arith.muli %scan3A_18, %mul3A_19 : i32
      %get3A = arith.index_cast %mul3A_20 : i32 to index
      %get3A_21 = tpu.vector_load %arg7[%get3A] {strides = array<i32>} : memref<512xi32, #tpu.memory_space<vmem>>, vector<16xi32>,
      %mul3A_22 = arith.constant 16 : i32
      %mul3A_23 = arith.muli %scan3A_18, %mul3A_22 : i32
      %get3A_24 = arith.index_cast %mul3A_23 : i32 to index
      %get3A_25 = tpu.vector_load %arg8[%get3A_24] {strides = array<i32>} : memref<512xf32, #tpu.memory_space<vmem>>, vector<16xf32>,
      %gather3A = tpu.vector_load_idx %arg6[%get3A_21] : memref<100000xi32, #tpu.memory_space<vmem>>[vector<16xi32>], vector<16xi32>,
      %lt3A = arith.constant 0 : i32
      %lt3A_26 = vector.broadcast %lt3A : i32 to vector<16xi32>
      %lt3A_27 = arith.cmpi slt, %iota3A, %lt3A_26 : vector<16xi32>
      %broadcast_in_dim3A = arith.constant 0.000000e+00 : f32
      %broadcast_in_dim3A_28 = vector.broadcast %broadcast_in_dim3A : f32 to vector<16xf32>
      %eq3A = arith.constant 0 : i32
      %eq3A_29 = vector.broadcast %eq3A : i32 to vector<16xi32>
      %eq3A_30 = arith.cmpi eq, %iota3A, %eq3A_29 : vector<16xi32>
      %jit3A = arith.constant -1 : i32
      %broadcast_in_dim3A_31 = vector.broadcast %jit3A : i32 to vector<16xi32>
      %select_n3A = arith.select %eq3A_30, %gather3A, %broadcast_in_dim3A_31 : vector<16xi1>, vector<16xi32>
      %reduce_max3A = arith.constant true
      %reduce_max3A_32 = vector.broadcast %reduce_max3A : i1 to vector<16xi1>
      %reduce_max3A_33 = arith.constant -2147483648 : i32
      %reduce_max3A_34 = vector.broadcast %reduce_max3A_33 : i32 to vector<16xi32>
      %reduce_max3A_35 = arith.xori %select_n3A, %reduce_max3A_34 : vector<16xi32>
      %reduce_max3A_36 = tpu.scan <max>, %reduce_max3A_35 masked %reduce_max3A_32 : vector<16xi32>, vector<16xi1> -> vector<16xi32>
      %reduce_max3A_37 = arith.xori %reduce_max3A_36, %reduce_max3A_34 : vector<16xi32>
      %reduce_max3A_38 = vector.extract %reduce_max3A_37[15] : i32 from vector<16xi32>
      %eq3A_39 = vector.broadcast %reduce_max3A_38 : i32 to vector<16xi32>
      %eq3A_40 = arith.cmpi eq, %gather3A, %eq3A_39 : vector<16xi32>
      %jit3A_41 = arith.constant 99 : i32
      %broadcast_in_dim3A_42 = vector.broadcast %jit3A_41 : i32 to vector<16xi32>
      %select_n3A_43 = arith.select %eq3A_40, %iota3A, %broadcast_in_dim3A_42 : vector<16xi1>, vector<16xi32>
      %reduce_min3A = arith.constant true
      %reduce_min3A_44 = vector.broadcast %reduce_min3A : i1 to vector<16xi1>
      %reduce_min3A_45 = arith.constant -2147483648 : i32
      %reduce_min3A_46 = vector.broadcast %reduce_min3A_45 : i32 to vector<16xi32>
      %reduce_min3A_47 = arith.xori %select_n3A_43, %reduce_min3A_46 : vector<16xi32>
      %reduce_min3A_48 = tpu.scan <min>, %reduce_min3A_47 masked %reduce_min3A_44 : vector<16xi32>, vector<16xi1> -> vector<16xi32>
      %reduce_min3A_49 = arith.xori %reduce_min3A_48, %reduce_min3A_46 : vector<16xi32>
      %reduce_min3A_50 = vector.extract %reduce_min3A_49[15] : i32 from vector<16xi32>
      %jit3A_51 = arith.constant 0.000000e+00 : f32
      %broadcast_in_dim3A_52 = vector.broadcast %jit3A_51 : f32 to vector<16xf32>
      %select_n3A_53 = arith.select %eq3A_40, %get3A_25, %broadcast_in_dim3A_52 : vector<16xi1>, vector<16xf32>
      %reduce_sum3A = arith.constant true
      %reduce_sum3A_54 = vector.broadcast %reduce_sum3A : i1 to vector<16xi1>
      %reduce_sum3A_55 = tpu.scan <sum>, %select_n3A_53 masked %reduce_sum3A_54 : vector<16xf32>, vector<16xi1> -> vector<16xf32>
      %reduce_sum3A_56 = vector.extract %reduce_sum3A_55[15] : f32 from vector<16xf32>
      %eq3A_57 = vector.broadcast %reduce_min3A_50 : i32 to vector<16xi32>
      %eq3A_58 = arith.cmpi eq, %iota3A, %eq3A_57 : vector<16xi32>
      %or3A = arith.ori %lt3A_27, %eq3A_58 : vector<16xi1>
      %broadcast_in_dim3A_59 = vector.broadcast %reduce_sum3A_56 : f32 to vector<16xf32>
      %select_n3A_60 = arith.select %eq3A_58, %broadcast_in_dim3A_59, %broadcast_in_dim3A_28 : vector<16xi1>, vector<16xf32>
      %eq3A_61 = arith.constant 1 : i32
      %eq3A_62 = vector.broadcast %eq3A_61 : i32 to vector<16xi32>
      %eq3A_63 = arith.cmpi eq, %iota3A, %eq3A_62 : vector<16xi32>
      %jit3A_64 = arith.constant -1 : i32
      %broadcast_in_dim3A_65 = vector.broadcast %jit3A_64 : i32 to vector<16xi32>
      %select_n3A_66 = arith.select %eq3A_63, %gather3A, %broadcast_in_dim3A_65 : vector<16xi1>, vector<16xi32>
      %reduce_max3A_67 = arith.constant true
      %reduce_max3A_68 = vector.broadcast %reduce_max3A_67 : i1 to vector<16xi1>
      %reduce_max3A_69 = arith.constant -2147483648 : i32
      %reduce_max3A_70 = vector.broadcast %reduce_max3A_69 : i32 to vector<16xi32>
      %reduce_max3A_71 = arith.xori %select_n3A_66, %reduce_max3A_70 : vector<16xi32>
      %reduce_max3A_72 = tpu.scan <max>, %reduce_max3A_71 masked %reduce_max3A_68 : vector<16xi32>, vector<16xi1> -> vector<16xi32>
      %reduce_max3A_73 = arith.xori %reduce_max3A_72, %reduce_max3A_70 : vector<16xi32>
      %reduce_max3A_74 = vector.extract %reduce_max3A_73[15] : i32 from vector<16xi32>
      %eq3A_75 = vector.broadcast %reduce_max3A_74 : i32 to vector<16xi32>
      %eq3A_76 = arith.cmpi eq, %gather3A, %eq3A_75 : vector<16xi32>
      %jit3A_77 = arith.constant 99 : i32
      %broadcast_in_dim3A_78 = vector.broadcast %jit3A_77 : i32 to vector<16xi32>
      %select_n3A_79 = arith.select %eq3A_76, %iota3A, %broadcast_in_dim3A_78 : vector<16xi1>, vector<16xi32>
      %reduce_min3A_80 = arith.constant true
      %reduce_min3A_81 = vector.broadcast %reduce_min3A_80 : i1 to vector<16xi1>
      %reduce_min3A_82 = arith.constant -2147483648 : i32
      %reduce_min3A_83 = vector.broadcast %reduce_min3A_82 : i32 to vector<16xi32>
      %reduce_min3A_84 = arith.xori %select_n3A_79, %reduce_min3A_83 : vector<16xi32>
      %reduce_min3A_85 = tpu.scan <min>, %reduce_min3A_84 masked %reduce_min3A_81 : vector<16xi32>, vector<16xi1> -> vector<16xi32>
      %reduce_min3A_86 = arith.xori %reduce_min3A_85, %reduce_min3A_83 : vector<16xi32>
      %reduce_min3A_87 = vector.extract %reduce_min3A_86[15] : i32 from vector<16xi32>
      %jit3A_88 = arith.constant 0.000000e+00 : f32
      %broadcast_in_dim3A_89 = vector.broadcast %jit3A_88 : f32 to vector<16xf32>
      %select_n3A_90 = arith.select %eq3A_76, %get3A_25, %broadcast_in_dim3A_89 : vector<16xi1>, vector<16xf32>
      %reduce_sum3A_91 = arith.constant true
      %reduce_sum3A_92 = vector.broadcast %reduce_sum3A_91 : i1 to vector<16xi1>
      %reduce_sum3A_93 = tpu.scan <sum>, %select_n3A_90 masked %reduce_sum3A_92 : vector<16xf32>, vector<16xi1> -> vector<16xf32>
      %reduce_sum3A_94 = vector.extract %reduce_sum3A_93[15] : f32 from vector<16xf32>
      %eq3A_95 = vector.broadcast %reduce_min3A_87 : i32 to vector<16xi32>
      %eq3A_96 = arith.cmpi eq, %iota3A, %eq3A_95 : vector<16xi32>
      %or3A_97 = arith.ori %or3A, %eq3A_96 : vector<16xi1>
      %broadcast_in_dim3A_98 = vector.broadcast %reduce_sum3A_94 : f32 to vector<16xf32>
      %select_n3A_99 = arith.select %eq3A_96, %broadcast_in_dim3A_98, %select_n3A_60 : vector<16xi1>, vector<16xf32>
      %eq3A_100 = arith.constant 2 : i32
      %eq3A_101 = vector.broadcast %eq3A_100 : i32 to vector<16xi32>
      %eq3A_102 = arith.cmpi eq, %iota3A, %eq3A_101 : vector<16xi32>
      %jit3A_103 = arith.constant -1 : i32
      %broadcast_in_dim3A_104 = vector.broadcast %jit3A_103 : i32 to vector<16xi32>
      %select_n3A_105 = arith.select %eq3A_102, %gather3A, %broadcast_in_dim3A_104 : vector<16xi1>, vector<16xi32>
      %reduce_max3A_106 = arith.constant true
      %reduce_max3A_107 = vector.broadcast %reduce_max3A_106 : i1 to vector<16xi1>
      %reduce_max3A_108 = arith.constant -2147483648 : i32
      %reduce_max3A_109 = vector.broadcast %reduce_max3A_108 : i32 to vector<16xi32>
      %reduce_max3A_110 = arith.xori %select_n3A_105, %reduce_max3A_109 : vector<16xi32>
      %reduce_max3A_111 = tpu.scan <max>, %reduce_max3A_110 masked %reduce_max3A_107 : vector<16xi32>, vector<16xi1> -> vector<16xi32>
      %reduce_max3A_112 = arith.xori %reduce_max3A_111, %reduce_max3A_109 : vector<16xi32>
      %reduce_max3A_113 = vector.extract %reduce_max3A_112[15] : i32 from vector<16xi32>
      %eq3A_114 = vector.broadcast %reduce_max3A_113 : i32 to vector<16xi32>
      %eq3A_115 = arith.cmpi eq, %gather3A, %eq3A_114 : vector<16xi32>
      %jit3A_116 = arith.constant 99 : i32
      %broadcast_in_dim3A_117 = vector.broadcast %jit3A_116 : i32 to vector<16xi32>
      %select_n3A_118 = arith.select %eq3A_115, %iota3A, %broadcast_in_dim3A_117 : vector<16xi1>, vector<16xi32>
      %reduce_min3A_119 = arith.constant true
      %reduce_min3A_120 = vector.broadcast %reduce_min3A_119 : i1 to vector<16xi1>
      %reduce_min3A_121 = arith.constant -2147483648 : i32
      %reduce_min3A_122 = vector.broadcast %reduce_min3A_121 : i32 to vector<16xi32>
      %reduce_min3A_123 = arith.xori %select_n3A_118, %reduce_min3A_122 : vector<16xi32>
      %reduce_min3A_124 = tpu.scan <min>, %reduce_min3A_123 masked %reduce_min3A_120 : vector<16xi32>, vector<16xi1> -> vector<16xi32>
      %reduce_min3A_125 = arith.xori %reduce_min3A_124, %reduce_min3A_122 : vector<16xi32>
      %reduce_min3A_126 = vector.extract %reduce_min3A_125[15] : i32 from vector<16xi32>
      %jit3A_127 = arith.constant 0.000000e+00 : f32
      %broadcast_in_dim3A_128 = vector.broadcast %jit3A_127 : f32 to vector<16xf32>
      %select_n3A_129 = arith.select %eq3A_115, %get3A_25, %broadcast_in_dim3A_128 : vector<16xi1>, vector<16xf32>
      %reduce_sum3A_130 = arith.constant true
      %reduce_sum3A_131 = vector.broadcast %reduce_sum3A_130 : i1 to vector<16xi1>
      %reduce_sum3A_132 = tpu.scan <sum>, %select_n3A_129 masked %reduce_sum3A_131 : vector<16xf32>, vector<16xi1> -> vector<16xf32>
      %reduce_sum3A_133 = vector.extract %reduce_sum3A_132[15] : f32 from vector<16xf32>
      %eq3A_134 = vector.broadcast %reduce_min3A_126 : i32 to vector<16xi32>
      %eq3A_135 = arith.cmpi eq, %iota3A, %eq3A_134 : vector<16xi32>
      %or3A_136 = arith.ori %or3A_97, %eq3A_135 : vector<16xi1>
      %broadcast_in_dim3A_137 = vector.broadcast %reduce_sum3A_133 : f32 to vector<16xf32>
      %select_n3A_138 = arith.select %eq3A_135, %broadcast_in_dim3A_137, %select_n3A_99 : vector<16xi1>, vector<16xf32>
      %eq3A_139 = arith.constant 3 : i32
      %eq3A_140 = vector.broadcast %eq3A_139 : i32 to vector<16xi32>
      %eq3A_141 = arith.cmpi eq, %iota3A, %eq3A_140 : vector<16xi32>
      %jit3A_142 = arith.constant -1 : i32
      %broadcast_in_dim3A_143 = vector.broadcast %jit3A_142 : i32 to vector<16xi32>
      %select_n3A_144 = arith.select %eq3A_141, %gather3A, %broadcast_in_dim3A_143 : vector<16xi1>, vector<16xi32>
      %reduce_max3A_145 = arith.constant true
      %reduce_max3A_146 = vector.broadcast %reduce_max3A_145 : i1 to vector<16xi1>
      %reduce_max3A_147 = arith.constant -2147483648 : i32
      %reduce_max3A_148 = vector.broadcast %reduce_max3A_147 : i32 to vector<16xi32>
      %reduce_max3A_149 = arith.xori %select_n3A_144, %reduce_max3A_148 : vector<16xi32>
      %reduce_max3A_150 = tpu.scan <max>, %reduce_max3A_149 masked %reduce_max3A_146 : vector<16xi32>, vector<16xi1> -> vector<16xi32>
      %reduce_max3A_151 = arith.xori %reduce_max3A_150, %reduce_max3A_148 : vector<16xi32>
      %reduce_max3A_152 = vector.extract %reduce_max3A_151[15] : i32 from vector<16xi32>
      %eq3A_153 = vector.broadcast %reduce_max3A_152 : i32 to vector<16xi32>
      %eq3A_154 = arith.cmpi eq, %gather3A, %eq3A_153 : vector<16xi32>
      %jit3A_155 = arith.constant 99 : i32
      %broadcast_in_dim3A_156 = vector.broadcast %jit3A_155 : i32 to vector<16xi32>
      %select_n3A_157 = arith.select %eq3A_154, %iota3A, %broadcast_in_dim3A_156 : vector<16xi1>, vector<16xi32>
      %reduce_min3A_158 = arith.constant true
      %reduce_min3A_159 = vector.broadcast %reduce_min3A_158 : i1 to vector<16xi1>
      %reduce_min3A_160 = arith.constant -2147483648 : i32
      %reduce_min3A_161 = vector.broadcast %reduce_min3A_160 : i32 to vector<16xi32>
      %reduce_min3A_162 = arith.xori %select_n3A_157, %reduce_min3A_161 : vector<16xi32>
      %reduce_min3A_163 = tpu.scan <min>, %reduce_min3A_162 masked %reduce_min3A_159 : vector<16xi32>, vector<16xi1> -> vector<16xi32>
      %reduce_min3A_164 = arith.xori %reduce_min3A_163, %reduce_min3A_161 : vector<16xi32>
      %reduce_min3A_165 = vector.extract %reduce_min3A_164[15] : i32 from vector<16xi32>
      %jit3A_166 = arith.constant 0.000000e+00 : f32
      %broadcast_in_dim3A_167 = vector.broadcast %jit3A_166 : f32 to vector<16xf32>
      %select_n3A_168 = arith.select %eq3A_154, %get3A_25, %broadcast_in_dim3A_167 : vector<16xi1>, vector<16xf32>
      %reduce_sum3A_169 = arith.constant true
      %reduce_sum3A_170 = vector.broadcast %reduce_sum3A_169 : i1 to vector<16xi1>
      %reduce_sum3A_171 = tpu.scan <sum>, %select_n3A_168 masked %reduce_sum3A_170 : vector<16xf32>, vector<16xi1> -> vector<16xf32>
      %reduce_sum3A_172 = vector.extract %reduce_sum3A_171[15] : f32 from vector<16xf32>
      %eq3A_173 = vector.broadcast %reduce_min3A_165 : i32 to vector<16xi32>
      %eq3A_174 = arith.cmpi eq, %iota3A, %eq3A_173 : vector<16xi32>
      %or3A_175 = arith.ori %or3A_136, %eq3A_174 : vector<16xi1>
      %broadcast_in_dim3A_176 = vector.broadcast %reduce_sum3A_172 : f32 to vector<16xf32>
      %select_n3A_177 = arith.select %eq3A_174, %broadcast_in_dim3A_176, %select_n3A_138 : vector<16xi1>, vector<16xf32>
      %eq3A_178 = arith.constant 4 : i32
      %eq3A_179 = vector.broadcast %eq3A_178 : i32 to vector<16xi32>
      %eq3A_180 = arith.cmpi eq, %iota3A, %eq3A_179 : vector<16xi32>
      %jit3A_181 = arith.constant -1 : i32
      %broadcast_in_dim3A_182 = vector.broadcast %jit3A_181 : i32 to vector<16xi32>
      %select_n3A_183 = arith.select %eq3A_180, %gather3A, %broadcast_in_dim3A_182 : vector<16xi1>, vector<16xi32>
      %reduce_max3A_184 = arith.constant true
      %reduce_max3A_185 = vector.broadcast %reduce_max3A_184 : i1 to vector<16xi1>
      %reduce_max3A_186 = arith.constant -2147483648 : i32
      %reduce_max3A_187 = vector.broadcast %reduce_max3A_186 : i32 to vector<16xi32>
      %reduce_max3A_188 = arith.xori %select_n3A_183, %reduce_max3A_187 : vector<16xi32>
      %reduce_max3A_189 = tpu.scan <max>, %reduce_max3A_188 masked %reduce_max3A_185 : vector<16xi32>, vector<16xi1> -> vector<16xi32>
      %reduce_max3A_190 = arith.xori %reduce_max3A_189, %reduce_max3A_187 : vector<16xi32>
      %reduce_max3A_191 = vector.extract %reduce_max3A_190[15] : i32 from vector<16xi32>
      %eq3A_192 = vector.broadcast %reduce_max3A_191 : i32 to vector<16xi32>
      %eq3A_193 = arith.cmpi eq, %gather3A, %eq3A_192 : vector<16xi32>
      %jit3A_194 = arith.constant 99 : i32
      %broadcast_in_dim3A_195 = vector.broadcast %jit3A_194 : i32 to vector<16xi32>
      %select_n3A_196 = arith.select %eq3A_193, %iota3A, %broadcast_in_dim3A_195 : vector<16xi1>, vector<16xi32>
      %reduce_min3A_197 = arith.constant true
      %reduce_min3A_198 = vector.broadcast %reduce_min3A_197 : i1 to vector<16xi1>
      %reduce_min3A_199 = arith.constant -2147483648 : i32
      %reduce_min3A_200 = vector.broadcast %reduce_min3A_199 : i32 to vector<16xi32>
      %reduce_min3A_201 = arith.xori %select_n3A_196, %reduce_min3A_200 : vector<16xi32>
      %reduce_min3A_202 = tpu.scan <min>, %reduce_min3A_201 masked %reduce_min3A_198 : vector<16xi32>, vector<16xi1> -> vector<16xi32>
      %reduce_min3A_203 = arith.xori %reduce_min3A_202, %reduce_min3A_200 : vector<16xi32>
      %reduce_min3A_204 = vector.extract %reduce_min3A_203[15] : i32 from vector<16xi32>
      %jit3A_205 = arith.constant 0.000000e+00 : f32
      %broadcast_in_dim3A_206 = vector.broadcast %jit3A_205 : f32 to vector<16xf32>
      %select_n3A_207 = arith.select %eq3A_193, %get3A_25, %broadcast_in_dim3A_206 : vector<16xi1>, vector<16xf32>
      %reduce_sum3A_208 = arith.constant true
      %reduce_sum3A_209 = vector.broadcast %reduce_sum3A_208 : i1 to vector<16xi1>
      %reduce_sum3A_210 = tpu.scan <sum>, %select_n3A_207 masked %reduce_sum3A_209 : vector<16xf32>, vector<16xi1> -> vector<16xf32>
      %reduce_sum3A_211 = vector.extract %reduce_sum3A_210[15] : f32 from vector<16xf32>
      %eq3A_212 = vector.broadcast %reduce_min3A_204 : i32 to vector<16xi32>
      %eq3A_213 = arith.cmpi eq, %iota3A, %eq3A_212 : vector<16xi32>
      %or3A_214 = arith.ori %or3A_175, %eq3A_213 : vector<16xi1>
      %broadcast_in_dim3A_215 = vector.broadcast %reduce_sum3A_211 : f32 to vector<16xf32>
      %select_n3A_216 = arith.select %eq3A_213, %broadcast_in_dim3A_215, %select_n3A_177 : vector<16xi1>, vector<16xf32>
      %eq3A_217 = arith.constant 5 : i32
      %eq3A_218 = vector.broadcast %eq3A_217 : i32 to vector<16xi32>
      %eq3A_219 = arith.cmpi eq, %iota3A, %eq3A_218 : vector<16xi32>
      %jit3A_220 = arith.constant -1 : i32
      %broadcast_in_dim3A_221 = vector.broadcast %jit3A_220 : i32 to vector<16xi32>
      %select_n3A_222 = arith.select %eq3A_219, %gather3A, %broadcast_in_dim3A_221 : vector<16xi1>, vector<16xi32>
      %reduce_max3A_223 = arith.constant true
      %reduce_max3A_224 = vector.broadcast %reduce_max3A_223 : i1 to vector<16xi1>
      %reduce_max3A_225 = arith.constant -2147483648 : i32
      %reduce_max3A_226 = vector.broadcast %reduce_max3A_225 : i32 to vector<16xi32>
      %reduce_max3A_227 = arith.xori %select_n3A_222, %reduce_max3A_226 : vector<16xi32>
      %reduce_max3A_228 = tpu.scan <max>, %reduce_max3A_227 masked %reduce_max3A_224 : vector<16xi32>, vector<16xi1> -> vector<16xi32>
      %reduce_max3A_229 = arith.xori %reduce_max3A_228, %reduce_max3A_226 : vector<16xi32>
      %reduce_max3A_230 = vector.extract %reduce_max3A_229[15] : i32 from vector<16xi32>
      %eq3A_231 = vector.broadcast %reduce_max3A_230 : i32 to vector<16xi32>
      %eq3A_232 = arith.cmpi eq, %gather3A, %eq3A_231 : vector<16xi32>
      %jit3A_233 = arith.constant 99 : i32
      %broadcast_in_dim3A_234 = vector.broadcast %jit3A_233 : i32 to vector<16xi32>
      %select_n3A_235 = arith.select %eq3A_232, %iota3A, %broadcast_in_dim3A_234 : vector<16xi1>, vector<16xi32>
      %reduce_min3A_236 = arith.constant true
      %reduce_min3A_237 = vector.broadcast %reduce_min3A_236 : i1 to vector<16xi1>
      %reduce_min3A_238 = arith.constant -2147483648 : i32
      %reduce_min3A_239 = vector.broadcast %reduce_min3A_238 : i32 to vector<16xi32>
      %reduce_min3A_240 = arith.xori %select_n3A_235, %reduce_min3A_239 : vector<16xi32>
      %reduce_min3A_241 = tpu.scan <min>, %reduce_min3A_240 masked %reduce_min3A_237 : vector<16xi32>, vector<16xi1> -> vector<16xi32>
      %reduce_min3A_242 = arith.xori %reduce_min3A_241, %reduce_min3A_239 : vector<16xi32>
      %reduce_min3A_243 = vector.extract %reduce_min3A_242[15] : i32 from vector<16xi32>
      %jit3A_244 = arith.constant 0.000000e+00 : f32
      %broadcast_in_dim3A_245 = vector.broadcast %jit3A_244 : f32 to vector<16xf32>
      %select_n3A_246 = arith.select %eq3A_232, %get3A_25, %broadcast_in_dim3A_245 : vector<16xi1>, vector<16xf32>
      %reduce_sum3A_247 = arith.constant true
      %reduce_sum3A_248 = vector.broadcast %reduce_sum3A_247 : i1 to vector<16xi1>
      %reduce_sum3A_249 = tpu.scan <sum>, %select_n3A_246 masked %reduce_sum3A_248 : vector<16xf32>, vector<16xi1> -> vector<16xf32>
      %reduce_sum3A_250 = vector.extract %reduce_sum3A_249[15] : f32 from vector<16xf32>
      %eq3A_251 = vector.broadcast %reduce_min3A_243 : i32 to vector<16xi32>
      %eq3A_252 = arith.cmpi eq, %iota3A, %eq3A_251 : vector<16xi32>
      %or3A_253 = arith.ori %or3A_214, %eq3A_252 : vector<16xi1>
      %broadcast_in_dim3A_254 = vector.broadcast %reduce_sum3A_250 : f32 to vector<16xf32>
      %select_n3A_255 = arith.select %eq3A_252, %broadcast_in_dim3A_254, %select_n3A_216 : vector<16xi1>, vector<16xf32>
      %eq3A_256 = arith.constant 6 : i32
      %eq3A_257 = vector.broadcast %eq3A_256 : i32 to vector<16xi32>
      %eq3A_258 = arith.cmpi eq, %iota3A, %eq3A_257 : vector<16xi32>
      %jit3A_259 = arith.constant -1 : i32
      %broadcast_in_dim3A_260 = vector.broadcast %jit3A_259 : i32 to vector<16xi32>
      %select_n3A_261 = arith.select %eq3A_258, %gather3A, %broadcast_in_dim3A_260 : vector<16xi1>, vector<16xi32>
      %reduce_max3A_262 = arith.constant true
      %reduce_max3A_263 = vector.broadcast %reduce_max3A_262 : i1 to vector<16xi1>
      %reduce_max3A_264 = arith.constant -2147483648 : i32
      %reduce_max3A_265 = vector.broadcast %reduce_max3A_264 : i32 to vector<16xi32>
      %reduce_max3A_266 = arith.xori %select_n3A_261, %reduce_max3A_265 : vector<16xi32>
      %reduce_max3A_267 = tpu.scan <max>, %reduce_max3A_266 masked %reduce_max3A_263 : vector<16xi32>, vector<16xi1> -> vector<16xi32>
      %reduce_max3A_268 = arith.xori %reduce_max3A_267, %reduce_max3A_265 : vector<16xi32>
      %reduce_max3A_269 = vector.extract %reduce_max3A_268[15] : i32 from vector<16xi32>
      %eq3A_270 = vector.broadcast %reduce_max3A_269 : i32 to vector<16xi32>
      %eq3A_271 = arith.cmpi eq, %gather3A, %eq3A_270 : vector<16xi32>
      %jit3A_272 = arith.constant 99 : i32
      %broadcast_in_dim3A_273 = vector.broadcast %jit3A_272 : i32 to vector<16xi32>
      %select_n3A_274 = arith.select %eq3A_271, %iota3A, %broadcast_in_dim3A_273 : vector<16xi1>, vector<16xi32>
      %reduce_min3A_275 = arith.constant true
      %reduce_min3A_276 = vector.broadcast %reduce_min3A_275 : i1 to vector<16xi1>
      %reduce_min3A_277 = arith.constant -2147483648 : i32
      %reduce_min3A_278 = vector.broadcast %reduce_min3A_277 : i32 to vector<16xi32>
      %reduce_min3A_279 = arith.xori %select_n3A_274, %reduce_min3A_278 : vector<16xi32>
      %reduce_min3A_280 = tpu.scan <min>, %reduce_min3A_279 masked %reduce_min3A_276 : vector<16xi32>, vector<16xi1> -> vector<16xi32>
      %reduce_min3A_281 = arith.xori %reduce_min3A_280, %reduce_min3A_278 : vector<16xi32>
      %reduce_min3A_282 = vector.extract %reduce_min3A_281[15] : i32 from vector<16xi32>
      %jit3A_283 = arith.constant 0.000000e+00 : f32
      %broadcast_in_dim3A_284 = vector.broadcast %jit3A_283 : f32 to vector<16xf32>
      %select_n3A_285 = arith.select %eq3A_271, %get3A_25, %broadcast_in_dim3A_284 : vector<16xi1>, vector<16xf32>
      %reduce_sum3A_286 = arith.constant true
      %reduce_sum3A_287 = vector.broadcast %reduce_sum3A_286 : i1 to vector<16xi1>
      %reduce_sum3A_288 = tpu.scan <sum>, %select_n3A_285 masked %reduce_sum3A_287 : vector<16xf32>, vector<16xi1> -> vector<16xf32>
      %reduce_sum3A_289 = vector.extract %reduce_sum3A_288[15] : f32 from vector<16xf32>
      %eq3A_290 = vector.broadcast %reduce_min3A_282 : i32 to vector<16xi32>
      %eq3A_291 = arith.cmpi eq, %iota3A, %eq3A_290 : vector<16xi32>
      %or3A_292 = arith.ori %or3A_253, %eq3A_291 : vector<16xi1>
      %broadcast_in_dim3A_293 = vector.broadcast %reduce_sum3A_289 : f32 to vector<16xf32>
      %select_n3A_294 = arith.select %eq3A_291, %broadcast_in_dim3A_293, %select_n3A_255 : vector<16xi1>, vector<16xf32>
      %eq3A_295 = arith.constant 7 : i32
      %eq3A_296 = vector.broadcast %eq3A_295 : i32 to vector<16xi32>
      %eq3A_297 = arith.cmpi eq, %iota3A, %eq3A_296 : vector<16xi32>
      %jit3A_298 = arith.constant -1 : i32
      %broadcast_in_dim3A_299 = vector.broadcast %jit3A_298 : i32 to vector<16xi32>
      %select_n3A_300 = arith.select %eq3A_297, %gather3A, %broadcast_in_dim3A_299 : vector<16xi1>, vector<16xi32>
      %reduce_max3A_301 = arith.constant true
      %reduce_max3A_302 = vector.broadcast %reduce_max3A_301 : i1 to vector<16xi1>
      %reduce_max3A_303 = arith.constant -2147483648 : i32
      %reduce_max3A_304 = vector.broadcast %reduce_max3A_303 : i32 to vector<16xi32>
      %reduce_max3A_305 = arith.xori %select_n3A_300, %reduce_max3A_304 : vector<16xi32>
      %reduce_max3A_306 = tpu.scan <max>, %reduce_max3A_305 masked %reduce_max3A_302 : vector<16xi32>, vector<16xi1> -> vector<16xi32>
      %reduce_max3A_307 = arith.xori %reduce_max3A_306, %reduce_max3A_304 : vector<16xi32>
      %reduce_max3A_308 = vector.extract %reduce_max3A_307[15] : i32 from vector<16xi32>
      %eq3A_309 = vector.broadcast %reduce_max3A_308 : i32 to vector<16xi32>
      %eq3A_310 = arith.cmpi eq, %gather3A, %eq3A_309 : vector<16xi32>
      %jit3A_311 = arith.constant 99 : i32
      %broadcast_in_dim3A_312 = vector.broadcast %jit3A_311 : i32 to vector<16xi32>
      %select_n3A_313 = arith.select %eq3A_310, %iota3A, %broadcast_in_dim3A_312 : vector<16xi1>, vector<16xi32>
      %reduce_min3A_314 = arith.constant true
      %reduce_min3A_315 = vector.broadcast %reduce_min3A_314 : i1 to vector<16xi1>
      %reduce_min3A_316 = arith.constant -2147483648 : i32
      %reduce_min3A_317 = vector.broadcast %reduce_min3A_316 : i32 to vector<16xi32>
      %reduce_min3A_318 = arith.xori %select_n3A_313, %reduce_min3A_317 : vector<16xi32>
      %reduce_min3A_319 = tpu.scan <min>, %reduce_min3A_318 masked %reduce_min3A_315 : vector<16xi32>, vector<16xi1> -> vector<16xi32>
      %reduce_min3A_320 = arith.xori %reduce_min3A_319, %reduce_min3A_317 : vector<16xi32>
      %reduce_min3A_321 = vector.extract %reduce_min3A_320[15] : i32 from vector<16xi32>
      %jit3A_322 = arith.constant 0.000000e+00 : f32
      %broadcast_in_dim3A_323 = vector.broadcast %jit3A_322 : f32 to vector<16xf32>
      %select_n3A_324 = arith.select %eq3A_310, %get3A_25, %broadcast_in_dim3A_323 : vector<16xi1>, vector<16xf32>
      %reduce_sum3A_325 = arith.constant true
      %reduce_sum3A_326 = vector.broadcast %reduce_sum3A_325 : i1 to vector<16xi1>
      %reduce_sum3A_327 = tpu.scan <sum>, %select_n3A_324 masked %reduce_sum3A_326 : vector<16xf32>, vector<16xi1> -> vector<16xf32>
      %reduce_sum3A_328 = vector.extract %reduce_sum3A_327[15] : f32 from vector<16xf32>
      %eq3A_329 = vector.broadcast %reduce_min3A_321 : i32 to vector<16xi32>
      %eq3A_330 = arith.cmpi eq, %iota3A, %eq3A_329 : vector<16xi32>
      %or3A_331 = arith.ori %or3A_292, %eq3A_330 : vector<16xi1>
      %broadcast_in_dim3A_332 = vector.broadcast %reduce_sum3A_328 : f32 to vector<16xf32>
      %select_n3A_333 = arith.select %eq3A_330, %broadcast_in_dim3A_332, %select_n3A_294 : vector<16xi1>, vector<16xf32>
      %eq3A_334 = arith.constant 8 : i32
      %eq3A_335 = vector.broadcast %eq3A_334 : i32 to vector<16xi32>
      %eq3A_336 = arith.cmpi eq, %iota3A, %eq3A_335 : vector<16xi32>
      %jit3A_337 = arith.constant -1 : i32
      %broadcast_in_dim3A_338 = vector.broadcast %jit3A_337 : i32 to vector<16xi32>
      %select_n3A_339 = arith.select %eq3A_336, %gather3A, %broadcast_in_dim3A_338 : vector<16xi1>, vector<16xi32>
      %reduce_max3A_340 = arith.constant true
      %reduce_max3A_341 = vector.broadcast %reduce_max3A_340 : i1 to vector<16xi1>
      %reduce_max3A_342 = arith.constant -2147483648 : i32
      %reduce_max3A_343 = vector.broadcast %reduce_max3A_342 : i32 to vector<16xi32>
      %reduce_max3A_344 = arith.xori %select_n3A_339, %reduce_max3A_343 : vector<16xi32>
      %reduce_max3A_345 = tpu.scan <max>, %reduce_max3A_344 masked %reduce_max3A_341 : vector<16xi32>, vector<16xi1> -> vector<16xi32>
      %reduce_max3A_346 = arith.xori %reduce_max3A_345, %reduce_max3A_343 : vector<16xi32>
      %reduce_max3A_347 = vector.extract %reduce_max3A_346[15] : i32 from vector<16xi32>
      %eq3A_348 = vector.broadcast %reduce_max3A_347 : i32 to vector<16xi32>
      %eq3A_349 = arith.cmpi eq, %gather3A, %eq3A_348 : vector<16xi32>
      %jit3A_350 = arith.constant 99 : i32
      %broadcast_in_dim3A_351 = vector.broadcast %jit3A_350 : i32 to vector<16xi32>
      %select_n3A_352 = arith.select %eq3A_349, %iota3A, %broadcast_in_dim3A_351 : vector<16xi1>, vector<16xi32>
      %reduce_min3A_353 = arith.constant true
      %reduce_min3A_354 = vector.broadcast %reduce_min3A_353 : i1 to vector<16xi1>
      %reduce_min3A_355 = arith.constant -2147483648 : i32
      %reduce_min3A_356 = vector.broadcast %reduce_min3A_355 : i32 to vector<16xi32>
      %reduce_min3A_357 = arith.xori %select_n3A_352, %reduce_min3A_356 : vector<16xi32>
      %reduce_min3A_358 = tpu.scan <min>, %reduce_min3A_357 masked %reduce_min3A_354 : vector<16xi32>, vector<16xi1> -> vector<16xi32>
      %reduce_min3A_359 = arith.xori %reduce_min3A_358, %reduce_min3A_356 : vector<16xi32>
      %reduce_min3A_360 = vector.extract %reduce_min3A_359[15] : i32 from vector<16xi32>
      %jit3A_361 = arith.constant 0.000000e+00 : f32
      %broadcast_in_dim3A_362 = vector.broadcast %jit3A_361 : f32 to vector<16xf32>
      %select_n3A_363 = arith.select %eq3A_349, %get3A_25, %broadcast_in_dim3A_362 : vector<16xi1>, vector<16xf32>
      %reduce_sum3A_364 = arith.constant true
      %reduce_sum3A_365 = vector.broadcast %reduce_sum3A_364 : i1 to vector<16xi1>
      %reduce_sum3A_366 = tpu.scan <sum>, %select_n3A_363 masked %reduce_sum3A_365 : vector<16xf32>, vector<16xi1> -> vector<16xf32>
      %reduce_sum3A_367 = vector.extract %reduce_sum3A_366[15] : f32 from vector<16xf32>
      %eq3A_368 = vector.broadcast %reduce_min3A_360 : i32 to vector<16xi32>
      %eq3A_369 = arith.cmpi eq, %iota3A, %eq3A_368 : vector<16xi32>
      %or3A_370 = arith.ori %or3A_331, %eq3A_369 : vector<16xi1>
      %broadcast_in_dim3A_371 = vector.broadcast %reduce_sum3A_367 : f32 to vector<16xf32>
      %select_n3A_372 = arith.select %eq3A_369, %broadcast_in_dim3A_371, %select_n3A_333 : vector<16xi1>, vector<16xf32>
      %eq3A_373 = arith.constant 9 : i32
      %eq3A_374 = vector.broadcast %eq3A_373 : i32 to vector<16xi32>
      %eq3A_375 = arith.cmpi eq, %iota3A, %eq3A_374 : vector<16xi32>
      %jit3A_376 = arith.constant -1 : i32
      %broadcast_in_dim3A_377 = vector.broadcast %jit3A_376 : i32 to vector<16xi32>
      %select_n3A_378 = arith.select %eq3A_375, %gather3A, %broadcast_in_dim3A_377 : vector<16xi1>, vector<16xi32>
      %reduce_max3A_379 = arith.constant true
      %reduce_max3A_380 = vector.broadcast %reduce_max3A_379 : i1 to vector<16xi1>
      %reduce_max3A_381 = arith.constant -2147483648 : i32
      %reduce_max3A_382 = vector.broadcast %reduce_max3A_381 : i32 to vector<16xi32>
      %reduce_max3A_383 = arith.xori %select_n3A_378, %reduce_max3A_382 : vector<16xi32>
      %reduce_max3A_384 = tpu.scan <max>, %reduce_max3A_383 masked %reduce_max3A_380 : vector<16xi32>, vector<16xi1> -> vector<16xi32>
      %reduce_max3A_385 = arith.xori %reduce_max3A_384, %reduce_max3A_382 : vector<16xi32>
      %reduce_max3A_386 = vector.extract %reduce_max3A_385[15] : i32 from vector<16xi32>
      %eq3A_387 = vector.broadcast %reduce_max3A_386 : i32 to vector<16xi32>
      %eq3A_388 = arith.cmpi eq, %gather3A, %eq3A_387 : vector<16xi32>
      %jit3A_389 = arith.constant 99 : i32
      %broadcast_in_dim3A_390 = vector.broadcast %jit3A_389 : i32 to vector<16xi32>
      %select_n3A_391 = arith.select %eq3A_388, %iota3A, %broadcast_in_dim3A_390 : vector<16xi1>, vector<16xi32>
      %reduce_min3A_392 = arith.constant true
      %reduce_min3A_393 = vector.broadcast %reduce_min3A_392 : i1 to vector<16xi1>
      %reduce_min3A_394 = arith.constant -2147483648 : i32
      %reduce_min3A_395 = vector.broadcast %reduce_min3A_394 : i32 to vector<16xi32>
      %reduce_min3A_396 = arith.xori %select_n3A_391, %reduce_min3A_395 : vector<16xi32>
      %reduce_min3A_397 = tpu.scan <min>, %reduce_min3A_396 masked %reduce_min3A_393 : vector<16xi32>, vector<16xi1> -> vector<16xi32>
      %reduce_min3A_398 = arith.xori %reduce_min3A_397, %reduce_min3A_395 : vector<16xi32>
      %reduce_min3A_399 = vector.extract %reduce_min3A_398[15] : i32 from vector<16xi32>
      %jit3A_400 = arith.constant 0.000000e+00 : f32
      %broadcast_in_dim3A_401 = vector.broadcast %jit3A_400 : f32 to vector<16xf32>
      %select_n3A_402 = arith.select %eq3A_388, %get3A_25, %broadcast_in_dim3A_401 : vector<16xi1>, vector<16xf32>
      %reduce_sum3A_403 = arith.constant true
      %reduce_sum3A_404 = vector.broadcast %reduce_sum3A_403 : i1 to vector<16xi1>
      %reduce_sum3A_405 = tpu.scan <sum>, %select_n3A_402 masked %reduce_sum3A_404 : vector<16xf32>, vector<16xi1> -> vector<16xf32>
      %reduce_sum3A_406 = vector.extract %reduce_sum3A_405[15] : f32 from vector<16xf32>
      %eq3A_407 = vector.broadcast %reduce_min3A_399 : i32 to vector<16xi32>
      %eq3A_408 = arith.cmpi eq, %iota3A, %eq3A_407 : vector<16xi32>
      %or3A_409 = arith.ori %or3A_370, %eq3A_408 : vector<16xi1>
      %broadcast_in_dim3A_410 = vector.broadcast %reduce_sum3A_406 : f32 to vector<16xf32>
      %select_n3A_411 = arith.select %eq3A_408, %broadcast_in_dim3A_410, %select_n3A_372 : vector<16xi1>, vector<16xf32>
      %eq3A_412 = arith.constant 10 : i32
      %eq3A_413 = vector.broadcast %eq3A_412 : i32 to vector<16xi32>
      %eq3A_414 = arith.cmpi eq, %iota3A, %eq3A_413 : vector<16xi32>
      %jit3A_415 = arith.constant -1 : i32
      %broadcast_in_dim3A_416 = vector.broadcast %jit3A_415 : i32 to vector<16xi32>
      %select_n3A_417 = arith.select %eq3A_414, %gather3A, %broadcast_in_dim3A_416 : vector<16xi1>, vector<16xi32>
      %reduce_max3A_418 = arith.constant true
      %reduce_max3A_419 = vector.broadcast %reduce_max3A_418 : i1 to vector<16xi1>
      %reduce_max3A_420 = arith.constant -2147483648 : i32
      %reduce_max3A_421 = vector.broadcast %reduce_max3A_420 : i32 to vector<16xi32>
      %reduce_max3A_422 = arith.xori %select_n3A_417, %reduce_max3A_421 : vector<16xi32>
      %reduce_max3A_423 = tpu.scan <max>, %reduce_max3A_422 masked %reduce_max3A_419 : vector<16xi32>, vector<16xi1> -> vector<16xi32>
      %reduce_max3A_424 = arith.xori %reduce_max3A_423, %reduce_max3A_421 : vector<16xi32>
      %reduce_max3A_425 = vector.extract %reduce_max3A_424[15] : i32 from vector<16xi32>
      %eq3A_426 = vector.broadcast %reduce_max3A_425 : i32 to vector<16xi32>
      %eq3A_427 = arith.cmpi eq, %gather3A, %eq3A_426 : vector<16xi32>
      %jit3A_428 = arith.constant 99 : i32
      %broadcast_in_dim3A_429 = vector.broadcast %jit3A_428 : i32 to vector<16xi32>
      %select_n3A_430 = arith.select %eq3A_427, %iota3A, %broadcast_in_dim3A_429 : vector<16xi1>, vector<16xi32>
      %reduce_min3A_431 = arith.constant true
      %reduce_min3A_432 = vector.broadcast %reduce_min3A_431 : i1 to vector<16xi1>
      %reduce_min3A_433 = arith.constant -2147483648 : i32
      %reduce_min3A_434 = vector.broadcast %reduce_min3A_433 : i32 to vector<16xi32>
      %reduce_min3A_435 = arith.xori %select_n3A_430, %reduce_min3A_434 : vector<16xi32>
      %reduce_min3A_436 = tpu.scan <min>, %reduce_min3A_435 masked %reduce_min3A_432 : vector<16xi32>, vector<16xi1> -> vector<16xi32>
      %reduce_min3A_437 = arith.xori %reduce_min3A_436, %reduce_min3A_434 : vector<16xi32>
      %reduce_min3A_438 = vector.extract %reduce_min3A_437[15] : i32 from vector<16xi32>
      %jit3A_439 = arith.constant 0.000000e+00 : f32
      %broadcast_in_dim3A_440 = vector.broadcast %jit3A_439 : f32 to vector<16xf32>
      %select_n3A_441 = arith.select %eq3A_427, %get3A_25, %broadcast_in_dim3A_440 : vector<16xi1>, vector<16xf32>
      %reduce_sum3A_442 = arith.constant true
      %reduce_sum3A_443 = vector.broadcast %reduce_sum3A_442 : i1 to vector<16xi1>
      %reduce_sum3A_444 = tpu.scan <sum>, %select_n3A_441 masked %reduce_sum3A_443 : vector<16xf32>, vector<16xi1> -> vector<16xf32>
      %reduce_sum3A_445 = vector.extract %reduce_sum3A_444[15] : f32 from vector<16xf32>
      %eq3A_446 = vector.broadcast %reduce_min3A_438 : i32 to vector<16xi32>
      %eq3A_447 = arith.cmpi eq, %iota3A, %eq3A_446 : vector<16xi32>
      %or3A_448 = arith.ori %or3A_409, %eq3A_447 : vector<16xi1>
      %broadcast_in_dim3A_449 = vector.broadcast %reduce_sum3A_445 : f32 to vector<16xf32>
      %select_n3A_450 = arith.select %eq3A_447, %broadcast_in_dim3A_449, %select_n3A_411 : vector<16xi1>, vector<16xf32>
      %eq3A_451 = arith.constant 11 : i32
      %eq3A_452 = vector.broadcast %eq3A_451 : i32 to vector<16xi32>
      %eq3A_453 = arith.cmpi eq, %iota3A, %eq3A_452 : vector<16xi32>
      %jit3A_454 = arith.constant -1 : i32
      %broadcast_in_dim3A_455 = vector.broadcast %jit3A_454 : i32 to vector<16xi32>
      %select_n3A_456 = arith.select %eq3A_453, %gather3A, %broadcast_in_dim3A_455 : vector<16xi1>, vector<16xi32>
      %reduce_max3A_457 = arith.constant true
      %reduce_max3A_458 = vector.broadcast %reduce_max3A_457 : i1 to vector<16xi1>
      %reduce_max3A_459 = arith.constant -2147483648 : i32
      %reduce_max3A_460 = vector.broadcast %reduce_max3A_459 : i32 to vector<16xi32>
      %reduce_max3A_461 = arith.xori %select_n3A_456, %reduce_max3A_460 : vector<16xi32>
      %reduce_max3A_462 = tpu.scan <max>, %reduce_max3A_461 masked %reduce_max3A_458 : vector<16xi32>, vector<16xi1> -> vector<16xi32>
      %reduce_max3A_463 = arith.xori %reduce_max3A_462, %reduce_max3A_460 : vector<16xi32>
      %reduce_max3A_464 = vector.extract %reduce_max3A_463[15] : i32 from vector<16xi32>
      %eq3A_465 = vector.broadcast %reduce_max3A_464 : i32 to vector<16xi32>
      %eq3A_466 = arith.cmpi eq, %gather3A, %eq3A_465 : vector<16xi32>
      %jit3A_467 = arith.constant 99 : i32
      %broadcast_in_dim3A_468 = vector.broadcast %jit3A_467 : i32 to vector<16xi32>
      %select_n3A_469 = arith.select %eq3A_466, %iota3A, %broadcast_in_dim3A_468 : vector<16xi1>, vector<16xi32>
      %reduce_min3A_470 = arith.constant true
      %reduce_min3A_471 = vector.broadcast %reduce_min3A_470 : i1 to vector<16xi1>
      %reduce_min3A_472 = arith.constant -2147483648 : i32
      %reduce_min3A_473 = vector.broadcast %reduce_min3A_472 : i32 to vector<16xi32>
      %reduce_min3A_474 = arith.xori %select_n3A_469, %reduce_min3A_473 : vector<16xi32>
      %reduce_min3A_475 = tpu.scan <min>, %reduce_min3A_474 masked %reduce_min3A_471 : vector<16xi32>, vector<16xi1> -> vector<16xi32>
      %reduce_min3A_476 = arith.xori %reduce_min3A_475, %reduce_min3A_473 : vector<16xi32>
      %reduce_min3A_477 = vector.extract %reduce_min3A_476[15] : i32 from vector<16xi32>
      %jit3A_478 = arith.constant 0.000000e+00 : f32
      %broadcast_in_dim3A_479 = vector.broadcast %jit3A_478 : f32 to vector<16xf32>
      %select_n3A_480 = arith.select %eq3A_466, %get3A_25, %broadcast_in_dim3A_479 : vector<16xi1>, vector<16xf32>
      %reduce_sum3A_481 = arith.constant true
      %reduce_sum3A_482 = vector.broadcast %reduce_sum3A_481 : i1 to vector<16xi1>
      %reduce_sum3A_483 = tpu.scan <sum>, %select_n3A_480 masked %reduce_sum3A_482 : vector<16xf32>, vector<16xi1> -> vector<16xf32>
      %reduce_sum3A_484 = vector.extract %reduce_sum3A_483[15] : f32 from vector<16xf32>
      %eq3A_485 = vector.broadcast %reduce_min3A_477 : i32 to vector<16xi32>
      %eq3A_486 = arith.cmpi eq, %iota3A, %eq3A_485 : vector<16xi32>
      %or3A_487 = arith.ori %or3A_448, %eq3A_486 : vector<16xi1>
      %broadcast_in_dim3A_488 = vector.broadcast %reduce_sum3A_484 : f32 to vector<16xf32>
      %select_n3A_489 = arith.select %eq3A_486, %broadcast_in_dim3A_488, %select_n3A_450 : vector<16xi1>, vector<16xf32>
      %eq3A_490 = arith.constant 12 : i32
      %eq3A_491 = vector.broadcast %eq3A_490 : i32 to vector<16xi32>
      %eq3A_492 = arith.cmpi eq, %iota3A, %eq3A_491 : vector<16xi32>
      %jit3A_493 = arith.constant -1 : i32
      %broadcast_in_dim3A_494 = vector.broadcast %jit3A_493 : i32 to vector<16xi32>
      %select_n3A_495 = arith.select %eq3A_492, %gather3A, %broadcast_in_dim3A_494 : vector<16xi1>, vector<16xi32>
      %reduce_max3A_496 = arith.constant true
      %reduce_max3A_497 = vector.broadcast %reduce_max3A_496 : i1 to vector<16xi1>
      %reduce_max3A_498 = arith.constant -2147483648 : i32
      %reduce_max3A_499 = vector.broadcast %reduce_max3A_498 : i32 to vector<16xi32>
      %reduce_max3A_500 = arith.xori %select_n3A_495, %reduce_max3A_499 : vector<16xi32>
      %reduce_max3A_501 = tpu.scan <max>, %reduce_max3A_500 masked %reduce_max3A_497 : vector<16xi32>, vector<16xi1> -> vector<16xi32>
      %reduce_max3A_502 = arith.xori %reduce_max3A_501, %reduce_max3A_499 : vector<16xi32>
      %reduce_max3A_503 = vector.extract %reduce_max3A_502[15] : i32 from vector<16xi32>
      %eq3A_504 = vector.broadcast %reduce_max3A_503 : i32 to vector<16xi32>
      %eq3A_505 = arith.cmpi eq, %gather3A, %eq3A_504 : vector<16xi32>
      %jit3A_506 = arith.constant 99 : i32
      %broadcast_in_dim3A_507 = vector.broadcast %jit3A_506 : i32 to vector<16xi32>
      %select_n3A_508 = arith.select %eq3A_505, %iota3A, %broadcast_in_dim3A_507 : vector<16xi1>, vector<16xi32>
      %reduce_min3A_509 = arith.constant true
      %reduce_min3A_510 = vector.broadcast %reduce_min3A_509 : i1 to vector<16xi1>
      %reduce_min3A_511 = arith.constant -2147483648 : i32
      %reduce_min3A_512 = vector.broadcast %reduce_min3A_511 : i32 to vector<16xi32>
      %reduce_min3A_513 = arith.xori %select_n3A_508, %reduce_min3A_512 : vector<16xi32>
      %reduce_min3A_514 = tpu.scan <min>, %reduce_min3A_513 masked %reduce_min3A_510 : vector<16xi32>, vector<16xi1> -> vector<16xi32>
      %reduce_min3A_515 = arith.xori %reduce_min3A_514, %reduce_min3A_512 : vector<16xi32>
      %reduce_min3A_516 = vector.extract %reduce_min3A_515[15] : i32 from vector<16xi32>
      %jit3A_517 = arith.constant 0.000000e+00 : f32
      %broadcast_in_dim3A_518 = vector.broadcast %jit3A_517 : f32 to vector<16xf32>
      %select_n3A_519 = arith.select %eq3A_505, %get3A_25, %broadcast_in_dim3A_518 : vector<16xi1>, vector<16xf32>
      %reduce_sum3A_520 = arith.constant true
      %reduce_sum3A_521 = vector.broadcast %reduce_sum3A_520 : i1 to vector<16xi1>
      %reduce_sum3A_522 = tpu.scan <sum>, %select_n3A_519 masked %reduce_sum3A_521 : vector<16xf32>, vector<16xi1> -> vector<16xf32>
      %reduce_sum3A_523 = vector.extract %reduce_sum3A_522[15] : f32 from vector<16xf32>
      %eq3A_524 = vector.broadcast %reduce_min3A_516 : i32 to vector<16xi32>
      %eq3A_525 = arith.cmpi eq, %iota3A, %eq3A_524 : vector<16xi32>
      %or3A_526 = arith.ori %or3A_487, %eq3A_525 : vector<16xi1>
      %broadcast_in_dim3A_527 = vector.broadcast %reduce_sum3A_523 : f32 to vector<16xf32>
      %select_n3A_528 = arith.select %eq3A_525, %broadcast_in_dim3A_527, %select_n3A_489 : vector<16xi1>, vector<16xf32>
      %eq3A_529 = arith.constant 13 : i32
      %eq3A_530 = vector.broadcast %eq3A_529 : i32 to vector<16xi32>
      %eq3A_531 = arith.cmpi eq, %iota3A, %eq3A_530 : vector<16xi32>
      %jit3A_532 = arith.constant -1 : i32
      %broadcast_in_dim3A_533 = vector.broadcast %jit3A_532 : i32 to vector<16xi32>
      %select_n3A_534 = arith.select %eq3A_531, %gather3A, %broadcast_in_dim3A_533 : vector<16xi1>, vector<16xi32>
      %reduce_max3A_535 = arith.constant true
      %reduce_max3A_536 = vector.broadcast %reduce_max3A_535 : i1 to vector<16xi1>
      %reduce_max3A_537 = arith.constant -2147483648 : i32
      %reduce_max3A_538 = vector.broadcast %reduce_max3A_537 : i32 to vector<16xi32>
      %reduce_max3A_539 = arith.xori %select_n3A_534, %reduce_max3A_538 : vector<16xi32>
      %reduce_max3A_540 = tpu.scan <max>, %reduce_max3A_539 masked %reduce_max3A_536 : vector<16xi32>, vector<16xi1> -> vector<16xi32>
      %reduce_max3A_541 = arith.xori %reduce_max3A_540, %reduce_max3A_538 : vector<16xi32>
      %reduce_max3A_542 = vector.extract %reduce_max3A_541[15] : i32 from vector<16xi32>
      %eq3A_543 = vector.broadcast %reduce_max3A_542 : i32 to vector<16xi32>
      %eq3A_544 = arith.cmpi eq, %gather3A, %eq3A_543 : vector<16xi32>
      %jit3A_545 = arith.constant 99 : i32
      %broadcast_in_dim3A_546 = vector.broadcast %jit3A_545 : i32 to vector<16xi32>
      %select_n3A_547 = arith.select %eq3A_544, %iota3A, %broadcast_in_dim3A_546 : vector<16xi1>, vector<16xi32>
      %reduce_min3A_548 = arith.constant true
      %reduce_min3A_549 = vector.broadcast %reduce_min3A_548 : i1 to vector<16xi1>
      %reduce_min3A_550 = arith.constant -2147483648 : i32
      %reduce_min3A_551 = vector.broadcast %reduce_min3A_550 : i32 to vector<16xi32>
      %reduce_min3A_552 = arith.xori %select_n3A_547, %reduce_min3A_551 : vector<16xi32>
      %reduce_min3A_553 = tpu.scan <min>, %reduce_min3A_552 masked %reduce_min3A_549 : vector<16xi32>, vector<16xi1> -> vector<16xi32>
      %reduce_min3A_554 = arith.xori %reduce_min3A_553, %reduce_min3A_551 : vector<16xi32>
      %reduce_min3A_555 = vector.extract %reduce_min3A_554[15] : i32 from vector<16xi32>
      %jit3A_556 = arith.constant 0.000000e+00 : f32
      %broadcast_in_dim3A_557 = vector.broadcast %jit3A_556 : f32 to vector<16xf32>
      %select_n3A_558 = arith.select %eq3A_544, %get3A_25, %broadcast_in_dim3A_557 : vector<16xi1>, vector<16xf32>
      %reduce_sum3A_559 = arith.constant true
      %reduce_sum3A_560 = vector.broadcast %reduce_sum3A_559 : i1 to vector<16xi1>
      %reduce_sum3A_561 = tpu.scan <sum>, %select_n3A_558 masked %reduce_sum3A_560 : vector<16xf32>, vector<16xi1> -> vector<16xf32>
      %reduce_sum3A_562 = vector.extract %reduce_sum3A_561[15] : f32 from vector<16xf32>
      %eq3A_563 = vector.broadcast %reduce_min3A_555 : i32 to vector<16xi32>
      %eq3A_564 = arith.cmpi eq, %iota3A, %eq3A_563 : vector<16xi32>
      %or3A_565 = arith.ori %or3A_526, %eq3A_564 : vector<16xi1>
      %broadcast_in_dim3A_566 = vector.broadcast %reduce_sum3A_562 : f32 to vector<16xf32>
      %select_n3A_567 = arith.select %eq3A_564, %broadcast_in_dim3A_566, %select_n3A_528 : vector<16xi1>, vector<16xf32>
      %eq3A_568 = arith.constant 14 : i32
      %eq3A_569 = vector.broadcast %eq3A_568 : i32 to vector<16xi32>
      %eq3A_570 = arith.cmpi eq, %iota3A, %eq3A_569 : vector<16xi32>
      %jit3A_571 = arith.constant -1 : i32
      %broadcast_in_dim3A_572 = vector.broadcast %jit3A_571 : i32 to vector<16xi32>
      %select_n3A_573 = arith.select %eq3A_570, %gather3A, %broadcast_in_dim3A_572 : vector<16xi1>, vector<16xi32>
      %reduce_max3A_574 = arith.constant true
      %reduce_max3A_575 = vector.broadcast %reduce_max3A_574 : i1 to vector<16xi1>
      %reduce_max3A_576 = arith.constant -2147483648 : i32
      %reduce_max3A_577 = vector.broadcast %reduce_max3A_576 : i32 to vector<16xi32>
      %reduce_max3A_578 = arith.xori %select_n3A_573, %reduce_max3A_577 : vector<16xi32>
      %reduce_max3A_579 = tpu.scan <max>, %reduce_max3A_578 masked %reduce_max3A_575 : vector<16xi32>, vector<16xi1> -> vector<16xi32>
      %reduce_max3A_580 = arith.xori %reduce_max3A_579, %reduce_max3A_577 : vector<16xi32>
      %reduce_max3A_581 = vector.extract %reduce_max3A_580[15] : i32 from vector<16xi32>
      %eq3A_582 = vector.broadcast %reduce_max3A_581 : i32 to vector<16xi32>
      %eq3A_583 = arith.cmpi eq, %gather3A, %eq3A_582 : vector<16xi32>
      %jit3A_584 = arith.constant 99 : i32
      %broadcast_in_dim3A_585 = vector.broadcast %jit3A_584 : i32 to vector<16xi32>
      %select_n3A_586 = arith.select %eq3A_583, %iota3A, %broadcast_in_dim3A_585 : vector<16xi1>, vector<16xi32>
      %reduce_min3A_587 = arith.constant true
      %reduce_min3A_588 = vector.broadcast %reduce_min3A_587 : i1 to vector<16xi1>
      %reduce_min3A_589 = arith.constant -2147483648 : i32
      %reduce_min3A_590 = vector.broadcast %reduce_min3A_589 : i32 to vector<16xi32>
      %reduce_min3A_591 = arith.xori %select_n3A_586, %reduce_min3A_590 : vector<16xi32>
      %reduce_min3A_592 = tpu.scan <min>, %reduce_min3A_591 masked %reduce_min3A_588 : vector<16xi32>, vector<16xi1> -> vector<16xi32>
      %reduce_min3A_593 = arith.xori %reduce_min3A_592, %reduce_min3A_590 : vector<16xi32>
      %reduce_min3A_594 = vector.extract %reduce_min3A_593[15] : i32 from vector<16xi32>
      %jit3A_595 = arith.constant 0.000000e+00 : f32
      %broadcast_in_dim3A_596 = vector.broadcast %jit3A_595 : f32 to vector<16xf32>
      %select_n3A_597 = arith.select %eq3A_583, %get3A_25, %broadcast_in_dim3A_596 : vector<16xi1>, vector<16xf32>
      %reduce_sum3A_598 = arith.constant true
      %reduce_sum3A_599 = vector.broadcast %reduce_sum3A_598 : i1 to vector<16xi1>
      %reduce_sum3A_600 = tpu.scan <sum>, %select_n3A_597 masked %reduce_sum3A_599 : vector<16xf32>, vector<16xi1> -> vector<16xf32>
      %reduce_sum3A_601 = vector.extract %reduce_sum3A_600[15] : f32 from vector<16xf32>
      %eq3A_602 = vector.broadcast %reduce_min3A_594 : i32 to vector<16xi32>
      %eq3A_603 = arith.cmpi eq, %iota3A, %eq3A_602 : vector<16xi32>
      %or3A_604 = arith.ori %or3A_565, %eq3A_603 : vector<16xi1>
      %broadcast_in_dim3A_605 = vector.broadcast %reduce_sum3A_601 : f32 to vector<16xf32>
      %select_n3A_606 = arith.select %eq3A_603, %broadcast_in_dim3A_605, %select_n3A_567 : vector<16xi1>, vector<16xf32>
      %eq3A_607 = arith.constant 15 : i32
      %eq3A_608 = vector.broadcast %eq3A_607 : i32 to vector<16xi32>
      %eq3A_609 = arith.cmpi eq, %iota3A, %eq3A_608 : vector<16xi32>
      %jit3A_610 = arith.constant -1 : i32
      %broadcast_in_dim3A_611 = vector.broadcast %jit3A_610 : i32 to vector<16xi32>
      %select_n3A_612 = arith.select %eq3A_609, %gather3A, %broadcast_in_dim3A_611 : vector<16xi1>, vector<16xi32>
      %reduce_max3A_613 = arith.constant true
      %reduce_max3A_614 = vector.broadcast %reduce_max3A_613 : i1 to vector<16xi1>
      %reduce_max3A_615 = arith.constant -2147483648 : i32
      %reduce_max3A_616 = vector.broadcast %reduce_max3A_615 : i32 to vector<16xi32>
      %reduce_max3A_617 = arith.xori %select_n3A_612, %reduce_max3A_616 : vector<16xi32>
      %reduce_max3A_618 = tpu.scan <max>, %reduce_max3A_617 masked %reduce_max3A_614 : vector<16xi32>, vector<16xi1> -> vector<16xi32>
      %reduce_max3A_619 = arith.xori %reduce_max3A_618, %reduce_max3A_616 : vector<16xi32>
      %reduce_max3A_620 = vector.extract %reduce_max3A_619[15] : i32 from vector<16xi32>
      %eq3A_621 = vector.broadcast %reduce_max3A_620 : i32 to vector<16xi32>
      %eq3A_622 = arith.cmpi eq, %gather3A, %eq3A_621 : vector<16xi32>
      %jit3A_623 = arith.constant 99 : i32
      %broadcast_in_dim3A_624 = vector.broadcast %jit3A_623 : i32 to vector<16xi32>
      %select_n3A_625 = arith.select %eq3A_622, %iota3A, %broadcast_in_dim3A_624 : vector<16xi1>, vector<16xi32>
      %reduce_min3A_626 = arith.constant true
      %reduce_min3A_627 = vector.broadcast %reduce_min3A_626 : i1 to vector<16xi1>
      %reduce_min3A_628 = arith.constant -2147483648 : i32
      %reduce_min3A_629 = vector.broadcast %reduce_min3A_628 : i32 to vector<16xi32>
      %reduce_min3A_630 = arith.xori %select_n3A_625, %reduce_min3A_629 : vector<16xi32>
      %reduce_min3A_631 = tpu.scan <min>, %reduce_min3A_630 masked %reduce_min3A_627 : vector<16xi32>, vector<16xi1> -> vector<16xi32>
      %reduce_min3A_632 = arith.xori %reduce_min3A_631, %reduce_min3A_629 : vector<16xi32>
      %reduce_min3A_633 = vector.extract %reduce_min3A_632[15] : i32 from vector<16xi32>
      %jit3A_634 = arith.constant 0.000000e+00 : f32
      %broadcast_in_dim3A_635 = vector.broadcast %jit3A_634 : f32 to vector<16xf32>
      %select_n3A_636 = arith.select %eq3A_622, %get3A_25, %broadcast_in_dim3A_635 : vector<16xi1>, vector<16xf32>
      %reduce_sum3A_637 = arith.constant true
      %reduce_sum3A_638 = vector.broadcast %reduce_sum3A_637 : i1 to vector<16xi1>
      %reduce_sum3A_639 = tpu.scan <sum>, %select_n3A_636 masked %reduce_sum3A_638 : vector<16xf32>, vector<16xi1> -> vector<16xf32>
      %reduce_sum3A_640 = vector.extract %reduce_sum3A_639[15] : f32 from vector<16xf32>
      %eq3A_641 = vector.broadcast %reduce_min3A_633 : i32 to vector<16xi32>
      %eq3A_642 = arith.cmpi eq, %iota3A, %eq3A_641 : vector<16xi32>
      %or3A_643 = arith.ori %or3A_604, %eq3A_642 : vector<16xi1>
      %broadcast_in_dim3A_644 = vector.broadcast %reduce_sum3A_640 : f32 to vector<16xf32>
      %select_n3A_645 = arith.select %eq3A_642, %broadcast_in_dim3A_644, %select_n3A_606 : vector<16xi1>, vector<16xf32>
      %ge3A = arith.constant 0 : i32
      %ge3A_646 = vector.broadcast %ge3A : i32 to vector<16xi32>
      %ge3A_647 = arith.cmpi sge, %gather3A, %ge3A_646 : vector<16xi32>
      %and3A = arith.andi %or3A_643, %ge3A_647 : vector<16xi1>
      %lt3A_648 = arith.constant 16000 : i32
      %lt3A_649 = vector.broadcast %lt3A_648 : i32 to vector<16xi32>
      %lt3A_650 = arith.cmpi slt, %gather3A, %lt3A_649 : vector<16xi32>
      %and3A_651 = arith.andi %and3A, %lt3A_650 : vector<16xi1>
      %sub3A = arith.constant 0 : i32
      %sub3A_652 = vector.broadcast %sub3A : i32 to vector<16xi32>
      %sub3A_653 = arith.subi %gather3A, %sub3A_652 : vector<16xi32>
      %jit3A_654 = arith.constant 0 : i32
      %broadcast_in_dim3A_655 = vector.broadcast %jit3A_654 : i32 to vector<16xi32>
      %select_n3A_656 = arith.select %and3A_651, %sub3A_653, %broadcast_in_dim3A_655 : vector<16xi1>, vector<16xi32>
      tpu.vector_store_idx %arg9[%select_n3A_656], %select_n3A_645 masked %and3A_651 {add = true} : memref<16000xf32, #tpu.memory_space<vmem>>[vector<16xi32>], vector<16xf32>, vector<16xi1>
      %add3A_657 = arith.addi %mul3A_2, %scan3A_18 : i32
      "tpu.region"() ({
        %run_scoped3A = tpu.sem_alloc : memref<!tpu.dma_semaphore, #tpu.memory_space<semaphore_mem>>
        %dma_start3A = arith.constant 0 : i32
        %dma_start3A_678 = tpu.memref_slice %arg5[%add3A_657, %dma_start3A] : memref<1024x32000xf32, #tpu.memory_space<hbm>> -> memref<1x16000xf32, #tpu.memory_space<hbm>>
        %dma_start3A_679 = tpu.memref_squeeze %dma_start3A_678 : memref<1x16000xf32, #tpu.memory_space<hbm>> -> memref<16000xf32, #tpu.memory_space<hbm>>
        %dma_start3A_680 = arith.constant 0 : i32
        %dma_start3A_681 = tpu.memref_slice %arg5[%add3A_657, %dma_start3A_680] : memref<1024x32000xf32, #tpu.memory_space<hbm>> -> memref<1x16000xf32, #tpu.memory_space<hbm>>
        %dma_start3A_682 = tpu.memref_squeeze %dma_start3A_681 : memref<1x16000xf32, #tpu.memory_space<hbm>> -> memref<16000xf32, #tpu.memory_space<hbm>>
        tpu.enqueue_dma source(%arg9 : memref<16000xf32, #tpu.memory_space<vmem>>) target(%dma_start3A_682 : memref<16000xf32, #tpu.memory_space<hbm>>) target_semaphore(%run_scoped3A : memref<!tpu.dma_semaphore, #tpu.memory_space<semaphore_mem>>)
        %dma_wait3A = arith.constant 0 : i32
        %dma_wait3A_683 = tpu.memref_slice %arg5[%add3A_657, %dma_wait3A] : memref<1024x32000xf32, #tpu.memory_space<hbm>> -> memref<1x16000xf32, #tpu.memory_space<hbm>>
        %dma_wait3A_684 = tpu.memref_squeeze %dma_wait3A_683 : memref<1x16000xf32, #tpu.memory_space<hbm>> -> memref<16000xf32, #tpu.memory_space<hbm>>
        %dma_wait3A_685 = arith.constant 0 : i32
        %dma_wait3A_686 = tpu.memref_slice %arg5[%add3A_657, %dma_wait3A_685] : memref<1024x32000xf32, #tpu.memory_space<hbm>> -> memref<1x16000xf32, #tpu.memory_space<hbm>>
        %dma_wait3A_687 = tpu.memref_squeeze %dma_wait3A_686 : memref<1x16000xf32, #tpu.memory_space<hbm>> -> memref<16000xf32, #tpu.memory_space<hbm>>
        tpu.wait_dma2 semaphore(%run_scoped3A : memref<!tpu.dma_semaphore, #tpu.memory_space<semaphore_mem>>) src(%arg9 : memref<16000xf32, #tpu.memory_space<vmem>>) dst(%dma_wait3A_687 : memref<16000xf32, #tpu.memory_space<hbm>>)
        tpu.yield
      }) : () -> ()
      %neg3A = arith.constant 0.000000e+00 : f32
      %neg3A_658 = vector.broadcast %neg3A : f32 to vector<16xf32>
      %neg3A_659 = arith.subf %neg3A_658, %select_n3A_645 : vector<16xf32>
      tpu.vector_store_idx %arg9[%select_n3A_656], %neg3A_659 masked %and3A_651 {add = true} : memref<16000xf32, #tpu.memory_space<vmem>>[vector<16xi32>], vector<16xf32>, vector<16xi1>
      %ge3A_660 = arith.constant 16000 : i32
      %ge3A_661 = vector.broadcast %ge3A_660 : i32 to vector<16xi32>
      %ge3A_662 = arith.cmpi sge, %gather3A, %ge3A_661 : vector<16xi32>
      %and3A_663 = arith.andi %or3A_643, %ge3A_662 : vector<16xi1>
      %lt3A_664 = arith.constant 32000 : i32
      %lt3A_665 = vector.broadcast %lt3A_664 : i32 to vector<16xi32>
      %lt3A_666 = arith.cmpi slt, %gather3A, %lt3A_665 : vector<16xi32>
      %and3A_667 = arith.andi %and3A_663, %lt3A_666 : vector<16xi1>
      %sub3A_668 = arith.constant 16000 : i32
      %sub3A_669 = vector.broadcast %sub3A_668 : i32 to vector<16xi32>
      %sub3A_670 = arith.subi %gather3A, %sub3A_669 : vector<16xi32>
      %jit3A_671 = arith.constant 0 : i32
      %broadcast_in_dim3A_672 = vector.broadcast %jit3A_671 : i32 to vector<16xi32>
      %select_n3A_673 = arith.select %and3A_667, %sub3A_670, %broadcast_in_dim3A_672 : vector<16xi1>, vector<16xi32>
      tpu.vector_store_idx %arg9[%select_n3A_673], %select_n3A_645 masked %and3A_667 {add = true} : memref<16000xf32, #tpu.memory_space<vmem>>[vector<16xi32>], vector<16xf32>, vector<16xi1>
      %add3A_674 = arith.addi %mul3A_2, %scan3A_18 : i32
      "tpu.region"() ({
        %run_scoped3A = tpu.sem_alloc : memref<!tpu.dma_semaphore, #tpu.memory_space<semaphore_mem>>
        %dma_start3A = arith.constant 16000 : i32
        %dma_start3A_678 = tpu.memref_slice %arg5[%add3A_674, %dma_start3A] : memref<1024x32000xf32, #tpu.memory_space<hbm>> -> memref<1x16000xf32, #tpu.memory_space<hbm>>
        %dma_start3A_679 = tpu.memref_squeeze %dma_start3A_678 : memref<1x16000xf32, #tpu.memory_space<hbm>> -> memref<16000xf32, #tpu.memory_space<hbm>>
        %dma_start3A_680 = arith.constant 16000 : i32
        %dma_start3A_681 = tpu.memref_slice %arg5[%add3A_674, %dma_start3A_680] : memref<1024x32000xf32, #tpu.memory_space<hbm>> -> memref<1x16000xf32, #tpu.memory_space<hbm>>
        %dma_start3A_682 = tpu.memref_squeeze %dma_start3A_681 : memref<1x16000xf32, #tpu.memory_space<hbm>> -> memref<16000xf32, #tpu.memory_space<hbm>>
        tpu.enqueue_dma source(%arg9 : memref<16000xf32, #tpu.memory_space<vmem>>) target(%dma_start3A_682 : memref<16000xf32, #tpu.memory_space<hbm>>) target_semaphore(%run_scoped3A : memref<!tpu.dma_semaphore, #tpu.memory_space<semaphore_mem>>)
        %dma_wait3A = arith.constant 16000 : i32
        %dma_wait3A_683 = tpu.memref_slice %arg5[%add3A_674, %dma_wait3A] : memref<1024x32000xf32, #tpu.memory_space<hbm>> -> memref<1x16000xf32, #tpu.memory_space<hbm>>
        %dma_wait3A_684 = tpu.memref_squeeze %dma_wait3A_683 : memref<1x16000xf32, #tpu.memory_space<hbm>> -> memref<16000xf32, #tpu.memory_space<hbm>>
        %dma_wait3A_685 = arith.constant 16000 : i32
        %dma_wait3A_686 = tpu.memref_slice %arg5[%add3A_674, %dma_wait3A_685] : memref<1024x32000xf32, #tpu.memory_space<hbm>> -> memref<1x16000xf32, #tpu.memory_space<hbm>>
        %dma_wait3A_687 = tpu.memref_squeeze %dma_wait3A_686 : memref<1x16000xf32, #tpu.memory_space<hbm>> -> memref<16000xf32, #tpu.memory_space<hbm>>
        tpu.wait_dma2 semaphore(%run_scoped3A : memref<!tpu.dma_semaphore, #tpu.memory_space<semaphore_mem>>) src(%arg9 : memref<16000xf32, #tpu.memory_space<vmem>>) dst(%dma_wait3A_687 : memref<16000xf32, #tpu.memory_space<hbm>>)
        tpu.yield
      }) : () -> ()
      %neg3A_675 = arith.constant 0.000000e+00 : f32
      %neg3A_676 = vector.broadcast %neg3A_675 : f32 to vector<16xf32>
      %neg3A_677 = arith.subf %neg3A_676, %select_n3A_645 : vector<16xf32>
      tpu.vector_store_idx %arg9[%select_n3A_673], %neg3A_677 masked %and3A_667 {add = true} : memref<16000xf32, #tpu.memory_space<vmem>>[vector<16xi32>], vector<16xf32>, vector<16xi1>
    }
    %scan3A_17 = arith.constant 32 : i32
    return
  }
}

#map = affine_map<(d0, d1) -> (0, 0, 0)>
#map1 = affine_map<(d0, d1) -> (0, 0)>
module attributes {stable_mosaic.version = 14 : i64} {
  func.func @_subpool_gather(%arg0: i32, %arg1: i32, %arg2: memref<1024x16x128xf32, #tpu.memory_space<hbm>>, %arg3: memref<1024x16xi32, #tpu.memory_space<hbm>>, %arg4: memref<1024x256xf32, #tpu.memory_space<hbm>>, %arg5: memref<32x16x128xf32, #tpu.memory_space<vmem>>, %arg6: memref<32x16xi32, #tpu.memory_space<vmem>>, %arg7: memref<32x256xf32, #tpu.memory_space<vmem>>) attributes {dimension_semantics = [#tpu.dimension_semantics<core_parallel>, #tpu.dimension_semantics<subcore_parallel>], iteration_bounds = array<i64: 2, 16>, scalar_prefetch = 0 : i64, scratch_operands = 3 : i64, tpu.core_type = #tpu.core_type<sc_vector_subcore>, window_params = [{transform_indices = #map}, {transform_indices = #map1}, {transform_indices = #map1}]} {
    %mul3A = arith.constant 2 : i32
    %mul3A_0 = arith.muli %arg1, %mul3A : i32
    %add3A = arith.addi %mul3A_0, %arg0 : i32
    %mul3A_1 = arith.constant 32 : i32
    %mul3A_2 = arith.muli %add3A, %mul3A_1 : i32
    "tpu.region"() ({
      %run_scoped3A = tpu.sem_alloc : memref<!tpu.dma_semaphore, #tpu.memory_space<semaphore_mem>>
      %dma_start3A = arith.constant 0 : i32
      %dma_start3A_8 = arith.constant 0 : i32
      %dma_start3A_9 = tpu.memref_slice %arg2[%mul3A_2, %dma_start3A, %dma_start3A_8] : memref<1024x16x128xf32, #tpu.memory_space<hbm>> -> memref<32x16x128xf32, #tpu.memory_space<hbm>>
      %dma_start3A_10 = arith.constant 0 : i32
      %dma_start3A_11 = arith.constant 0 : i32
      %dma_start3A_12 = tpu.memref_slice %arg2[%mul3A_2, %dma_start3A_10, %dma_start3A_11] : memref<1024x16x128xf32, #tpu.memory_space<hbm>> -> memref<32x16x128xf32, #tpu.memory_space<hbm>>
      tpu.enqueue_dma source(%dma_start3A_12 : memref<32x16x128xf32, #tpu.memory_space<hbm>>) target(%arg5 : memref<32x16x128xf32, #tpu.memory_space<vmem>>) target_semaphore(%run_scoped3A : memref<!tpu.dma_semaphore, #tpu.memory_space<semaphore_mem>>)
      %dma_wait3A = arith.constant 0 : i32
      %dma_wait3A_13 = arith.constant 0 : i32
      %dma_wait3A_14 = tpu.memref_slice %arg2[%mul3A_2, %dma_wait3A, %dma_wait3A_13] : memref<1024x16x128xf32, #tpu.memory_space<hbm>> -> memref<32x16x128xf32, #tpu.memory_space<hbm>>
      %dma_wait3A_15 = arith.constant 0 : i32
      %dma_wait3A_16 = arith.constant 0 : i32
      %dma_wait3A_17 = tpu.memref_slice %arg2[%mul3A_2, %dma_wait3A_15, %dma_wait3A_16] : memref<1024x16x128xf32, #tpu.memory_space<hbm>> -> memref<32x16x128xf32, #tpu.memory_space<hbm>>
      tpu.wait_dma2 semaphore(%run_scoped3A : memref<!tpu.dma_semaphore, #tpu.memory_space<semaphore_mem>>) src(%dma_wait3A_17 : memref<32x16x128xf32, #tpu.memory_space<hbm>>) dst(%arg5 : memref<32x16x128xf32, #tpu.memory_space<vmem>>)
      tpu.yield
    }) : () -> ()
    "tpu.region"() ({
      %run_scoped3A = tpu.sem_alloc : memref<!tpu.dma_semaphore, #tpu.memory_space<semaphore_mem>>
      %dma_start3A = arith.constant 0 : i32
      %dma_start3A_8 = tpu.memref_slice %arg3[%mul3A_2, %dma_start3A] : memref<1024x16xi32, #tpu.memory_space<hbm>> -> memref<32x16xi32, #tpu.memory_space<hbm>>
      %dma_start3A_9 = arith.constant 0 : i32
      %dma_start3A_10 = tpu.memref_slice %arg3[%mul3A_2, %dma_start3A_9] : memref<1024x16xi32, #tpu.memory_space<hbm>> -> memref<32x16xi32, #tpu.memory_space<hbm>>
      tpu.enqueue_dma source(%dma_start3A_10 : memref<32x16xi32, #tpu.memory_space<hbm>>) target(%arg6 : memref<32x16xi32, #tpu.memory_space<vmem>>) target_semaphore(%run_scoped3A : memref<!tpu.dma_semaphore, #tpu.memory_space<semaphore_mem>>)
      %dma_wait3A = arith.constant 0 : i32
      %dma_wait3A_11 = tpu.memref_slice %arg3[%mul3A_2, %dma_wait3A] : memref<1024x16xi32, #tpu.memory_space<hbm>> -> memref<32x16xi32, #tpu.memory_space<hbm>>
      %dma_wait3A_12 = arith.constant 0 : i32
      %dma_wait3A_13 = tpu.memref_slice %arg3[%mul3A_2, %dma_wait3A_12] : memref<1024x16xi32, #tpu.memory_space<hbm>> -> memref<32x16xi32, #tpu.memory_space<hbm>>
      tpu.wait_dma2 semaphore(%run_scoped3A : memref<!tpu.dma_semaphore, #tpu.memory_space<semaphore_mem>>) src(%dma_wait3A_13 : memref<32x16xi32, #tpu.memory_space<hbm>>) dst(%arg6 : memref<32x16xi32, #tpu.memory_space<vmem>>)
      tpu.yield
    }) : () -> ()
    %iota3A = tpu.iota {dimensions = array<i32: 0>} : vector<16xi32>
    %scan3A = arith.constant 0 : i32
    %scan3A_3 = arith.constant 0 : i32
    %scan3A_4 = arith.constant 32 : i32
    %scan3A_5 = arith.addi %scan3A_3, %scan3A_4 : i32
    %scan3A_6 = arith.constant 1 : i32
    scf.for %scan3A_8 = %scan3A_3 to %scan3A_5 step %scan3A_6  : i32 {
      %get3A = arith.index_cast %scan3A_8 : i32 to index
      %get3A_9 = arith.constant 0 : index
      %get3A_10 = tpu.vector_load %arg6[%get3A, %get3A_9] {strides = array<i32>} : memref<32x16xi32, #tpu.memory_space<vmem>>, vector<16xi32>,
      %eq3A = arith.constant 0 : i32
      %eq3A_11 = vector.broadcast %eq3A : i32 to vector<16xi32>
      %eq3A_12 = arith.cmpi eq, %iota3A, %eq3A_11 : vector<16xi32>
      %jit3A = arith.constant -1 : i32
      %broadcast_in_dim3A = vector.broadcast %jit3A : i32 to vector<16xi32>
      %select_n3A = arith.select %eq3A_12, %get3A_10, %broadcast_in_dim3A : vector<16xi1>, vector<16xi32>
      %reduce_max3A = arith.constant true
      %reduce_max3A_13 = vector.broadcast %reduce_max3A : i1 to vector<16xi1>
      %reduce_max3A_14 = arith.constant -2147483648 : i32
      %reduce_max3A_15 = vector.broadcast %reduce_max3A_14 : i32 to vector<16xi32>
      %reduce_max3A_16 = arith.xori %select_n3A, %reduce_max3A_15 : vector<16xi32>
      %reduce_max3A_17 = tpu.scan <max>, %reduce_max3A_16 masked %reduce_max3A_13 : vector<16xi32>, vector<16xi1> -> vector<16xi32>
      %reduce_max3A_18 = arith.xori %reduce_max3A_17, %reduce_max3A_15 : vector<16xi32>
      %reduce_max3A_19 = vector.extract %reduce_max3A_18[15] : i32 from vector<16xi32>
      %shift_right_arithmetic3A = arith.constant 3 : i32
      %shift_right_arithmetic3A_20 = arith.shrsi %reduce_max3A_19, %shift_right_arithmetic3A : i32
      %and3A = arith.constant 7 : i32
      %and3A_21 = arith.andi %reduce_max3A_19, %and3A : i32
      %mul3A_22 = arith.constant 16 : i32
      %mul3A_23 = arith.muli %and3A_21, %mul3A_22 : i32
      %add3A_24 = vector.broadcast %mul3A_23 : i32 to vector<16xi32>
      %add3A_25 = arith.addi %add3A_24, %iota3A : vector<16xi32>
      %mul3A_26 = arith.constant 0 : i32
      %mul3A_27 = vector.broadcast %mul3A_26 : i32 to vector<16xi32>
      %mul3A_28 = arith.muli %iota3A, %mul3A_27 : vector<16xi32>
      %add3A_29 = vector.broadcast %scan3A_8 : i32 to vector<16xi32>
      %add3A_30 = arith.addi %mul3A_28, %add3A_29 : vector<16xi32>
      %mul3A_31 = arith.constant 0 : i32
      %mul3A_32 = vector.broadcast %mul3A_31 : i32 to vector<16xi32>
      %mul3A_33 = arith.muli %iota3A, %mul3A_32 : vector<16xi32>
      %add3A_34 = vector.broadcast %shift_right_arithmetic3A_20 : i32 to vector<16xi32>
      %add3A_35 = arith.addi %mul3A_33, %add3A_34 : vector<16xi32>
      %gather3A = tpu.vector_load_idx %arg5[%add3A_30, %add3A_35, %add3A_25] : memref<32x16x128xf32, #tpu.memory_space<vmem>>[vector<16xi32>, vector<16xi32>, vector<16xi32>], vector<16xf32>,
      %swap3A = arith.index_cast %scan3A_8 : i32 to index
      %swap3A_36 = arith.constant 0 : index
      %swap3A_37 = tpu.vector_load %arg7[%swap3A, %swap3A_36] {strides = array<i32>} : memref<32x256xf32, #tpu.memory_space<vmem>>, vector<16xf32>,
      tpu.vector_store %arg7[%swap3A, %swap3A_36], %gather3A {strides = array<i32>} : memref<32x256xf32, #tpu.memory_space<vmem>>, vector<16xf32>,
      %eq3A_38 = arith.constant 1 : i32
      %eq3A_39 = vector.broadcast %eq3A_38 : i32 to vector<16xi32>
      %eq3A_40 = arith.cmpi eq, %iota3A, %eq3A_39 : vector<16xi32>
      %jit3A_41 = arith.constant -1 : i32
      %broadcast_in_dim3A_42 = vector.broadcast %jit3A_41 : i32 to vector<16xi32>
      %select_n3A_43 = arith.select %eq3A_40, %get3A_10, %broadcast_in_dim3A_42 : vector<16xi1>, vector<16xi32>
      %reduce_max3A_44 = arith.constant true
      %reduce_max3A_45 = vector.broadcast %reduce_max3A_44 : i1 to vector<16xi1>
      %reduce_max3A_46 = arith.constant -2147483648 : i32
      %reduce_max3A_47 = vector.broadcast %reduce_max3A_46 : i32 to vector<16xi32>
      %reduce_max3A_48 = arith.xori %select_n3A_43, %reduce_max3A_47 : vector<16xi32>
      %reduce_max3A_49 = tpu.scan <max>, %reduce_max3A_48 masked %reduce_max3A_45 : vector<16xi32>, vector<16xi1> -> vector<16xi32>
      %reduce_max3A_50 = arith.xori %reduce_max3A_49, %reduce_max3A_47 : vector<16xi32>
      %reduce_max3A_51 = vector.extract %reduce_max3A_50[15] : i32 from vector<16xi32>
      %shift_right_arithmetic3A_52 = arith.constant 3 : i32
      %shift_right_arithmetic3A_53 = arith.shrsi %reduce_max3A_51, %shift_right_arithmetic3A_52 : i32
      %and3A_54 = arith.constant 7 : i32
      %and3A_55 = arith.andi %reduce_max3A_51, %and3A_54 : i32
      %mul3A_56 = arith.constant 16 : i32
      %mul3A_57 = arith.muli %and3A_55, %mul3A_56 : i32
      %add3A_58 = vector.broadcast %mul3A_57 : i32 to vector<16xi32>
      %add3A_59 = arith.addi %add3A_58, %iota3A : vector<16xi32>
      %mul3A_60 = arith.constant 0 : i32
      %mul3A_61 = vector.broadcast %mul3A_60 : i32 to vector<16xi32>
      %mul3A_62 = arith.muli %iota3A, %mul3A_61 : vector<16xi32>
      %add3A_63 = vector.broadcast %scan3A_8 : i32 to vector<16xi32>
      %add3A_64 = arith.addi %mul3A_62, %add3A_63 : vector<16xi32>
      %mul3A_65 = arith.constant 0 : i32
      %mul3A_66 = vector.broadcast %mul3A_65 : i32 to vector<16xi32>
      %mul3A_67 = arith.muli %iota3A, %mul3A_66 : vector<16xi32>
      %add3A_68 = vector.broadcast %shift_right_arithmetic3A_53 : i32 to vector<16xi32>
      %add3A_69 = arith.addi %mul3A_67, %add3A_68 : vector<16xi32>
      %gather3A_70 = tpu.vector_load_idx %arg5[%add3A_64, %add3A_69, %add3A_59] : memref<32x16x128xf32, #tpu.memory_space<vmem>>[vector<16xi32>, vector<16xi32>, vector<16xi32>], vector<16xf32>,
      %swap3A_71 = arith.index_cast %scan3A_8 : i32 to index
      %swap3A_72 = arith.constant 16 : index
      %swap3A_73 = tpu.vector_load %arg7[%swap3A_71, %swap3A_72] {strides = array<i32>} : memref<32x256xf32, #tpu.memory_space<vmem>>, vector<16xf32>,
      tpu.vector_store %arg7[%swap3A_71, %swap3A_72], %gather3A_70 {strides = array<i32>} : memref<32x256xf32, #tpu.memory_space<vmem>>, vector<16xf32>,
      %eq3A_74 = arith.constant 2 : i32
      %eq3A_75 = vector.broadcast %eq3A_74 : i32 to vector<16xi32>
      %eq3A_76 = arith.cmpi eq, %iota3A, %eq3A_75 : vector<16xi32>
      %jit3A_77 = arith.constant -1 : i32
      %broadcast_in_dim3A_78 = vector.broadcast %jit3A_77 : i32 to vector<16xi32>
      %select_n3A_79 = arith.select %eq3A_76, %get3A_10, %broadcast_in_dim3A_78 : vector<16xi1>, vector<16xi32>
      %reduce_max3A_80 = arith.constant true
      %reduce_max3A_81 = vector.broadcast %reduce_max3A_80 : i1 to vector<16xi1>
      %reduce_max3A_82 = arith.constant -2147483648 : i32
      %reduce_max3A_83 = vector.broadcast %reduce_max3A_82 : i32 to vector<16xi32>
      %reduce_max3A_84 = arith.xori %select_n3A_79, %reduce_max3A_83 : vector<16xi32>
      %reduce_max3A_85 = tpu.scan <max>, %reduce_max3A_84 masked %reduce_max3A_81 : vector<16xi32>, vector<16xi1> -> vector<16xi32>
      %reduce_max3A_86 = arith.xori %reduce_max3A_85, %reduce_max3A_83 : vector<16xi32>
      %reduce_max3A_87 = vector.extract %reduce_max3A_86[15] : i32 from vector<16xi32>
      %shift_right_arithmetic3A_88 = arith.constant 3 : i32
      %shift_right_arithmetic3A_89 = arith.shrsi %reduce_max3A_87, %shift_right_arithmetic3A_88 : i32
      %and3A_90 = arith.constant 7 : i32
      %and3A_91 = arith.andi %reduce_max3A_87, %and3A_90 : i32
      %mul3A_92 = arith.constant 16 : i32
      %mul3A_93 = arith.muli %and3A_91, %mul3A_92 : i32
      %add3A_94 = vector.broadcast %mul3A_93 : i32 to vector<16xi32>
      %add3A_95 = arith.addi %add3A_94, %iota3A : vector<16xi32>
      %mul3A_96 = arith.constant 0 : i32
      %mul3A_97 = vector.broadcast %mul3A_96 : i32 to vector<16xi32>
      %mul3A_98 = arith.muli %iota3A, %mul3A_97 : vector<16xi32>
      %add3A_99 = vector.broadcast %scan3A_8 : i32 to vector<16xi32>
      %add3A_100 = arith.addi %mul3A_98, %add3A_99 : vector<16xi32>
      %mul3A_101 = arith.constant 0 : i32
      %mul3A_102 = vector.broadcast %mul3A_101 : i32 to vector<16xi32>
      %mul3A_103 = arith.muli %iota3A, %mul3A_102 : vector<16xi32>
      %add3A_104 = vector.broadcast %shift_right_arithmetic3A_89 : i32 to vector<16xi32>
      %add3A_105 = arith.addi %mul3A_103, %add3A_104 : vector<16xi32>
      %gather3A_106 = tpu.vector_load_idx %arg5[%add3A_100, %add3A_105, %add3A_95] : memref<32x16x128xf32, #tpu.memory_space<vmem>>[vector<16xi32>, vector<16xi32>, vector<16xi32>], vector<16xf32>,
      %swap3A_107 = arith.index_cast %scan3A_8 : i32 to index
      %swap3A_108 = arith.constant 32 : index
      %swap3A_109 = tpu.vector_load %arg7[%swap3A_107, %swap3A_108] {strides = array<i32>} : memref<32x256xf32, #tpu.memory_space<vmem>>, vector<16xf32>,
      tpu.vector_store %arg7[%swap3A_107, %swap3A_108], %gather3A_106 {strides = array<i32>} : memref<32x256xf32, #tpu.memory_space<vmem>>, vector<16xf32>,
      %eq3A_110 = arith.constant 3 : i32
      %eq3A_111 = vector.broadcast %eq3A_110 : i32 to vector<16xi32>
      %eq3A_112 = arith.cmpi eq, %iota3A, %eq3A_111 : vector<16xi32>
      %jit3A_113 = arith.constant -1 : i32
      %broadcast_in_dim3A_114 = vector.broadcast %jit3A_113 : i32 to vector<16xi32>
      %select_n3A_115 = arith.select %eq3A_112, %get3A_10, %broadcast_in_dim3A_114 : vector<16xi1>, vector<16xi32>
      %reduce_max3A_116 = arith.constant true
      %reduce_max3A_117 = vector.broadcast %reduce_max3A_116 : i1 to vector<16xi1>
      %reduce_max3A_118 = arith.constant -2147483648 : i32
      %reduce_max3A_119 = vector.broadcast %reduce_max3A_118 : i32 to vector<16xi32>
      %reduce_max3A_120 = arith.xori %select_n3A_115, %reduce_max3A_119 : vector<16xi32>
      %reduce_max3A_121 = tpu.scan <max>, %reduce_max3A_120 masked %reduce_max3A_117 : vector<16xi32>, vector<16xi1> -> vector<16xi32>
      %reduce_max3A_122 = arith.xori %reduce_max3A_121, %reduce_max3A_119 : vector<16xi32>
      %reduce_max3A_123 = vector.extract %reduce_max3A_122[15] : i32 from vector<16xi32>
      %shift_right_arithmetic3A_124 = arith.constant 3 : i32
      %shift_right_arithmetic3A_125 = arith.shrsi %reduce_max3A_123, %shift_right_arithmetic3A_124 : i32
      %and3A_126 = arith.constant 7 : i32
      %and3A_127 = arith.andi %reduce_max3A_123, %and3A_126 : i32
      %mul3A_128 = arith.constant 16 : i32
      %mul3A_129 = arith.muli %and3A_127, %mul3A_128 : i32
      %add3A_130 = vector.broadcast %mul3A_129 : i32 to vector<16xi32>
      %add3A_131 = arith.addi %add3A_130, %iota3A : vector<16xi32>
      %mul3A_132 = arith.constant 0 : i32
      %mul3A_133 = vector.broadcast %mul3A_132 : i32 to vector<16xi32>
      %mul3A_134 = arith.muli %iota3A, %mul3A_133 : vector<16xi32>
      %add3A_135 = vector.broadcast %scan3A_8 : i32 to vector<16xi32>
      %add3A_136 = arith.addi %mul3A_134, %add3A_135 : vector<16xi32>
      %mul3A_137 = arith.constant 0 : i32
      %mul3A_138 = vector.broadcast %mul3A_137 : i32 to vector<16xi32>
      %mul3A_139 = arith.muli %iota3A, %mul3A_138 : vector<16xi32>
      %add3A_140 = vector.broadcast %shift_right_arithmetic3A_125 : i32 to vector<16xi32>
      %add3A_141 = arith.addi %mul3A_139, %add3A_140 : vector<16xi32>
      %gather3A_142 = tpu.vector_load_idx %arg5[%add3A_136, %add3A_141, %add3A_131] : memref<32x16x128xf32, #tpu.memory_space<vmem>>[vector<16xi32>, vector<16xi32>, vector<16xi32>], vector<16xf32>,
      %swap3A_143 = arith.index_cast %scan3A_8 : i32 to index
      %swap3A_144 = arith.constant 48 : index
      %swap3A_145 = tpu.vector_load %arg7[%swap3A_143, %swap3A_144] {strides = array<i32>} : memref<32x256xf32, #tpu.memory_space<vmem>>, vector<16xf32>,
      tpu.vector_store %arg7[%swap3A_143, %swap3A_144], %gather3A_142 {strides = array<i32>} : memref<32x256xf32, #tpu.memory_space<vmem>>, vector<16xf32>,
      %eq3A_146 = arith.constant 4 : i32
      %eq3A_147 = vector.broadcast %eq3A_146 : i32 to vector<16xi32>
      %eq3A_148 = arith.cmpi eq, %iota3A, %eq3A_147 : vector<16xi32>
      %jit3A_149 = arith.constant -1 : i32
      %broadcast_in_dim3A_150 = vector.broadcast %jit3A_149 : i32 to vector<16xi32>
      %select_n3A_151 = arith.select %eq3A_148, %get3A_10, %broadcast_in_dim3A_150 : vector<16xi1>, vector<16xi32>
      %reduce_max3A_152 = arith.constant true
      %reduce_max3A_153 = vector.broadcast %reduce_max3A_152 : i1 to vector<16xi1>
      %reduce_max3A_154 = arith.constant -2147483648 : i32
      %reduce_max3A_155 = vector.broadcast %reduce_max3A_154 : i32 to vector<16xi32>
      %reduce_max3A_156 = arith.xori %select_n3A_151, %reduce_max3A_155 : vector<16xi32>
      %reduce_max3A_157 = tpu.scan <max>, %reduce_max3A_156 masked %reduce_max3A_153 : vector<16xi32>, vector<16xi1> -> vector<16xi32>
      %reduce_max3A_158 = arith.xori %reduce_max3A_157, %reduce_max3A_155 : vector<16xi32>
      %reduce_max3A_159 = vector.extract %reduce_max3A_158[15] : i32 from vector<16xi32>
      %shift_right_arithmetic3A_160 = arith.constant 3 : i32
      %shift_right_arithmetic3A_161 = arith.shrsi %reduce_max3A_159, %shift_right_arithmetic3A_160 : i32
      %and3A_162 = arith.constant 7 : i32
      %and3A_163 = arith.andi %reduce_max3A_159, %and3A_162 : i32
      %mul3A_164 = arith.constant 16 : i32
      %mul3A_165 = arith.muli %and3A_163, %mul3A_164 : i32
      %add3A_166 = vector.broadcast %mul3A_165 : i32 to vector<16xi32>
      %add3A_167 = arith.addi %add3A_166, %iota3A : vector<16xi32>
      %mul3A_168 = arith.constant 0 : i32
      %mul3A_169 = vector.broadcast %mul3A_168 : i32 to vector<16xi32>
      %mul3A_170 = arith.muli %iota3A, %mul3A_169 : vector<16xi32>
      %add3A_171 = vector.broadcast %scan3A_8 : i32 to vector<16xi32>
      %add3A_172 = arith.addi %mul3A_170, %add3A_171 : vector<16xi32>
      %mul3A_173 = arith.constant 0 : i32
      %mul3A_174 = vector.broadcast %mul3A_173 : i32 to vector<16xi32>
      %mul3A_175 = arith.muli %iota3A, %mul3A_174 : vector<16xi32>
      %add3A_176 = vector.broadcast %shift_right_arithmetic3A_161 : i32 to vector<16xi32>
      %add3A_177 = arith.addi %mul3A_175, %add3A_176 : vector<16xi32>
      %gather3A_178 = tpu.vector_load_idx %arg5[%add3A_172, %add3A_177, %add3A_167] : memref<32x16x128xf32, #tpu.memory_space<vmem>>[vector<16xi32>, vector<16xi32>, vector<16xi32>], vector<16xf32>,
      %swap3A_179 = arith.index_cast %scan3A_8 : i32 to index
      %swap3A_180 = arith.constant 64 : index
      %swap3A_181 = tpu.vector_load %arg7[%swap3A_179, %swap3A_180] {strides = array<i32>} : memref<32x256xf32, #tpu.memory_space<vmem>>, vector<16xf32>,
      tpu.vector_store %arg7[%swap3A_179, %swap3A_180], %gather3A_178 {strides = array<i32>} : memref<32x256xf32, #tpu.memory_space<vmem>>, vector<16xf32>,
      %eq3A_182 = arith.constant 5 : i32
      %eq3A_183 = vector.broadcast %eq3A_182 : i32 to vector<16xi32>
      %eq3A_184 = arith.cmpi eq, %iota3A, %eq3A_183 : vector<16xi32>
      %jit3A_185 = arith.constant -1 : i32
      %broadcast_in_dim3A_186 = vector.broadcast %jit3A_185 : i32 to vector<16xi32>
      %select_n3A_187 = arith.select %eq3A_184, %get3A_10, %broadcast_in_dim3A_186 : vector<16xi1>, vector<16xi32>
      %reduce_max3A_188 = arith.constant true
      %reduce_max3A_189 = vector.broadcast %reduce_max3A_188 : i1 to vector<16xi1>
      %reduce_max3A_190 = arith.constant -2147483648 : i32
      %reduce_max3A_191 = vector.broadcast %reduce_max3A_190 : i32 to vector<16xi32>
      %reduce_max3A_192 = arith.xori %select_n3A_187, %reduce_max3A_191 : vector<16xi32>
      %reduce_max3A_193 = tpu.scan <max>, %reduce_max3A_192 masked %reduce_max3A_189 : vector<16xi32>, vector<16xi1> -> vector<16xi32>
      %reduce_max3A_194 = arith.xori %reduce_max3A_193, %reduce_max3A_191 : vector<16xi32>
      %reduce_max3A_195 = vector.extract %reduce_max3A_194[15] : i32 from vector<16xi32>
      %shift_right_arithmetic3A_196 = arith.constant 3 : i32
      %shift_right_arithmetic3A_197 = arith.shrsi %reduce_max3A_195, %shift_right_arithmetic3A_196 : i32
      %and3A_198 = arith.constant 7 : i32
      %and3A_199 = arith.andi %reduce_max3A_195, %and3A_198 : i32
      %mul3A_200 = arith.constant 16 : i32
      %mul3A_201 = arith.muli %and3A_199, %mul3A_200 : i32
      %add3A_202 = vector.broadcast %mul3A_201 : i32 to vector<16xi32>
      %add3A_203 = arith.addi %add3A_202, %iota3A : vector<16xi32>
      %mul3A_204 = arith.constant 0 : i32
      %mul3A_205 = vector.broadcast %mul3A_204 : i32 to vector<16xi32>
      %mul3A_206 = arith.muli %iota3A, %mul3A_205 : vector<16xi32>
      %add3A_207 = vector.broadcast %scan3A_8 : i32 to vector<16xi32>
      %add3A_208 = arith.addi %mul3A_206, %add3A_207 : vector<16xi32>
      %mul3A_209 = arith.constant 0 : i32
      %mul3A_210 = vector.broadcast %mul3A_209 : i32 to vector<16xi32>
      %mul3A_211 = arith.muli %iota3A, %mul3A_210 : vector<16xi32>
      %add3A_212 = vector.broadcast %shift_right_arithmetic3A_197 : i32 to vector<16xi32>
      %add3A_213 = arith.addi %mul3A_211, %add3A_212 : vector<16xi32>
      %gather3A_214 = tpu.vector_load_idx %arg5[%add3A_208, %add3A_213, %add3A_203] : memref<32x16x128xf32, #tpu.memory_space<vmem>>[vector<16xi32>, vector<16xi32>, vector<16xi32>], vector<16xf32>,
      %swap3A_215 = arith.index_cast %scan3A_8 : i32 to index
      %swap3A_216 = arith.constant 80 : index
      %swap3A_217 = tpu.vector_load %arg7[%swap3A_215, %swap3A_216] {strides = array<i32>} : memref<32x256xf32, #tpu.memory_space<vmem>>, vector<16xf32>,
      tpu.vector_store %arg7[%swap3A_215, %swap3A_216], %gather3A_214 {strides = array<i32>} : memref<32x256xf32, #tpu.memory_space<vmem>>, vector<16xf32>,
      %eq3A_218 = arith.constant 6 : i32
      %eq3A_219 = vector.broadcast %eq3A_218 : i32 to vector<16xi32>
      %eq3A_220 = arith.cmpi eq, %iota3A, %eq3A_219 : vector<16xi32>
      %jit3A_221 = arith.constant -1 : i32
      %broadcast_in_dim3A_222 = vector.broadcast %jit3A_221 : i32 to vector<16xi32>
      %select_n3A_223 = arith.select %eq3A_220, %get3A_10, %broadcast_in_dim3A_222 : vector<16xi1>, vector<16xi32>
      %reduce_max3A_224 = arith.constant true
      %reduce_max3A_225 = vector.broadcast %reduce_max3A_224 : i1 to vector<16xi1>
      %reduce_max3A_226 = arith.constant -2147483648 : i32
      %reduce_max3A_227 = vector.broadcast %reduce_max3A_226 : i32 to vector<16xi32>
      %reduce_max3A_228 = arith.xori %select_n3A_223, %reduce_max3A_227 : vector<16xi32>
      %reduce_max3A_229 = tpu.scan <max>, %reduce_max3A_228 masked %reduce_max3A_225 : vector<16xi32>, vector<16xi1> -> vector<16xi32>
      %reduce_max3A_230 = arith.xori %reduce_max3A_229, %reduce_max3A_227 : vector<16xi32>
      %reduce_max3A_231 = vector.extract %reduce_max3A_230[15] : i32 from vector<16xi32>
      %shift_right_arithmetic3A_232 = arith.constant 3 : i32
      %shift_right_arithmetic3A_233 = arith.shrsi %reduce_max3A_231, %shift_right_arithmetic3A_232 : i32
      %and3A_234 = arith.constant 7 : i32
      %and3A_235 = arith.andi %reduce_max3A_231, %and3A_234 : i32
      %mul3A_236 = arith.constant 16 : i32
      %mul3A_237 = arith.muli %and3A_235, %mul3A_236 : i32
      %add3A_238 = vector.broadcast %mul3A_237 : i32 to vector<16xi32>
      %add3A_239 = arith.addi %add3A_238, %iota3A : vector<16xi32>
      %mul3A_240 = arith.constant 0 : i32
      %mul3A_241 = vector.broadcast %mul3A_240 : i32 to vector<16xi32>
      %mul3A_242 = arith.muli %iota3A, %mul3A_241 : vector<16xi32>
      %add3A_243 = vector.broadcast %scan3A_8 : i32 to vector<16xi32>
      %add3A_244 = arith.addi %mul3A_242, %add3A_243 : vector<16xi32>
      %mul3A_245 = arith.constant 0 : i32
      %mul3A_246 = vector.broadcast %mul3A_245 : i32 to vector<16xi32>
      %mul3A_247 = arith.muli %iota3A, %mul3A_246 : vector<16xi32>
      %add3A_248 = vector.broadcast %shift_right_arithmetic3A_233 : i32 to vector<16xi32>
      %add3A_249 = arith.addi %mul3A_247, %add3A_248 : vector<16xi32>
      %gather3A_250 = tpu.vector_load_idx %arg5[%add3A_244, %add3A_249, %add3A_239] : memref<32x16x128xf32, #tpu.memory_space<vmem>>[vector<16xi32>, vector<16xi32>, vector<16xi32>], vector<16xf32>,
      %swap3A_251 = arith.index_cast %scan3A_8 : i32 to index
      %swap3A_252 = arith.constant 96 : index
      %swap3A_253 = tpu.vector_load %arg7[%swap3A_251, %swap3A_252] {strides = array<i32>} : memref<32x256xf32, #tpu.memory_space<vmem>>, vector<16xf32>,
      tpu.vector_store %arg7[%swap3A_251, %swap3A_252], %gather3A_250 {strides = array<i32>} : memref<32x256xf32, #tpu.memory_space<vmem>>, vector<16xf32>,
      %eq3A_254 = arith.constant 7 : i32
      %eq3A_255 = vector.broadcast %eq3A_254 : i32 to vector<16xi32>
      %eq3A_256 = arith.cmpi eq, %iota3A, %eq3A_255 : vector<16xi32>
      %jit3A_257 = arith.constant -1 : i32
      %broadcast_in_dim3A_258 = vector.broadcast %jit3A_257 : i32 to vector<16xi32>
      %select_n3A_259 = arith.select %eq3A_256, %get3A_10, %broadcast_in_dim3A_258 : vector<16xi1>, vector<16xi32>
      %reduce_max3A_260 = arith.constant true
      %reduce_max3A_261 = vector.broadcast %reduce_max3A_260 : i1 to vector<16xi1>
      %reduce_max3A_262 = arith.constant -2147483648 : i32
      %reduce_max3A_263 = vector.broadcast %reduce_max3A_262 : i32 to vector<16xi32>
      %reduce_max3A_264 = arith.xori %select_n3A_259, %reduce_max3A_263 : vector<16xi32>
      %reduce_max3A_265 = tpu.scan <max>, %reduce_max3A_264 masked %reduce_max3A_261 : vector<16xi32>, vector<16xi1> -> vector<16xi32>
      %reduce_max3A_266 = arith.xori %reduce_max3A_265, %reduce_max3A_263 : vector<16xi32>
      %reduce_max3A_267 = vector.extract %reduce_max3A_266[15] : i32 from vector<16xi32>
      %shift_right_arithmetic3A_268 = arith.constant 3 : i32
      %shift_right_arithmetic3A_269 = arith.shrsi %reduce_max3A_267, %shift_right_arithmetic3A_268 : i32
      %and3A_270 = arith.constant 7 : i32
      %and3A_271 = arith.andi %reduce_max3A_267, %and3A_270 : i32
      %mul3A_272 = arith.constant 16 : i32
      %mul3A_273 = arith.muli %and3A_271, %mul3A_272 : i32
      %add3A_274 = vector.broadcast %mul3A_273 : i32 to vector<16xi32>
      %add3A_275 = arith.addi %add3A_274, %iota3A : vector<16xi32>
      %mul3A_276 = arith.constant 0 : i32
      %mul3A_277 = vector.broadcast %mul3A_276 : i32 to vector<16xi32>
      %mul3A_278 = arith.muli %iota3A, %mul3A_277 : vector<16xi32>
      %add3A_279 = vector.broadcast %scan3A_8 : i32 to vector<16xi32>
      %add3A_280 = arith.addi %mul3A_278, %add3A_279 : vector<16xi32>
      %mul3A_281 = arith.constant 0 : i32
      %mul3A_282 = vector.broadcast %mul3A_281 : i32 to vector<16xi32>
      %mul3A_283 = arith.muli %iota3A, %mul3A_282 : vector<16xi32>
      %add3A_284 = vector.broadcast %shift_right_arithmetic3A_269 : i32 to vector<16xi32>
      %add3A_285 = arith.addi %mul3A_283, %add3A_284 : vector<16xi32>
      %gather3A_286 = tpu.vector_load_idx %arg5[%add3A_280, %add3A_285, %add3A_275] : memref<32x16x128xf32, #tpu.memory_space<vmem>>[vector<16xi32>, vector<16xi32>, vector<16xi32>], vector<16xf32>,
      %swap3A_287 = arith.index_cast %scan3A_8 : i32 to index
      %swap3A_288 = arith.constant 112 : index
      %swap3A_289 = tpu.vector_load %arg7[%swap3A_287, %swap3A_288] {strides = array<i32>} : memref<32x256xf32, #tpu.memory_space<vmem>>, vector<16xf32>,
      tpu.vector_store %arg7[%swap3A_287, %swap3A_288], %gather3A_286 {strides = array<i32>} : memref<32x256xf32, #tpu.memory_space<vmem>>, vector<16xf32>,
      %eq3A_290 = arith.constant 8 : i32
      %eq3A_291 = vector.broadcast %eq3A_290 : i32 to vector<16xi32>
      %eq3A_292 = arith.cmpi eq, %iota3A, %eq3A_291 : vector<16xi32>
      %jit3A_293 = arith.constant -1 : i32
      %broadcast_in_dim3A_294 = vector.broadcast %jit3A_293 : i32 to vector<16xi32>
      %select_n3A_295 = arith.select %eq3A_292, %get3A_10, %broadcast_in_dim3A_294 : vector<16xi1>, vector<16xi32>
      %reduce_max3A_296 = arith.constant true
      %reduce_max3A_297 = vector.broadcast %reduce_max3A_296 : i1 to vector<16xi1>
      %reduce_max3A_298 = arith.constant -2147483648 : i32
      %reduce_max3A_299 = vector.broadcast %reduce_max3A_298 : i32 to vector<16xi32>
      %reduce_max3A_300 = arith.xori %select_n3A_295, %reduce_max3A_299 : vector<16xi32>
      %reduce_max3A_301 = tpu.scan <max>, %reduce_max3A_300 masked %reduce_max3A_297 : vector<16xi32>, vector<16xi1> -> vector<16xi32>
      %reduce_max3A_302 = arith.xori %reduce_max3A_301, %reduce_max3A_299 : vector<16xi32>
      %reduce_max3A_303 = vector.extract %reduce_max3A_302[15] : i32 from vector<16xi32>
      %shift_right_arithmetic3A_304 = arith.constant 3 : i32
      %shift_right_arithmetic3A_305 = arith.shrsi %reduce_max3A_303, %shift_right_arithmetic3A_304 : i32
      %and3A_306 = arith.constant 7 : i32
      %and3A_307 = arith.andi %reduce_max3A_303, %and3A_306 : i32
      %mul3A_308 = arith.constant 16 : i32
      %mul3A_309 = arith.muli %and3A_307, %mul3A_308 : i32
      %add3A_310 = vector.broadcast %mul3A_309 : i32 to vector<16xi32>
      %add3A_311 = arith.addi %add3A_310, %iota3A : vector<16xi32>
      %mul3A_312 = arith.constant 0 : i32
      %mul3A_313 = vector.broadcast %mul3A_312 : i32 to vector<16xi32>
      %mul3A_314 = arith.muli %iota3A, %mul3A_313 : vector<16xi32>
      %add3A_315 = vector.broadcast %scan3A_8 : i32 to vector<16xi32>
      %add3A_316 = arith.addi %mul3A_314, %add3A_315 : vector<16xi32>
      %mul3A_317 = arith.constant 0 : i32
      %mul3A_318 = vector.broadcast %mul3A_317 : i32 to vector<16xi32>
      %mul3A_319 = arith.muli %iota3A, %mul3A_318 : vector<16xi32>
      %add3A_320 = vector.broadcast %shift_right_arithmetic3A_305 : i32 to vector<16xi32>
      %add3A_321 = arith.addi %mul3A_319, %add3A_320 : vector<16xi32>
      %gather3A_322 = tpu.vector_load_idx %arg5[%add3A_316, %add3A_321, %add3A_311] : memref<32x16x128xf32, #tpu.memory_space<vmem>>[vector<16xi32>, vector<16xi32>, vector<16xi32>], vector<16xf32>,
      %swap3A_323 = arith.index_cast %scan3A_8 : i32 to index
      %swap3A_324 = arith.constant 128 : index
      %swap3A_325 = tpu.vector_load %arg7[%swap3A_323, %swap3A_324] {strides = array<i32>} : memref<32x256xf32, #tpu.memory_space<vmem>>, vector<16xf32>,
      tpu.vector_store %arg7[%swap3A_323, %swap3A_324], %gather3A_322 {strides = array<i32>} : memref<32x256xf32, #tpu.memory_space<vmem>>, vector<16xf32>,
      %eq3A_326 = arith.constant 9 : i32
      %eq3A_327 = vector.broadcast %eq3A_326 : i32 to vector<16xi32>
      %eq3A_328 = arith.cmpi eq, %iota3A, %eq3A_327 : vector<16xi32>
      %jit3A_329 = arith.constant -1 : i32
      %broadcast_in_dim3A_330 = vector.broadcast %jit3A_329 : i32 to vector<16xi32>
      %select_n3A_331 = arith.select %eq3A_328, %get3A_10, %broadcast_in_dim3A_330 : vector<16xi1>, vector<16xi32>
      %reduce_max3A_332 = arith.constant true
      %reduce_max3A_333 = vector.broadcast %reduce_max3A_332 : i1 to vector<16xi1>
      %reduce_max3A_334 = arith.constant -2147483648 : i32
      %reduce_max3A_335 = vector.broadcast %reduce_max3A_334 : i32 to vector<16xi32>
      %reduce_max3A_336 = arith.xori %select_n3A_331, %reduce_max3A_335 : vector<16xi32>
      %reduce_max3A_337 = tpu.scan <max>, %reduce_max3A_336 masked %reduce_max3A_333 : vector<16xi32>, vector<16xi1> -> vector<16xi32>
      %reduce_max3A_338 = arith.xori %reduce_max3A_337, %reduce_max3A_335 : vector<16xi32>
      %reduce_max3A_339 = vector.extract %reduce_max3A_338[15] : i32 from vector<16xi32>
      %shift_right_arithmetic3A_340 = arith.constant 3 : i32
      %shift_right_arithmetic3A_341 = arith.shrsi %reduce_max3A_339, %shift_right_arithmetic3A_340 : i32
      %and3A_342 = arith.constant 7 : i32
      %and3A_343 = arith.andi %reduce_max3A_339, %and3A_342 : i32
      %mul3A_344 = arith.constant 16 : i32
      %mul3A_345 = arith.muli %and3A_343, %mul3A_344 : i32
      %add3A_346 = vector.broadcast %mul3A_345 : i32 to vector<16xi32>
      %add3A_347 = arith.addi %add3A_346, %iota3A : vector<16xi32>
      %mul3A_348 = arith.constant 0 : i32
      %mul3A_349 = vector.broadcast %mul3A_348 : i32 to vector<16xi32>
      %mul3A_350 = arith.muli %iota3A, %mul3A_349 : vector<16xi32>
      %add3A_351 = vector.broadcast %scan3A_8 : i32 to vector<16xi32>
      %add3A_352 = arith.addi %mul3A_350, %add3A_351 : vector<16xi32>
      %mul3A_353 = arith.constant 0 : i32
      %mul3A_354 = vector.broadcast %mul3A_353 : i32 to vector<16xi32>
      %mul3A_355 = arith.muli %iota3A, %mul3A_354 : vector<16xi32>
      %add3A_356 = vector.broadcast %shift_right_arithmetic3A_341 : i32 to vector<16xi32>
      %add3A_357 = arith.addi %mul3A_355, %add3A_356 : vector<16xi32>
      %gather3A_358 = tpu.vector_load_idx %arg5[%add3A_352, %add3A_357, %add3A_347] : memref<32x16x128xf32, #tpu.memory_space<vmem>>[vector<16xi32>, vector<16xi32>, vector<16xi32>], vector<16xf32>,
      %swap3A_359 = arith.index_cast %scan3A_8 : i32 to index
      %swap3A_360 = arith.constant 144 : index
      %swap3A_361 = tpu.vector_load %arg7[%swap3A_359, %swap3A_360] {strides = array<i32>} : memref<32x256xf32, #tpu.memory_space<vmem>>, vector<16xf32>,
      tpu.vector_store %arg7[%swap3A_359, %swap3A_360], %gather3A_358 {strides = array<i32>} : memref<32x256xf32, #tpu.memory_space<vmem>>, vector<16xf32>,
      %eq3A_362 = arith.constant 10 : i32
      %eq3A_363 = vector.broadcast %eq3A_362 : i32 to vector<16xi32>
      %eq3A_364 = arith.cmpi eq, %iota3A, %eq3A_363 : vector<16xi32>
      %jit3A_365 = arith.constant -1 : i32
      %broadcast_in_dim3A_366 = vector.broadcast %jit3A_365 : i32 to vector<16xi32>
      %select_n3A_367 = arith.select %eq3A_364, %get3A_10, %broadcast_in_dim3A_366 : vector<16xi1>, vector<16xi32>
      %reduce_max3A_368 = arith.constant true
      %reduce_max3A_369 = vector.broadcast %reduce_max3A_368 : i1 to vector<16xi1>
      %reduce_max3A_370 = arith.constant -2147483648 : i32
      %reduce_max3A_371 = vector.broadcast %reduce_max3A_370 : i32 to vector<16xi32>
      %reduce_max3A_372 = arith.xori %select_n3A_367, %reduce_max3A_371 : vector<16xi32>
      %reduce_max3A_373 = tpu.scan <max>, %reduce_max3A_372 masked %reduce_max3A_369 : vector<16xi32>, vector<16xi1> -> vector<16xi32>
      %reduce_max3A_374 = arith.xori %reduce_max3A_373, %reduce_max3A_371 : vector<16xi32>
      %reduce_max3A_375 = vector.extract %reduce_max3A_374[15] : i32 from vector<16xi32>
      %shift_right_arithmetic3A_376 = arith.constant 3 : i32
      %shift_right_arithmetic3A_377 = arith.shrsi %reduce_max3A_375, %shift_right_arithmetic3A_376 : i32
      %and3A_378 = arith.constant 7 : i32
      %and3A_379 = arith.andi %reduce_max3A_375, %and3A_378 : i32
      %mul3A_380 = arith.constant 16 : i32
      %mul3A_381 = arith.muli %and3A_379, %mul3A_380 : i32
      %add3A_382 = vector.broadcast %mul3A_381 : i32 to vector<16xi32>
      %add3A_383 = arith.addi %add3A_382, %iota3A : vector<16xi32>
      %mul3A_384 = arith.constant 0 : i32
      %mul3A_385 = vector.broadcast %mul3A_384 : i32 to vector<16xi32>
      %mul3A_386 = arith.muli %iota3A, %mul3A_385 : vector<16xi32>
      %add3A_387 = vector.broadcast %scan3A_8 : i32 to vector<16xi32>
      %add3A_388 = arith.addi %mul3A_386, %add3A_387 : vector<16xi32>
      %mul3A_389 = arith.constant 0 : i32
      %mul3A_390 = vector.broadcast %mul3A_389 : i32 to vector<16xi32>
      %mul3A_391 = arith.muli %iota3A, %mul3A_390 : vector<16xi32>
      %add3A_392 = vector.broadcast %shift_right_arithmetic3A_377 : i32 to vector<16xi32>
      %add3A_393 = arith.addi %mul3A_391, %add3A_392 : vector<16xi32>
      %gather3A_394 = tpu.vector_load_idx %arg5[%add3A_388, %add3A_393, %add3A_383] : memref<32x16x128xf32, #tpu.memory_space<vmem>>[vector<16xi32>, vector<16xi32>, vector<16xi32>], vector<16xf32>,
      %swap3A_395 = arith.index_cast %scan3A_8 : i32 to index
      %swap3A_396 = arith.constant 160 : index
      %swap3A_397 = tpu.vector_load %arg7[%swap3A_395, %swap3A_396] {strides = array<i32>} : memref<32x256xf32, #tpu.memory_space<vmem>>, vector<16xf32>,
      tpu.vector_store %arg7[%swap3A_395, %swap3A_396], %gather3A_394 {strides = array<i32>} : memref<32x256xf32, #tpu.memory_space<vmem>>, vector<16xf32>,
      %eq3A_398 = arith.constant 11 : i32
      %eq3A_399 = vector.broadcast %eq3A_398 : i32 to vector<16xi32>
      %eq3A_400 = arith.cmpi eq, %iota3A, %eq3A_399 : vector<16xi32>
      %jit3A_401 = arith.constant -1 : i32
      %broadcast_in_dim3A_402 = vector.broadcast %jit3A_401 : i32 to vector<16xi32>
      %select_n3A_403 = arith.select %eq3A_400, %get3A_10, %broadcast_in_dim3A_402 : vector<16xi1>, vector<16xi32>
      %reduce_max3A_404 = arith.constant true
      %reduce_max3A_405 = vector.broadcast %reduce_max3A_404 : i1 to vector<16xi1>
      %reduce_max3A_406 = arith.constant -2147483648 : i32
      %reduce_max3A_407 = vector.broadcast %reduce_max3A_406 : i32 to vector<16xi32>
      %reduce_max3A_408 = arith.xori %select_n3A_403, %reduce_max3A_407 : vector<16xi32>
      %reduce_max3A_409 = tpu.scan <max>, %reduce_max3A_408 masked %reduce_max3A_405 : vector<16xi32>, vector<16xi1> -> vector<16xi32>
      %reduce_max3A_410 = arith.xori %reduce_max3A_409, %reduce_max3A_407 : vector<16xi32>
      %reduce_max3A_411 = vector.extract %reduce_max3A_410[15] : i32 from vector<16xi32>
      %shift_right_arithmetic3A_412 = arith.constant 3 : i32
      %shift_right_arithmetic3A_413 = arith.shrsi %reduce_max3A_411, %shift_right_arithmetic3A_412 : i32
      %and3A_414 = arith.constant 7 : i32
      %and3A_415 = arith.andi %reduce_max3A_411, %and3A_414 : i32
      %mul3A_416 = arith.constant 16 : i32
      %mul3A_417 = arith.muli %and3A_415, %mul3A_416 : i32
      %add3A_418 = vector.broadcast %mul3A_417 : i32 to vector<16xi32>
      %add3A_419 = arith.addi %add3A_418, %iota3A : vector<16xi32>
      %mul3A_420 = arith.constant 0 : i32
      %mul3A_421 = vector.broadcast %mul3A_420 : i32 to vector<16xi32>
      %mul3A_422 = arith.muli %iota3A, %mul3A_421 : vector<16xi32>
      %add3A_423 = vector.broadcast %scan3A_8 : i32 to vector<16xi32>
      %add3A_424 = arith.addi %mul3A_422, %add3A_423 : vector<16xi32>
      %mul3A_425 = arith.constant 0 : i32
      %mul3A_426 = vector.broadcast %mul3A_425 : i32 to vector<16xi32>
      %mul3A_427 = arith.muli %iota3A, %mul3A_426 : vector<16xi32>
      %add3A_428 = vector.broadcast %shift_right_arithmetic3A_413 : i32 to vector<16xi32>
      %add3A_429 = arith.addi %mul3A_427, %add3A_428 : vector<16xi32>
      %gather3A_430 = tpu.vector_load_idx %arg5[%add3A_424, %add3A_429, %add3A_419] : memref<32x16x128xf32, #tpu.memory_space<vmem>>[vector<16xi32>, vector<16xi32>, vector<16xi32>], vector<16xf32>,
      %swap3A_431 = arith.index_cast %scan3A_8 : i32 to index
      %swap3A_432 = arith.constant 176 : index
      %swap3A_433 = tpu.vector_load %arg7[%swap3A_431, %swap3A_432] {strides = array<i32>} : memref<32x256xf32, #tpu.memory_space<vmem>>, vector<16xf32>,
      tpu.vector_store %arg7[%swap3A_431, %swap3A_432], %gather3A_430 {strides = array<i32>} : memref<32x256xf32, #tpu.memory_space<vmem>>, vector<16xf32>,
      %eq3A_434 = arith.constant 12 : i32
      %eq3A_435 = vector.broadcast %eq3A_434 : i32 to vector<16xi32>
      %eq3A_436 = arith.cmpi eq, %iota3A, %eq3A_435 : vector<16xi32>
      %jit3A_437 = arith.constant -1 : i32
      %broadcast_in_dim3A_438 = vector.broadcast %jit3A_437 : i32 to vector<16xi32>
      %select_n3A_439 = arith.select %eq3A_436, %get3A_10, %broadcast_in_dim3A_438 : vector<16xi1>, vector<16xi32>
      %reduce_max3A_440 = arith.constant true
      %reduce_max3A_441 = vector.broadcast %reduce_max3A_440 : i1 to vector<16xi1>
      %reduce_max3A_442 = arith.constant -2147483648 : i32
      %reduce_max3A_443 = vector.broadcast %reduce_max3A_442 : i32 to vector<16xi32>
      %reduce_max3A_444 = arith.xori %select_n3A_439, %reduce_max3A_443 : vector<16xi32>
      %reduce_max3A_445 = tpu.scan <max>, %reduce_max3A_444 masked %reduce_max3A_441 : vector<16xi32>, vector<16xi1> -> vector<16xi32>
      %reduce_max3A_446 = arith.xori %reduce_max3A_445, %reduce_max3A_443 : vector<16xi32>
      %reduce_max3A_447 = vector.extract %reduce_max3A_446[15] : i32 from vector<16xi32>
      %shift_right_arithmetic3A_448 = arith.constant 3 : i32
      %shift_right_arithmetic3A_449 = arith.shrsi %reduce_max3A_447, %shift_right_arithmetic3A_448 : i32
      %and3A_450 = arith.constant 7 : i32
      %and3A_451 = arith.andi %reduce_max3A_447, %and3A_450 : i32
      %mul3A_452 = arith.constant 16 : i32
      %mul3A_453 = arith.muli %and3A_451, %mul3A_452 : i32
      %add3A_454 = vector.broadcast %mul3A_453 : i32 to vector<16xi32>
      %add3A_455 = arith.addi %add3A_454, %iota3A : vector<16xi32>
      %mul3A_456 = arith.constant 0 : i32
      %mul3A_457 = vector.broadcast %mul3A_456 : i32 to vector<16xi32>
      %mul3A_458 = arith.muli %iota3A, %mul3A_457 : vector<16xi32>
      %add3A_459 = vector.broadcast %scan3A_8 : i32 to vector<16xi32>
      %add3A_460 = arith.addi %mul3A_458, %add3A_459 : vector<16xi32>
      %mul3A_461 = arith.constant 0 : i32
      %mul3A_462 = vector.broadcast %mul3A_461 : i32 to vector<16xi32>
      %mul3A_463 = arith.muli %iota3A, %mul3A_462 : vector<16xi32>
      %add3A_464 = vector.broadcast %shift_right_arithmetic3A_449 : i32 to vector<16xi32>
      %add3A_465 = arith.addi %mul3A_463, %add3A_464 : vector<16xi32>
      %gather3A_466 = tpu.vector_load_idx %arg5[%add3A_460, %add3A_465, %add3A_455] : memref<32x16x128xf32, #tpu.memory_space<vmem>>[vector<16xi32>, vector<16xi32>, vector<16xi32>], vector<16xf32>,
      %swap3A_467 = arith.index_cast %scan3A_8 : i32 to index
      %swap3A_468 = arith.constant 192 : index
      %swap3A_469 = tpu.vector_load %arg7[%swap3A_467, %swap3A_468] {strides = array<i32>} : memref<32x256xf32, #tpu.memory_space<vmem>>, vector<16xf32>,
      tpu.vector_store %arg7[%swap3A_467, %swap3A_468], %gather3A_466 {strides = array<i32>} : memref<32x256xf32, #tpu.memory_space<vmem>>, vector<16xf32>,
      %eq3A_470 = arith.constant 13 : i32
      %eq3A_471 = vector.broadcast %eq3A_470 : i32 to vector<16xi32>
      %eq3A_472 = arith.cmpi eq, %iota3A, %eq3A_471 : vector<16xi32>
      %jit3A_473 = arith.constant -1 : i32
      %broadcast_in_dim3A_474 = vector.broadcast %jit3A_473 : i32 to vector<16xi32>
      %select_n3A_475 = arith.select %eq3A_472, %get3A_10, %broadcast_in_dim3A_474 : vector<16xi1>, vector<16xi32>
      %reduce_max3A_476 = arith.constant true
      %reduce_max3A_477 = vector.broadcast %reduce_max3A_476 : i1 to vector<16xi1>
      %reduce_max3A_478 = arith.constant -2147483648 : i32
      %reduce_max3A_479 = vector.broadcast %reduce_max3A_478 : i32 to vector<16xi32>
      %reduce_max3A_480 = arith.xori %select_n3A_475, %reduce_max3A_479 : vector<16xi32>
      %reduce_max3A_481 = tpu.scan <max>, %reduce_max3A_480 masked %reduce_max3A_477 : vector<16xi32>, vector<16xi1> -> vector<16xi32>
      %reduce_max3A_482 = arith.xori %reduce_max3A_481, %reduce_max3A_479 : vector<16xi32>
      %reduce_max3A_483 = vector.extract %reduce_max3A_482[15] : i32 from vector<16xi32>
      %shift_right_arithmetic3A_484 = arith.constant 3 : i32
      %shift_right_arithmetic3A_485 = arith.shrsi %reduce_max3A_483, %shift_right_arithmetic3A_484 : i32
      %and3A_486 = arith.constant 7 : i32
      %and3A_487 = arith.andi %reduce_max3A_483, %and3A_486 : i32
      %mul3A_488 = arith.constant 16 : i32
      %mul3A_489 = arith.muli %and3A_487, %mul3A_488 : i32
      %add3A_490 = vector.broadcast %mul3A_489 : i32 to vector<16xi32>
      %add3A_491 = arith.addi %add3A_490, %iota3A : vector<16xi32>
      %mul3A_492 = arith.constant 0 : i32
      %mul3A_493 = vector.broadcast %mul3A_492 : i32 to vector<16xi32>
      %mul3A_494 = arith.muli %iota3A, %mul3A_493 : vector<16xi32>
      %add3A_495 = vector.broadcast %scan3A_8 : i32 to vector<16xi32>
      %add3A_496 = arith.addi %mul3A_494, %add3A_495 : vector<16xi32>
      %mul3A_497 = arith.constant 0 : i32
      %mul3A_498 = vector.broadcast %mul3A_497 : i32 to vector<16xi32>
      %mul3A_499 = arith.muli %iota3A, %mul3A_498 : vector<16xi32>
      %add3A_500 = vector.broadcast %shift_right_arithmetic3A_485 : i32 to vector<16xi32>
      %add3A_501 = arith.addi %mul3A_499, %add3A_500 : vector<16xi32>
      %gather3A_502 = tpu.vector_load_idx %arg5[%add3A_496, %add3A_501, %add3A_491] : memref<32x16x128xf32, #tpu.memory_space<vmem>>[vector<16xi32>, vector<16xi32>, vector<16xi32>], vector<16xf32>,
      %swap3A_503 = arith.index_cast %scan3A_8 : i32 to index
      %swap3A_504 = arith.constant 208 : index
      %swap3A_505 = tpu.vector_load %arg7[%swap3A_503, %swap3A_504] {strides = array<i32>} : memref<32x256xf32, #tpu.memory_space<vmem>>, vector<16xf32>,
      tpu.vector_store %arg7[%swap3A_503, %swap3A_504], %gather3A_502 {strides = array<i32>} : memref<32x256xf32, #tpu.memory_space<vmem>>, vector<16xf32>,
      %eq3A_506 = arith.constant 14 : i32
      %eq3A_507 = vector.broadcast %eq3A_506 : i32 to vector<16xi32>
      %eq3A_508 = arith.cmpi eq, %iota3A, %eq3A_507 : vector<16xi32>
      %jit3A_509 = arith.constant -1 : i32
      %broadcast_in_dim3A_510 = vector.broadcast %jit3A_509 : i32 to vector<16xi32>
      %select_n3A_511 = arith.select %eq3A_508, %get3A_10, %broadcast_in_dim3A_510 : vector<16xi1>, vector<16xi32>
      %reduce_max3A_512 = arith.constant true
      %reduce_max3A_513 = vector.broadcast %reduce_max3A_512 : i1 to vector<16xi1>
      %reduce_max3A_514 = arith.constant -2147483648 : i32
      %reduce_max3A_515 = vector.broadcast %reduce_max3A_514 : i32 to vector<16xi32>
      %reduce_max3A_516 = arith.xori %select_n3A_511, %reduce_max3A_515 : vector<16xi32>
      %reduce_max3A_517 = tpu.scan <max>, %reduce_max3A_516 masked %reduce_max3A_513 : vector<16xi32>, vector<16xi1> -> vector<16xi32>
      %reduce_max3A_518 = arith.xori %reduce_max3A_517, %reduce_max3A_515 : vector<16xi32>
      %reduce_max3A_519 = vector.extract %reduce_max3A_518[15] : i32 from vector<16xi32>
      %shift_right_arithmetic3A_520 = arith.constant 3 : i32
      %shift_right_arithmetic3A_521 = arith.shrsi %reduce_max3A_519, %shift_right_arithmetic3A_520 : i32
      %and3A_522 = arith.constant 7 : i32
      %and3A_523 = arith.andi %reduce_max3A_519, %and3A_522 : i32
      %mul3A_524 = arith.constant 16 : i32
      %mul3A_525 = arith.muli %and3A_523, %mul3A_524 : i32
      %add3A_526 = vector.broadcast %mul3A_525 : i32 to vector<16xi32>
      %add3A_527 = arith.addi %add3A_526, %iota3A : vector<16xi32>
      %mul3A_528 = arith.constant 0 : i32
      %mul3A_529 = vector.broadcast %mul3A_528 : i32 to vector<16xi32>
      %mul3A_530 = arith.muli %iota3A, %mul3A_529 : vector<16xi32>
      %add3A_531 = vector.broadcast %scan3A_8 : i32 to vector<16xi32>
      %add3A_532 = arith.addi %mul3A_530, %add3A_531 : vector<16xi32>
      %mul3A_533 = arith.constant 0 : i32
      %mul3A_534 = vector.broadcast %mul3A_533 : i32 to vector<16xi32>
      %mul3A_535 = arith.muli %iota3A, %mul3A_534 : vector<16xi32>
      %add3A_536 = vector.broadcast %shift_right_arithmetic3A_521 : i32 to vector<16xi32>
      %add3A_537 = arith.addi %mul3A_535, %add3A_536 : vector<16xi32>
      %gather3A_538 = tpu.vector_load_idx %arg5[%add3A_532, %add3A_537, %add3A_527] : memref<32x16x128xf32, #tpu.memory_space<vmem>>[vector<16xi32>, vector<16xi32>, vector<16xi32>], vector<16xf32>,
      %swap3A_539 = arith.index_cast %scan3A_8 : i32 to index
      %swap3A_540 = arith.constant 224 : index
      %swap3A_541 = tpu.vector_load %arg7[%swap3A_539, %swap3A_540] {strides = array<i32>} : memref<32x256xf32, #tpu.memory_space<vmem>>, vector<16xf32>,
      tpu.vector_store %arg7[%swap3A_539, %swap3A_540], %gather3A_538 {strides = array<i32>} : memref<32x256xf32, #tpu.memory_space<vmem>>, vector<16xf32>,
      %eq3A_542 = arith.constant 15 : i32
      %eq3A_543 = vector.broadcast %eq3A_542 : i32 to vector<16xi32>
      %eq3A_544 = arith.cmpi eq, %iota3A, %eq3A_543 : vector<16xi32>
      %jit3A_545 = arith.constant -1 : i32
      %broadcast_in_dim3A_546 = vector.broadcast %jit3A_545 : i32 to vector<16xi32>
      %select_n3A_547 = arith.select %eq3A_544, %get3A_10, %broadcast_in_dim3A_546 : vector<16xi1>, vector<16xi32>
      %reduce_max3A_548 = arith.constant true
      %reduce_max3A_549 = vector.broadcast %reduce_max3A_548 : i1 to vector<16xi1>
      %reduce_max3A_550 = arith.constant -2147483648 : i32
      %reduce_max3A_551 = vector.broadcast %reduce_max3A_550 : i32 to vector<16xi32>
      %reduce_max3A_552 = arith.xori %select_n3A_547, %reduce_max3A_551 : vector<16xi32>
      %reduce_max3A_553 = tpu.scan <max>, %reduce_max3A_552 masked %reduce_max3A_549 : vector<16xi32>, vector<16xi1> -> vector<16xi32>
      %reduce_max3A_554 = arith.xori %reduce_max3A_553, %reduce_max3A_551 : vector<16xi32>
      %reduce_max3A_555 = vector.extract %reduce_max3A_554[15] : i32 from vector<16xi32>
      %shift_right_arithmetic3A_556 = arith.constant 3 : i32
      %shift_right_arithmetic3A_557 = arith.shrsi %reduce_max3A_555, %shift_right_arithmetic3A_556 : i32
      %and3A_558 = arith.constant 7 : i32
      %and3A_559 = arith.andi %reduce_max3A_555, %and3A_558 : i32
      %mul3A_560 = arith.constant 16 : i32
      %mul3A_561 = arith.muli %and3A_559, %mul3A_560 : i32
      %add3A_562 = vector.broadcast %mul3A_561 : i32 to vector<16xi32>
      %add3A_563 = arith.addi %add3A_562, %iota3A : vector<16xi32>
      %mul3A_564 = arith.constant 0 : i32
      %mul3A_565 = vector.broadcast %mul3A_564 : i32 to vector<16xi32>
      %mul3A_566 = arith.muli %iota3A, %mul3A_565 : vector<16xi32>
      %add3A_567 = vector.broadcast %scan3A_8 : i32 to vector<16xi32>
      %add3A_568 = arith.addi %mul3A_566, %add3A_567 : vector<16xi32>
      %mul3A_569 = arith.constant 0 : i32
      %mul3A_570 = vector.broadcast %mul3A_569 : i32 to vector<16xi32>
      %mul3A_571 = arith.muli %iota3A, %mul3A_570 : vector<16xi32>
      %add3A_572 = vector.broadcast %shift_right_arithmetic3A_557 : i32 to vector<16xi32>
      %add3A_573 = arith.addi %mul3A_571, %add3A_572 : vector<16xi32>
      %gather3A_574 = tpu.vector_load_idx %arg5[%add3A_568, %add3A_573, %add3A_563] : memref<32x16x128xf32, #tpu.memory_space<vmem>>[vector<16xi32>, vector<16xi32>, vector<16xi32>], vector<16xf32>,
      %swap3A_575 = arith.index_cast %scan3A_8 : i32 to index
      %swap3A_576 = arith.constant 240 : index
      %swap3A_577 = tpu.vector_load %arg7[%swap3A_575, %swap3A_576] {strides = array<i32>} : memref<32x256xf32, #tpu.memory_space<vmem>>, vector<16xf32>,
      tpu.vector_store %arg7[%swap3A_575, %swap3A_576], %gather3A_574 {strides = array<i32>} : memref<32x256xf32, #tpu.memory_space<vmem>>, vector<16xf32>,
    }
    %scan3A_7 = arith.constant 32 : i32
    "tpu.region"() ({
      %run_scoped3A = tpu.sem_alloc : memref<!tpu.dma_semaphore, #tpu.memory_space<semaphore_mem>>
      %dma_start3A = arith.constant 0 : i32
      %dma_start3A_8 = tpu.memref_slice %arg4[%mul3A_2, %dma_start3A] : memref<1024x256xf32, #tpu.memory_space<hbm>> -> memref<32x256xf32, #tpu.memory_space<hbm>>
      %dma_start3A_9 = arith.constant 0 : i32
      %dma_start3A_10 = tpu.memref_slice %arg4[%mul3A_2, %dma_start3A_9] : memref<1024x256xf32, #tpu.memory_space<hbm>> -> memref<32x256xf32, #tpu.memory_space<hbm>>
      tpu.enqueue_dma source(%arg7 : memref<32x256xf32, #tpu.memory_space<vmem>>) target(%dma_start3A_10 : memref<32x256xf32, #tpu.memory_space<hbm>>) target_semaphore(%run_scoped3A : memref<!tpu.dma_semaphore, #tpu.memory_space<semaphore_mem>>)
      %dma_wait3A = arith.constant 0 : i32
      %dma_wait3A_11 = tpu.memref_slice %arg4[%mul3A_2, %dma_wait3A] : memref<1024x256xf32, #tpu.memory_space<hbm>> -> memref<32x256xf32, #tpu.memory_space<hbm>>
      %dma_wait3A_12 = arith.constant 0 : i32
      %dma_wait3A_13 = tpu.memref_slice %arg4[%mul3A_2, %dma_wait3A_12] : memref<1024x256xf32, #tpu.memory_space<hbm>> -> memref<32x256xf32, #tpu.memory_space<hbm>>
      tpu.wait_dma2 semaphore(%run_scoped3A : memref<!tpu.dma_semaphore, #tpu.memory_space<semaphore_mem>>) src(%arg7 : memref<32x256xf32, #tpu.memory_space<vmem>>) dst(%dma_wait3A_13 : memref<32x256xf32, #tpu.memory_space<hbm>>)
      tpu.yield
    }) : () -> ()
    return
  }
}

module attributes {stable_mosaic.version = 14 : i64} {
  func.func @_score_groupmax_body(%arg0: i32, %arg1: memref<1024x128xf32, #tpu.memory_space<vmem>>, %arg2: memref<2048x128xf32, #tpu.memory_space<vmem>>, %arg3: memref<1024x16x128xf32, #tpu.memory_space<vmem>>, %arg4: memref<1x1024x16xf32, #tpu.memory_space<vmem>>) attributes {dimension_semantics = [#tpu.dimension_semantics<arbitrary>], iteration_bounds = array<i64: 49>, scalar_prefetch = 0 : i64, scratch_operands = 0 : i64, tpu.core_type = #tpu.core_type<tc>, window_params = [{pipeline_mode = #tpu.pipeline_mode<synchronous>, transform_indices = @transform_0, window_bounds = array<i64: 1024, 128>}, {transform_indices = @transform_1, window_bounds = array<i64: 2048, 128>}, {transform_indices = @transform_2, window_bounds = array<i64: 1024, 16, 128>}, {transform_indices = @transform_3, window_bounds = array<i64: 1, 1024, 16>}]} {
    %get3A = arith.constant 0 : index
    %get3A_0 = arith.constant 0 : index
    %get3A_1 = vector.load %arg2[%get3A, %get3A_0] : memref<2048x128xf32, #tpu.memory_space<vmem>>, vector<2048x128xf32>
    %mul3A = arith.mulf %get3A_1, %get3A_1 : vector<2048x128xf32>
    %reduce_sum3A = arith.constant dense<0.000000e+00> : vector<2048xf32>
    %reduce_sum3A_2 = vector.multi_reduction <add>, %mul3A, %reduce_sum3A [1] : vector<2048x128xf32> to vector<2048xf32>
    %get3A_3 = arith.constant 0 : index
    %get3A_4 = arith.constant 0 : index
    %get3A_5 = vector.load %arg1[%get3A_3, %get3A_4] : memref<1024x128xf32, #tpu.memory_space<vmem>>, vector<1024x128xf32>
    %dot_general3A = arith.constant dense<0.000000e+00> : vector<1024x2048xf32>
    %dot_general3A_6 = tpu.matmul %get3A_5, %get3A_1, %dot_general3A {dimension_numbers = #tpu.dot_dimension_numbers<[1], [1], [0], [0], [0, 0, 1, 0], [], []>, transpose_lhs_hint = false} : vector<1024x128xf32>, vector<2048x128xf32>, vector<1024x2048xf32> -> vector<1024x2048xf32>
    %mul3A_7 = arith.constant 2.000000e+00 : f32
    %mul3A_8 = vector.broadcast %mul3A_7 : f32 to vector<1024x2048xf32>
    %mul3A_9 = arith.mulf %mul3A_8, %dot_general3A_6 : vector<1024x2048xf32>
    %broadcast_in_dim3A = vector.shape_cast %reduce_sum3A_2 : vector<2048xf32> to vector<1x2048xf32>
    %sub3A = vector.broadcast %broadcast_in_dim3A : vector<1x2048xf32> to vector<1024x2048xf32>
    %sub3A_10 = arith.subf %mul3A_9, %sub3A : vector<1024x2048xf32>
    %lt3A = arith.constant 48 : i32
    %lt3A_11 = arith.cmpi slt, %arg0, %lt3A : i32
    %convert_element_type3A = arith.extui %lt3A_11 : i1 to i32
    %cond3A = arith.constant 0 : i32
    %cond3A_12 = arith.cmpi ne, %convert_element_type3A, %cond3A : i32
    scf.if %cond3A_12 {
      %reshape3A = vector.shape_cast %sub3A_10 : vector<1024x2048xf32> to vector<1024x16x128xf32>
      %swap3A = arith.constant 0 : index
      %swap3A_17 = arith.constant 0 : index
      %swap3A_18 = arith.constant 0 : index
      %swap3A_19 = vector.load %arg3[%swap3A, %swap3A_17, %swap3A_18] : memref<1024x16x128xf32, #tpu.memory_space<vmem>>, vector<1024x16x128xf32>
      tpu.vector_store %arg3[%swap3A, %swap3A_17, %swap3A_18], %reshape3A {strides = array<i32>} : memref<1024x16x128xf32, #tpu.memory_space<vmem>>, vector<1024x16x128xf32>,
      %reduce_max3A = arith.constant dense<0xFF800000> : vector<1024x16xf32>
      %reduce_max3A_20 = vector.multi_reduction <maximumf>, %reshape3A, %reduce_max3A [2] : vector<1024x16x128xf32> to vector<1024x16xf32>
      %swap3A_21 = arith.constant 0 : index
      %swap3A_22 = arith.constant 0 : index
      %swap3A_23 = arith.constant 0 : index
      %swap3A_24 = vector.load %arg4[%swap3A_21, %swap3A_22, %swap3A_23] : memref<1x1024x16xf32, #tpu.memory_space<vmem>>, vector<1x1024x16xf32>
      %swap3A_25 = vector.shape_cast %swap3A_24 : vector<1x1024x16xf32> to vector<1024x16xf32>
      %swap3A_26 = vector.shape_cast %reduce_max3A_20 : vector<1024x16xf32> to vector<1x1024x16xf32>
      tpu.vector_store %arg4[%swap3A_21, %swap3A_22, %swap3A_23], %swap3A_26 {strides = array<i32>} : memref<1x1024x16xf32, #tpu.memory_space<vmem>>, vector<1x1024x16xf32>,
    } else {
    }
    %eq3A = arith.constant 48 : i32
    %eq3A_13 = arith.cmpi eq, %arg0, %eq3A : i32
    %convert_element_type3A_14 = arith.extui %eq3A_13 : i1 to i32
    %cond3A_15 = arith.constant 0 : i32
    %cond3A_16 = arith.cmpi ne, %convert_element_type3A_14, %cond3A_15 : i32
    scf.if %cond3A_16 {
      %iota3A = tpu.iota {dimensions = array<i32: 1>} : vector<1024x2048xi32>
      %lt3A_17 = arith.constant 1696 : i32
      %lt3A_18 = vector.broadcast %lt3A_17 : i32 to vector<1024x2048xi32>
      %lt3A_19 = arith.cmpi slt, %iota3A, %lt3A_18 : vector<1024x2048xi32>
      %jit3A = arith.constant -3.400000e+38 : f32
      %broadcast_in_dim3A_20 = vector.broadcast %jit3A : f32 to vector<1024x2048xf32>
      %select_n3A = arith.select %lt3A_19, %sub3A_10, %broadcast_in_dim3A_20 : vector<1024x2048xi1>, vector<1024x2048xf32>
      %reshape3A = vector.shape_cast %select_n3A : vector<1024x2048xf32> to vector<1024x16x128xf32>
      %swap3A = arith.constant 0 : index
      %swap3A_21 = arith.constant 0 : index
      %swap3A_22 = arith.constant 0 : index
      %swap3A_23 = vector.load %arg3[%swap3A, %swap3A_21, %swap3A_22] : memref<1024x16x128xf32, #tpu.memory_space<vmem>>, vector<1024x16x128xf32>
      tpu.vector_store %arg3[%swap3A, %swap3A_21, %swap3A_22], %reshape3A {strides = array<i32>} : memref<1024x16x128xf32, #tpu.memory_space<vmem>>, vector<1024x16x128xf32>,
      %reduce_max3A = arith.constant dense<0xFF800000> : vector<1024x16xf32>
      %reduce_max3A_24 = vector.multi_reduction <maximumf>, %reshape3A, %reduce_max3A [2] : vector<1024x16x128xf32> to vector<1024x16xf32>
      %swap3A_25 = arith.constant 0 : index
      %swap3A_26 = arith.constant 0 : index
      %swap3A_27 = arith.constant 0 : index
      %swap3A_28 = vector.load %arg4[%swap3A_25, %swap3A_26, %swap3A_27] : memref<1x1024x16xf32, #tpu.memory_space<vmem>>, vector<1x1024x16xf32>
      %swap3A_29 = vector.shape_cast %swap3A_28 : vector<1x1024x16xf32> to vector<1024x16xf32>
      %swap3A_30 = vector.shape_cast %reduce_max3A_24 : vector<1024x16xf32> to vector<1x1024x16xf32>
      tpu.vector_store %arg4[%swap3A_25, %swap3A_26, %swap3A_27], %swap3A_30 {strides = array<i32>} : memref<1x1024x16xf32, #tpu.memory_space<vmem>>, vector<1x1024x16xf32>,
    } else {
    }
    return
  }
  func.func @transform_0(%arg0: i32) -> (i32, i32) {
    %c0_i32 = arith.constant 0 : i32
    %c0_i32_0 = arith.constant 0 : i32
    %c0_i32_1 = arith.constant 0 : i32
    return %c0_i32, %c0_i32_0 : i32, i32
  }
  func.func @transform_1(%arg0: i32) -> (i32, i32) {
    %c0_i32 = arith.constant 0 : i32
    %c0_i32_0 = arith.constant 0 : i32
    return %arg0, %c0_i32 : i32, i32
  }
  func.func @transform_2(%arg0: i32) -> (i32, i32, i32) {
    %c0_i32 = arith.constant 0 : i32
    %c0_i32_0 = arith.constant 0 : i32
    %c0_i32_1 = arith.constant 0 : i32
    return %c0_i32, %arg0, %c0_i32_0 : i32, i32, i32
  }
  func.func @transform_3(%arg0: i32) -> (i32, i32, i32) {
    %c0_i32 = arith.constant 0 : i32
    %c0_i32_0 = arith.constant 0 : i32
    %c0_i32_1 = arith.constant 0 : i32
    return %arg0, %c0_i32, %c0_i32_0 : i32, i32, i32
  }
}

module attributes {stable_mosaic.version = 14 : i64} {
  func.func @_group_select_body(%arg0: memref<1024x784xf32, #tpu.memory_space<vmem>>, %arg1: memref<1024x16xi32, #tpu.memory_space<vmem>>, %arg2: memref<1024x16xi32, #tpu.memory_space<vmem>>) attributes {dimension_semantics = [], scalar_prefetch = 0 : i64, scratch_operands = 0 : i64, tpu.core_type = #tpu.core_type<tc>} {
    %get3A = arith.constant 0 : index
    %get3A_0 = arith.constant 0 : index
    %get3A_1 = vector.load %arg0[%get3A, %get3A_0] : memref<1024x784xf32, #tpu.memory_space<vmem>>, vector<1024x784xf32>
    %iota3A = tpu.iota {dimensions = array<i32: 1>} : vector<1024x784xi32>
    %reduce_max3A = arith.constant dense<0xFF800000> : vector<1024xf32>
    %reduce_max3A_2 = vector.multi_reduction <maximumf>, %get3A_1, %reduce_max3A [1] : vector<1024x784xf32> to vector<1024xf32>
    %broadcast_in_dim3A = vector.shape_cast %reduce_max3A_2 : vector<1024xf32> to vector<1024x1xf32>
    %eq3A = vector.broadcast %broadcast_in_dim3A : vector<1024x1xf32> to vector<1024x784xf32>
    %eq3A_3 = arith.cmpf oeq, %get3A_1, %eq3A : vector<1024x784xf32>
    %jit3A = arith.constant 1073741824 : i32
    %broadcast_in_dim3A_4 = vector.broadcast %jit3A : i32 to vector<1024x784xi32>
    %select_n3A = arith.select %eq3A_3, %iota3A, %broadcast_in_dim3A_4 : vector<1024x784xi1>, vector<1024x784xi32>
    %reduce_min3A = arith.constant dense<2147483647> : vector<1024xi32>
    %reduce_min3A_5 = vector.multi_reduction <minsi>, %select_n3A, %reduce_min3A [1] : vector<1024x784xi32> to vector<1024xi32>
    %broadcast_in_dim3A_6 = vector.shape_cast %reduce_min3A_5 : vector<1024xi32> to vector<1024x1xi32>
    %eq3A_7 = vector.broadcast %broadcast_in_dim3A_6 : vector<1024x1xi32> to vector<1024x784xi32>
    %eq3A_8 = arith.cmpi eq, %iota3A, %eq3A_7 : vector<1024x784xi32>
    %jit3A_9 = arith.constant -3.400000e+38 : f32
    %broadcast_in_dim3A_10 = vector.broadcast %jit3A_9 : f32 to vector<1024x784xf32>
    %select_n3A_11 = arith.select %eq3A_8, %broadcast_in_dim3A_10, %get3A_1 : vector<1024x784xi1>, vector<1024x784xf32>
    %reduce_max3A_12 = arith.constant dense<0xFF800000> : vector<1024xf32>
    %reduce_max3A_13 = vector.multi_reduction <maximumf>, %select_n3A_11, %reduce_max3A_12 [1] : vector<1024x784xf32> to vector<1024xf32>
    %broadcast_in_dim3A_14 = vector.shape_cast %reduce_max3A_13 : vector<1024xf32> to vector<1024x1xf32>
    %eq3A_15 = vector.broadcast %broadcast_in_dim3A_14 : vector<1024x1xf32> to vector<1024x784xf32>
    %eq3A_16 = arith.cmpf oeq, %select_n3A_11, %eq3A_15 : vector<1024x784xf32>
    %jit3A_17 = arith.constant 1073741824 : i32
    %broadcast_in_dim3A_18 = vector.broadcast %jit3A_17 : i32 to vector<1024x784xi32>
    %select_n3A_19 = arith.select %eq3A_16, %iota3A, %broadcast_in_dim3A_18 : vector<1024x784xi1>, vector<1024x784xi32>
    %reduce_min3A_20 = arith.constant dense<2147483647> : vector<1024xi32>
    %reduce_min3A_21 = vector.multi_reduction <minsi>, %select_n3A_19, %reduce_min3A_20 [1] : vector<1024x784xi32> to vector<1024xi32>
    %broadcast_in_dim3A_22 = vector.shape_cast %reduce_min3A_21 : vector<1024xi32> to vector<1024x1xi32>
    %eq3A_23 = vector.broadcast %broadcast_in_dim3A_22 : vector<1024x1xi32> to vector<1024x784xi32>
    %eq3A_24 = arith.cmpi eq, %iota3A, %eq3A_23 : vector<1024x784xi32>
    %jit3A_25 = arith.constant -3.400000e+38 : f32
    %broadcast_in_dim3A_26 = vector.broadcast %jit3A_25 : f32 to vector<1024x784xf32>
    %select_n3A_27 = arith.select %eq3A_24, %broadcast_in_dim3A_26, %select_n3A_11 : vector<1024x784xi1>, vector<1024x784xf32>
    %reduce_max3A_28 = arith.constant dense<0xFF800000> : vector<1024xf32>
    %reduce_max3A_29 = vector.multi_reduction <maximumf>, %select_n3A_27, %reduce_max3A_28 [1] : vector<1024x784xf32> to vector<1024xf32>
    %broadcast_in_dim3A_30 = vector.shape_cast %reduce_max3A_29 : vector<1024xf32> to vector<1024x1xf32>
    %eq3A_31 = vector.broadcast %broadcast_in_dim3A_30 : vector<1024x1xf32> to vector<1024x784xf32>
    %eq3A_32 = arith.cmpf oeq, %select_n3A_27, %eq3A_31 : vector<1024x784xf32>
    %jit3A_33 = arith.constant 1073741824 : i32
    %broadcast_in_dim3A_34 = vector.broadcast %jit3A_33 : i32 to vector<1024x784xi32>
    %select_n3A_35 = arith.select %eq3A_32, %iota3A, %broadcast_in_dim3A_34 : vector<1024x784xi1>, vector<1024x784xi32>
    %reduce_min3A_36 = arith.constant dense<2147483647> : vector<1024xi32>
    %reduce_min3A_37 = vector.multi_reduction <minsi>, %select_n3A_35, %reduce_min3A_36 [1] : vector<1024x784xi32> to vector<1024xi32>
    %broadcast_in_dim3A_38 = vector.shape_cast %reduce_min3A_37 : vector<1024xi32> to vector<1024x1xi32>
    %eq3A_39 = vector.broadcast %broadcast_in_dim3A_38 : vector<1024x1xi32> to vector<1024x784xi32>
    %eq3A_40 = arith.cmpi eq, %iota3A, %eq3A_39 : vector<1024x784xi32>
    %jit3A_41 = arith.constant -3.400000e+38 : f32
    %broadcast_in_dim3A_42 = vector.broadcast %jit3A_41 : f32 to vector<1024x784xf32>
    %select_n3A_43 = arith.select %eq3A_40, %broadcast_in_dim3A_42, %select_n3A_27 : vector<1024x784xi1>, vector<1024x784xf32>
    %reduce_max3A_44 = arith.constant dense<0xFF800000> : vector<1024xf32>
    %reduce_max3A_45 = vector.multi_reduction <maximumf>, %select_n3A_43, %reduce_max3A_44 [1] : vector<1024x784xf32> to vector<1024xf32>
    %broadcast_in_dim3A_46 = vector.shape_cast %reduce_max3A_45 : vector<1024xf32> to vector<1024x1xf32>
    %eq3A_47 = vector.broadcast %broadcast_in_dim3A_46 : vector<1024x1xf32> to vector<1024x784xf32>
    %eq3A_48 = arith.cmpf oeq, %select_n3A_43, %eq3A_47 : vector<1024x784xf32>
    %jit3A_49 = arith.constant 1073741824 : i32
    %broadcast_in_dim3A_50 = vector.broadcast %jit3A_49 : i32 to vector<1024x784xi32>
    %select_n3A_51 = arith.select %eq3A_48, %iota3A, %broadcast_in_dim3A_50 : vector<1024x784xi1>, vector<1024x784xi32>
    %reduce_min3A_52 = arith.constant dense<2147483647> : vector<1024xi32>
    %reduce_min3A_53 = vector.multi_reduction <minsi>, %select_n3A_51, %reduce_min3A_52 [1] : vector<1024x784xi32> to vector<1024xi32>
    %broadcast_in_dim3A_54 = vector.shape_cast %reduce_min3A_53 : vector<1024xi32> to vector<1024x1xi32>
    %eq3A_55 = vector.broadcast %broadcast_in_dim3A_54 : vector<1024x1xi32> to vector<1024x784xi32>
    %eq3A_56 = arith.cmpi eq, %iota3A, %eq3A_55 : vector<1024x784xi32>
    %jit3A_57 = arith.constant -3.400000e+38 : f32
    %broadcast_in_dim3A_58 = vector.broadcast %jit3A_57 : f32 to vector<1024x784xf32>
    %select_n3A_59 = arith.select %eq3A_56, %broadcast_in_dim3A_58, %select_n3A_43 : vector<1024x784xi1>, vector<1024x784xf32>
    %reduce_max3A_60 = arith.constant dense<0xFF800000> : vector<1024xf32>
    %reduce_max3A_61 = vector.multi_reduction <maximumf>, %select_n3A_59, %reduce_max3A_60 [1] : vector<1024x784xf32> to vector<1024xf32>
    %broadcast_in_dim3A_62 = vector.shape_cast %reduce_max3A_61 : vector<1024xf32> to vector<1024x1xf32>
    %eq3A_63 = vector.broadcast %broadcast_in_dim3A_62 : vector<1024x1xf32> to vector<1024x784xf32>
    %eq3A_64 = arith.cmpf oeq, %select_n3A_59, %eq3A_63 : vector<1024x784xf32>
    %jit3A_65 = arith.constant 1073741824 : i32
    %broadcast_in_dim3A_66 = vector.broadcast %jit3A_65 : i32 to vector<1024x784xi32>
    %select_n3A_67 = arith.select %eq3A_64, %iota3A, %broadcast_in_dim3A_66 : vector<1024x784xi1>, vector<1024x784xi32>
    %reduce_min3A_68 = arith.constant dense<2147483647> : vector<1024xi32>
    %reduce_min3A_69 = vector.multi_reduction <minsi>, %select_n3A_67, %reduce_min3A_68 [1] : vector<1024x784xi32> to vector<1024xi32>
    %broadcast_in_dim3A_70 = vector.shape_cast %reduce_min3A_69 : vector<1024xi32> to vector<1024x1xi32>
    %eq3A_71 = vector.broadcast %broadcast_in_dim3A_70 : vector<1024x1xi32> to vector<1024x784xi32>
    %eq3A_72 = arith.cmpi eq, %iota3A, %eq3A_71 : vector<1024x784xi32>
    %jit3A_73 = arith.constant -3.400000e+38 : f32
    %broadcast_in_dim3A_74 = vector.broadcast %jit3A_73 : f32 to vector<1024x784xf32>
    %select_n3A_75 = arith.select %eq3A_72, %broadcast_in_dim3A_74, %select_n3A_59 : vector<1024x784xi1>, vector<1024x784xf32>
    %reduce_max3A_76 = arith.constant dense<0xFF800000> : vector<1024xf32>
    %reduce_max3A_77 = vector.multi_reduction <maximumf>, %select_n3A_75, %reduce_max3A_76 [1] : vector<1024x784xf32> to vector<1024xf32>
    %broadcast_in_dim3A_78 = vector.shape_cast %reduce_max3A_77 : vector<1024xf32> to vector<1024x1xf32>
    %eq3A_79 = vector.broadcast %broadcast_in_dim3A_78 : vector<1024x1xf32> to vector<1024x784xf32>
    %eq3A_80 = arith.cmpf oeq, %select_n3A_75, %eq3A_79 : vector<1024x784xf32>
    %jit3A_81 = arith.constant 1073741824 : i32
    %broadcast_in_dim3A_82 = vector.broadcast %jit3A_81 : i32 to vector<1024x784xi32>
    %select_n3A_83 = arith.select %eq3A_80, %iota3A, %broadcast_in_dim3A_82 : vector<1024x784xi1>, vector<1024x784xi32>
    %reduce_min3A_84 = arith.constant dense<2147483647> : vector<1024xi32>
    %reduce_min3A_85 = vector.multi_reduction <minsi>, %select_n3A_83, %reduce_min3A_84 [1] : vector<1024x784xi32> to vector<1024xi32>
    %broadcast_in_dim3A_86 = vector.shape_cast %reduce_min3A_85 : vector<1024xi32> to vector<1024x1xi32>
    %eq3A_87 = vector.broadcast %broadcast_in_dim3A_86 : vector<1024x1xi32> to vector<1024x784xi32>
    %eq3A_88 = arith.cmpi eq, %iota3A, %eq3A_87 : vector<1024x784xi32>
    %jit3A_89 = arith.constant -3.400000e+38 : f32
    %broadcast_in_dim3A_90 = vector.broadcast %jit3A_89 : f32 to vector<1024x784xf32>
    %select_n3A_91 = arith.select %eq3A_88, %broadcast_in_dim3A_90, %select_n3A_75 : vector<1024x784xi1>, vector<1024x784xf32>
    %reduce_max3A_92 = arith.constant dense<0xFF800000> : vector<1024xf32>
    %reduce_max3A_93 = vector.multi_reduction <maximumf>, %select_n3A_91, %reduce_max3A_92 [1] : vector<1024x784xf32> to vector<1024xf32>
    %broadcast_in_dim3A_94 = vector.shape_cast %reduce_max3A_93 : vector<1024xf32> to vector<1024x1xf32>
    %eq3A_95 = vector.broadcast %broadcast_in_dim3A_94 : vector<1024x1xf32> to vector<1024x784xf32>
    %eq3A_96 = arith.cmpf oeq, %select_n3A_91, %eq3A_95 : vector<1024x784xf32>
    %jit3A_97 = arith.constant 1073741824 : i32
    %broadcast_in_dim3A_98 = vector.broadcast %jit3A_97 : i32 to vector<1024x784xi32>
    %select_n3A_99 = arith.select %eq3A_96, %iota3A, %broadcast_in_dim3A_98 : vector<1024x784xi1>, vector<1024x784xi32>
    %reduce_min3A_100 = arith.constant dense<2147483647> : vector<1024xi32>
    %reduce_min3A_101 = vector.multi_reduction <minsi>, %select_n3A_99, %reduce_min3A_100 [1] : vector<1024x784xi32> to vector<1024xi32>
    %broadcast_in_dim3A_102 = vector.shape_cast %reduce_min3A_101 : vector<1024xi32> to vector<1024x1xi32>
    %eq3A_103 = vector.broadcast %broadcast_in_dim3A_102 : vector<1024x1xi32> to vector<1024x784xi32>
    %eq3A_104 = arith.cmpi eq, %iota3A, %eq3A_103 : vector<1024x784xi32>
    %jit3A_105 = arith.constant -3.400000e+38 : f32
    %broadcast_in_dim3A_106 = vector.broadcast %jit3A_105 : f32 to vector<1024x784xf32>
    %select_n3A_107 = arith.select %eq3A_104, %broadcast_in_dim3A_106, %select_n3A_91 : vector<1024x784xi1>, vector<1024x784xf32>
    %reduce_max3A_108 = arith.constant dense<0xFF800000> : vector<1024xf32>
    %reduce_max3A_109 = vector.multi_reduction <maximumf>, %select_n3A_107, %reduce_max3A_108 [1] : vector<1024x784xf32> to vector<1024xf32>
    %broadcast_in_dim3A_110 = vector.shape_cast %reduce_max3A_109 : vector<1024xf32> to vector<1024x1xf32>
    %eq3A_111 = vector.broadcast %broadcast_in_dim3A_110 : vector<1024x1xf32> to vector<1024x784xf32>
    %eq3A_112 = arith.cmpf oeq, %select_n3A_107, %eq3A_111 : vector<1024x784xf32>
    %jit3A_113 = arith.constant 1073741824 : i32
    %broadcast_in_dim3A_114 = vector.broadcast %jit3A_113 : i32 to vector<1024x784xi32>
    %select_n3A_115 = arith.select %eq3A_112, %iota3A, %broadcast_in_dim3A_114 : vector<1024x784xi1>, vector<1024x784xi32>
    %reduce_min3A_116 = arith.constant dense<2147483647> : vector<1024xi32>
    %reduce_min3A_117 = vector.multi_reduction <minsi>, %select_n3A_115, %reduce_min3A_116 [1] : vector<1024x784xi32> to vector<1024xi32>
    %broadcast_in_dim3A_118 = vector.shape_cast %reduce_min3A_117 : vector<1024xi32> to vector<1024x1xi32>
    %eq3A_119 = vector.broadcast %broadcast_in_dim3A_118 : vector<1024x1xi32> to vector<1024x784xi32>
    %eq3A_120 = arith.cmpi eq, %iota3A, %eq3A_119 : vector<1024x784xi32>
    %jit3A_121 = arith.constant -3.400000e+38 : f32
    %broadcast_in_dim3A_122 = vector.broadcast %jit3A_121 : f32 to vector<1024x784xf32>
    %select_n3A_123 = arith.select %eq3A_120, %broadcast_in_dim3A_122, %select_n3A_107 : vector<1024x784xi1>, vector<1024x784xf32>
    %reduce_max3A_124 = arith.constant dense<0xFF800000> : vector<1024xf32>
    %reduce_max3A_125 = vector.multi_reduction <maximumf>, %select_n3A_123, %reduce_max3A_124 [1] : vector<1024x784xf32> to vector<1024xf32>
    %broadcast_in_dim3A_126 = vector.shape_cast %reduce_max3A_125 : vector<1024xf32> to vector<1024x1xf32>
    %eq3A_127 = vector.broadcast %broadcast_in_dim3A_126 : vector<1024x1xf32> to vector<1024x784xf32>
    %eq3A_128 = arith.cmpf oeq, %select_n3A_123, %eq3A_127 : vector<1024x784xf32>
    %jit3A_129 = arith.constant 1073741824 : i32
    %broadcast_in_dim3A_130 = vector.broadcast %jit3A_129 : i32 to vector<1024x784xi32>
    %select_n3A_131 = arith.select %eq3A_128, %iota3A, %broadcast_in_dim3A_130 : vector<1024x784xi1>, vector<1024x784xi32>
    %reduce_min3A_132 = arith.constant dense<2147483647> : vector<1024xi32>
    %reduce_min3A_133 = vector.multi_reduction <minsi>, %select_n3A_131, %reduce_min3A_132 [1] : vector<1024x784xi32> to vector<1024xi32>
    %broadcast_in_dim3A_134 = vector.shape_cast %reduce_min3A_133 : vector<1024xi32> to vector<1024x1xi32>
    %eq3A_135 = vector.broadcast %broadcast_in_dim3A_134 : vector<1024x1xi32> to vector<1024x784xi32>
    %eq3A_136 = arith.cmpi eq, %iota3A, %eq3A_135 : vector<1024x784xi32>
    %jit3A_137 = arith.constant -3.400000e+38 : f32
    %broadcast_in_dim3A_138 = vector.broadcast %jit3A_137 : f32 to vector<1024x784xf32>
    %select_n3A_139 = arith.select %eq3A_136, %broadcast_in_dim3A_138, %select_n3A_123 : vector<1024x784xi1>, vector<1024x784xf32>
    %reduce_max3A_140 = arith.constant dense<0xFF800000> : vector<1024xf32>
    %reduce_max3A_141 = vector.multi_reduction <maximumf>, %select_n3A_139, %reduce_max3A_140 [1] : vector<1024x784xf32> to vector<1024xf32>
    %broadcast_in_dim3A_142 = vector.shape_cast %reduce_max3A_141 : vector<1024xf32> to vector<1024x1xf32>
    %eq3A_143 = vector.broadcast %broadcast_in_dim3A_142 : vector<1024x1xf32> to vector<1024x784xf32>
    %eq3A_144 = arith.cmpf oeq, %select_n3A_139, %eq3A_143 : vector<1024x784xf32>
    %jit3A_145 = arith.constant 1073741824 : i32
    %broadcast_in_dim3A_146 = vector.broadcast %jit3A_145 : i32 to vector<1024x784xi32>
    %select_n3A_147 = arith.select %eq3A_144, %iota3A, %broadcast_in_dim3A_146 : vector<1024x784xi1>, vector<1024x784xi32>
    %reduce_min3A_148 = arith.constant dense<2147483647> : vector<1024xi32>
    %reduce_min3A_149 = vector.multi_reduction <minsi>, %select_n3A_147, %reduce_min3A_148 [1] : vector<1024x784xi32> to vector<1024xi32>
    %broadcast_in_dim3A_150 = vector.shape_cast %reduce_min3A_149 : vector<1024xi32> to vector<1024x1xi32>
    %eq3A_151 = vector.broadcast %broadcast_in_dim3A_150 : vector<1024x1xi32> to vector<1024x784xi32>
    %eq3A_152 = arith.cmpi eq, %iota3A, %eq3A_151 : vector<1024x784xi32>
    %jit3A_153 = arith.constant -3.400000e+38 : f32
    %broadcast_in_dim3A_154 = vector.broadcast %jit3A_153 : f32 to vector<1024x784xf32>
    %select_n3A_155 = arith.select %eq3A_152, %broadcast_in_dim3A_154, %select_n3A_139 : vector<1024x784xi1>, vector<1024x784xf32>
    %reduce_max3A_156 = arith.constant dense<0xFF800000> : vector<1024xf32>
    %reduce_max3A_157 = vector.multi_reduction <maximumf>, %select_n3A_155, %reduce_max3A_156 [1] : vector<1024x784xf32> to vector<1024xf32>
    %broadcast_in_dim3A_158 = vector.shape_cast %reduce_max3A_157 : vector<1024xf32> to vector<1024x1xf32>
    %eq3A_159 = vector.broadcast %broadcast_in_dim3A_158 : vector<1024x1xf32> to vector<1024x784xf32>
    %eq3A_160 = arith.cmpf oeq, %select_n3A_155, %eq3A_159 : vector<1024x784xf32>
    %jit3A_161 = arith.constant 1073741824 : i32
    %broadcast_in_dim3A_162 = vector.broadcast %jit3A_161 : i32 to vector<1024x784xi32>
    %select_n3A_163 = arith.select %eq3A_160, %iota3A, %broadcast_in_dim3A_162 : vector<1024x784xi1>, vector<1024x784xi32>
    %reduce_min3A_164 = arith.constant dense<2147483647> : vector<1024xi32>
    %reduce_min3A_165 = vector.multi_reduction <minsi>, %select_n3A_163, %reduce_min3A_164 [1] : vector<1024x784xi32> to vector<1024xi32>
    %broadcast_in_dim3A_166 = vector.shape_cast %reduce_min3A_165 : vector<1024xi32> to vector<1024x1xi32>
    %eq3A_167 = vector.broadcast %broadcast_in_dim3A_166 : vector<1024x1xi32> to vector<1024x784xi32>
    %eq3A_168 = arith.cmpi eq, %iota3A, %eq3A_167 : vector<1024x784xi32>
    %jit3A_169 = arith.constant -3.400000e+38 : f32
    %broadcast_in_dim3A_170 = vector.broadcast %jit3A_169 : f32 to vector<1024x784xf32>
    %select_n3A_171 = arith.select %eq3A_168, %broadcast_in_dim3A_170, %select_n3A_155 : vector<1024x784xi1>, vector<1024x784xf32>
    %reduce_max3A_172 = arith.constant dense<0xFF800000> : vector<1024xf32>
    %reduce_max3A_173 = vector.multi_reduction <maximumf>, %select_n3A_171, %reduce_max3A_172 [1] : vector<1024x784xf32> to vector<1024xf32>
    %broadcast_in_dim3A_174 = vector.shape_cast %reduce_max3A_173 : vector<1024xf32> to vector<1024x1xf32>
    %eq3A_175 = vector.broadcast %broadcast_in_dim3A_174 : vector<1024x1xf32> to vector<1024x784xf32>
    %eq3A_176 = arith.cmpf oeq, %select_n3A_171, %eq3A_175 : vector<1024x784xf32>
    %jit3A_177 = arith.constant 1073741824 : i32
    %broadcast_in_dim3A_178 = vector.broadcast %jit3A_177 : i32 to vector<1024x784xi32>
    %select_n3A_179 = arith.select %eq3A_176, %iota3A, %broadcast_in_dim3A_178 : vector<1024x784xi1>, vector<1024x784xi32>
    %reduce_min3A_180 = arith.constant dense<2147483647> : vector<1024xi32>
    %reduce_min3A_181 = vector.multi_reduction <minsi>, %select_n3A_179, %reduce_min3A_180 [1] : vector<1024x784xi32> to vector<1024xi32>
    %broadcast_in_dim3A_182 = vector.shape_cast %reduce_min3A_181 : vector<1024xi32> to vector<1024x1xi32>
    %eq3A_183 = vector.broadcast %broadcast_in_dim3A_182 : vector<1024x1xi32> to vector<1024x784xi32>
    %eq3A_184 = arith.cmpi eq, %iota3A, %eq3A_183 : vector<1024x784xi32>
    %jit3A_185 = arith.constant -3.400000e+38 : f32
    %broadcast_in_dim3A_186 = vector.broadcast %jit3A_185 : f32 to vector<1024x784xf32>
    %select_n3A_187 = arith.select %eq3A_184, %broadcast_in_dim3A_186, %select_n3A_171 : vector<1024x784xi1>, vector<1024x784xf32>
    %reduce_max3A_188 = arith.constant dense<0xFF800000> : vector<1024xf32>
    %reduce_max3A_189 = vector.multi_reduction <maximumf>, %select_n3A_187, %reduce_max3A_188 [1] : vector<1024x784xf32> to vector<1024xf32>
    %broadcast_in_dim3A_190 = vector.shape_cast %reduce_max3A_189 : vector<1024xf32> to vector<1024x1xf32>
    %eq3A_191 = vector.broadcast %broadcast_in_dim3A_190 : vector<1024x1xf32> to vector<1024x784xf32>
    %eq3A_192 = arith.cmpf oeq, %select_n3A_187, %eq3A_191 : vector<1024x784xf32>
    %jit3A_193 = arith.constant 1073741824 : i32
    %broadcast_in_dim3A_194 = vector.broadcast %jit3A_193 : i32 to vector<1024x784xi32>
    %select_n3A_195 = arith.select %eq3A_192, %iota3A, %broadcast_in_dim3A_194 : vector<1024x784xi1>, vector<1024x784xi32>
    %reduce_min3A_196 = arith.constant dense<2147483647> : vector<1024xi32>
    %reduce_min3A_197 = vector.multi_reduction <minsi>, %select_n3A_195, %reduce_min3A_196 [1] : vector<1024x784xi32> to vector<1024xi32>
    %broadcast_in_dim3A_198 = vector.shape_cast %reduce_min3A_197 : vector<1024xi32> to vector<1024x1xi32>
    %eq3A_199 = vector.broadcast %broadcast_in_dim3A_198 : vector<1024x1xi32> to vector<1024x784xi32>
    %eq3A_200 = arith.cmpi eq, %iota3A, %eq3A_199 : vector<1024x784xi32>
    %jit3A_201 = arith.constant -3.400000e+38 : f32
    %broadcast_in_dim3A_202 = vector.broadcast %jit3A_201 : f32 to vector<1024x784xf32>
    %select_n3A_203 = arith.select %eq3A_200, %broadcast_in_dim3A_202, %select_n3A_187 : vector<1024x784xi1>, vector<1024x784xf32>
    %reduce_max3A_204 = arith.constant dense<0xFF800000> : vector<1024xf32>
    %reduce_max3A_205 = vector.multi_reduction <maximumf>, %select_n3A_203, %reduce_max3A_204 [1] : vector<1024x784xf32> to vector<1024xf32>
    %broadcast_in_dim3A_206 = vector.shape_cast %reduce_max3A_205 : vector<1024xf32> to vector<1024x1xf32>
    %eq3A_207 = vector.broadcast %broadcast_in_dim3A_206 : vector<1024x1xf32> to vector<1024x784xf32>
    %eq3A_208 = arith.cmpf oeq, %select_n3A_203, %eq3A_207 : vector<1024x784xf32>
    %jit3A_209 = arith.constant 1073741824 : i32
    %broadcast_in_dim3A_210 = vector.broadcast %jit3A_209 : i32 to vector<1024x784xi32>
    %select_n3A_211 = arith.select %eq3A_208, %iota3A, %broadcast_in_dim3A_210 : vector<1024x784xi1>, vector<1024x784xi32>
    %reduce_min3A_212 = arith.constant dense<2147483647> : vector<1024xi32>
    %reduce_min3A_213 = vector.multi_reduction <minsi>, %select_n3A_211, %reduce_min3A_212 [1] : vector<1024x784xi32> to vector<1024xi32>
    %broadcast_in_dim3A_214 = vector.shape_cast %reduce_min3A_213 : vector<1024xi32> to vector<1024x1xi32>
    %eq3A_215 = vector.broadcast %broadcast_in_dim3A_214 : vector<1024x1xi32> to vector<1024x784xi32>
    %eq3A_216 = arith.cmpi eq, %iota3A, %eq3A_215 : vector<1024x784xi32>
    %jit3A_217 = arith.constant -3.400000e+38 : f32
    %broadcast_in_dim3A_218 = vector.broadcast %jit3A_217 : f32 to vector<1024x784xf32>
    %select_n3A_219 = arith.select %eq3A_216, %broadcast_in_dim3A_218, %select_n3A_203 : vector<1024x784xi1>, vector<1024x784xf32>
    %reduce_max3A_220 = arith.constant dense<0xFF800000> : vector<1024xf32>
    %reduce_max3A_221 = vector.multi_reduction <maximumf>, %select_n3A_219, %reduce_max3A_220 [1] : vector<1024x784xf32> to vector<1024xf32>
    %broadcast_in_dim3A_222 = vector.shape_cast %reduce_max3A_221 : vector<1024xf32> to vector<1024x1xf32>
    %eq3A_223 = vector.broadcast %broadcast_in_dim3A_222 : vector<1024x1xf32> to vector<1024x784xf32>
    %eq3A_224 = arith.cmpf oeq, %select_n3A_219, %eq3A_223 : vector<1024x784xf32>
    %jit3A_225 = arith.constant 1073741824 : i32
    %broadcast_in_dim3A_226 = vector.broadcast %jit3A_225 : i32 to vector<1024x784xi32>
    %select_n3A_227 = arith.select %eq3A_224, %iota3A, %broadcast_in_dim3A_226 : vector<1024x784xi1>, vector<1024x784xi32>
    %reduce_min3A_228 = arith.constant dense<2147483647> : vector<1024xi32>
    %reduce_min3A_229 = vector.multi_reduction <minsi>, %select_n3A_227, %reduce_min3A_228 [1] : vector<1024x784xi32> to vector<1024xi32>
    %broadcast_in_dim3A_230 = vector.shape_cast %reduce_min3A_229 : vector<1024xi32> to vector<1024x1xi32>
    %eq3A_231 = vector.broadcast %broadcast_in_dim3A_230 : vector<1024x1xi32> to vector<1024x784xi32>
    %eq3A_232 = arith.cmpi eq, %iota3A, %eq3A_231 : vector<1024x784xi32>
    %jit3A_233 = arith.constant -3.400000e+38 : f32
    %broadcast_in_dim3A_234 = vector.broadcast %jit3A_233 : f32 to vector<1024x784xf32>
    %select_n3A_235 = arith.select %eq3A_232, %broadcast_in_dim3A_234, %select_n3A_219 : vector<1024x784xi1>, vector<1024x784xf32>
    %reduce_max3A_236 = arith.constant dense<0xFF800000> : vector<1024xf32>
    %reduce_max3A_237 = vector.multi_reduction <maximumf>, %select_n3A_235, %reduce_max3A_236 [1] : vector<1024x784xf32> to vector<1024xf32>
    %broadcast_in_dim3A_238 = vector.shape_cast %reduce_max3A_237 : vector<1024xf32> to vector<1024x1xf32>
    %eq3A_239 = vector.broadcast %broadcast_in_dim3A_238 : vector<1024x1xf32> to vector<1024x784xf32>
    %eq3A_240 = arith.cmpf oeq, %select_n3A_235, %eq3A_239 : vector<1024x784xf32>
    %jit3A_241 = arith.constant 1073741824 : i32
    %broadcast_in_dim3A_242 = vector.broadcast %jit3A_241 : i32 to vector<1024x784xi32>
    %select_n3A_243 = arith.select %eq3A_240, %iota3A, %broadcast_in_dim3A_242 : vector<1024x784xi1>, vector<1024x784xi32>
    %reduce_min3A_244 = arith.constant dense<2147483647> : vector<1024xi32>
    %reduce_min3A_245 = vector.multi_reduction <minsi>, %select_n3A_243, %reduce_min3A_244 [1] : vector<1024x784xi32> to vector<1024xi32>
    %broadcast_in_dim3A_246 = vector.shape_cast %reduce_min3A_245 : vector<1024xi32> to vector<1024x1xi32>
    %concatenate3A = tpu.concatenate %broadcast_in_dim3A_6, %broadcast_in_dim3A_22, %broadcast_in_dim3A_38, %broadcast_in_dim3A_54, %broadcast_in_dim3A_70, %broadcast_in_dim3A_86, %broadcast_in_dim3A_102, %broadcast_in_dim3A_118, %broadcast_in_dim3A_134, %broadcast_in_dim3A_150, %broadcast_in_dim3A_166, %broadcast_in_dim3A_182, %broadcast_in_dim3A_198, %broadcast_in_dim3A_214, %broadcast_in_dim3A_230, %broadcast_in_dim3A_246 in 1 : vector<1024x1xi32>, vector<1024x1xi32>, vector<1024x1xi32>, vector<1024x1xi32>, vector<1024x1xi32>, vector<1024x1xi32>, vector<1024x1xi32>, vector<1024x1xi32>, vector<1024x1xi32>, vector<1024x1xi32>, vector<1024x1xi32>, vector<1024x1xi32>, vector<1024x1xi32>, vector<1024x1xi32>, vector<1024x1xi32>, vector<1024x1xi32> -> vector<1024x16xi32>
    %swap3A = arith.constant 0 : index
    %swap3A_247 = arith.constant 0 : index
    %swap3A_248 = vector.load %arg1[%swap3A, %swap3A_247] : memref<1024x16xi32, #tpu.memory_space<vmem>>, vector<1024x16xi32>
    tpu.vector_store %arg1[%swap3A, %swap3A_247], %concatenate3A {strides = array<i32>} : memref<1024x16xi32, #tpu.memory_space<vmem>>, vector<1024x16xi32>,
    %iota3A_249 = tpu.iota {dimensions = array<i32: 0>} : vector<1024x16xi32>
    %mul3A = arith.constant 784 : i32
    %mul3A_250 = vector.broadcast %mul3A : i32 to vector<1024x16xi32>
    %mul3A_251 = arith.muli %iota3A_249, %mul3A_250 : vector<1024x16xi32>
    %add3A = arith.addi %mul3A_251, %concatenate3A : vector<1024x16xi32>
    %swap3A_252 = arith.constant 0 : index
    %swap3A_253 = arith.constant 0 : index
    %swap3A_254 = vector.load %arg2[%swap3A_252, %swap3A_253] : memref<1024x16xi32, #tpu.memory_space<vmem>>, vector<1024x16xi32>
    tpu.vector_store %arg2[%swap3A_252, %swap3A_253], %add3A {strides = array<i32>} : memref<1024x16xi32, #tpu.memory_space<vmem>>, vector<1024x16xi32>,
    return
  }
}

module attributes {stable_mosaic.version = 14 : i64} {
  func.func @_subchunk_select_body(%arg0: memref<1024x16x128xf32, #tpu.memory_space<vmem>>, %arg1: memref<1024x16xi32, #tpu.memory_space<vmem>>, %arg2: memref<1024x16xi32, #tpu.memory_space<vmem>>, %arg3: memref<1024x16xi32, #tpu.memory_space<vmem>>, %arg4: memref<1024x16xi32, #tpu.memory_space<vmem>>) attributes {dimension_semantics = [], scalar_prefetch = 0 : i64, scratch_operands = 0 : i64, tpu.core_type = #tpu.core_type<tc>} {
    %get3A = arith.constant 0 : index
    %get3A_0 = arith.constant 0 : index
    %get3A_1 = arith.constant 0 : index
    %get3A_2 = vector.load %arg0[%get3A, %get3A_0, %get3A_1] : memref<1024x16x128xf32, #tpu.memory_space<vmem>>, vector<1024x16x128xf32>
    %get3A_3 = arith.constant 0 : index
    %get3A_4 = arith.constant 0 : index
    %get3A_5 = vector.load %arg1[%get3A_3, %get3A_4] : memref<1024x16xi32, #tpu.memory_space<vmem>>, vector<1024x16xi32>
    %iota3A = tpu.iota {dimensions = array<i32: 1>} : vector<1024x16xi32>
    %slice3A = vector.extract_strided_slice %get3A_2 {offsets = [0, 0, 0], sizes = [1024, 16, 16], strides = [1, 1, 1]} : vector<1024x16x128xf32> to vector<1024x16x16xf32>
    %reduce_max3A = arith.constant dense<0xFF800000> : vector<1024x16xf32>
    %reduce_max3A_6 = vector.multi_reduction <maximumf>, %slice3A, %reduce_max3A [2] : vector<1024x16x16xf32> to vector<1024x16xf32>
    %slice3A_7 = vector.extract_strided_slice %get3A_2 {offsets = [0, 0, 16], sizes = [1024, 16, 16], strides = [1, 1, 1]} : vector<1024x16x128xf32> to vector<1024x16x16xf32>
    %reduce_max3A_8 = arith.constant dense<0xFF800000> : vector<1024x16xf32>
    %reduce_max3A_9 = vector.multi_reduction <maximumf>, %slice3A_7, %reduce_max3A_8 [2] : vector<1024x16x16xf32> to vector<1024x16xf32>
    %slice3A_10 = vector.extract_strided_slice %get3A_2 {offsets = [0, 0, 32], sizes = [1024, 16, 16], strides = [1, 1, 1]} : vector<1024x16x128xf32> to vector<1024x16x16xf32>
    %reduce_max3A_11 = arith.constant dense<0xFF800000> : vector<1024x16xf32>
    %reduce_max3A_12 = vector.multi_reduction <maximumf>, %slice3A_10, %reduce_max3A_11 [2] : vector<1024x16x16xf32> to vector<1024x16xf32>
    %slice3A_13 = vector.extract_strided_slice %get3A_2 {offsets = [0, 0, 48], sizes = [1024, 16, 16], strides = [1, 1, 1]} : vector<1024x16x128xf32> to vector<1024x16x16xf32>
    %reduce_max3A_14 = arith.constant dense<0xFF800000> : vector<1024x16xf32>
    %reduce_max3A_15 = vector.multi_reduction <maximumf>, %slice3A_13, %reduce_max3A_14 [2] : vector<1024x16x16xf32> to vector<1024x16xf32>
    %slice3A_16 = vector.extract_strided_slice %get3A_2 {offsets = [0, 0, 64], sizes = [1024, 16, 16], strides = [1, 1, 1]} : vector<1024x16x128xf32> to vector<1024x16x16xf32>
    %reduce_max3A_17 = arith.constant dense<0xFF800000> : vector<1024x16xf32>
    %reduce_max3A_18 = vector.multi_reduction <maximumf>, %slice3A_16, %reduce_max3A_17 [2] : vector<1024x16x16xf32> to vector<1024x16xf32>
    %slice3A_19 = vector.extract_strided_slice %get3A_2 {offsets = [0, 0, 80], sizes = [1024, 16, 16], strides = [1, 1, 1]} : vector<1024x16x128xf32> to vector<1024x16x16xf32>
    %reduce_max3A_20 = arith.constant dense<0xFF800000> : vector<1024x16xf32>
    %reduce_max3A_21 = vector.multi_reduction <maximumf>, %slice3A_19, %reduce_max3A_20 [2] : vector<1024x16x16xf32> to vector<1024x16xf32>
    %slice3A_22 = vector.extract_strided_slice %get3A_2 {offsets = [0, 0, 96], sizes = [1024, 16, 16], strides = [1, 1, 1]} : vector<1024x16x128xf32> to vector<1024x16x16xf32>
    %reduce_max3A_23 = arith.constant dense<0xFF800000> : vector<1024x16xf32>
    %reduce_max3A_24 = vector.multi_reduction <maximumf>, %slice3A_22, %reduce_max3A_23 [2] : vector<1024x16x16xf32> to vector<1024x16xf32>
    %slice3A_25 = vector.extract_strided_slice %get3A_2 {offsets = [0, 0, 112], sizes = [1024, 16, 16], strides = [1, 1, 1]} : vector<1024x16x128xf32> to vector<1024x16x16xf32>
    %reduce_max3A_26 = arith.constant dense<0xFF800000> : vector<1024x16xf32>
    %reduce_max3A_27 = vector.multi_reduction <maximumf>, %slice3A_25, %reduce_max3A_26 [2] : vector<1024x16x16xf32> to vector<1024x16xf32>
    %concatenate3A = tpu.concatenate %reduce_max3A_6, %reduce_max3A_9, %reduce_max3A_12, %reduce_max3A_15, %reduce_max3A_18, %reduce_max3A_21, %reduce_max3A_24, %reduce_max3A_27 in 1 : vector<1024x16xf32>, vector<1024x16xf32>, vector<1024x16xf32>, vector<1024x16xf32>, vector<1024x16xf32>, vector<1024x16xf32>, vector<1024x16xf32>, vector<1024x16xf32> -> vector<1024x128xf32>
    %mul3A = arith.constant 128 : i32
    %mul3A_28 = vector.broadcast %mul3A : i32 to vector<1024x16xi32>
    %mul3A_29 = arith.muli %get3A_5, %mul3A_28 : vector<1024x16xi32>
    %add3A = arith.constant 0 : i32
    %add3A_30 = vector.broadcast %add3A : i32 to vector<1024x16xi32>
    %add3A_31 = arith.addi %mul3A_29, %add3A_30 : vector<1024x16xi32>
    %mul3A_32 = arith.constant 128 : i32
    %mul3A_33 = vector.broadcast %mul3A_32 : i32 to vector<1024x16xi32>
    %mul3A_34 = arith.muli %get3A_5, %mul3A_33 : vector<1024x16xi32>
    %add3A_35 = arith.constant 16 : i32
    %add3A_36 = vector.broadcast %add3A_35 : i32 to vector<1024x16xi32>
    %add3A_37 = arith.addi %mul3A_34, %add3A_36 : vector<1024x16xi32>
    %mul3A_38 = arith.constant 128 : i32
    %mul3A_39 = vector.broadcast %mul3A_38 : i32 to vector<1024x16xi32>
    %mul3A_40 = arith.muli %get3A_5, %mul3A_39 : vector<1024x16xi32>
    %add3A_41 = arith.constant 32 : i32
    %add3A_42 = vector.broadcast %add3A_41 : i32 to vector<1024x16xi32>
    %add3A_43 = arith.addi %mul3A_40, %add3A_42 : vector<1024x16xi32>
    %mul3A_44 = arith.constant 128 : i32
    %mul3A_45 = vector.broadcast %mul3A_44 : i32 to vector<1024x16xi32>
    %mul3A_46 = arith.muli %get3A_5, %mul3A_45 : vector<1024x16xi32>
    %add3A_47 = arith.constant 48 : i32
    %add3A_48 = vector.broadcast %add3A_47 : i32 to vector<1024x16xi32>
    %add3A_49 = arith.addi %mul3A_46, %add3A_48 : vector<1024x16xi32>
    %mul3A_50 = arith.constant 128 : i32
    %mul3A_51 = vector.broadcast %mul3A_50 : i32 to vector<1024x16xi32>
    %mul3A_52 = arith.muli %get3A_5, %mul3A_51 : vector<1024x16xi32>
    %add3A_53 = arith.constant 64 : i32
    %add3A_54 = vector.broadcast %add3A_53 : i32 to vector<1024x16xi32>
    %add3A_55 = arith.addi %mul3A_52, %add3A_54 : vector<1024x16xi32>
    %mul3A_56 = arith.constant 128 : i32
    %mul3A_57 = vector.broadcast %mul3A_56 : i32 to vector<1024x16xi32>
    %mul3A_58 = arith.muli %get3A_5, %mul3A_57 : vector<1024x16xi32>
    %add3A_59 = arith.constant 80 : i32
    %add3A_60 = vector.broadcast %add3A_59 : i32 to vector<1024x16xi32>
    %add3A_61 = arith.addi %mul3A_58, %add3A_60 : vector<1024x16xi32>
    %mul3A_62 = arith.constant 128 : i32
    %mul3A_63 = vector.broadcast %mul3A_62 : i32 to vector<1024x16xi32>
    %mul3A_64 = arith.muli %get3A_5, %mul3A_63 : vector<1024x16xi32>
    %add3A_65 = arith.constant 96 : i32
    %add3A_66 = vector.broadcast %add3A_65 : i32 to vector<1024x16xi32>
    %add3A_67 = arith.addi %mul3A_64, %add3A_66 : vector<1024x16xi32>
    %mul3A_68 = arith.constant 128 : i32
    %mul3A_69 = vector.broadcast %mul3A_68 : i32 to vector<1024x16xi32>
    %mul3A_70 = arith.muli %get3A_5, %mul3A_69 : vector<1024x16xi32>
    %add3A_71 = arith.constant 112 : i32
    %add3A_72 = vector.broadcast %add3A_71 : i32 to vector<1024x16xi32>
    %add3A_73 = arith.addi %mul3A_70, %add3A_72 : vector<1024x16xi32>
    %concatenate3A_74 = tpu.concatenate %add3A_31, %add3A_37, %add3A_43, %add3A_49, %add3A_55, %add3A_61, %add3A_67, %add3A_73 in 1 : vector<1024x16xi32>, vector<1024x16xi32>, vector<1024x16xi32>, vector<1024x16xi32>, vector<1024x16xi32>, vector<1024x16xi32>, vector<1024x16xi32>, vector<1024x16xi32> -> vector<1024x128xi32>
    %mul3A_75 = arith.constant 8 : i32
    %mul3A_76 = vector.broadcast %mul3A_75 : i32 to vector<1024x16xi32>
    %mul3A_77 = arith.muli %iota3A, %mul3A_76 : vector<1024x16xi32>
    %add3A_78 = arith.constant 0 : i32
    %add3A_79 = vector.broadcast %add3A_78 : i32 to vector<1024x16xi32>
    %add3A_80 = arith.addi %mul3A_77, %add3A_79 : vector<1024x16xi32>
    %mul3A_81 = arith.constant 8 : i32
    %mul3A_82 = vector.broadcast %mul3A_81 : i32 to vector<1024x16xi32>
    %mul3A_83 = arith.muli %iota3A, %mul3A_82 : vector<1024x16xi32>
    %add3A_84 = arith.constant 1 : i32
    %add3A_85 = vector.broadcast %add3A_84 : i32 to vector<1024x16xi32>
    %add3A_86 = arith.addi %mul3A_83, %add3A_85 : vector<1024x16xi32>
    %mul3A_87 = arith.constant 8 : i32
    %mul3A_88 = vector.broadcast %mul3A_87 : i32 to vector<1024x16xi32>
    %mul3A_89 = arith.muli %iota3A, %mul3A_88 : vector<1024x16xi32>
    %add3A_90 = arith.constant 2 : i32
    %add3A_91 = vector.broadcast %add3A_90 : i32 to vector<1024x16xi32>
    %add3A_92 = arith.addi %mul3A_89, %add3A_91 : vector<1024x16xi32>
    %mul3A_93 = arith.constant 8 : i32
    %mul3A_94 = vector.broadcast %mul3A_93 : i32 to vector<1024x16xi32>
    %mul3A_95 = arith.muli %iota3A, %mul3A_94 : vector<1024x16xi32>
    %add3A_96 = arith.constant 3 : i32
    %add3A_97 = vector.broadcast %add3A_96 : i32 to vector<1024x16xi32>
    %add3A_98 = arith.addi %mul3A_95, %add3A_97 : vector<1024x16xi32>
    %mul3A_99 = arith.constant 8 : i32
    %mul3A_100 = vector.broadcast %mul3A_99 : i32 to vector<1024x16xi32>
    %mul3A_101 = arith.muli %iota3A, %mul3A_100 : vector<1024x16xi32>
    %add3A_102 = arith.constant 4 : i32
    %add3A_103 = vector.broadcast %add3A_102 : i32 to vector<1024x16xi32>
    %add3A_104 = arith.addi %mul3A_101, %add3A_103 : vector<1024x16xi32>
    %mul3A_105 = arith.constant 8 : i32
    %mul3A_106 = vector.broadcast %mul3A_105 : i32 to vector<1024x16xi32>
    %mul3A_107 = arith.muli %iota3A, %mul3A_106 : vector<1024x16xi32>
    %add3A_108 = arith.constant 5 : i32
    %add3A_109 = vector.broadcast %add3A_108 : i32 to vector<1024x16xi32>
    %add3A_110 = arith.addi %mul3A_107, %add3A_109 : vector<1024x16xi32>
    %mul3A_111 = arith.constant 8 : i32
    %mul3A_112 = vector.broadcast %mul3A_111 : i32 to vector<1024x16xi32>
    %mul3A_113 = arith.muli %iota3A, %mul3A_112 : vector<1024x16xi32>
    %add3A_114 = arith.constant 6 : i32
    %add3A_115 = vector.broadcast %add3A_114 : i32 to vector<1024x16xi32>
    %add3A_116 = arith.addi %mul3A_113, %add3A_115 : vector<1024x16xi32>
    %mul3A_117 = arith.constant 8 : i32
    %mul3A_118 = vector.broadcast %mul3A_117 : i32 to vector<1024x16xi32>
    %mul3A_119 = arith.muli %iota3A, %mul3A_118 : vector<1024x16xi32>
    %add3A_120 = arith.constant 7 : i32
    %add3A_121 = vector.broadcast %add3A_120 : i32 to vector<1024x16xi32>
    %add3A_122 = arith.addi %mul3A_119, %add3A_121 : vector<1024x16xi32>
    %concatenate3A_123 = tpu.concatenate %add3A_80, %add3A_86, %add3A_92, %add3A_98, %add3A_104, %add3A_110, %add3A_116, %add3A_122 in 1 : vector<1024x16xi32>, vector<1024x16xi32>, vector<1024x16xi32>, vector<1024x16xi32>, vector<1024x16xi32>, vector<1024x16xi32>, vector<1024x16xi32>, vector<1024x16xi32> -> vector<1024x128xi32>
    %reduce_max3A_124 = arith.constant dense<0xFF800000> : vector<1024xf32>
    %reduce_max3A_125 = vector.multi_reduction <maximumf>, %concatenate3A, %reduce_max3A_124 [1] : vector<1024x128xf32> to vector<1024xf32>
    %broadcast_in_dim3A = vector.shape_cast %reduce_max3A_125 : vector<1024xf32> to vector<1024x1xf32>
    %eq3A = vector.broadcast %broadcast_in_dim3A : vector<1024x1xf32> to vector<1024x128xf32>
    %eq3A_126 = arith.cmpf oeq, %concatenate3A, %eq3A : vector<1024x128xf32>
    %jit3A = arith.constant 1073741824 : i32
    %broadcast_in_dim3A_127 = vector.broadcast %jit3A : i32 to vector<1024x128xi32>
    %select_n3A = arith.select %eq3A_126, %concatenate3A_74, %broadcast_in_dim3A_127 : vector<1024x128xi1>, vector<1024x128xi32>
    %reduce_min3A = arith.constant dense<2147483647> : vector<1024xi32>
    %reduce_min3A_128 = vector.multi_reduction <minsi>, %select_n3A, %reduce_min3A [1] : vector<1024x128xi32> to vector<1024xi32>
    %broadcast_in_dim3A_129 = vector.shape_cast %reduce_min3A_128 : vector<1024xi32> to vector<1024x1xi32>
    %eq3A_130 = vector.broadcast %broadcast_in_dim3A_129 : vector<1024x1xi32> to vector<1024x128xi32>
    %eq3A_131 = arith.cmpi eq, %concatenate3A_74, %eq3A_130 : vector<1024x128xi32>
    %jit3A_132 = arith.constant 1073741824 : i32
    %broadcast_in_dim3A_133 = vector.broadcast %jit3A_132 : i32 to vector<1024x128xi32>
    %select_n3A_134 = arith.select %eq3A_131, %concatenate3A_123, %broadcast_in_dim3A_133 : vector<1024x128xi1>, vector<1024x128xi32>
    %reduce_min3A_135 = arith.constant dense<2147483647> : vector<1024xi32>
    %reduce_min3A_136 = vector.multi_reduction <minsi>, %select_n3A_134, %reduce_min3A_135 [1] : vector<1024x128xi32> to vector<1024xi32>
    %broadcast_in_dim3A_137 = vector.shape_cast %reduce_min3A_136 : vector<1024xi32> to vector<1024x1xi32>
    %eq3A_138 = vector.broadcast %broadcast_in_dim3A_129 : vector<1024x1xi32> to vector<1024x128xi32>
    %eq3A_139 = arith.cmpi eq, %concatenate3A_74, %eq3A_138 : vector<1024x128xi32>
    %jit3A_140 = arith.constant -3.400000e+38 : f32
    %broadcast_in_dim3A_141 = vector.broadcast %jit3A_140 : f32 to vector<1024x128xf32>
    %select_n3A_142 = arith.select %eq3A_139, %broadcast_in_dim3A_141, %concatenate3A : vector<1024x128xi1>, vector<1024x128xf32>
    %reduce_max3A_143 = arith.constant dense<0xFF800000> : vector<1024xf32>
    %reduce_max3A_144 = vector.multi_reduction <maximumf>, %select_n3A_142, %reduce_max3A_143 [1] : vector<1024x128xf32> to vector<1024xf32>
    %broadcast_in_dim3A_145 = vector.shape_cast %reduce_max3A_144 : vector<1024xf32> to vector<1024x1xf32>
    %eq3A_146 = vector.broadcast %broadcast_in_dim3A_145 : vector<1024x1xf32> to vector<1024x128xf32>
    %eq3A_147 = arith.cmpf oeq, %select_n3A_142, %eq3A_146 : vector<1024x128xf32>
    %jit3A_148 = arith.constant 1073741824 : i32
    %broadcast_in_dim3A_149 = vector.broadcast %jit3A_148 : i32 to vector<1024x128xi32>
    %select_n3A_150 = arith.select %eq3A_147, %concatenate3A_74, %broadcast_in_dim3A_149 : vector<1024x128xi1>, vector<1024x128xi32>
    %reduce_min3A_151 = arith.constant dense<2147483647> : vector<1024xi32>
    %reduce_min3A_152 = vector.multi_reduction <minsi>, %select_n3A_150, %reduce_min3A_151 [1] : vector<1024x128xi32> to vector<1024xi32>
    %broadcast_in_dim3A_153 = vector.shape_cast %reduce_min3A_152 : vector<1024xi32> to vector<1024x1xi32>
    %eq3A_154 = vector.broadcast %broadcast_in_dim3A_153 : vector<1024x1xi32> to vector<1024x128xi32>
    %eq3A_155 = arith.cmpi eq, %concatenate3A_74, %eq3A_154 : vector<1024x128xi32>
    %jit3A_156 = arith.constant 1073741824 : i32
    %broadcast_in_dim3A_157 = vector.broadcast %jit3A_156 : i32 to vector<1024x128xi32>
    %select_n3A_158 = arith.select %eq3A_155, %concatenate3A_123, %broadcast_in_dim3A_157 : vector<1024x128xi1>, vector<1024x128xi32>
    %reduce_min3A_159 = arith.constant dense<2147483647> : vector<1024xi32>
    %reduce_min3A_160 = vector.multi_reduction <minsi>, %select_n3A_158, %reduce_min3A_159 [1] : vector<1024x128xi32> to vector<1024xi32>
    %broadcast_in_dim3A_161 = vector.shape_cast %reduce_min3A_160 : vector<1024xi32> to vector<1024x1xi32>
    %eq3A_162 = vector.broadcast %broadcast_in_dim3A_153 : vector<1024x1xi32> to vector<1024x128xi32>
    %eq3A_163 = arith.cmpi eq, %concatenate3A_74, %eq3A_162 : vector<1024x128xi32>
    %jit3A_164 = arith.constant -3.400000e+38 : f32
    %broadcast_in_dim3A_165 = vector.broadcast %jit3A_164 : f32 to vector<1024x128xf32>
    %select_n3A_166 = arith.select %eq3A_163, %broadcast_in_dim3A_165, %select_n3A_142 : vector<1024x128xi1>, vector<1024x128xf32>
    %reduce_max3A_167 = arith.constant dense<0xFF800000> : vector<1024xf32>
    %reduce_max3A_168 = vector.multi_reduction <maximumf>, %select_n3A_166, %reduce_max3A_167 [1] : vector<1024x128xf32> to vector<1024xf32>
    %broadcast_in_dim3A_169 = vector.shape_cast %reduce_max3A_168 : vector<1024xf32> to vector<1024x1xf32>
    %eq3A_170 = vector.broadcast %broadcast_in_dim3A_169 : vector<1024x1xf32> to vector<1024x128xf32>
    %eq3A_171 = arith.cmpf oeq, %select_n3A_166, %eq3A_170 : vector<1024x128xf32>
    %jit3A_172 = arith.constant 1073741824 : i32
    %broadcast_in_dim3A_173 = vector.broadcast %jit3A_172 : i32 to vector<1024x128xi32>
    %select_n3A_174 = arith.select %eq3A_171, %concatenate3A_74, %broadcast_in_dim3A_173 : vector<1024x128xi1>, vector<1024x128xi32>
    %reduce_min3A_175 = arith.constant dense<2147483647> : vector<1024xi32>
    %reduce_min3A_176 = vector.multi_reduction <minsi>, %select_n3A_174, %reduce_min3A_175 [1] : vector<1024x128xi32> to vector<1024xi32>
    %broadcast_in_dim3A_177 = vector.shape_cast %reduce_min3A_176 : vector<1024xi32> to vector<1024x1xi32>
    %eq3A_178 = vector.broadcast %broadcast_in_dim3A_177 : vector<1024x1xi32> to vector<1024x128xi32>
    %eq3A_179 = arith.cmpi eq, %concatenate3A_74, %eq3A_178 : vector<1024x128xi32>
    %jit3A_180 = arith.constant 1073741824 : i32
    %broadcast_in_dim3A_181 = vector.broadcast %jit3A_180 : i32 to vector<1024x128xi32>
    %select_n3A_182 = arith.select %eq3A_179, %concatenate3A_123, %broadcast_in_dim3A_181 : vector<1024x128xi1>, vector<1024x128xi32>
    %reduce_min3A_183 = arith.constant dense<2147483647> : vector<1024xi32>
    %reduce_min3A_184 = vector.multi_reduction <minsi>, %select_n3A_182, %reduce_min3A_183 [1] : vector<1024x128xi32> to vector<1024xi32>
    %broadcast_in_dim3A_185 = vector.shape_cast %reduce_min3A_184 : vector<1024xi32> to vector<1024x1xi32>
    %eq3A_186 = vector.broadcast %broadcast_in_dim3A_177 : vector<1024x1xi32> to vector<1024x128xi32>
    %eq3A_187 = arith.cmpi eq, %concatenate3A_74, %eq3A_186 : vector<1024x128xi32>
    %jit3A_188 = arith.constant -3.400000e+38 : f32
    %broadcast_in_dim3A_189 = vector.broadcast %jit3A_188 : f32 to vector<1024x128xf32>
    %select_n3A_190 = arith.select %eq3A_187, %broadcast_in_dim3A_189, %select_n3A_166 : vector<1024x128xi1>, vector<1024x128xf32>
    %reduce_max3A_191 = arith.constant dense<0xFF800000> : vector<1024xf32>
    %reduce_max3A_192 = vector.multi_reduction <maximumf>, %select_n3A_190, %reduce_max3A_191 [1] : vector<1024x128xf32> to vector<1024xf32>
    %broadcast_in_dim3A_193 = vector.shape_cast %reduce_max3A_192 : vector<1024xf32> to vector<1024x1xf32>
    %eq3A_194 = vector.broadcast %broadcast_in_dim3A_193 : vector<1024x1xf32> to vector<1024x128xf32>
    %eq3A_195 = arith.cmpf oeq, %select_n3A_190, %eq3A_194 : vector<1024x128xf32>
    %jit3A_196 = arith.constant 1073741824 : i32
    %broadcast_in_dim3A_197 = vector.broadcast %jit3A_196 : i32 to vector<1024x128xi32>
    %select_n3A_198 = arith.select %eq3A_195, %concatenate3A_74, %broadcast_in_dim3A_197 : vector<1024x128xi1>, vector<1024x128xi32>
    %reduce_min3A_199 = arith.constant dense<2147483647> : vector<1024xi32>
    %reduce_min3A_200 = vector.multi_reduction <minsi>, %select_n3A_198, %reduce_min3A_199 [1] : vector<1024x128xi32> to vector<1024xi32>
    %broadcast_in_dim3A_201 = vector.shape_cast %reduce_min3A_200 : vector<1024xi32> to vector<1024x1xi32>
    %eq3A_202 = vector.broadcast %broadcast_in_dim3A_201 : vector<1024x1xi32> to vector<1024x128xi32>
    %eq3A_203 = arith.cmpi eq, %concatenate3A_74, %eq3A_202 : vector<1024x128xi32>
    %jit3A_204 = arith.constant 1073741824 : i32
    %broadcast_in_dim3A_205 = vector.broadcast %jit3A_204 : i32 to vector<1024x128xi32>
    %select_n3A_206 = arith.select %eq3A_203, %concatenate3A_123, %broadcast_in_dim3A_205 : vector<1024x128xi1>, vector<1024x128xi32>
    %reduce_min3A_207 = arith.constant dense<2147483647> : vector<1024xi32>
    %reduce_min3A_208 = vector.multi_reduction <minsi>, %select_n3A_206, %reduce_min3A_207 [1] : vector<1024x128xi32> to vector<1024xi32>
    %broadcast_in_dim3A_209 = vector.shape_cast %reduce_min3A_208 : vector<1024xi32> to vector<1024x1xi32>
    %eq3A_210 = vector.broadcast %broadcast_in_dim3A_201 : vector<1024x1xi32> to vector<1024x128xi32>
    %eq3A_211 = arith.cmpi eq, %concatenate3A_74, %eq3A_210 : vector<1024x128xi32>
    %jit3A_212 = arith.constant -3.400000e+38 : f32
    %broadcast_in_dim3A_213 = vector.broadcast %jit3A_212 : f32 to vector<1024x128xf32>
    %select_n3A_214 = arith.select %eq3A_211, %broadcast_in_dim3A_213, %select_n3A_190 : vector<1024x128xi1>, vector<1024x128xf32>
    %reduce_max3A_215 = arith.constant dense<0xFF800000> : vector<1024xf32>
    %reduce_max3A_216 = vector.multi_reduction <maximumf>, %select_n3A_214, %reduce_max3A_215 [1] : vector<1024x128xf32> to vector<1024xf32>
    %broadcast_in_dim3A_217 = vector.shape_cast %reduce_max3A_216 : vector<1024xf32> to vector<1024x1xf32>
    %eq3A_218 = vector.broadcast %broadcast_in_dim3A_217 : vector<1024x1xf32> to vector<1024x128xf32>
    %eq3A_219 = arith.cmpf oeq, %select_n3A_214, %eq3A_218 : vector<1024x128xf32>
    %jit3A_220 = arith.constant 1073741824 : i32
    %broadcast_in_dim3A_221 = vector.broadcast %jit3A_220 : i32 to vector<1024x128xi32>
    %select_n3A_222 = arith.select %eq3A_219, %concatenate3A_74, %broadcast_in_dim3A_221 : vector<1024x128xi1>, vector<1024x128xi32>
    %reduce_min3A_223 = arith.constant dense<2147483647> : vector<1024xi32>
    %reduce_min3A_224 = vector.multi_reduction <minsi>, %select_n3A_222, %reduce_min3A_223 [1] : vector<1024x128xi32> to vector<1024xi32>
    %broadcast_in_dim3A_225 = vector.shape_cast %reduce_min3A_224 : vector<1024xi32> to vector<1024x1xi32>
    %eq3A_226 = vector.broadcast %broadcast_in_dim3A_225 : vector<1024x1xi32> to vector<1024x128xi32>
    %eq3A_227 = arith.cmpi eq, %concatenate3A_74, %eq3A_226 : vector<1024x128xi32>
    %jit3A_228 = arith.constant 1073741824 : i32
    %broadcast_in_dim3A_229 = vector.broadcast %jit3A_228 : i32 to vector<1024x128xi32>
    %select_n3A_230 = arith.select %eq3A_227, %concatenate3A_123, %broadcast_in_dim3A_229 : vector<1024x128xi1>, vector<1024x128xi32>
    %reduce_min3A_231 = arith.constant dense<2147483647> : vector<1024xi32>
    %reduce_min3A_232 = vector.multi_reduction <minsi>, %select_n3A_230, %reduce_min3A_231 [1] : vector<1024x128xi32> to vector<1024xi32>
    %broadcast_in_dim3A_233 = vector.shape_cast %reduce_min3A_232 : vector<1024xi32> to vector<1024x1xi32>
    %eq3A_234 = vector.broadcast %broadcast_in_dim3A_225 : vector<1024x1xi32> to vector<1024x128xi32>
    %eq3A_235 = arith.cmpi eq, %concatenate3A_74, %eq3A_234 : vector<1024x128xi32>
    %jit3A_236 = arith.constant -3.400000e+38 : f32
    %broadcast_in_dim3A_237 = vector.broadcast %jit3A_236 : f32 to vector<1024x128xf32>
    %select_n3A_238 = arith.select %eq3A_235, %broadcast_in_dim3A_237, %select_n3A_214 : vector<1024x128xi1>, vector<1024x128xf32>
    %reduce_max3A_239 = arith.constant dense<0xFF800000> : vector<1024xf32>
    %reduce_max3A_240 = vector.multi_reduction <maximumf>, %select_n3A_238, %reduce_max3A_239 [1] : vector<1024x128xf32> to vector<1024xf32>
    %broadcast_in_dim3A_241 = vector.shape_cast %reduce_max3A_240 : vector<1024xf32> to vector<1024x1xf32>
    %eq3A_242 = vector.broadcast %broadcast_in_dim3A_241 : vector<1024x1xf32> to vector<1024x128xf32>
    %eq3A_243 = arith.cmpf oeq, %select_n3A_238, %eq3A_242 : vector<1024x128xf32>
    %jit3A_244 = arith.constant 1073741824 : i32
    %broadcast_in_dim3A_245 = vector.broadcast %jit3A_244 : i32 to vector<1024x128xi32>
    %select_n3A_246 = arith.select %eq3A_243, %concatenate3A_74, %broadcast_in_dim3A_245 : vector<1024x128xi1>, vector<1024x128xi32>
    %reduce_min3A_247 = arith.constant dense<2147483647> : vector<1024xi32>
    %reduce_min3A_248 = vector.multi_reduction <minsi>, %select_n3A_246, %reduce_min3A_247 [1] : vector<1024x128xi32> to vector<1024xi32>
    %broadcast_in_dim3A_249 = vector.shape_cast %reduce_min3A_248 : vector<1024xi32> to vector<1024x1xi32>
    %eq3A_250 = vector.broadcast %broadcast_in_dim3A_249 : vector<1024x1xi32> to vector<1024x128xi32>
    %eq3A_251 = arith.cmpi eq, %concatenate3A_74, %eq3A_250 : vector<1024x128xi32>
    %jit3A_252 = arith.constant 1073741824 : i32
    %broadcast_in_dim3A_253 = vector.broadcast %jit3A_252 : i32 to vector<1024x128xi32>
    %select_n3A_254 = arith.select %eq3A_251, %concatenate3A_123, %broadcast_in_dim3A_253 : vector<1024x128xi1>, vector<1024x128xi32>
    %reduce_min3A_255 = arith.constant dense<2147483647> : vector<1024xi32>
    %reduce_min3A_256 = vector.multi_reduction <minsi>, %select_n3A_254, %reduce_min3A_255 [1] : vector<1024x128xi32> to vector<1024xi32>
    %broadcast_in_dim3A_257 = vector.shape_cast %reduce_min3A_256 : vector<1024xi32> to vector<1024x1xi32>
    %eq3A_258 = vector.broadcast %broadcast_in_dim3A_249 : vector<1024x1xi32> to vector<1024x128xi32>
    %eq3A_259 = arith.cmpi eq, %concatenate3A_74, %eq3A_258 : vector<1024x128xi32>
    %jit3A_260 = arith.constant -3.400000e+38 : f32
    %broadcast_in_dim3A_261 = vector.broadcast %jit3A_260 : f32 to vector<1024x128xf32>
    %select_n3A_262 = arith.select %eq3A_259, %broadcast_in_dim3A_261, %select_n3A_238 : vector<1024x128xi1>, vector<1024x128xf32>
    %reduce_max3A_263 = arith.constant dense<0xFF800000> : vector<1024xf32>
    %reduce_max3A_264 = vector.multi_reduction <maximumf>, %select_n3A_262, %reduce_max3A_263 [1] : vector<1024x128xf32> to vector<1024xf32>
    %broadcast_in_dim3A_265 = vector.shape_cast %reduce_max3A_264 : vector<1024xf32> to vector<1024x1xf32>
    %eq3A_266 = vector.broadcast %broadcast_in_dim3A_265 : vector<1024x1xf32> to vector<1024x128xf32>
    %eq3A_267 = arith.cmpf oeq, %select_n3A_262, %eq3A_266 : vector<1024x128xf32>
    %jit3A_268 = arith.constant 1073741824 : i32
    %broadcast_in_dim3A_269 = vector.broadcast %jit3A_268 : i32 to vector<1024x128xi32>
    %select_n3A_270 = arith.select %eq3A_267, %concatenate3A_74, %broadcast_in_dim3A_269 : vector<1024x128xi1>, vector<1024x128xi32>
    %reduce_min3A_271 = arith.constant dense<2147483647> : vector<1024xi32>
    %reduce_min3A_272 = vector.multi_reduction <minsi>, %select_n3A_270, %reduce_min3A_271 [1] : vector<1024x128xi32> to vector<1024xi32>
    %broadcast_in_dim3A_273 = vector.shape_cast %reduce_min3A_272 : vector<1024xi32> to vector<1024x1xi32>
    %eq3A_274 = vector.broadcast %broadcast_in_dim3A_273 : vector<1024x1xi32> to vector<1024x128xi32>
    %eq3A_275 = arith.cmpi eq, %concatenate3A_74, %eq3A_274 : vector<1024x128xi32>
    %jit3A_276 = arith.constant 1073741824 : i32
    %broadcast_in_dim3A_277 = vector.broadcast %jit3A_276 : i32 to vector<1024x128xi32>
    %select_n3A_278 = arith.select %eq3A_275, %concatenate3A_123, %broadcast_in_dim3A_277 : vector<1024x128xi1>, vector<1024x128xi32>
    %reduce_min3A_279 = arith.constant dense<2147483647> : vector<1024xi32>
    %reduce_min3A_280 = vector.multi_reduction <minsi>, %select_n3A_278, %reduce_min3A_279 [1] : vector<1024x128xi32> to vector<1024xi32>
    %broadcast_in_dim3A_281 = vector.shape_cast %reduce_min3A_280 : vector<1024xi32> to vector<1024x1xi32>
    %eq3A_282 = vector.broadcast %broadcast_in_dim3A_273 : vector<1024x1xi32> to vector<1024x128xi32>
    %eq3A_283 = arith.cmpi eq, %concatenate3A_74, %eq3A_282 : vector<1024x128xi32>
    %jit3A_284 = arith.constant -3.400000e+38 : f32
    %broadcast_in_dim3A_285 = vector.broadcast %jit3A_284 : f32 to vector<1024x128xf32>
    %select_n3A_286 = arith.select %eq3A_283, %broadcast_in_dim3A_285, %select_n3A_262 : vector<1024x128xi1>, vector<1024x128xf32>
    %reduce_max3A_287 = arith.constant dense<0xFF800000> : vector<1024xf32>
    %reduce_max3A_288 = vector.multi_reduction <maximumf>, %select_n3A_286, %reduce_max3A_287 [1] : vector<1024x128xf32> to vector<1024xf32>
    %broadcast_in_dim3A_289 = vector.shape_cast %reduce_max3A_288 : vector<1024xf32> to vector<1024x1xf32>
    %eq3A_290 = vector.broadcast %broadcast_in_dim3A_289 : vector<1024x1xf32> to vector<1024x128xf32>
    %eq3A_291 = arith.cmpf oeq, %select_n3A_286, %eq3A_290 : vector<1024x128xf32>
    %jit3A_292 = arith.constant 1073741824 : i32
    %broadcast_in_dim3A_293 = vector.broadcast %jit3A_292 : i32 to vector<1024x128xi32>
    %select_n3A_294 = arith.select %eq3A_291, %concatenate3A_74, %broadcast_in_dim3A_293 : vector<1024x128xi1>, vector<1024x128xi32>
    %reduce_min3A_295 = arith.constant dense<2147483647> : vector<1024xi32>
    %reduce_min3A_296 = vector.multi_reduction <minsi>, %select_n3A_294, %reduce_min3A_295 [1] : vector<1024x128xi32> to vector<1024xi32>
    %broadcast_in_dim3A_297 = vector.shape_cast %reduce_min3A_296 : vector<1024xi32> to vector<1024x1xi32>
    %eq3A_298 = vector.broadcast %broadcast_in_dim3A_297 : vector<1024x1xi32> to vector<1024x128xi32>
    %eq3A_299 = arith.cmpi eq, %concatenate3A_74, %eq3A_298 : vector<1024x128xi32>
    %jit3A_300 = arith.constant 1073741824 : i32
    %broadcast_in_dim3A_301 = vector.broadcast %jit3A_300 : i32 to vector<1024x128xi32>
    %select_n3A_302 = arith.select %eq3A_299, %concatenate3A_123, %broadcast_in_dim3A_301 : vector<1024x128xi1>, vector<1024x128xi32>
    %reduce_min3A_303 = arith.constant dense<2147483647> : vector<1024xi32>
    %reduce_min3A_304 = vector.multi_reduction <minsi>, %select_n3A_302, %reduce_min3A_303 [1] : vector<1024x128xi32> to vector<1024xi32>
    %broadcast_in_dim3A_305 = vector.shape_cast %reduce_min3A_304 : vector<1024xi32> to vector<1024x1xi32>
    %eq3A_306 = vector.broadcast %broadcast_in_dim3A_297 : vector<1024x1xi32> to vector<1024x128xi32>
    %eq3A_307 = arith.cmpi eq, %concatenate3A_74, %eq3A_306 : vector<1024x128xi32>
    %jit3A_308 = arith.constant -3.400000e+38 : f32
    %broadcast_in_dim3A_309 = vector.broadcast %jit3A_308 : f32 to vector<1024x128xf32>
    %select_n3A_310 = arith.select %eq3A_307, %broadcast_in_dim3A_309, %select_n3A_286 : vector<1024x128xi1>, vector<1024x128xf32>
    %reduce_max3A_311 = arith.constant dense<0xFF800000> : vector<1024xf32>
    %reduce_max3A_312 = vector.multi_reduction <maximumf>, %select_n3A_310, %reduce_max3A_311 [1] : vector<1024x128xf32> to vector<1024xf32>
    %broadcast_in_dim3A_313 = vector.shape_cast %reduce_max3A_312 : vector<1024xf32> to vector<1024x1xf32>
    %eq3A_314 = vector.broadcast %broadcast_in_dim3A_313 : vector<1024x1xf32> to vector<1024x128xf32>
    %eq3A_315 = arith.cmpf oeq, %select_n3A_310, %eq3A_314 : vector<1024x128xf32>
    %jit3A_316 = arith.constant 1073741824 : i32
    %broadcast_in_dim3A_317 = vector.broadcast %jit3A_316 : i32 to vector<1024x128xi32>
    %select_n3A_318 = arith.select %eq3A_315, %concatenate3A_74, %broadcast_in_dim3A_317 : vector<1024x128xi1>, vector<1024x128xi32>
    %reduce_min3A_319 = arith.constant dense<2147483647> : vector<1024xi32>
    %reduce_min3A_320 = vector.multi_reduction <minsi>, %select_n3A_318, %reduce_min3A_319 [1] : vector<1024x128xi32> to vector<1024xi32>
    %broadcast_in_dim3A_321 = vector.shape_cast %reduce_min3A_320 : vector<1024xi32> to vector<1024x1xi32>
    %eq3A_322 = vector.broadcast %broadcast_in_dim3A_321 : vector<1024x1xi32> to vector<1024x128xi32>
    %eq3A_323 = arith.cmpi eq, %concatenate3A_74, %eq3A_322 : vector<1024x128xi32>
    %jit3A_324 = arith.constant 1073741824 : i32
    %broadcast_in_dim3A_325 = vector.broadcast %jit3A_324 : i32 to vector<1024x128xi32>
    %select_n3A_326 = arith.select %eq3A_323, %concatenate3A_123, %broadcast_in_dim3A_325 : vector<1024x128xi1>, vector<1024x128xi32>
    %reduce_min3A_327 = arith.constant dense<2147483647> : vector<1024xi32>
    %reduce_min3A_328 = vector.multi_reduction <minsi>, %select_n3A_326, %reduce_min3A_327 [1] : vector<1024x128xi32> to vector<1024xi32>
    %broadcast_in_dim3A_329 = vector.shape_cast %reduce_min3A_328 : vector<1024xi32> to vector<1024x1xi32>
    %eq3A_330 = vector.broadcast %broadcast_in_dim3A_321 : vector<1024x1xi32> to vector<1024x128xi32>
    %eq3A_331 = arith.cmpi eq, %concatenate3A_74, %eq3A_330 : vector<1024x128xi32>
    %jit3A_332 = arith.constant -3.400000e+38 : f32
    %broadcast_in_dim3A_333 = vector.broadcast %jit3A_332 : f32 to vector<1024x128xf32>
    %select_n3A_334 = arith.select %eq3A_331, %broadcast_in_dim3A_333, %select_n3A_310 : vector<1024x128xi1>, vector<1024x128xf32>
    %reduce_max3A_335 = arith.constant dense<0xFF800000> : vector<1024xf32>
    %reduce_max3A_336 = vector.multi_reduction <maximumf>, %select_n3A_334, %reduce_max3A_335 [1] : vector<1024x128xf32> to vector<1024xf32>
    %broadcast_in_dim3A_337 = vector.shape_cast %reduce_max3A_336 : vector<1024xf32> to vector<1024x1xf32>
    %eq3A_338 = vector.broadcast %broadcast_in_dim3A_337 : vector<1024x1xf32> to vector<1024x128xf32>
    %eq3A_339 = arith.cmpf oeq, %select_n3A_334, %eq3A_338 : vector<1024x128xf32>
    %jit3A_340 = arith.constant 1073741824 : i32
    %broadcast_in_dim3A_341 = vector.broadcast %jit3A_340 : i32 to vector<1024x128xi32>
    %select_n3A_342 = arith.select %eq3A_339, %concatenate3A_74, %broadcast_in_dim3A_341 : vector<1024x128xi1>, vector<1024x128xi32>
    %reduce_min3A_343 = arith.constant dense<2147483647> : vector<1024xi32>
    %reduce_min3A_344 = vector.multi_reduction <minsi>, %select_n3A_342, %reduce_min3A_343 [1] : vector<1024x128xi32> to vector<1024xi32>
    %broadcast_in_dim3A_345 = vector.shape_cast %reduce_min3A_344 : vector<1024xi32> to vector<1024x1xi32>
    %eq3A_346 = vector.broadcast %broadcast_in_dim3A_345 : vector<1024x1xi32> to vector<1024x128xi32>
    %eq3A_347 = arith.cmpi eq, %concatenate3A_74, %eq3A_346 : vector<1024x128xi32>
    %jit3A_348 = arith.constant 1073741824 : i32
    %broadcast_in_dim3A_349 = vector.broadcast %jit3A_348 : i32 to vector<1024x128xi32>
    %select_n3A_350 = arith.select %eq3A_347, %concatenate3A_123, %broadcast_in_dim3A_349 : vector<1024x128xi1>, vector<1024x128xi32>
    %reduce_min3A_351 = arith.constant dense<2147483647> : vector<1024xi32>
    %reduce_min3A_352 = vector.multi_reduction <minsi>, %select_n3A_350, %reduce_min3A_351 [1] : vector<1024x128xi32> to vector<1024xi32>
    %broadcast_in_dim3A_353 = vector.shape_cast %reduce_min3A_352 : vector<1024xi32> to vector<1024x1xi32>
    %eq3A_354 = vector.broadcast %broadcast_in_dim3A_345 : vector<1024x1xi32> to vector<1024x128xi32>
    %eq3A_355 = arith.cmpi eq, %concatenate3A_74, %eq3A_354 : vector<1024x128xi32>
    %jit3A_356 = arith.constant -3.400000e+38 : f32
    %broadcast_in_dim3A_357 = vector.broadcast %jit3A_356 : f32 to vector<1024x128xf32>
    %select_n3A_358 = arith.select %eq3A_355, %broadcast_in_dim3A_357, %select_n3A_334 : vector<1024x128xi1>, vector<1024x128xf32>
    %reduce_max3A_359 = arith.constant dense<0xFF800000> : vector<1024xf32>
    %reduce_max3A_360 = vector.multi_reduction <maximumf>, %select_n3A_358, %reduce_max3A_359 [1] : vector<1024x128xf32> to vector<1024xf32>
    %broadcast_in_dim3A_361 = vector.shape_cast %reduce_max3A_360 : vector<1024xf32> to vector<1024x1xf32>
    %eq3A_362 = vector.broadcast %broadcast_in_dim3A_361 : vector<1024x1xf32> to vector<1024x128xf32>
    %eq3A_363 = arith.cmpf oeq, %select_n3A_358, %eq3A_362 : vector<1024x128xf32>
    %jit3A_364 = arith.constant 1073741824 : i32
    %broadcast_in_dim3A_365 = vector.broadcast %jit3A_364 : i32 to vector<1024x128xi32>
    %select_n3A_366 = arith.select %eq3A_363, %concatenate3A_74, %broadcast_in_dim3A_365 : vector<1024x128xi1>, vector<1024x128xi32>
    %reduce_min3A_367 = arith.constant dense<2147483647> : vector<1024xi32>
    %reduce_min3A_368 = vector.multi_reduction <minsi>, %select_n3A_366, %reduce_min3A_367 [1] : vector<1024x128xi32> to vector<1024xi32>
    %broadcast_in_dim3A_369 = vector.shape_cast %reduce_min3A_368 : vector<1024xi32> to vector<1024x1xi32>
    %eq3A_370 = vector.broadcast %broadcast_in_dim3A_369 : vector<1024x1xi32> to vector<1024x128xi32>
    %eq3A_371 = arith.cmpi eq, %concatenate3A_74, %eq3A_370 : vector<1024x128xi32>
    %jit3A_372 = arith.constant 1073741824 : i32
    %broadcast_in_dim3A_373 = vector.broadcast %jit3A_372 : i32 to vector<1024x128xi32>
    %select_n3A_374 = arith.select %eq3A_371, %concatenate3A_123, %broadcast_in_dim3A_373 : vector<1024x128xi1>, vector<1024x128xi32>
    %reduce_min3A_375 = arith.constant dense<2147483647> : vector<1024xi32>
    %reduce_min3A_376 = vector.multi_reduction <minsi>, %select_n3A_374, %reduce_min3A_375 [1] : vector<1024x128xi32> to vector<1024xi32>
    %broadcast_in_dim3A_377 = vector.shape_cast %reduce_min3A_376 : vector<1024xi32> to vector<1024x1xi32>
    %eq3A_378 = vector.broadcast %broadcast_in_dim3A_369 : vector<1024x1xi32> to vector<1024x128xi32>
    %eq3A_379 = arith.cmpi eq, %concatenate3A_74, %eq3A_378 : vector<1024x128xi32>
    %jit3A_380 = arith.constant -3.400000e+38 : f32
    %broadcast_in_dim3A_381 = vector.broadcast %jit3A_380 : f32 to vector<1024x128xf32>
    %select_n3A_382 = arith.select %eq3A_379, %broadcast_in_dim3A_381, %select_n3A_358 : vector<1024x128xi1>, vector<1024x128xf32>
    %reduce_max3A_383 = arith.constant dense<0xFF800000> : vector<1024xf32>
    %reduce_max3A_384 = vector.multi_reduction <maximumf>, %select_n3A_382, %reduce_max3A_383 [1] : vector<1024x128xf32> to vector<1024xf32>
    %broadcast_in_dim3A_385 = vector.shape_cast %reduce_max3A_384 : vector<1024xf32> to vector<1024x1xf32>
    %eq3A_386 = vector.broadcast %broadcast_in_dim3A_385 : vector<1024x1xf32> to vector<1024x128xf32>
    %eq3A_387 = arith.cmpf oeq, %select_n3A_382, %eq3A_386 : vector<1024x128xf32>
    %jit3A_388 = arith.constant 1073741824 : i32
    %broadcast_in_dim3A_389 = vector.broadcast %jit3A_388 : i32 to vector<1024x128xi32>
    %select_n3A_390 = arith.select %eq3A_387, %concatenate3A_74, %broadcast_in_dim3A_389 : vector<1024x128xi1>, vector<1024x128xi32>
    %reduce_min3A_391 = arith.constant dense<2147483647> : vector<1024xi32>
    %reduce_min3A_392 = vector.multi_reduction <minsi>, %select_n3A_390, %reduce_min3A_391 [1] : vector<1024x128xi32> to vector<1024xi32>
    %broadcast_in_dim3A_393 = vector.shape_cast %reduce_min3A_392 : vector<1024xi32> to vector<1024x1xi32>
    %eq3A_394 = vector.broadcast %broadcast_in_dim3A_393 : vector<1024x1xi32> to vector<1024x128xi32>
    %eq3A_395 = arith.cmpi eq, %concatenate3A_74, %eq3A_394 : vector<1024x128xi32>
    %jit3A_396 = arith.constant 1073741824 : i32
    %broadcast_in_dim3A_397 = vector.broadcast %jit3A_396 : i32 to vector<1024x128xi32>
    %select_n3A_398 = arith.select %eq3A_395, %concatenate3A_123, %broadcast_in_dim3A_397 : vector<1024x128xi1>, vector<1024x128xi32>
    %reduce_min3A_399 = arith.constant dense<2147483647> : vector<1024xi32>
    %reduce_min3A_400 = vector.multi_reduction <minsi>, %select_n3A_398, %reduce_min3A_399 [1] : vector<1024x128xi32> to vector<1024xi32>
    %broadcast_in_dim3A_401 = vector.shape_cast %reduce_min3A_400 : vector<1024xi32> to vector<1024x1xi32>
    %eq3A_402 = vector.broadcast %broadcast_in_dim3A_393 : vector<1024x1xi32> to vector<1024x128xi32>
    %eq3A_403 = arith.cmpi eq, %concatenate3A_74, %eq3A_402 : vector<1024x128xi32>
    %jit3A_404 = arith.constant -3.400000e+38 : f32
    %broadcast_in_dim3A_405 = vector.broadcast %jit3A_404 : f32 to vector<1024x128xf32>
    %select_n3A_406 = arith.select %eq3A_403, %broadcast_in_dim3A_405, %select_n3A_382 : vector<1024x128xi1>, vector<1024x128xf32>
    %reduce_max3A_407 = arith.constant dense<0xFF800000> : vector<1024xf32>
    %reduce_max3A_408 = vector.multi_reduction <maximumf>, %select_n3A_406, %reduce_max3A_407 [1] : vector<1024x128xf32> to vector<1024xf32>
    %broadcast_in_dim3A_409 = vector.shape_cast %reduce_max3A_408 : vector<1024xf32> to vector<1024x1xf32>
    %eq3A_410 = vector.broadcast %broadcast_in_dim3A_409 : vector<1024x1xf32> to vector<1024x128xf32>
    %eq3A_411 = arith.cmpf oeq, %select_n3A_406, %eq3A_410 : vector<1024x128xf32>
    %jit3A_412 = arith.constant 1073741824 : i32
    %broadcast_in_dim3A_413 = vector.broadcast %jit3A_412 : i32 to vector<1024x128xi32>
    %select_n3A_414 = arith.select %eq3A_411, %concatenate3A_74, %broadcast_in_dim3A_413 : vector<1024x128xi1>, vector<1024x128xi32>
    %reduce_min3A_415 = arith.constant dense<2147483647> : vector<1024xi32>
    %reduce_min3A_416 = vector.multi_reduction <minsi>, %select_n3A_414, %reduce_min3A_415 [1] : vector<1024x128xi32> to vector<1024xi32>
    %broadcast_in_dim3A_417 = vector.shape_cast %reduce_min3A_416 : vector<1024xi32> to vector<1024x1xi32>
    %eq3A_418 = vector.broadcast %broadcast_in_dim3A_417 : vector<1024x1xi32> to vector<1024x128xi32>
    %eq3A_419 = arith.cmpi eq, %concatenate3A_74, %eq3A_418 : vector<1024x128xi32>
    %jit3A_420 = arith.constant 1073741824 : i32
    %broadcast_in_dim3A_421 = vector.broadcast %jit3A_420 : i32 to vector<1024x128xi32>
    %select_n3A_422 = arith.select %eq3A_419, %concatenate3A_123, %broadcast_in_dim3A_421 : vector<1024x128xi1>, vector<1024x128xi32>
    %reduce_min3A_423 = arith.constant dense<2147483647> : vector<1024xi32>
    %reduce_min3A_424 = vector.multi_reduction <minsi>, %select_n3A_422, %reduce_min3A_423 [1] : vector<1024x128xi32> to vector<1024xi32>
    %broadcast_in_dim3A_425 = vector.shape_cast %reduce_min3A_424 : vector<1024xi32> to vector<1024x1xi32>
    %eq3A_426 = vector.broadcast %broadcast_in_dim3A_417 : vector<1024x1xi32> to vector<1024x128xi32>
    %eq3A_427 = arith.cmpi eq, %concatenate3A_74, %eq3A_426 : vector<1024x128xi32>
    %jit3A_428 = arith.constant -3.400000e+38 : f32
    %broadcast_in_dim3A_429 = vector.broadcast %jit3A_428 : f32 to vector<1024x128xf32>
    %select_n3A_430 = arith.select %eq3A_427, %broadcast_in_dim3A_429, %select_n3A_406 : vector<1024x128xi1>, vector<1024x128xf32>
    %reduce_max3A_431 = arith.constant dense<0xFF800000> : vector<1024xf32>
    %reduce_max3A_432 = vector.multi_reduction <maximumf>, %select_n3A_430, %reduce_max3A_431 [1] : vector<1024x128xf32> to vector<1024xf32>
    %broadcast_in_dim3A_433 = vector.shape_cast %reduce_max3A_432 : vector<1024xf32> to vector<1024x1xf32>
    %eq3A_434 = vector.broadcast %broadcast_in_dim3A_433 : vector<1024x1xf32> to vector<1024x128xf32>
    %eq3A_435 = arith.cmpf oeq, %select_n3A_430, %eq3A_434 : vector<1024x128xf32>
    %jit3A_436 = arith.constant 1073741824 : i32
    %broadcast_in_dim3A_437 = vector.broadcast %jit3A_436 : i32 to vector<1024x128xi32>
    %select_n3A_438 = arith.select %eq3A_435, %concatenate3A_74, %broadcast_in_dim3A_437 : vector<1024x128xi1>, vector<1024x128xi32>
    %reduce_min3A_439 = arith.constant dense<2147483647> : vector<1024xi32>
    %reduce_min3A_440 = vector.multi_reduction <minsi>, %select_n3A_438, %reduce_min3A_439 [1] : vector<1024x128xi32> to vector<1024xi32>
    %broadcast_in_dim3A_441 = vector.shape_cast %reduce_min3A_440 : vector<1024xi32> to vector<1024x1xi32>
    %eq3A_442 = vector.broadcast %broadcast_in_dim3A_441 : vector<1024x1xi32> to vector<1024x128xi32>
    %eq3A_443 = arith.cmpi eq, %concatenate3A_74, %eq3A_442 : vector<1024x128xi32>
    %jit3A_444 = arith.constant 1073741824 : i32
    %broadcast_in_dim3A_445 = vector.broadcast %jit3A_444 : i32 to vector<1024x128xi32>
    %select_n3A_446 = arith.select %eq3A_443, %concatenate3A_123, %broadcast_in_dim3A_445 : vector<1024x128xi1>, vector<1024x128xi32>
    %reduce_min3A_447 = arith.constant dense<2147483647> : vector<1024xi32>
    %reduce_min3A_448 = vector.multi_reduction <minsi>, %select_n3A_446, %reduce_min3A_447 [1] : vector<1024x128xi32> to vector<1024xi32>
    %broadcast_in_dim3A_449 = vector.shape_cast %reduce_min3A_448 : vector<1024xi32> to vector<1024x1xi32>
    %eq3A_450 = vector.broadcast %broadcast_in_dim3A_441 : vector<1024x1xi32> to vector<1024x128xi32>
    %eq3A_451 = arith.cmpi eq, %concatenate3A_74, %eq3A_450 : vector<1024x128xi32>
    %jit3A_452 = arith.constant -3.400000e+38 : f32
    %broadcast_in_dim3A_453 = vector.broadcast %jit3A_452 : f32 to vector<1024x128xf32>
    %select_n3A_454 = arith.select %eq3A_451, %broadcast_in_dim3A_453, %select_n3A_430 : vector<1024x128xi1>, vector<1024x128xf32>
    %reduce_max3A_455 = arith.constant dense<0xFF800000> : vector<1024xf32>
    %reduce_max3A_456 = vector.multi_reduction <maximumf>, %select_n3A_454, %reduce_max3A_455 [1] : vector<1024x128xf32> to vector<1024xf32>
    %broadcast_in_dim3A_457 = vector.shape_cast %reduce_max3A_456 : vector<1024xf32> to vector<1024x1xf32>
    %eq3A_458 = vector.broadcast %broadcast_in_dim3A_457 : vector<1024x1xf32> to vector<1024x128xf32>
    %eq3A_459 = arith.cmpf oeq, %select_n3A_454, %eq3A_458 : vector<1024x128xf32>
    %jit3A_460 = arith.constant 1073741824 : i32
    %broadcast_in_dim3A_461 = vector.broadcast %jit3A_460 : i32 to vector<1024x128xi32>
    %select_n3A_462 = arith.select %eq3A_459, %concatenate3A_74, %broadcast_in_dim3A_461 : vector<1024x128xi1>, vector<1024x128xi32>
    %reduce_min3A_463 = arith.constant dense<2147483647> : vector<1024xi32>
    %reduce_min3A_464 = vector.multi_reduction <minsi>, %select_n3A_462, %reduce_min3A_463 [1] : vector<1024x128xi32> to vector<1024xi32>
    %broadcast_in_dim3A_465 = vector.shape_cast %reduce_min3A_464 : vector<1024xi32> to vector<1024x1xi32>
    %eq3A_466 = vector.broadcast %broadcast_in_dim3A_465 : vector<1024x1xi32> to vector<1024x128xi32>
    %eq3A_467 = arith.cmpi eq, %concatenate3A_74, %eq3A_466 : vector<1024x128xi32>
    %jit3A_468 = arith.constant 1073741824 : i32
    %broadcast_in_dim3A_469 = vector.broadcast %jit3A_468 : i32 to vector<1024x128xi32>
    %select_n3A_470 = arith.select %eq3A_467, %concatenate3A_123, %broadcast_in_dim3A_469 : vector<1024x128xi1>, vector<1024x128xi32>
    %reduce_min3A_471 = arith.constant dense<2147483647> : vector<1024xi32>
    %reduce_min3A_472 = vector.multi_reduction <minsi>, %select_n3A_470, %reduce_min3A_471 [1] : vector<1024x128xi32> to vector<1024xi32>
    %broadcast_in_dim3A_473 = vector.shape_cast %reduce_min3A_472 : vector<1024xi32> to vector<1024x1xi32>
    %eq3A_474 = vector.broadcast %broadcast_in_dim3A_465 : vector<1024x1xi32> to vector<1024x128xi32>
    %eq3A_475 = arith.cmpi eq, %concatenate3A_74, %eq3A_474 : vector<1024x128xi32>
    %jit3A_476 = arith.constant -3.400000e+38 : f32
    %broadcast_in_dim3A_477 = vector.broadcast %jit3A_476 : f32 to vector<1024x128xf32>
    %select_n3A_478 = arith.select %eq3A_475, %broadcast_in_dim3A_477, %select_n3A_454 : vector<1024x128xi1>, vector<1024x128xf32>
    %reduce_max3A_479 = arith.constant dense<0xFF800000> : vector<1024xf32>
    %reduce_max3A_480 = vector.multi_reduction <maximumf>, %select_n3A_478, %reduce_max3A_479 [1] : vector<1024x128xf32> to vector<1024xf32>
    %broadcast_in_dim3A_481 = vector.shape_cast %reduce_max3A_480 : vector<1024xf32> to vector<1024x1xf32>
    %eq3A_482 = vector.broadcast %broadcast_in_dim3A_481 : vector<1024x1xf32> to vector<1024x128xf32>
    %eq3A_483 = arith.cmpf oeq, %select_n3A_478, %eq3A_482 : vector<1024x128xf32>
    %jit3A_484 = arith.constant 1073741824 : i32
    %broadcast_in_dim3A_485 = vector.broadcast %jit3A_484 : i32 to vector<1024x128xi32>
    %select_n3A_486 = arith.select %eq3A_483, %concatenate3A_74, %broadcast_in_dim3A_485 : vector<1024x128xi1>, vector<1024x128xi32>
    %reduce_min3A_487 = arith.constant dense<2147483647> : vector<1024xi32>
    %reduce_min3A_488 = vector.multi_reduction <minsi>, %select_n3A_486, %reduce_min3A_487 [1] : vector<1024x128xi32> to vector<1024xi32>
    %broadcast_in_dim3A_489 = vector.shape_cast %reduce_min3A_488 : vector<1024xi32> to vector<1024x1xi32>
    %eq3A_490 = vector.broadcast %broadcast_in_dim3A_489 : vector<1024x1xi32> to vector<1024x128xi32>
    %eq3A_491 = arith.cmpi eq, %concatenate3A_74, %eq3A_490 : vector<1024x128xi32>
    %jit3A_492 = arith.constant 1073741824 : i32
    %broadcast_in_dim3A_493 = vector.broadcast %jit3A_492 : i32 to vector<1024x128xi32>
    %select_n3A_494 = arith.select %eq3A_491, %concatenate3A_123, %broadcast_in_dim3A_493 : vector<1024x128xi1>, vector<1024x128xi32>
    %reduce_min3A_495 = arith.constant dense<2147483647> : vector<1024xi32>
    %reduce_min3A_496 = vector.multi_reduction <minsi>, %select_n3A_494, %reduce_min3A_495 [1] : vector<1024x128xi32> to vector<1024xi32>
    %broadcast_in_dim3A_497 = vector.shape_cast %reduce_min3A_496 : vector<1024xi32> to vector<1024x1xi32>
    %concatenate3A_498 = tpu.concatenate %broadcast_in_dim3A_137, %broadcast_in_dim3A_161, %broadcast_in_dim3A_185, %broadcast_in_dim3A_209, %broadcast_in_dim3A_233, %broadcast_in_dim3A_257, %broadcast_in_dim3A_281, %broadcast_in_dim3A_305, %broadcast_in_dim3A_329, %broadcast_in_dim3A_353, %broadcast_in_dim3A_377, %broadcast_in_dim3A_401, %broadcast_in_dim3A_425, %broadcast_in_dim3A_449, %broadcast_in_dim3A_473, %broadcast_in_dim3A_497 in 1 : vector<1024x1xi32>, vector<1024x1xi32>, vector<1024x1xi32>, vector<1024x1xi32>, vector<1024x1xi32>, vector<1024x1xi32>, vector<1024x1xi32>, vector<1024x1xi32>, vector<1024x1xi32>, vector<1024x1xi32>, vector<1024x1xi32>, vector<1024x1xi32>, vector<1024x1xi32>, vector<1024x1xi32>, vector<1024x1xi32>, vector<1024x1xi32> -> vector<1024x16xi32>
    %swap3A = arith.constant 0 : index
    %swap3A_499 = arith.constant 0 : index
    %swap3A_500 = vector.load %arg2[%swap3A, %swap3A_499] : memref<1024x16xi32, #tpu.memory_space<vmem>>, vector<1024x16xi32>
    tpu.vector_store %arg2[%swap3A, %swap3A_499], %concatenate3A_498 {strides = array<i32>} : memref<1024x16xi32, #tpu.memory_space<vmem>>, vector<1024x16xi32>,
    %concatenate3A_501 = tpu.concatenate %broadcast_in_dim3A_129, %broadcast_in_dim3A_153, %broadcast_in_dim3A_177, %broadcast_in_dim3A_201, %broadcast_in_dim3A_225, %broadcast_in_dim3A_249, %broadcast_in_dim3A_273, %broadcast_in_dim3A_297, %broadcast_in_dim3A_321, %broadcast_in_dim3A_345, %broadcast_in_dim3A_369, %broadcast_in_dim3A_393, %broadcast_in_dim3A_417, %broadcast_in_dim3A_441, %broadcast_in_dim3A_465, %broadcast_in_dim3A_489 in 1 : vector<1024x1xi32>, vector<1024x1xi32>, vector<1024x1xi32>, vector<1024x1xi32>, vector<1024x1xi32>, vector<1024x1xi32>, vector<1024x1xi32>, vector<1024x1xi32>, vector<1024x1xi32>, vector<1024x1xi32>, vector<1024x1xi32>, vector<1024x1xi32>, vector<1024x1xi32>, vector<1024x1xi32>, vector<1024x1xi32>, vector<1024x1xi32> -> vector<1024x16xi32>
    %swap3A_502 = arith.constant 0 : index
    %swap3A_503 = arith.constant 0 : index
    %swap3A_504 = vector.load %arg3[%swap3A_502, %swap3A_503] : memref<1024x16xi32, #tpu.memory_space<vmem>>, vector<1024x16xi32>
    tpu.vector_store %arg3[%swap3A_502, %swap3A_503], %concatenate3A_501 {strides = array<i32>} : memref<1024x16xi32, #tpu.memory_space<vmem>>, vector<1024x16xi32>,
    %iota3A_505 = tpu.iota {dimensions = array<i32: 0>} : vector<1024x16xi32>
    %mul3A_506 = arith.constant 128 : i32
    %mul3A_507 = vector.broadcast %mul3A_506 : i32 to vector<1024x16xi32>
    %mul3A_508 = arith.muli %iota3A_505, %mul3A_507 : vector<1024x16xi32>
    %add3A_509 = arith.addi %mul3A_508, %concatenate3A_498 : vector<1024x16xi32>
    %swap3A_510 = arith.constant 0 : index
    %swap3A_511 = arith.constant 0 : index
    %swap3A_512 = vector.load %arg4[%swap3A_510, %swap3A_511] : memref<1024x16xi32, #tpu.memory_space<vmem>>, vector<1024x16xi32>
    tpu.vector_store %arg4[%swap3A_510, %swap3A_511], %add3A_509 {strides = array<i32>} : memref<1024x16xi32, #tpu.memory_space<vmem>>, vector<1024x16xi32>,
    return
  }
}

module attributes {stable_mosaic.version = 14 : i64} {
  func.func @_final_topk_body(%arg0: memref<1024x256xf32, #tpu.memory_space<vmem>>, %arg1: memref<1024x16xi32, #tpu.memory_space<vmem>>, %arg2: memref<1024x16xi32, #tpu.memory_space<vmem>>, %arg3: memref<1024x16xf32, #tpu.memory_space<vmem>>) attributes {dimension_semantics = [], scalar_prefetch = 0 : i64, scratch_operands = 0 : i64, tpu.core_type = #tpu.core_type<tc>} {
    %get3A = arith.constant 0 : index
    %get3A_0 = arith.constant 0 : index
    %get3A_1 = vector.load %arg0[%get3A, %get3A_0] : memref<1024x256xf32, #tpu.memory_space<vmem>>, vector<1024x256xf32>
    %get3A_2 = arith.constant 0 : index
    %get3A_3 = arith.constant 0 : index
    %get3A_4 = vector.load %arg1[%get3A_2, %get3A_3] : memref<1024x16xi32, #tpu.memory_space<vmem>>, vector<1024x16xi32>
    %iota3A = tpu.iota {dimensions = array<i32: 1>} : vector<1024x16xi32>
    %slice3A = vector.extract_strided_slice %get3A_4 {offsets = [0, 0], sizes = [1024, 1], strides = [1, 1]} : vector<1024x16xi32> to vector<1024x1xi32>
    %add3A = vector.broadcast %slice3A : vector<1024x1xi32> to vector<1024x16xi32>
    %add3A_5 = arith.addi %add3A, %iota3A : vector<1024x16xi32>
    %slice3A_6 = vector.extract_strided_slice %get3A_4 {offsets = [0, 1], sizes = [1024, 1], strides = [1, 1]} : vector<1024x16xi32> to vector<1024x1xi32>
    %add3A_7 = vector.broadcast %slice3A_6 : vector<1024x1xi32> to vector<1024x16xi32>
    %add3A_8 = arith.addi %add3A_7, %iota3A : vector<1024x16xi32>
    %slice3A_9 = vector.extract_strided_slice %get3A_4 {offsets = [0, 2], sizes = [1024, 1], strides = [1, 1]} : vector<1024x16xi32> to vector<1024x1xi32>
    %add3A_10 = vector.broadcast %slice3A_9 : vector<1024x1xi32> to vector<1024x16xi32>
    %add3A_11 = arith.addi %add3A_10, %iota3A : vector<1024x16xi32>
    %slice3A_12 = vector.extract_strided_slice %get3A_4 {offsets = [0, 3], sizes = [1024, 1], strides = [1, 1]} : vector<1024x16xi32> to vector<1024x1xi32>
    %add3A_13 = vector.broadcast %slice3A_12 : vector<1024x1xi32> to vector<1024x16xi32>
    %add3A_14 = arith.addi %add3A_13, %iota3A : vector<1024x16xi32>
    %slice3A_15 = vector.extract_strided_slice %get3A_4 {offsets = [0, 4], sizes = [1024, 1], strides = [1, 1]} : vector<1024x16xi32> to vector<1024x1xi32>
    %add3A_16 = vector.broadcast %slice3A_15 : vector<1024x1xi32> to vector<1024x16xi32>
    %add3A_17 = arith.addi %add3A_16, %iota3A : vector<1024x16xi32>
    %slice3A_18 = vector.extract_strided_slice %get3A_4 {offsets = [0, 5], sizes = [1024, 1], strides = [1, 1]} : vector<1024x16xi32> to vector<1024x1xi32>
    %add3A_19 = vector.broadcast %slice3A_18 : vector<1024x1xi32> to vector<1024x16xi32>
    %add3A_20 = arith.addi %add3A_19, %iota3A : vector<1024x16xi32>
    %slice3A_21 = vector.extract_strided_slice %get3A_4 {offsets = [0, 6], sizes = [1024, 1], strides = [1, 1]} : vector<1024x16xi32> to vector<1024x1xi32>
    %add3A_22 = vector.broadcast %slice3A_21 : vector<1024x1xi32> to vector<1024x16xi32>
    %add3A_23 = arith.addi %add3A_22, %iota3A : vector<1024x16xi32>
    %slice3A_24 = vector.extract_strided_slice %get3A_4 {offsets = [0, 7], sizes = [1024, 1], strides = [1, 1]} : vector<1024x16xi32> to vector<1024x1xi32>
    %add3A_25 = vector.broadcast %slice3A_24 : vector<1024x1xi32> to vector<1024x16xi32>
    %add3A_26 = arith.addi %add3A_25, %iota3A : vector<1024x16xi32>
    %slice3A_27 = vector.extract_strided_slice %get3A_4 {offsets = [0, 8], sizes = [1024, 1], strides = [1, 1]} : vector<1024x16xi32> to vector<1024x1xi32>
    %add3A_28 = vector.broadcast %slice3A_27 : vector<1024x1xi32> to vector<1024x16xi32>
    %add3A_29 = arith.addi %add3A_28, %iota3A : vector<1024x16xi32>
    %slice3A_30 = vector.extract_strided_slice %get3A_4 {offsets = [0, 9], sizes = [1024, 1], strides = [1, 1]} : vector<1024x16xi32> to vector<1024x1xi32>
    %add3A_31 = vector.broadcast %slice3A_30 : vector<1024x1xi32> to vector<1024x16xi32>
    %add3A_32 = arith.addi %add3A_31, %iota3A : vector<1024x16xi32>
    %slice3A_33 = vector.extract_strided_slice %get3A_4 {offsets = [0, 10], sizes = [1024, 1], strides = [1, 1]} : vector<1024x16xi32> to vector<1024x1xi32>
    %add3A_34 = vector.broadcast %slice3A_33 : vector<1024x1xi32> to vector<1024x16xi32>
    %add3A_35 = arith.addi %add3A_34, %iota3A : vector<1024x16xi32>
    %slice3A_36 = vector.extract_strided_slice %get3A_4 {offsets = [0, 11], sizes = [1024, 1], strides = [1, 1]} : vector<1024x16xi32> to vector<1024x1xi32>
    %add3A_37 = vector.broadcast %slice3A_36 : vector<1024x1xi32> to vector<1024x16xi32>
    %add3A_38 = arith.addi %add3A_37, %iota3A : vector<1024x16xi32>
    %slice3A_39 = vector.extract_strided_slice %get3A_4 {offsets = [0, 12], sizes = [1024, 1], strides = [1, 1]} : vector<1024x16xi32> to vector<1024x1xi32>
    %add3A_40 = vector.broadcast %slice3A_39 : vector<1024x1xi32> to vector<1024x16xi32>
    %add3A_41 = arith.addi %add3A_40, %iota3A : vector<1024x16xi32>
    %slice3A_42 = vector.extract_strided_slice %get3A_4 {offsets = [0, 13], sizes = [1024, 1], strides = [1, 1]} : vector<1024x16xi32> to vector<1024x1xi32>
    %add3A_43 = vector.broadcast %slice3A_42 : vector<1024x1xi32> to vector<1024x16xi32>
    %add3A_44 = arith.addi %add3A_43, %iota3A : vector<1024x16xi32>
    %slice3A_45 = vector.extract_strided_slice %get3A_4 {offsets = [0, 14], sizes = [1024, 1], strides = [1, 1]} : vector<1024x16xi32> to vector<1024x1xi32>
    %add3A_46 = vector.broadcast %slice3A_45 : vector<1024x1xi32> to vector<1024x16xi32>
    %add3A_47 = arith.addi %add3A_46, %iota3A : vector<1024x16xi32>
    %slice3A_48 = vector.extract_strided_slice %get3A_4 {offsets = [0, 15], sizes = [1024, 1], strides = [1, 1]} : vector<1024x16xi32> to vector<1024x1xi32>
    %add3A_49 = vector.broadcast %slice3A_48 : vector<1024x1xi32> to vector<1024x16xi32>
    %add3A_50 = arith.addi %add3A_49, %iota3A : vector<1024x16xi32>
    %concatenate3A = tpu.concatenate %add3A_5, %add3A_8, %add3A_11, %add3A_14, %add3A_17, %add3A_20, %add3A_23, %add3A_26, %add3A_29, %add3A_32, %add3A_35, %add3A_38, %add3A_41, %add3A_44, %add3A_47, %add3A_50 in 1 : vector<1024x16xi32>, vector<1024x16xi32>, vector<1024x16xi32>, vector<1024x16xi32>, vector<1024x16xi32>, vector<1024x16xi32>, vector<1024x16xi32>, vector<1024x16xi32>, vector<1024x16xi32>, vector<1024x16xi32>, vector<1024x16xi32>, vector<1024x16xi32>, vector<1024x16xi32>, vector<1024x16xi32>, vector<1024x16xi32>, vector<1024x16xi32> -> vector<1024x256xi32>
    %reduce_max3A = arith.constant dense<0xFF800000> : vector<1024xf32>
    %reduce_max3A_51 = vector.multi_reduction <maximumf>, %get3A_1, %reduce_max3A [1] : vector<1024x256xf32> to vector<1024xf32>
    %broadcast_in_dim3A = vector.shape_cast %reduce_max3A_51 : vector<1024xf32> to vector<1024x1xf32>
    %eq3A = vector.broadcast %broadcast_in_dim3A : vector<1024x1xf32> to vector<1024x256xf32>
    %eq3A_52 = arith.cmpf oeq, %get3A_1, %eq3A : vector<1024x256xf32>
    %jit3A = arith.constant 1073741824 : i32
    %broadcast_in_dim3A_53 = vector.broadcast %jit3A : i32 to vector<1024x256xi32>
    %select_n3A = arith.select %eq3A_52, %concatenate3A, %broadcast_in_dim3A_53 : vector<1024x256xi1>, vector<1024x256xi32>
    %reduce_min3A = arith.constant dense<2147483647> : vector<1024xi32>
    %reduce_min3A_54 = vector.multi_reduction <minsi>, %select_n3A, %reduce_min3A [1] : vector<1024x256xi32> to vector<1024xi32>
    %broadcast_in_dim3A_55 = vector.shape_cast %reduce_min3A_54 : vector<1024xi32> to vector<1024x1xi32>
    %eq3A_56 = vector.broadcast %broadcast_in_dim3A_55 : vector<1024x1xi32> to vector<1024x256xi32>
    %eq3A_57 = arith.cmpi eq, %concatenate3A, %eq3A_56 : vector<1024x256xi32>
    %jit3A_58 = arith.constant -3.400000e+38 : f32
    %broadcast_in_dim3A_59 = vector.broadcast %jit3A_58 : f32 to vector<1024x256xf32>
    %select_n3A_60 = arith.select %eq3A_57, %broadcast_in_dim3A_59, %get3A_1 : vector<1024x256xi1>, vector<1024x256xf32>
    %reduce_max3A_61 = arith.constant dense<0xFF800000> : vector<1024xf32>
    %reduce_max3A_62 = vector.multi_reduction <maximumf>, %select_n3A_60, %reduce_max3A_61 [1] : vector<1024x256xf32> to vector<1024xf32>
    %broadcast_in_dim3A_63 = vector.shape_cast %reduce_max3A_62 : vector<1024xf32> to vector<1024x1xf32>
    %eq3A_64 = vector.broadcast %broadcast_in_dim3A_63 : vector<1024x1xf32> to vector<1024x256xf32>
    %eq3A_65 = arith.cmpf oeq, %select_n3A_60, %eq3A_64 : vector<1024x256xf32>
    %jit3A_66 = arith.constant 1073741824 : i32
    %broadcast_in_dim3A_67 = vector.broadcast %jit3A_66 : i32 to vector<1024x256xi32>
    %select_n3A_68 = arith.select %eq3A_65, %concatenate3A, %broadcast_in_dim3A_67 : vector<1024x256xi1>, vector<1024x256xi32>
    %reduce_min3A_69 = arith.constant dense<2147483647> : vector<1024xi32>
    %reduce_min3A_70 = vector.multi_reduction <minsi>, %select_n3A_68, %reduce_min3A_69 [1] : vector<1024x256xi32> to vector<1024xi32>
    %broadcast_in_dim3A_71 = vector.shape_cast %reduce_min3A_70 : vector<1024xi32> to vector<1024x1xi32>
    %eq3A_72 = vector.broadcast %broadcast_in_dim3A_71 : vector<1024x1xi32> to vector<1024x256xi32>
    %eq3A_73 = arith.cmpi eq, %concatenate3A, %eq3A_72 : vector<1024x256xi32>
    %jit3A_74 = arith.constant -3.400000e+38 : f32
    %broadcast_in_dim3A_75 = vector.broadcast %jit3A_74 : f32 to vector<1024x256xf32>
    %select_n3A_76 = arith.select %eq3A_73, %broadcast_in_dim3A_75, %select_n3A_60 : vector<1024x256xi1>, vector<1024x256xf32>
    %reduce_max3A_77 = arith.constant dense<0xFF800000> : vector<1024xf32>
    %reduce_max3A_78 = vector.multi_reduction <maximumf>, %select_n3A_76, %reduce_max3A_77 [1] : vector<1024x256xf32> to vector<1024xf32>
    %broadcast_in_dim3A_79 = vector.shape_cast %reduce_max3A_78 : vector<1024xf32> to vector<1024x1xf32>
    %eq3A_80 = vector.broadcast %broadcast_in_dim3A_79 : vector<1024x1xf32> to vector<1024x256xf32>
    %eq3A_81 = arith.cmpf oeq, %select_n3A_76, %eq3A_80 : vector<1024x256xf32>
    %jit3A_82 = arith.constant 1073741824 : i32
    %broadcast_in_dim3A_83 = vector.broadcast %jit3A_82 : i32 to vector<1024x256xi32>
    %select_n3A_84 = arith.select %eq3A_81, %concatenate3A, %broadcast_in_dim3A_83 : vector<1024x256xi1>, vector<1024x256xi32>
    %reduce_min3A_85 = arith.constant dense<2147483647> : vector<1024xi32>
    %reduce_min3A_86 = vector.multi_reduction <minsi>, %select_n3A_84, %reduce_min3A_85 [1] : vector<1024x256xi32> to vector<1024xi32>
    %broadcast_in_dim3A_87 = vector.shape_cast %reduce_min3A_86 : vector<1024xi32> to vector<1024x1xi32>
    %eq3A_88 = vector.broadcast %broadcast_in_dim3A_87 : vector<1024x1xi32> to vector<1024x256xi32>
    %eq3A_89 = arith.cmpi eq, %concatenate3A, %eq3A_88 : vector<1024x256xi32>
    %jit3A_90 = arith.constant -3.400000e+38 : f32
    %broadcast_in_dim3A_91 = vector.broadcast %jit3A_90 : f32 to vector<1024x256xf32>
    %select_n3A_92 = arith.select %eq3A_89, %broadcast_in_dim3A_91, %select_n3A_76 : vector<1024x256xi1>, vector<1024x256xf32>
    %reduce_max3A_93 = arith.constant dense<0xFF800000> : vector<1024xf32>
    %reduce_max3A_94 = vector.multi_reduction <maximumf>, %select_n3A_92, %reduce_max3A_93 [1] : vector<1024x256xf32> to vector<1024xf32>
    %broadcast_in_dim3A_95 = vector.shape_cast %reduce_max3A_94 : vector<1024xf32> to vector<1024x1xf32>
    %eq3A_96 = vector.broadcast %broadcast_in_dim3A_95 : vector<1024x1xf32> to vector<1024x256xf32>
    %eq3A_97 = arith.cmpf oeq, %select_n3A_92, %eq3A_96 : vector<1024x256xf32>
    %jit3A_98 = arith.constant 1073741824 : i32
    %broadcast_in_dim3A_99 = vector.broadcast %jit3A_98 : i32 to vector<1024x256xi32>
    %select_n3A_100 = arith.select %eq3A_97, %concatenate3A, %broadcast_in_dim3A_99 : vector<1024x256xi1>, vector<1024x256xi32>
    %reduce_min3A_101 = arith.constant dense<2147483647> : vector<1024xi32>
    %reduce_min3A_102 = vector.multi_reduction <minsi>, %select_n3A_100, %reduce_min3A_101 [1] : vector<1024x256xi32> to vector<1024xi32>
    %broadcast_in_dim3A_103 = vector.shape_cast %reduce_min3A_102 : vector<1024xi32> to vector<1024x1xi32>
    %eq3A_104 = vector.broadcast %broadcast_in_dim3A_103 : vector<1024x1xi32> to vector<1024x256xi32>
    %eq3A_105 = arith.cmpi eq, %concatenate3A, %eq3A_104 : vector<1024x256xi32>
    %jit3A_106 = arith.constant -3.400000e+38 : f32
    %broadcast_in_dim3A_107 = vector.broadcast %jit3A_106 : f32 to vector<1024x256xf32>
    %select_n3A_108 = arith.select %eq3A_105, %broadcast_in_dim3A_107, %select_n3A_92 : vector<1024x256xi1>, vector<1024x256xf32>
    %reduce_max3A_109 = arith.constant dense<0xFF800000> : vector<1024xf32>
    %reduce_max3A_110 = vector.multi_reduction <maximumf>, %select_n3A_108, %reduce_max3A_109 [1] : vector<1024x256xf32> to vector<1024xf32>
    %broadcast_in_dim3A_111 = vector.shape_cast %reduce_max3A_110 : vector<1024xf32> to vector<1024x1xf32>
    %eq3A_112 = vector.broadcast %broadcast_in_dim3A_111 : vector<1024x1xf32> to vector<1024x256xf32>
    %eq3A_113 = arith.cmpf oeq, %select_n3A_108, %eq3A_112 : vector<1024x256xf32>
    %jit3A_114 = arith.constant 1073741824 : i32
    %broadcast_in_dim3A_115 = vector.broadcast %jit3A_114 : i32 to vector<1024x256xi32>
    %select_n3A_116 = arith.select %eq3A_113, %concatenate3A, %broadcast_in_dim3A_115 : vector<1024x256xi1>, vector<1024x256xi32>
    %reduce_min3A_117 = arith.constant dense<2147483647> : vector<1024xi32>
    %reduce_min3A_118 = vector.multi_reduction <minsi>, %select_n3A_116, %reduce_min3A_117 [1] : vector<1024x256xi32> to vector<1024xi32>
    %broadcast_in_dim3A_119 = vector.shape_cast %reduce_min3A_118 : vector<1024xi32> to vector<1024x1xi32>
    %eq3A_120 = vector.broadcast %broadcast_in_dim3A_119 : vector<1024x1xi32> to vector<1024x256xi32>
    %eq3A_121 = arith.cmpi eq, %concatenate3A, %eq3A_120 : vector<1024x256xi32>
    %jit3A_122 = arith.constant -3.400000e+38 : f32
    %broadcast_in_dim3A_123 = vector.broadcast %jit3A_122 : f32 to vector<1024x256xf32>
    %select_n3A_124 = arith.select %eq3A_121, %broadcast_in_dim3A_123, %select_n3A_108 : vector<1024x256xi1>, vector<1024x256xf32>
    %reduce_max3A_125 = arith.constant dense<0xFF800000> : vector<1024xf32>
    %reduce_max3A_126 = vector.multi_reduction <maximumf>, %select_n3A_124, %reduce_max3A_125 [1] : vector<1024x256xf32> to vector<1024xf32>
    %broadcast_in_dim3A_127 = vector.shape_cast %reduce_max3A_126 : vector<1024xf32> to vector<1024x1xf32>
    %eq3A_128 = vector.broadcast %broadcast_in_dim3A_127 : vector<1024x1xf32> to vector<1024x256xf32>
    %eq3A_129 = arith.cmpf oeq, %select_n3A_124, %eq3A_128 : vector<1024x256xf32>
    %jit3A_130 = arith.constant 1073741824 : i32
    %broadcast_in_dim3A_131 = vector.broadcast %jit3A_130 : i32 to vector<1024x256xi32>
    %select_n3A_132 = arith.select %eq3A_129, %concatenate3A, %broadcast_in_dim3A_131 : vector<1024x256xi1>, vector<1024x256xi32>
    %reduce_min3A_133 = arith.constant dense<2147483647> : vector<1024xi32>
    %reduce_min3A_134 = vector.multi_reduction <minsi>, %select_n3A_132, %reduce_min3A_133 [1] : vector<1024x256xi32> to vector<1024xi32>
    %broadcast_in_dim3A_135 = vector.shape_cast %reduce_min3A_134 : vector<1024xi32> to vector<1024x1xi32>
    %eq3A_136 = vector.broadcast %broadcast_in_dim3A_135 : vector<1024x1xi32> to vector<1024x256xi32>
    %eq3A_137 = arith.cmpi eq, %concatenate3A, %eq3A_136 : vector<1024x256xi32>
    %jit3A_138 = arith.constant -3.400000e+38 : f32
    %broadcast_in_dim3A_139 = vector.broadcast %jit3A_138 : f32 to vector<1024x256xf32>
    %select_n3A_140 = arith.select %eq3A_137, %broadcast_in_dim3A_139, %select_n3A_124 : vector<1024x256xi1>, vector<1024x256xf32>
    %reduce_max3A_141 = arith.constant dense<0xFF800000> : vector<1024xf32>
    %reduce_max3A_142 = vector.multi_reduction <maximumf>, %select_n3A_140, %reduce_max3A_141 [1] : vector<1024x256xf32> to vector<1024xf32>
    %broadcast_in_dim3A_143 = vector.shape_cast %reduce_max3A_142 : vector<1024xf32> to vector<1024x1xf32>
    %eq3A_144 = vector.broadcast %broadcast_in_dim3A_143 : vector<1024x1xf32> to vector<1024x256xf32>
    %eq3A_145 = arith.cmpf oeq, %select_n3A_140, %eq3A_144 : vector<1024x256xf32>
    %jit3A_146 = arith.constant 1073741824 : i32
    %broadcast_in_dim3A_147 = vector.broadcast %jit3A_146 : i32 to vector<1024x256xi32>
    %select_n3A_148 = arith.select %eq3A_145, %concatenate3A, %broadcast_in_dim3A_147 : vector<1024x256xi1>, vector<1024x256xi32>
    %reduce_min3A_149 = arith.constant dense<2147483647> : vector<1024xi32>
    %reduce_min3A_150 = vector.multi_reduction <minsi>, %select_n3A_148, %reduce_min3A_149 [1] : vector<1024x256xi32> to vector<1024xi32>
    %broadcast_in_dim3A_151 = vector.shape_cast %reduce_min3A_150 : vector<1024xi32> to vector<1024x1xi32>
    %eq3A_152 = vector.broadcast %broadcast_in_dim3A_151 : vector<1024x1xi32> to vector<1024x256xi32>
    %eq3A_153 = arith.cmpi eq, %concatenate3A, %eq3A_152 : vector<1024x256xi32>
    %jit3A_154 = arith.constant -3.400000e+38 : f32
    %broadcast_in_dim3A_155 = vector.broadcast %jit3A_154 : f32 to vector<1024x256xf32>
    %select_n3A_156 = arith.select %eq3A_153, %broadcast_in_dim3A_155, %select_n3A_140 : vector<1024x256xi1>, vector<1024x256xf32>
    %reduce_max3A_157 = arith.constant dense<0xFF800000> : vector<1024xf32>
    %reduce_max3A_158 = vector.multi_reduction <maximumf>, %select_n3A_156, %reduce_max3A_157 [1] : vector<1024x256xf32> to vector<1024xf32>
    %broadcast_in_dim3A_159 = vector.shape_cast %reduce_max3A_158 : vector<1024xf32> to vector<1024x1xf32>
    %eq3A_160 = vector.broadcast %broadcast_in_dim3A_159 : vector<1024x1xf32> to vector<1024x256xf32>
    %eq3A_161 = arith.cmpf oeq, %select_n3A_156, %eq3A_160 : vector<1024x256xf32>
    %jit3A_162 = arith.constant 1073741824 : i32
    %broadcast_in_dim3A_163 = vector.broadcast %jit3A_162 : i32 to vector<1024x256xi32>
    %select_n3A_164 = arith.select %eq3A_161, %concatenate3A, %broadcast_in_dim3A_163 : vector<1024x256xi1>, vector<1024x256xi32>
    %reduce_min3A_165 = arith.constant dense<2147483647> : vector<1024xi32>
    %reduce_min3A_166 = vector.multi_reduction <minsi>, %select_n3A_164, %reduce_min3A_165 [1] : vector<1024x256xi32> to vector<1024xi32>
    %broadcast_in_dim3A_167 = vector.shape_cast %reduce_min3A_166 : vector<1024xi32> to vector<1024x1xi32>
    %eq3A_168 = vector.broadcast %broadcast_in_dim3A_167 : vector<1024x1xi32> to vector<1024x256xi32>
    %eq3A_169 = arith.cmpi eq, %concatenate3A, %eq3A_168 : vector<1024x256xi32>
    %jit3A_170 = arith.constant -3.400000e+38 : f32
    %broadcast_in_dim3A_171 = vector.broadcast %jit3A_170 : f32 to vector<1024x256xf32>
    %select_n3A_172 = arith.select %eq3A_169, %broadcast_in_dim3A_171, %select_n3A_156 : vector<1024x256xi1>, vector<1024x256xf32>
    %reduce_max3A_173 = arith.constant dense<0xFF800000> : vector<1024xf32>
    %reduce_max3A_174 = vector.multi_reduction <maximumf>, %select_n3A_172, %reduce_max3A_173 [1] : vector<1024x256xf32> to vector<1024xf32>
    %broadcast_in_dim3A_175 = vector.shape_cast %reduce_max3A_174 : vector<1024xf32> to vector<1024x1xf32>
    %eq3A_176 = vector.broadcast %broadcast_in_dim3A_175 : vector<1024x1xf32> to vector<1024x256xf32>
    %eq3A_177 = arith.cmpf oeq, %select_n3A_172, %eq3A_176 : vector<1024x256xf32>
    %jit3A_178 = arith.constant 1073741824 : i32
    %broadcast_in_dim3A_179 = vector.broadcast %jit3A_178 : i32 to vector<1024x256xi32>
    %select_n3A_180 = arith.select %eq3A_177, %concatenate3A, %broadcast_in_dim3A_179 : vector<1024x256xi1>, vector<1024x256xi32>
    %reduce_min3A_181 = arith.constant dense<2147483647> : vector<1024xi32>
    %reduce_min3A_182 = vector.multi_reduction <minsi>, %select_n3A_180, %reduce_min3A_181 [1] : vector<1024x256xi32> to vector<1024xi32>
    %broadcast_in_dim3A_183 = vector.shape_cast %reduce_min3A_182 : vector<1024xi32> to vector<1024x1xi32>
    %eq3A_184 = vector.broadcast %broadcast_in_dim3A_183 : vector<1024x1xi32> to vector<1024x256xi32>
    %eq3A_185 = arith.cmpi eq, %concatenate3A, %eq3A_184 : vector<1024x256xi32>
    %jit3A_186 = arith.constant -3.400000e+38 : f32
    %broadcast_in_dim3A_187 = vector.broadcast %jit3A_186 : f32 to vector<1024x256xf32>
    %select_n3A_188 = arith.select %eq3A_185, %broadcast_in_dim3A_187, %select_n3A_172 : vector<1024x256xi1>, vector<1024x256xf32>
    %reduce_max3A_189 = arith.constant dense<0xFF800000> : vector<1024xf32>
    %reduce_max3A_190 = vector.multi_reduction <maximumf>, %select_n3A_188, %reduce_max3A_189 [1] : vector<1024x256xf32> to vector<1024xf32>
    %broadcast_in_dim3A_191 = vector.shape_cast %reduce_max3A_190 : vector<1024xf32> to vector<1024x1xf32>
    %eq3A_192 = vector.broadcast %broadcast_in_dim3A_191 : vector<1024x1xf32> to vector<1024x256xf32>
    %eq3A_193 = arith.cmpf oeq, %select_n3A_188, %eq3A_192 : vector<1024x256xf32>
    %jit3A_194 = arith.constant 1073741824 : i32
    %broadcast_in_dim3A_195 = vector.broadcast %jit3A_194 : i32 to vector<1024x256xi32>
    %select_n3A_196 = arith.select %eq3A_193, %concatenate3A, %broadcast_in_dim3A_195 : vector<1024x256xi1>, vector<1024x256xi32>
    %reduce_min3A_197 = arith.constant dense<2147483647> : vector<1024xi32>
    %reduce_min3A_198 = vector.multi_reduction <minsi>, %select_n3A_196, %reduce_min3A_197 [1] : vector<1024x256xi32> to vector<1024xi32>
    %broadcast_in_dim3A_199 = vector.shape_cast %reduce_min3A_198 : vector<1024xi32> to vector<1024x1xi32>
    %eq3A_200 = vector.broadcast %broadcast_in_dim3A_199 : vector<1024x1xi32> to vector<1024x256xi32>
    %eq3A_201 = arith.cmpi eq, %concatenate3A, %eq3A_200 : vector<1024x256xi32>
    %jit3A_202 = arith.constant -3.400000e+38 : f32
    %broadcast_in_dim3A_203 = vector.broadcast %jit3A_202 : f32 to vector<1024x256xf32>
    %select_n3A_204 = arith.select %eq3A_201, %broadcast_in_dim3A_203, %select_n3A_188 : vector<1024x256xi1>, vector<1024x256xf32>
    %reduce_max3A_205 = arith.constant dense<0xFF800000> : vector<1024xf32>
    %reduce_max3A_206 = vector.multi_reduction <maximumf>, %select_n3A_204, %reduce_max3A_205 [1] : vector<1024x256xf32> to vector<1024xf32>
    %broadcast_in_dim3A_207 = vector.shape_cast %reduce_max3A_206 : vector<1024xf32> to vector<1024x1xf32>
    %eq3A_208 = vector.broadcast %broadcast_in_dim3A_207 : vector<1024x1xf32> to vector<1024x256xf32>
    %eq3A_209 = arith.cmpf oeq, %select_n3A_204, %eq3A_208 : vector<1024x256xf32>
    %jit3A_210 = arith.constant 1073741824 : i32
    %broadcast_in_dim3A_211 = vector.broadcast %jit3A_210 : i32 to vector<1024x256xi32>
    %select_n3A_212 = arith.select %eq3A_209, %concatenate3A, %broadcast_in_dim3A_211 : vector<1024x256xi1>, vector<1024x256xi32>
    %reduce_min3A_213 = arith.constant dense<2147483647> : vector<1024xi32>
    %reduce_min3A_214 = vector.multi_reduction <minsi>, %select_n3A_212, %reduce_min3A_213 [1] : vector<1024x256xi32> to vector<1024xi32>
    %broadcast_in_dim3A_215 = vector.shape_cast %reduce_min3A_214 : vector<1024xi32> to vector<1024x1xi32>
    %eq3A_216 = vector.broadcast %broadcast_in_dim3A_215 : vector<1024x1xi32> to vector<1024x256xi32>
    %eq3A_217 = arith.cmpi eq, %concatenate3A, %eq3A_216 : vector<1024x256xi32>
    %jit3A_218 = arith.constant -3.400000e+38 : f32
    %broadcast_in_dim3A_219 = vector.broadcast %jit3A_218 : f32 to vector<1024x256xf32>
    %select_n3A_220 = arith.select %eq3A_217, %broadcast_in_dim3A_219, %select_n3A_204 : vector<1024x256xi1>, vector<1024x256xf32>
    %reduce_max3A_221 = arith.constant dense<0xFF800000> : vector<1024xf32>
    %reduce_max3A_222 = vector.multi_reduction <maximumf>, %select_n3A_220, %reduce_max3A_221 [1] : vector<1024x256xf32> to vector<1024xf32>
    %broadcast_in_dim3A_223 = vector.shape_cast %reduce_max3A_222 : vector<1024xf32> to vector<1024x1xf32>
    %eq3A_224 = vector.broadcast %broadcast_in_dim3A_223 : vector<1024x1xf32> to vector<1024x256xf32>
    %eq3A_225 = arith.cmpf oeq, %select_n3A_220, %eq3A_224 : vector<1024x256xf32>
    %jit3A_226 = arith.constant 1073741824 : i32
    %broadcast_in_dim3A_227 = vector.broadcast %jit3A_226 : i32 to vector<1024x256xi32>
    %select_n3A_228 = arith.select %eq3A_225, %concatenate3A, %broadcast_in_dim3A_227 : vector<1024x256xi1>, vector<1024x256xi32>
    %reduce_min3A_229 = arith.constant dense<2147483647> : vector<1024xi32>
    %reduce_min3A_230 = vector.multi_reduction <minsi>, %select_n3A_228, %reduce_min3A_229 [1] : vector<1024x256xi32> to vector<1024xi32>
    %broadcast_in_dim3A_231 = vector.shape_cast %reduce_min3A_230 : vector<1024xi32> to vector<1024x1xi32>
    %eq3A_232 = vector.broadcast %broadcast_in_dim3A_231 : vector<1024x1xi32> to vector<1024x256xi32>
    %eq3A_233 = arith.cmpi eq, %concatenate3A, %eq3A_232 : vector<1024x256xi32>
    %jit3A_234 = arith.constant -3.400000e+38 : f32
    %broadcast_in_dim3A_235 = vector.broadcast %jit3A_234 : f32 to vector<1024x256xf32>
    %select_n3A_236 = arith.select %eq3A_233, %broadcast_in_dim3A_235, %select_n3A_220 : vector<1024x256xi1>, vector<1024x256xf32>
    %reduce_max3A_237 = arith.constant dense<0xFF800000> : vector<1024xf32>
    %reduce_max3A_238 = vector.multi_reduction <maximumf>, %select_n3A_236, %reduce_max3A_237 [1] : vector<1024x256xf32> to vector<1024xf32>
    %broadcast_in_dim3A_239 = vector.shape_cast %reduce_max3A_238 : vector<1024xf32> to vector<1024x1xf32>
    %eq3A_240 = vector.broadcast %broadcast_in_dim3A_239 : vector<1024x1xf32> to vector<1024x256xf32>
    %eq3A_241 = arith.cmpf oeq, %select_n3A_236, %eq3A_240 : vector<1024x256xf32>
    %jit3A_242 = arith.constant 1073741824 : i32
    %broadcast_in_dim3A_243 = vector.broadcast %jit3A_242 : i32 to vector<1024x256xi32>
    %select_n3A_244 = arith.select %eq3A_241, %concatenate3A, %broadcast_in_dim3A_243 : vector<1024x256xi1>, vector<1024x256xi32>
    %reduce_min3A_245 = arith.constant dense<2147483647> : vector<1024xi32>
    %reduce_min3A_246 = vector.multi_reduction <minsi>, %select_n3A_244, %reduce_min3A_245 [1] : vector<1024x256xi32> to vector<1024xi32>
    %broadcast_in_dim3A_247 = vector.shape_cast %reduce_min3A_246 : vector<1024xi32> to vector<1024x1xi32>
    %eq3A_248 = vector.broadcast %broadcast_in_dim3A_247 : vector<1024x1xi32> to vector<1024x256xi32>
    %eq3A_249 = arith.cmpi eq, %concatenate3A, %eq3A_248 : vector<1024x256xi32>
    %jit3A_250 = arith.constant -3.400000e+38 : f32
    %broadcast_in_dim3A_251 = vector.broadcast %jit3A_250 : f32 to vector<1024x256xf32>
    %select_n3A_252 = arith.select %eq3A_249, %broadcast_in_dim3A_251, %select_n3A_236 : vector<1024x256xi1>, vector<1024x256xf32>
    %reduce_max3A_253 = arith.constant dense<0xFF800000> : vector<1024xf32>
    %reduce_max3A_254 = vector.multi_reduction <maximumf>, %select_n3A_252, %reduce_max3A_253 [1] : vector<1024x256xf32> to vector<1024xf32>
    %broadcast_in_dim3A_255 = vector.shape_cast %reduce_max3A_254 : vector<1024xf32> to vector<1024x1xf32>
    %eq3A_256 = vector.broadcast %broadcast_in_dim3A_255 : vector<1024x1xf32> to vector<1024x256xf32>
    %eq3A_257 = arith.cmpf oeq, %select_n3A_252, %eq3A_256 : vector<1024x256xf32>
    %jit3A_258 = arith.constant 1073741824 : i32
    %broadcast_in_dim3A_259 = vector.broadcast %jit3A_258 : i32 to vector<1024x256xi32>
    %select_n3A_260 = arith.select %eq3A_257, %concatenate3A, %broadcast_in_dim3A_259 : vector<1024x256xi1>, vector<1024x256xi32>
    %reduce_min3A_261 = arith.constant dense<2147483647> : vector<1024xi32>
    %reduce_min3A_262 = vector.multi_reduction <minsi>, %select_n3A_260, %reduce_min3A_261 [1] : vector<1024x256xi32> to vector<1024xi32>
    %broadcast_in_dim3A_263 = vector.shape_cast %reduce_min3A_262 : vector<1024xi32> to vector<1024x1xi32>
    %eq3A_264 = vector.broadcast %broadcast_in_dim3A_263 : vector<1024x1xi32> to vector<1024x256xi32>
    %eq3A_265 = arith.cmpi eq, %concatenate3A, %eq3A_264 : vector<1024x256xi32>
    %jit3A_266 = arith.constant -3.400000e+38 : f32
    %broadcast_in_dim3A_267 = vector.broadcast %jit3A_266 : f32 to vector<1024x256xf32>
    %select_n3A_268 = arith.select %eq3A_265, %broadcast_in_dim3A_267, %select_n3A_252 : vector<1024x256xi1>, vector<1024x256xf32>
    %reduce_max3A_269 = arith.constant dense<0xFF800000> : vector<1024xf32>
    %reduce_max3A_270 = vector.multi_reduction <maximumf>, %select_n3A_268, %reduce_max3A_269 [1] : vector<1024x256xf32> to vector<1024xf32>
    %broadcast_in_dim3A_271 = vector.shape_cast %reduce_max3A_270 : vector<1024xf32> to vector<1024x1xf32>
    %eq3A_272 = vector.broadcast %broadcast_in_dim3A_271 : vector<1024x1xf32> to vector<1024x256xf32>
    %eq3A_273 = arith.cmpf oeq, %select_n3A_268, %eq3A_272 : vector<1024x256xf32>
    %jit3A_274 = arith.constant 1073741824 : i32
    %broadcast_in_dim3A_275 = vector.broadcast %jit3A_274 : i32 to vector<1024x256xi32>
    %select_n3A_276 = arith.select %eq3A_273, %concatenate3A, %broadcast_in_dim3A_275 : vector<1024x256xi1>, vector<1024x256xi32>
    %reduce_min3A_277 = arith.constant dense<2147483647> : vector<1024xi32>
    %reduce_min3A_278 = vector.multi_reduction <minsi>, %select_n3A_276, %reduce_min3A_277 [1] : vector<1024x256xi32> to vector<1024xi32>
    %broadcast_in_dim3A_279 = vector.shape_cast %reduce_min3A_278 : vector<1024xi32> to vector<1024x1xi32>
    %eq3A_280 = vector.broadcast %broadcast_in_dim3A_279 : vector<1024x1xi32> to vector<1024x256xi32>
    %eq3A_281 = arith.cmpi eq, %concatenate3A, %eq3A_280 : vector<1024x256xi32>
    %jit3A_282 = arith.constant -3.400000e+38 : f32
    %broadcast_in_dim3A_283 = vector.broadcast %jit3A_282 : f32 to vector<1024x256xf32>
    %select_n3A_284 = arith.select %eq3A_281, %broadcast_in_dim3A_283, %select_n3A_268 : vector<1024x256xi1>, vector<1024x256xf32>
    %reduce_max3A_285 = arith.constant dense<0xFF800000> : vector<1024xf32>
    %reduce_max3A_286 = vector.multi_reduction <maximumf>, %select_n3A_284, %reduce_max3A_285 [1] : vector<1024x256xf32> to vector<1024xf32>
    %broadcast_in_dim3A_287 = vector.shape_cast %reduce_max3A_286 : vector<1024xf32> to vector<1024x1xf32>
    %eq3A_288 = vector.broadcast %broadcast_in_dim3A_287 : vector<1024x1xf32> to vector<1024x256xf32>
    %eq3A_289 = arith.cmpf oeq, %select_n3A_284, %eq3A_288 : vector<1024x256xf32>
    %jit3A_290 = arith.constant 1073741824 : i32
    %broadcast_in_dim3A_291 = vector.broadcast %jit3A_290 : i32 to vector<1024x256xi32>
    %select_n3A_292 = arith.select %eq3A_289, %concatenate3A, %broadcast_in_dim3A_291 : vector<1024x256xi1>, vector<1024x256xi32>
    %reduce_min3A_293 = arith.constant dense<2147483647> : vector<1024xi32>
    %reduce_min3A_294 = vector.multi_reduction <minsi>, %select_n3A_292, %reduce_min3A_293 [1] : vector<1024x256xi32> to vector<1024xi32>
    %broadcast_in_dim3A_295 = vector.shape_cast %reduce_min3A_294 : vector<1024xi32> to vector<1024x1xi32>
    %concatenate3A_296 = tpu.concatenate %broadcast_in_dim3A, %broadcast_in_dim3A_63, %broadcast_in_dim3A_79, %broadcast_in_dim3A_95, %broadcast_in_dim3A_111, %broadcast_in_dim3A_127, %broadcast_in_dim3A_143, %broadcast_in_dim3A_159, %broadcast_in_dim3A_175, %broadcast_in_dim3A_191, %broadcast_in_dim3A_207, %broadcast_in_dim3A_223, %broadcast_in_dim3A_239, %broadcast_in_dim3A_255, %broadcast_in_dim3A_271, %broadcast_in_dim3A_287 in 1 : vector<1024x1xf32>, vector<1024x1xf32>, vector<1024x1xf32>, vector<1024x1xf32>, vector<1024x1xf32>, vector<1024x1xf32>, vector<1024x1xf32>, vector<1024x1xf32>, vector<1024x1xf32>, vector<1024x1xf32>, vector<1024x1xf32>, vector<1024x1xf32>, vector<1024x1xf32>, vector<1024x1xf32>, vector<1024x1xf32>, vector<1024x1xf32> -> vector<1024x16xf32>
    %concatenate3A_297 = tpu.concatenate %broadcast_in_dim3A_55, %broadcast_in_dim3A_71, %broadcast_in_dim3A_87, %broadcast_in_dim3A_103, %broadcast_in_dim3A_119, %broadcast_in_dim3A_135, %broadcast_in_dim3A_151, %broadcast_in_dim3A_167, %broadcast_in_dim3A_183, %broadcast_in_dim3A_199, %broadcast_in_dim3A_215, %broadcast_in_dim3A_231, %broadcast_in_dim3A_247, %broadcast_in_dim3A_263, %broadcast_in_dim3A_279, %broadcast_in_dim3A_295 in 1 : vector<1024x1xi32>, vector<1024x1xi32>, vector<1024x1xi32>, vector<1024x1xi32>, vector<1024x1xi32>, vector<1024x1xi32>, vector<1024x1xi32>, vector<1024x1xi32>, vector<1024x1xi32>, vector<1024x1xi32>, vector<1024x1xi32>, vector<1024x1xi32>, vector<1024x1xi32>, vector<1024x1xi32>, vector<1024x1xi32>, vector<1024x1xi32> -> vector<1024x16xi32>
    %swap3A = arith.constant 0 : index
    %swap3A_298 = arith.constant 0 : index
    %swap3A_299 = vector.load %arg2[%swap3A, %swap3A_298] : memref<1024x16xi32, #tpu.memory_space<vmem>>, vector<1024x16xi32>
    tpu.vector_store %arg2[%swap3A, %swap3A_298], %concatenate3A_297 {strides = array<i32>} : memref<1024x16xi32, #tpu.memory_space<vmem>>, vector<1024x16xi32>,
    %slice3A_300 = vector.extract_strided_slice %concatenate3A_296 {offsets = [0, 0], sizes = [1024, 1], strides = [1, 1]} : vector<1024x16xf32> to vector<1024x1xf32>
    %sub3A = vector.broadcast %slice3A_300 : vector<1024x1xf32> to vector<1024x16xf32>
    %sub3A_301 = arith.subf %concatenate3A_296, %sub3A : vector<1024x16xf32>
    %mul3A = arith.constant 1.000000e-01 : f32
    %mul3A_302 = vector.broadcast %mul3A : f32 to vector<1024x16xf32>
    %mul3A_303 = arith.mulf %sub3A_301, %mul3A_302 : vector<1024x16xf32>
    %exp3A = math.exp %mul3A_303 : vector<1024x16xf32>
    %reduce_sum3A = arith.constant dense<0.000000e+00> : vector<1024xf32>
    %reduce_sum3A_304 = vector.multi_reduction <add>, %exp3A, %reduce_sum3A [1] : vector<1024x16xf32> to vector<1024xf32>
    %broadcast_in_dim3A_305 = vector.shape_cast %reduce_sum3A_304 : vector<1024xf32> to vector<1024x1xf32>
    %div3A = vector.broadcast %broadcast_in_dim3A_305 : vector<1024x1xf32> to vector<1024x16xf32>
    %div3A_306 = arith.divf %exp3A, %div3A : vector<1024x16xf32>
    %swap3A_307 = arith.constant 0 : index
    %swap3A_308 = arith.constant 0 : index
    %swap3A_309 = vector.load %arg3[%swap3A_307, %swap3A_308] : memref<1024x16xf32, #tpu.memory_space<vmem>>, vector<1024x16xf32>
    tpu.vector_store %arg3[%swap3A_307, %swap3A_308], %div3A_306 {strides = array<i32>} : memref<1024x16xf32, #tpu.memory_space<vmem>>, vector<1024x16xf32>,
    return
  }
}

</mosaic_0001>

<sc_bundles>
// kernel: kernel.12.cloned.1.call-start
scs
__scs_entry_jumppad:
0x0: {  	(pc) =	sbr.rel $0x88, $3  }
0x1: {  	(tag) =	ssettag $0x0;
	lr =	simm.s32 $0x1  }
0x2: {  	[smem:$0x3F9E] =	sst lr;
	_ =	strace $0xD0000000  }
0x3: {  	_ = 	snop  }
0x4: {  	_ = 	snop  }
0x5: {  	_ = 	snop  }
0x6: {  	_ = 	snop  }
0x7: {  	_ = 	snop  }
__scs_overlays_trampoline_lowered:
0x8: {  	[smem:$0x3FAD] =	sst s0  }
0x9: {  	[smem:$0x3FAE] =	sst s1  }
0xa: {  	[smem:$0x3FAF] =	sst s2  }
0xb: {  	[smem:$0x3FB0] =	sst s3  }
0xc: {  	[smem:$0x3FB1] =	sst s4  }
0xd: {  	[smem:$0x3FB2] =	sst s5  }
0xe: {  	[smem:$0x3FB3] =	sst s6  }
0xf: {  	[smem:$0x3FB4] =	sst s7  }
0x10: {  	[smem:$0x3FB5] =	sst s8  }
0x11: {  	[smem:$0x3FB6] =	sst s9;
	s0 =	simm.s32 @!p0 $0x0  }
0x12: {  	s1 =	sld [smem:$0x3F9C];
	s0 =	simm.s32 @p0 $0x1  }
0x13: {  	[smem:$0x3FB7] =	sst s0;
	s0 =	simm.s32 @!p1 $0x0  }
0x14: {  	s2 =	sld [smem:$0x3F9B];
	s0 =	simm.s32 @p1 $0x1  }
0x15: {  	[smem:$0x3FB8] =	sst s0;
	s0 =	simm.s32 @!p2 $0x0  }
0x16: {  	s3 =	sld [smem:$0x3FDB];
	s0 =	simm.s32 @p2 $0x1  }
0x17: {  	s4 =	simm.s32 $0x1BF5;
	[smem:$0x3FBA] =	sst s0  }
0x18: {  	s0 =	sld [smem:$0x3F9D];
	_ =	swait.ge [sflag:s4], $0x0  }
0x19: {  	s7 =	sld [smem:$0x3F9E]  }
0x1a: {  	s8 =	sadd.s32 $0xFFFFE003, lr  }
0x1b: {  	s9 =	sadd.s32 $0xFFFFFEF7, lr;
	s5 =	simm.s32 $0xFFFFFFFF;
	p2 =	slt.u32 s8, $0xFFFFF086  }
0x1c: {  	p1 =	slt.u32 s9, $0xF7A;
	s5 =	simm.s32 @!p2 $0x0  }
0x1d: {  	s5 =	simm.s32 @p1 $0x1;
	p0 =	seq.s32 s7, s2  }
0x1e: {  	s7 =	smul.u32 @!p0 $0xF7A, s2;
	p2 =	seq.s32 @!p0 s5, $0x0  }
0x1f: {  	s9 =	smul.u32 $0xF7A, s1;
	s8 =	simm.s32 @!p0 $0x1BF5;
	p2 =	por !p2, p0  }
0x20: {  	[sflag:s8] =	ssyncset.s32 @!p0 $0xFFFFF086;
	s6 =	sadd.s32 @!p0 s3, s7;
	s7 =	simm.s32 @!p0 $0x108  }
0x21: {  	s3 =	sadd.s32 s3, s9;
	s6 =	sadd.s32 @!p0 $0x88, s6;
	s7 =	simm.s32 @p2 $0x1082  }
0x22: {  	[simem:s7], [sflag:s8] =	dma.local @!p0 [hbm:s6], $0xF7A  }
0x23: {  	s9 =	sor.u32 $0xD0000000, s2;
	s6 =	simm.s32 $0x108;
	_ =	swait.ge @!p0 [sflag:s8], $0x0  }
0x24: {  	s3 =	sadd.s32 $0x88, s3;
	s6 =	simm.s32 @!p1 $0x1082;
	[sflag:s4] =	ssyncset.s32 $0xFFFFF086  }
0x25: {  	[simem:s6], [sflag:s4] =	dma.local [hbm:s3], $0xF7A  }
0x26: {  	[smem:$0x3F9E] =	sst s1;
	(tag) =	ssettag s2;
	_ =	strace s9  }
0x27: {  	s1 =	sld [smem:$0x3FAE]  }
0x28: {  	s2 =	sld [smem:$0x3FAF]  }
0x29: {  	s4 =	sld [smem:$0x3FB1]  }
0x2a: {  	p0 =	seq.s32 s5, $0x0;
	s5 =	sld [smem:$0x3FB2]  }
0x2b: {  	s6 =	sld [smem:$0x3FB3]  }
0x2c: {  	s7 =	sld [smem:$0x3FB4]  }
0x2d: {  	s3 =	simm.s32 $0x108;
	s8 =	sld [smem:$0x3FB5]  }
0x2e: {  	s3 =	simm.s32 @!p0 $0x1082;
	s9 =	sld [smem:$0x3FB6]  }
0x2f: {  	lr =	sadd.s32 s0, s3;
	s0 =	sld [smem:$0x3FAD]  }
0x30: {  	s3 =	sld [smem:$0x3FB0]  }
0x31: {  	[smem:$0x3FB9] =	sst s10  }
0x32: {  	s10 =	sld [smem:$0x3FB7];
	_ =	sdelay $0x3  }
0x33: {  	p0 =	seq.s32 s10, $0x1;
	s10 =	sld [smem:$0x3FB9];
	_ =	sdelay $0x3  }
0x34: {  	[smem:$0x3FB9] =	sst s10  }
0x35: {  	s10 =	sld [smem:$0x3FB8];
	_ =	sdelay $0x3  }
0x36: {  	p1 =	seq.s32 s10, $0x1;
	s10 =	sld [smem:$0x3FB9];
	_ =	sdelay $0x3  }
0x37: {  	[smem:$0x3FB9] =	sst s10  }
0x38: {  	s10 =	sld [smem:$0x3FBA]  }
0x39: {  	_ = 	snop;
	(pc) =	sbr.ind lr, $3  }
0x3a: {  	_ = 	snop  }
0x3b: {  	_ = 	snop  }
0x3c: {  	p2 =	seq.s32 s10, $0x1;
	s10 =	sld [smem:$0x3FB9]  }
0x3d: {  	_ =	shalt  }
0x3e: {  	_ =	shalt  }
0x3f: {  	_ =	shalt  }
0x40: {  	_ =	shalt  }
0x41: {  	_ =	shalt  }
0x42: {  	_ =	shalt  }
0x43: {  	_ =	shalt  }
0x44: {  	_ =	shalt  }
0x45: {  	_ =	shalt  }
0x46: {  	_ =	shalt  }
0x47: {  	_ =	shalt  }
0x48: {  	_ =	shalt  }
0x49: {  	_ =	shalt  }
0x4a: {  	_ =	shalt  }
0x4b: {  	_ =	shalt  }
0x4c: {  	_ =	shalt  }
0x4d: {  	_ =	shalt  }
0x4e: {  	_ =	shalt  }
0x4f: {  	_ =	shalt  }
0x50: {  	_ =	shalt  }
0x51: {  	_ =	shalt  }
0x52: {  	_ =	shalt  }
0x53: {  	_ =	shalt  }
0x54: {  	_ =	shalt  }
0x55: {  	_ =	shalt  }
0x56: {  	_ =	shalt  }
0x57: {  	_ =	shalt  }
0x58: {  	_ =	shalt  }
0x59: {  	_ =	shalt  }
0x5a: {  	_ =	shalt  }
0x5b: {  	_ =	shalt  }
0x5c: {  	_ =	shalt  }
0x5d: {  	_ =	shalt  }
0x5e: {  	_ =	shalt  }
0x5f: {  	_ =	shalt  }
0x60: {  	_ =	shalt  }
0x61: {  	_ =	shalt  }
0x62: {  	_ =	shalt  }
0x63: {  	_ =	shalt  }
0x64: {  	_ =	shalt  }
0x65: {  	_ =	shalt  }
0x66: {  	_ =	shalt  }
0x67: {  	_ =	shalt  }
0x68: {  	_ =	shalt  }
0x69: {  	_ =	shalt  }
0x6a: {  	_ =	shalt  }
0x6b: {  	_ =	shalt  }
0x6c: {  	_ =	shalt  }
0x6d: {  	_ =	shalt  }
0x6e: {  	_ =	shalt  }
0x6f: {  	_ =	shalt  }
0x70: {  	_ =	shalt  }
0x71: {  	_ =	shalt  }
0x72: {  	_ =	shalt  }
0x73: {  	_ =	shalt  }
0x74: {  	_ =	shalt  }
0x75: {  	_ =	shalt  }
0x76: {  	_ =	shalt  }
0x77: {  	_ =	shalt  }
0x78: {  	_ =	shalt  }
0x79: {  	_ =	shalt  }
0x7a: {  	_ =	shalt  }
0x7b: {  	_ =	shalt  }
0x7c: {  	_ =	shalt  }
0x7d: {  	_ =	shalt  }
0x7e: {  	_ =	shalt  }
0x7f: {  	_ =	shalt  }
0x80: {  	_ =	shalt  }
0x81: {  	_ =	shalt  }
0x82: {  	_ =	shalt  }
0x83: {  	_ =	shalt  }
0x84: {  	_ =	shalt  }
0x85: {  	_ =	shalt  }
0x86: {  	_ =	shalt  }
0x87: {  	_ =	shalt  }
.Lfunc_end0:
.L_simem_size_0:
called_computation.1_lowered:
.L_overlay_start_0:
0x88: {  	s2 =	sld [smem:$0x3FD9]  }
0x89: {  	s3 =	sld [smem:$0x3FFE];
	_ =	sdelay $0x1  }
0x8a: {  	s1 =	srdreg.scid  }
0x8b: {  	s0 =	sand.u32 $0x1, s1  }
0x8c: {  	s17 =	sshll.u32 s0, $0xA;
	s2 =	sadd.s32 s3, s2  }
0x8d: {  	s2 =	sadd.s32 s2, s17  }
0x8e: {  	[smem:$0x3FC5] =	sst s2  }
0x8f: {  	_ = 	snop  }
0x90: {  	s2 =	sld [smem:$0x3FD0];
	(tm) =	ssettm $0x1  }
0x91: {  	s18 =	sld [smem:$0x3FFB];
	_ =	sdelay $0x3  }
0x92: {  	_ =	strace s18  }
0x93: {  	s3 =	sld [smem:$0x3FFC];
	_ =	sdelay $0x3  }
0x94: {  	_ =	strace s3  }
0x95: {  	s3 =	sld [smem:$0x3FFD];
	_ =	sdelay $0x3  }
0x96: {  	_ =	strace s3  }
0x97: {  	_ =	strace $0x8FFFFFFF  }
0x98: {  	s19 =	sld [smem:$0x3FDB];
	_ =	sdelay $0x1  }
0x99: {  	s4 =	simm.s32 $_scs_section_size  }
0x9a: {  	s5 =	simm.s32 $_size__tile_overlayer_lowered;
	s6 =	simm.s32 $_tile_overlayer_lowered  }
0x9b: {  	s22 =	simm.s32 $0x1BFF;
	s21 =	sshll.u32 s6, $0x1;
	s3 =	sadd.s32 s4, s19  }
0x9c: {  	s7 =	simm.s32 $0x0;
	s20 =	sshll.u32 s5, $0x1;
	s5 =	sadd.s32 s21, s3  }
0x9d: {  	[timem:s7], [sflag:s22] =	dma.local [hbm:s5], s20  }
0x9e: {  	_ =	swait.ge [sflag:s22], s20  }
0x9f: {  	s4 =	ssub.s32 $0x0, s20;
	[sflag:s22] =	ssyncset.done $0x0  }
0xa0: {  	[sflag:s22] =	ssyncadd.s32 s4;
	_ =	sdelay $0x1  }
0xa1: {  	s23 =	simm.s32 $0x1B8B  }
0xa2: {  	_ =	swait.ge [sflag:s23], $0x1  }
0xa3: {  	[sflag:s23] =	ssyncset.done $0x0  }
0xa4: {  	s25 =	simm.s32 $0x1B8E;
	s24 =	sld [smem:$0x3FFE];
	[sflag:s23] =	ssyncadd.s32 $0xFFFFFFFF  }
0xa5: {  	s26 =	simm.s32 $execute0_lowered;
	[smem:$0x3FD2] =	sst s25  }
0xa6: {  	s5 =	sshll.u32 s26, $0x1;
	_ =	strace $0x80000049;
	[dreg:$0x1] =	wrdreg $0xFFFFFFFF  }
0xa7: {  	s28 =	simm.s32 $_size_execute0_lowered;
	s3 =	sadd.s32 s3, s5;
	[dreg:$0x0] =	wrdreg $0x0  }
0xa8: {  	s5 =	sshll.u32 s28, $0x1;
	[dreg:$0x2] =	wrdreg s3  }
0xa9: {  	[dreg:$0x3] =	wrdreg s5  }
0xaa: {  	[dreg:$0x4] =	wrdreg $0xC0  }
0xab: {  	_ =	task [dreg:s7], $0x5FFFF  }
0xac: {  	[dreg:$0x1] =	wrdreg $0xFFFFFFFF  }
0xad: {  	[dreg:$0x0] =	wrdreg $0x60  }
0xae: {  	[dreg:$0x2] =	wrdreg s2  }
0xaf: {  	[dreg:$0x3] =	wrdreg s24  }
0xb0: {  	[dreg:$0x4] =	wrdreg $0x9  }
0xb1: {  	_ =	task.clear_ibuf [dreg:s7], $0x5FFFF;
	_ =	strace $0x90000049  }
0xb2: {  	s29 =	simm.s32 $0x9;
	_ =	strace $0x8000004B  }
0xb3: {  	_ =	swait.ge [sflag:s29], $0x1  }
0xb4: {  	[sflag:s29] =	ssyncadd.s32 $0xFFFFFFFF  }
0xb5: {  	_ =	strace $0x9000004B  }
0xb6: {  	_ =	sfence  }
0xb7: {  	s30 =	sld [smem:$0x0];
	_ =	sdelay $0x2  }
0xb8: {  	s31 =	sshll.u32 s1, $0xD;
	s1 =	sshrl.u32 s1, $0x2  }
0xb9: {  	s3 =	sand.u32 $0x4000, s31;
	s1 =	sadd.s32 s1, s30  }
0xba: {  	s0 =	sor.u32 s3, s0;
	s1 =	sshll.u32 s1, $0x11  }
0xbb: {  	s0 =	sor.u32 s1, s0  }
0xbc: {  	s0 =	sadd.s32 $0x8F2B, s0  }
0xbd: {  	[sflag:s0] =	ssyncadd.remote.s32 $0x1  }
0xbe: {  	_ =	sfence.sel $0xFFFF  }
0xbf: {  	[dreg:$0x0] =	wrdreg $0xFFFFFFFF;
	(pc) =	sbr.abs _section_cstart, $3  }
0xc0: {  	[dreg:$0x1] =	wrdreg $0xFFFFFFFF  }
0xc1: {  	_ =	task.clear_ibuf [dreg:s7], $0x2FFFF;
	_ =	strace $0x9FFFFFFF  }
0xc2: {  	(tm) =	ssettm $0x7FFFFFFF  }
0xc3: {  	_ =	shalt  }
tec
execute0_lowered:
.L_overlay_start_1:
0x0: {  	(tag) =	ssettag $0x1  }
0x1: {  	s1 =	srdreg.scid  }
0x2: {  	s3 =	rddreg [dreg:$0x0];
	s0 =	stileid.u32  }
0x3: {  	s5 =	rddreg [dreg:$0x1];
	s2 =	simm.s32 $0x0;
	s4 =	sand.u32 $0x1, s1  }
0x4: {  	s6 =	sshll.u32 s0, $0x6;
	s1 =	rddreg [dreg:$0x2];
	s7 =	sshll.u32 s4, $0x5  }
0x5: {  	vm0 =	vmmov $0x1;
	v0 =	vlaneseq.u32;
	[smem:$0x7FF] =	sst s2;
	s4 =	ssub.s32 $0x2, s4;
	s6 =	sor.u32 s7, s6  }
0x6: {  	vm1 =	vcmask $0x308;
	vm2 =	vcmask $0x70C;
	vm3 =	vcmask $0xB10;
	_ =	strace $0x8000004A;
	s9 =	sshrl.u32 s4, $0x1;
	s7 =	sshll.u32 s6, $0x4  }
0x7: {  	vm4 =	vcmask $0xF14;
	vm5 =	vcmask $0x1318;
	vm6 =	vcmask $0x171C;
	s8 =	sshll.u32 s6, $0x5;
	s6 =	sshll.u32 s6, $0x8;
	s31 =	ssub.s32 s4, s9  }
0x8: {  	vm7 =	vcmask $0x1B20;
	vm8 =	vcmask $0x1F24;
	vm9 =	vcmask $0x2328;
	s9 =	simm.s32 $0x0;
	s7 =	sadd.s32 s7, s5;
	s5 =	sadd.s32 s8, s5  }
0x9: {  	vm10 =	vcmask $0x272C;
	vm11 =	vcmask $0x2B30;
	vm12 =	vcmask $0x2F34;
	s3 =	sadd.s32 s3, s6;
	s6 =	smax.u32 s31, $0x1;
	s8 =	simm.s32 $0x11000  }
0xa: {  	vm13 =	vcmask $0x3338;
	vm14 =	vcmask $0x373C;
	vm15 =	vmmov $0x7fff;
	s4 =	sadd.s32 $0x2000, s7;
	s5 =	sadd.s32 $0x6000, s5;
	s7 =	simm.s32 $0x1  }
.LBB2_1:
0xb: {  	[tilespmem:s2], [sflag:$0x1] =	stream.linear.gather [hbm4b:s3+s2], $0x10000, $0x38;
	[tilespmem:$0x13000] =	vst v63  }
0xc: {  	_ =	swait.ge [sflag:s7], $0x10000  }
0xd: {  	[sflag:s7] =	ssyncset.done $0x0  }
0xe: {  	s10 =	simm.s32 $0x10000;
	[sflag:s7] =	ssyncadd.s32 $0xFFFF0000  }
0xf: {  	[tilespmem:s10], [sflag:$0x1] =	stream.linear.gather [hbm4b:s4+s2], $0x1000, $0x38;
	[tilespmem:$0x13000] =	vst v63  }
0x10: {  	_ =	swait.ge [sflag:s7], $0x1000  }
0x11: {  	[sflag:s7] =	ssyncset.done $0x0  }
0x12: {  	[sflag:s7] =	ssyncadd.s32 $0xFFFFF000  }
0x13: {  	v1 =	vld [tilespmem:s10+$0x0];
	_ =	sdelay $0x4  }
0x14: {  	v2 =	vnsel vm0, $0xFFFFFFFF, v1  }
0x15: {  	v2 =	vxor.u32 $0x80000000, v2  }
0x16: {  	(xrf0) =	vmax.scan.msk.u32 $0xffff, v2;
	_ =	sdelay $0x1  }
0x17: {  	v2 =	vsel vm1, $0xFFFFFFFF, v1  }
0x18: {  	v2 =	vxor.u32 $0x80000000, v2;
	_ =	sdelay $0x2  }
0x19: {  	(xrf0) =	vmax.scan.msk.u32 $0xffff, v2;
	v2, _, _ =	vpop (xrf0)  }
0x1a: {  	(v2sf) =	vpush v2, $0xF  }
0x1b: {  	v2 =	vsel vm2, $0xFFFFFFFF, v1  }
0x1c: {  	v2 =	vxor.u32 $0x80000000, v2;
	_ =	sdelay $0x2  }
0x1d: {  	(xrf0) =	vmax.scan.msk.u32 $0xffff, v2;
	v2, _, _ =	vpop (xrf0)  }
0x1e: {  	(v2sf) =	vpush v2, $0xF  }
0x1f: {  	v2 =	vsel vm3, $0xFFFFFFFF, v1  }
0x20: {  	v2 =	vxor.u32 $0x80000000, v2;
	_ =	sdelay $0x2  }
0x21: {  	(xrf0) =	vmax.scan.msk.u32 $0xffff, v2;
	v2, _, _ =	vpop (xrf0)  }
0x22: {  	(v2sf) =	vpush v2, $0xF  }
0x23: {  	v2 =	vsel vm4, $0xFFFFFFFF, v1  }
0x24: {  	v2 =	vxor.u32 $0x80000000, v2  }
0x25: {  	s11 =	spop (v2sf)  }
0x26: {  	s11 =	sshll.u32 s11, $0x4  }
0x27: {  	(xrf0) =	vmax.scan.msk.u32 $0xffff, v2;
	v2, _, _ =	vpop (xrf0);
	s12 =	sand.u32 $0xFFFFFF80, s11  }
0x28: {  	(v2sf) =	vpush v2, $0xF;
	s11 =	sand.u32 $0x70, s11;
	s12 =	sadd.s32 $0x0, s12  }
0x29: {  	v3 =	vsel vm5, $0xFFFFFFFF, v1;
	s11 =	sor.u32 s11, s12  }
0x2a: {  	v3 =	vxor.u32 $0x80000000, v3;
	v2 =	vor.u32 s11, v0  }
0x2b: {  	s17 =	spop (v2sf)  }
0x2c: {  	s11 =	sshll.u32 s17, $0x4  }
0x2d: {  	(xrf0) =	vmax.scan.msk.u32 $0xffff, v3;
	v3, _, _ =	vpop (xrf0);
	s18 =	sand.u32 $0xFFFFFF80, s11  }
0x2e: {  	(v2sf) =	vpush v3, $0xF;
	s11 =	sand.u32 $0x70, s11;
	s12 =	sadd.s32 $0x0, s18  }
0x2f: {  	s11 =	sor.u32 s11, s12;
	v2 =	vld.idx.msk [tilespmem:v2+s2+$0x0], $0xffff  }
0x30: {  	v3 =	vor.u32 s11, v0  }
0x31: {  	v4 =	vsel vm6, $0xFFFFFFFF, v1;
	s19 =	spop (v2sf)  }
0x32: {  	s20 =	sand.u32 $0x1800, s2;
	s13 =	sand.u32 $0x380, s2;
	v4 =	vxor.u32 $0x80000000, v4;
	s11 =	sshll.u32 s19, $0x4  }
0x33: {  	(xrf0) =	vmax.scan.msk.u32 $0xffff, v4;
	v47, _, _ =	vpop (xrf0);
	s12 =	sor.u32 s13, s20;
	s14 =	sand.u32 $0xFFFFFF80, s11  }
0x34: {  	(v2sf) =	vpush v47, $0xF;
	s11 =	sand.u32 $0x70, s11;
	s21 =	sadd.s32 $0x0, s14;
	[tilespmem:s12+$0x11000] =	vst v2  }
0x35: {  	s11 =	sor.u32 s11, s21;
	v2 =	vld.idx.msk [tilespmem:v3+s2+$0x0], $0xffff  }
0x36: {  	v3 =	vor.u32 s11, v0  }
0x37: {  	v48 =	vsel vm7, $0xFFFFFFFF, v1;
	s22 =	spop (v2sf)  }
0x38: {  	v4 =	vxor.u32 $0x80000000, v48;
	s11 =	sshll.u32 s22, $0x4  }
0x39: {  	(xrf0) =	vmax.scan.msk.u32 $0xffff, v4;
	v49, _, _ =	vpop (xrf0);
	s14 =	sadd.s32 $0x11000, s12;
	s23 =	sand.u32 $0xFFFFFF80, s11  }
0x3a: {  	(v2sf) =	vpush v49, $0xF;
	s11 =	sand.u32 $0x70, s11;
	s24 =	sadd.s32 $0x0, s23;
	[tilespmem:s14+$0x10] =	vst v2  }
0x3b: {  	s11 =	sor.u32 s11, s24;
	v2 =	vld.idx.msk [tilespmem:v3+s2+$0x0], $0xffff  }
0x3c: {  	v3 =	vor.u32 s11, v0  }
0x3d: {  	v50 =	vsel vm8, $0xFFFFFFFF, v1;
	s25 =	spop (v2sf)  }
0x3e: {  	v4 =	vxor.u32 $0x80000000, v50;
	s11 =	sshll.u32 s25, $0x4  }
0x3f: {  	(xrf0) =	vmax.scan.msk.u32 $0xffff, v4;
	v51, _, _ =	vpop (xrf0);
	s26 =	sand.u32 $0xFFFFFF80, s11  }
0x40: {  	(v2sf) =	vpush v51, $0xF;
	s11 =	sand.u32 $0x70, s11;
	s12 =	sadd.s32 $0x0, s26;
	[tilespmem:s14+$0x20] =	vst v2  }
0x41: {  	s11 =	sor.u32 s11, s12;
	v2 =	vld.idx.msk [tilespmem:v3+s2+$0x0], $0xffff  }
0x42: {  	v3 =	vor.u32 s11, v0  }
0x43: {  	v52 =	vsel vm9, $0xFFFFFFFF, v1;
	s28 =	spop (v2sf)  }
0x44: {  	v4 =	vxor.u32 $0x80000000, v52;
	s11 =	sshll.u32 s28, $0x4  }
0x45: {  	(xrf0) =	vmax.scan.msk.u32 $0xffff, v4;
	v53, _, _ =	vpop (xrf0);
	s29 =	sand.u32 $0xFFFFFF80, s11  }
0x46: {  	(v2sf) =	vpush v53, $0xF;
	s11 =	sand.u32 $0x70, s11;
	s12 =	sadd.s32 $0x0, s29;
	[tilespmem:s14+$0x30] =	vst v2  }
0x47: {  	s11 =	sor.u32 s11, s12;
	v2 =	vld.idx.msk [tilespmem:v3+s2+$0x0], $0xffff  }
0x48: {  	v3 =	vor.u32 s11, v0  }
0x49: {  	v54 =	vsel vm10, $0xFFFFFFFF, v1;
	s30 =	spop (v2sf)  }
0x4a: {  	v4 =	vxor.u32 $0x80000000, v54;
	s11 =	sshll.u32 s30, $0x4  }
0x4b: {  	(xrf0) =	vmax.scan.msk.u32 $0xffff, v4;
	v55, _, _ =	vpop (xrf0);
	s31 =	sand.u32 $0xFFFFFF80, s11  }
0x4c: {  	(v2sf) =	vpush v55, $0xF;
	s11 =	sand.u32 $0x70, s11;
	s12 =	sadd.s32 $0x0, s31;
	[tilespmem:s14+$0x40] =	vst v2  }
0x4d: {  	s11 =	sor.u32 s11, s12;
	v2 =	vld.idx.msk [tilespmem:v3+s2+$0x0], $0xffff  }
0x4e: {  	v3 =	vor.u32 s11, v0  }
0x4f: {  	v56 =	vsel vm11, $0xFFFFFFFF, v1;
	s12 =	spop (v2sf)  }
0x50: {  	v4 =	vxor.u32 $0x80000000, v56;
	s11 =	sshll.u32 s12, $0x4  }
0x51: {  	(xrf0) =	vmax.scan.msk.u32 $0xffff, v4;
	v57, _, _ =	vpop (xrf0);
	s13 =	sand.u32 $0xFFFFFF80, s11  }
0x52: {  	(v2sf) =	vpush v57, $0xF;
	s11 =	sand.u32 $0x70, s11;
	s12 =	sadd.s32 $0x0, s13;
	[tilespmem:s14+$0x50] =	vst v2  }
0x53: {  	s11 =	sor.u32 s11, s12;
	v2 =	vld.idx.msk [tilespmem:v3+s2+$0x0], $0xffff  }
0x54: {  	v3 =	vor.u32 s11, v0  }
0x55: {  	v58 =	vsel vm12, $0xFFFFFFFF, v1;
	s15 =	spop (v2sf)  }
0x56: {  	v4 =	vxor.u32 $0x80000000, v58;
	s11 =	sshll.u32 s15, $0x4  }
0x57: {  	(xrf0) =	vmax.scan.msk.u32 $0xffff, v4;
	v59, _, _ =	vpop (xrf0);
	s16 =	sand.u32 $0xFFFFFF80, s11  }
0x58: {  	(v2sf) =	vpush v59, $0xF;
	s11 =	sand.u32 $0x70, s11;
	s12 =	sadd.s32 $0x0, s16;
	[tilespmem:s14+$0x60] =	vst v2  }
0x59: {  	s11 =	sor.u32 s11, s12;
	v2 =	vld.idx.msk [tilespmem:v3+s2+$0x0], $0xffff  }
0x5a: {  	v3 =	vor.u32 s11, v0  }
0x5b: {  	v60 =	vsel vm13, $0xFFFFFFFF, v1;
	s17 =	spop (v2sf)  }
0x5c: {  	v4 =	vxor.u32 $0x80000000, v60;
	s11 =	sshll.u32 s17, $0x4  }
0x5d: {  	(xrf0) =	vmax.scan.msk.u32 $0xffff, v4;
	v61, _, _ =	vpop (xrf0);
	s18 =	sand.u32 $0xFFFFFF80, s11  }
0x5e: {  	(v2sf) =	vpush v61, $0xF;
	s11 =	sand.u32 $0x70, s11;
	s12 =	sadd.s32 $0x0, s18;
	[tilespmem:s14+$0x70] =	vst v2  }
0x5f: {  	s11 =	sor.u32 s11, s12;
	v2 =	vld.idx.msk [tilespmem:v3+s2+$0x0], $0xffff  }
0x60: {  	v3 =	vor.u32 s11, v0  }
0x61: {  	v62 =	vsel vm14, $0xFFFFFFFF, v1;
	s19 =	spop (v2sf)  }
0x62: {  	v4 =	vxor.u32 $0x80000000, v62;
	s11 =	sshll.u32 s19, $0x4  }
0x63: {  	(xrf0) =	vmax.scan.msk.u32 $0xffff, v4;
	v63, _, _ =	vpop (xrf0);
	s20 =	sand.u32 $0xFFFFFF80, s11  }
0x64: {  	(v2sf) =	vpush v63, $0xF;
	s11 =	sand.u32 $0x70, s11;
	s12 =	sadd.s32 $0x0, s20;
	[tilespmem:s14+$0x400] =	vst v2  }
0x65: {  	v1 =	vsel vm15, $0xFFFFFFFF, v1;
	s11 =	sor.u32 s11, s12;
	v2 =	vld.idx.msk [tilespmem:v3+s2+$0x0], $0xffff  }
0x66: {  	v1 =	vxor.u32 $0x80000000, v1;
	v3 =	vor.u32 s11, v0  }
0x67: {  	s21 =	spop (v2sf)  }
0x68: {  	s11 =	sshll.u32 s21, $0x4  }
0x69: {  	(xrf0) =	vmax.scan.msk.u32 $0xffff, v1;
	v1, _, _ =	vpop (xrf0);
	s22 =	sand.u32 $0xFFFFFF80, s11  }
0x6a: {  	(v2sf) =	vpush v1, $0xF;
	s11 =	sand.u32 $0x70, s11;
	s12 =	sadd.s32 $0x0, s22;
	[tilespmem:s14+$0x410] =	vst v2  }
0x6b: {  	s11 =	sor.u32 s11, s12;
	v1 =	vld.idx.msk [tilespmem:v3+s2+$0x0], $0xffff  }
0x6c: {  	v2 =	vor.u32 s11, v0  }
0x6d: {  	s23 =	spop (v2sf)  }
0x6e: {  	s11 =	sshll.u32 s23, $0x4  }
0x6f: {  	v3, _, _ =	vpop (xrf0);
	s24 =	sand.u32 $0xFFFFFF80, s11  }
0x70: {  	s11 =	sand.u32 $0x70, s11;
	(v2sf) =	vpush v3, $0xF;
	s12 =	sadd.s32 $0x0, s24;
	[tilespmem:s14+$0x420] =	vst v1  }
0x71: {  	s11 =	sor.u32 s11, s12;
	v1 =	vld.idx.msk [tilespmem:v2+s2+$0x0], $0xffff  }
0x72: {  	v2 =	vor.u32 s11, v0  }
0x73: {  	s25 =	spop (v2sf)  }
0x74: {  	s11 =	sshll.u32 s25, $0x4  }
0x75: {  	s26 =	sand.u32 $0xFFFFFF80, s11  }
0x76: {  	s11 =	sand.u32 $0x70, s11;
	s12 =	sadd.s32 $0x0, s26;
	[tilespmem:s14+$0x430] =	vst v1  }
0x77: {  	s11 =	sor.u32 s11, s12;
	v1 =	vld.idx.msk [tilespmem:v2+s2+$0x0], $0xffff  }
0x78: {  	v2 =	vor.u32 s11, v0  }
0x79: {  	s28 =	spop (v2sf)  }
0x7a: {  	s11 =	sshll.u32 s28, $0x4  }
0x7b: {  	s29 =	sand.u32 $0xFFFFFF80, s11  }
0x7c: {  	s11 =	sand.u32 $0x70, s11;
	s12 =	sadd.s32 $0x0, s29;
	[tilespmem:s14+$0x440] =	vst v1  }
0x7d: {  	s11 =	sor.u32 s11, s12;
	v1 =	vld.idx.msk [tilespmem:v2+s2+$0x0], $0xffff  }
0x7e: {  	v2 =	vor.u32 s11, v0  }
0x7f: {  	s30 =	spop (v2sf)  }
0x80: {  	s11 =	sshll.u32 s30, $0x4  }
0x81: {  	s31 =	sand.u32 $0xFFFFFF80, s11  }
0x82: {  	s11 =	sand.u32 $0x70, s11;
	s12 =	sadd.s32 $0x0, s31;
	[tilespmem:s14+$0x450] =	vst v1  }
0x83: {  	s11 =	sor.u32 s11, s12;
	v1 =	vld.idx.msk [tilespmem:v2+s2+$0x0], $0xffff  }
0x84: {  	v2 =	vor.u32 s11, v0;
	_ =	sdelay $0x3  }
0x85: {  	[tilespmem:s14+$0x460] =	vst v1  }
0x86: {  	s13 =	simm.s32 $0x0;
	s12 =	simm.s32 $0x0;
	s11 =	simm.s32 $0x1;
	v1 =	vld.idx.msk [tilespmem:v2+s2+$0x0], $0xffff  }
.LBB2_2:
0x87: {  	_ =	sdelay $0x3  }
0x88: {  	s12 =	sadd.s32 $0x80, s12;
	s13 =	sadd.s32 $0x100, s13;
	s10 =	sadd.s32 $0x80, s10;
	[tilespmem:s14+$0x470] =	vst v1  }
0x89: {  	p0 =	sne.s32 s11, $0x1F;
	s14 =	smov.u32 s11;
	s11 =	sadd.s32 $0x1, s11;
	v1 =	vld [tilespmem:s10+$0x0]  }
0x8a: {  	_ =	sdelay $0x3  }
0x8b: {  	v2 =	vnsel vm0, $0xFFFFFFFF, v1;
	v3 =	vsel vm1, $0xFFFFFFFF, v1;
	v4 =	vsel vm2, $0xFFFFFFFF, v1  }
0x8c: {  	v2 =	vxor.u32 $0x80000000, v2;
	v3 =	vxor.u32 $0x80000000, v3;
	v4 =	vxor.u32 $0x80000000, v4  }
0x8d: {  	v5 =	vsel vm3, $0xFFFFFFFF, v1;
	v6 =	vsel vm4, $0xFFFFFFFF, v1;
	v7 =	vsel vm5, $0xFFFFFFFF, v1;
	(xrf0) =	vmax.scan.msk.u32 $0xffff, v2  }
0x8e: {  	v2 =	vxor.u32 $0x80000000, v5;
	v5 =	vxor.u32 $0x80000000, v6;
	v6 =	vxor.u32 $0x80000000, v7;
	(xrf0) =	vmax.scan.msk.u32 $0xffff, v3  }
0x8f: {  	v8 =	vsel vm8, $0xFFFFFFFF, v1;
	v7 =	vsel vm7, $0xFFFFFFFF, v1;
	v3 =	vsel vm6, $0xFFFFFFFF, v1;
	(xrf0) =	vmax.scan.msk.u32 $0xffff, v4  }
0x90: {  	v3 =	vxor.u32 $0x80000000, v3;
	v4 =	vxor.u32 $0x80000000, v7;
	v7 =	vxor.u32 $0x80000000, v8;
	(xrf0) =	vmax.scan.msk.u32 $0xffff, v2  }
0x91: {  	v9 =	vsel vm11, $0xFFFFFFFF, v1;
	v8 =	vsel vm10, $0xFFFFFFFF, v1;
	v2 =	vsel vm9, $0xFFFFFFFF, v1;
	(xrf0) =	vmax.scan.msk.u32 $0xffff, v5  }
0x92: {  	v2 =	vxor.u32 $0x80000000, v2;
	v5 =	vxor.u32 $0x80000000, v8;
	v8 =	vxor.u32 $0x80000000, v9;
	(xrf0) =	vmax.scan.msk.u32 $0xffff, v6  }
0x93: {  	v12 =	vsel vm13, $0xFFFFFFFF, v1;
	v10 =	vsel vm14, $0xFFFFFFFF, v1;
	v6 =	vsel vm12, $0xFFFFFFFF, v1;
	v11, _, _ =	vpop (xrf0);
	(xrf0) =	vmax.scan.msk.u32 $0xffff, v3  }
0x94: {  	v3 =	vxor.u32 $0x80000000, v6;
	v6 =	vxor.u32 $0x80000000, v12;
	(v2sf) =	vpush v11, $0xF;
	v9, _, _ =	vpop (xrf0);
	(xrf0) =	vmax.scan.msk.u32 $0xffff, v4  }
0x95: {  	v1 =	vsel vm15, $0xFFFFFFFF, v1;
	v4 =	vxor.u32 $0x80000000, v10;
	(v2sf) =	vpush v9, $0xF;
	v9, _, _ =	vpop (xrf0);
	(xrf0) =	vmax.scan.msk.u32 $0xffff, v7  }
0x96: {  	v1 =	vxor.u32 $0x80000000, v1;
	(v2sf) =	vpush v9, $0xF;
	v7, _, _ =	vpop (xrf0);
	(xrf0) =	vmax.scan.msk.u32 $0xffff, v2  }
0x97: {  	v2, _, _ =	vpop (xrf0);
	(xrf0) =	vmax.scan.msk.u32 $0xffff, v5  }
0x98: {  	v5, _, _ =	vpop (xrf0);
	(xrf0) =	vmax.scan.msk.u32 $0xffff, v8  }
0x99: {  	(v2sf) =	vpush v7, $0xF;
	v7, _, _ =	vpop (xrf0);
	(xrf0) =	vmax.scan.msk.u32 $0xffff, v3  }
0x9a: {  	(v2sf) =	vpush v2, $0xF;
	v2, _, _ =	vpop (xrf0);
	(xrf0) =	vmax.scan.msk.u32 $0xffff, v6  }
0x9b: {  	v3, _, _ =	vpop (xrf0);
	(xrf0) =	vmax.scan.msk.u32 $0xffff, v4  }
0x9c: {  	v4, _, _ =	vpop (xrf0);
	(xrf0) =	vmax.scan.msk.u32 $0xffff, v1  }
0x9d: {  	(v2sf) =	vpush v5, $0xF;
	v1, _, _ =	vpop (xrf0)  }
0x9e: {  	(v2sf) =	vpush v7, $0xF;
	v5, _, _ =	vpop (xrf0)  }
0x9f: {  	v6, _, _ =	vpop (xrf0)  }
0xa0: {  	v7, _, _ =	vpop (xrf0)  }
0xa1: {  	(v2sf) =	vpush v2, $0xF;
	v2, _, _ =	vpop (xrf0)  }
0xa2: {  	v8, _, _ =	vpop (xrf0)  }
0xa3: {  	s15 =	spop (v2sf)  }
0xa4: {  	s16 =	sshll.u32 s15, $0x4;
	s15 =	sshll.u32 s14, $0xB;
	s14 =	spop (v2sf);
	(v2sf) =	vpush v3, $0xF  }
0xa5: {  	s17 =	sand.u32 $0xFFFFFF80, s16;
	s14 =	sshll.u32 s14, $0x4;
	s18 =	spop (v2sf);
	(v2sf) =	vpush v4, $0xF  }
0xa6: {  	s16 =	sand.u32 $0x70, s16;
	s17 =	sadd.s32 s15, s17;
	s19 =	sand.u32 $0xFFFFFF80, s14  }
0xa7: {  	s14 =	sand.u32 $0x70, s14;
	s16 =	sor.u32 s16, s17;
	s17 =	sadd.s32 s15, s19  }
0xa8: {  	v3 =	vor.u32 s16, v0;
	s14 =	sor.u32 s14, s17;
	s16 =	sshll.u32 s18, $0x4;
	s17 =	spop (v2sf);
	(v2sf) =	vpush v1, $0xF  }
0xa9: {  	s18 =	sand.u32 $0xFFFFFF80, s16;
	s17 =	sshll.u32 s17, $0x4;
	s19 =	spop (v2sf);
	(v2sf) =	vpush v5, $0xF  }
0xaa: {  	s16 =	sand.u32 $0x70, s16;
	s18 =	sadd.s32 s15, s18;
	s20 =	sand.u32 $0xFFFFFF80, s17  }
0xab: {  	s18 =	sor.u32 s16, s18;
	s16 =	sand.u32 $0x70, s17;
	s17 =	sadd.s32 s15, s20  }
0xac: {  	s17 =	sor.u32 s16, s17;
	s16 =	sshll.u32 s19, $0x4;
	s19 =	spop (v2sf)  }
0xad: {  	v1 =	vld.idx.msk [tilespmem:v3+s2+$0x0], $0xffff;
	s20 =	sand.u32 $0xFFFFFF80, s16;
	s21 =	sshll.u32 s19, $0x4;
	s22 =	spop (v2sf)  }
0xae: {  	s16 =	sand.u32 $0x70, s16;
	s19 =	sadd.s32 s15, s20;
	s20 =	sand.u32 $0xFFFFFF80, s21;
	(v2sf) =	vpush v6, $0xF  }
0xaf: {  	v3 =	vor.u32 s14, v0;
	s14 =	sand.u32 $0x70, s21;
	s19 =	sor.u32 s16, s19;
	s16 =	sadd.s32 s15, s20;
	(v2sf) =	vpush v7, $0xF  }
0xb0: {  	s16 =	sor.u32 s14, s16;
	s14 =	sshll.u32 s22, $0x4;
	s20 =	spop (v2sf);
	(v2sf) =	vpush v2, $0xF  }
0xb1: {  	s21 =	sand.u32 $0x1800, s13;
	s22 =	sand.u32 $0x380, s12;
	s23 =	sand.u32 $0xFFFFFF80, s14  }
0xb2: {  	s22 =	sor.u32 s22, s21;
	s14 =	sand.u32 $0x70, s14;
	s21 =	sadd.s32 s15, s23  }
0xb3: {  	[tilespmem:s22+$0x11000] =	vst v1;
	s21 =	sor.u32 s14, s21;
	s14 =	sshll.u32 s20, $0x4;
	s20 =	spop (v2sf);
	(v2sf) =	vpush v8, $0xF  }
0xb4: {  	v1 =	vld.idx.msk [tilespmem:v3+s2+$0x0], $0xffff;
	s23 =	sand.u32 $0xFFFFFF80, s14;
	s20 =	sshll.u32 s20, $0x4;
	s24 =	spop (v2sf)  }
0xb5: {  	s14 =	sand.u32 $0x70, s14;
	s23 =	sadd.s32 s15, s23;
	s26 =	sand.u32 $0xFFFFFF80, s20  }
0xb6: {  	v2 =	vor.u32 s18, v0;
	s25 =	sor.u32 s14, s23;
	s14 =	sand.u32 $0x70, s20;
	s18 =	sadd.s32 s15, s26  }
0xb7: {  	s20 =	sor.u32 s14, s18;
	s18 =	sshll.u32 s24, $0x4;
	s14 =	spop (v2sf)  }
0xb8: {  	s23 =	sand.u32 $0xFFFFFF80, s18;
	s26 =	sshll.u32 s14, $0x4;
	s28 =	spop (v2sf)  }
0xb9: {  	s14 =	sadd.s32 $0x11000, s22;
	s18 =	sand.u32 $0x70, s18;
	s22 =	sadd.s32 s15, s23  }
0xba: {  	s23 =	sshll.u32 s28, $0x4;
	[tilespmem:s14+$0x10] =	vst v1;
	s24 =	sor.u32 s18, s22;
	s18 =	sand.u32 $0xFFFFFF80, s26  }
0xbb: {  	s22 =	sand.u32 $0x70, s26;
	s26 =	sand.u32 $0xFFFFFF80, s23;
	v1 =	vld.idx.msk [tilespmem:v2+s2+$0x0], $0xffff;
	s18 =	sadd.s32 s15, s18  }
0xbc: {  	s22 =	sor.u32 s22, s18;
	s18 =	sand.u32 $0x70, s23;
	s23 =	sadd.s32 s15, s26  }
0xbd: {  	v2 =	vor.u32 s17, v0;
	s17 =	sor.u32 s18, s23;
	s18 =	spop (v2sf)  }
0xbe: {  	s18 =	sshll.u32 s18, $0x4;
	s23 =	spop (v2sf)  }
0xbf: {  	s26 =	sand.u32 $0xFFFFFF80, s18;
	s28 =	sshll.u32 s23, $0x4;
	s29 =	spop (v2sf)  }
0xc0: {  	s18 =	sand.u32 $0x70, s18;
	s23 =	sadd.s32 s15, s26;
	s26 =	sand.u32 $0xFFFFFF80, s28  }
0xc1: {  	[tilespmem:s14+$0x20] =	vst v1;
	s23 =	sor.u32 s18, s23;
	s18 =	sand.u32 $0x70, s28;
	s26 =	sadd.s32 s15, s26  }
0xc2: {  	v1 =	vld.idx.msk [tilespmem:v2+s2+$0x0], $0xffff;
	s18 =	sor.u32 s18, s26;
	s26 =	sshll.u32 s29, $0x4;
	s28 =	spop (v2sf)  }
0xc3: {  	s29 =	sand.u32 $0xFFFFFF80, s26;
	s28 =	sshll.u32 s28, $0x4  }
0xc4: {  	v2 =	vor.u32 s19, v0;
	s19 =	sand.u32 $0x70, s26;
	s26 =	sadd.s32 s15, s29;
	s29 =	sand.u32 $0xFFFFFF80, s28  }
0xc5: {  	s19 =	sor.u32 s19, s26;
	s26 =	sand.u32 $0x70, s28;
	s15 =	sadd.s32 s15, s29  }
0xc6: {  	s15 =	sor.u32 s26, s15;
	_ =	sdelay $0x1  }
0xc7: {  	[tilespmem:s14+$0x30] =	vst v1  }
0xc8: {  	v1 =	vld.idx.msk [tilespmem:v2+s2+$0x0], $0xffff;
	_ =	sdelay $0x1  }
0xc9: {  	v2 =	vor.u32 s16, v0;
	_ =	sdelay $0x3  }
0xca: {  	[tilespmem:s14+$0x40] =	vst v1  }
0xcb: {  	v1 =	vld.idx.msk [tilespmem:v2+s2+$0x0], $0xffff;
	_ =	sdelay $0x1  }
0xcc: {  	v2 =	vor.u32 s21, v0;
	_ =	sdelay $0x3  }
0xcd: {  	[tilespmem:s14+$0x50] =	vst v1  }
0xce: {  	v1 =	vld.idx.msk [tilespmem:v2+s2+$0x0], $0xffff;
	_ =	sdelay $0x1  }
0xcf: {  	v2 =	vor.u32 s25, v0;
	_ =	sdelay $0x3  }
0xd0: {  	[tilespmem:s14+$0x60] =	vst v1  }
0xd1: {  	v1 =	vld.idx.msk [tilespmem:v2+s2+$0x0], $0xffff;
	_ =	sdelay $0x1  }
0xd2: {  	v2 =	vor.u32 s20, v0;
	_ =	sdelay $0x3  }
0xd3: {  	[tilespmem:s14+$0x70] =	vst v1  }
0xd4: {  	v1 =	vld.idx.msk [tilespmem:v2+s2+$0x0], $0xffff;
	_ =	sdelay $0x1  }
0xd5: {  	v2 =	vor.u32 s24, v0;
	_ =	sdelay $0x3  }
0xd6: {  	[tilespmem:s14+$0x400] =	vst v1  }
0xd7: {  	v1 =	vld.idx.msk [tilespmem:v2+s2+$0x0], $0xffff;
	_ =	sdelay $0x1  }
0xd8: {  	v2 =	vor.u32 s22, v0;
	_ =	sdelay $0x3  }
0xd9: {  	[tilespmem:s14+$0x410] =	vst v1  }
0xda: {  	v1 =	vld.idx.msk [tilespmem:v2+s2+$0x0], $0xffff;
	_ =	sdelay $0x1  }
0xdb: {  	v2 =	vor.u32 s17, v0;
	_ =	sdelay $0x3  }
0xdc: {  	[tilespmem:s14+$0x420] =	vst v1  }
0xdd: {  	v1 =	vld.idx.msk [tilespmem:v2+s2+$0x0], $0xffff;
	_ =	sdelay $0x1  }
0xde: {  	v2 =	vor.u32 s23, v0;
	_ =	sdelay $0x3  }
0xdf: {  	[tilespmem:s14+$0x430] =	vst v1  }
0xe0: {  	v1 =	vld.idx.msk [tilespmem:v2+s2+$0x0], $0xffff;
	_ =	sdelay $0x1  }
0xe1: {  	v2 =	vor.u32 s18, v0;
	_ =	sdelay $0x3  }
0xe2: {  	[tilespmem:s14+$0x440] =	vst v1  }
0xe3: {  	v1 =	vld.idx.msk [tilespmem:v2+s2+$0x0], $0xffff;
	_ =	sdelay $0x1  }
0xe4: {  	v2 =	vor.u32 s19, v0;
	_ =	sdelay $0x3  }
0xe5: {  	[tilespmem:s14+$0x450] =	vst v1  }
0xe6: {  	v1 =	vld.idx.msk [tilespmem:v2+s2+$0x0], $0xffff;
	_ =	sdelay $0x1  }
0xe7: {  	v2 =	vor.u32 s15, v0  }
.Ltmp0:
0xe8: {  	(pc) =	sbr.rel @p0 .LBB2_2-.Ltmp0, $3  }
0xe9: {  	_ =	sdelay $0x1  }
0xea: {  	[tilespmem:s14+$0x460] =	vst v1  }
0xeb: {  	v1 =	vld.idx.msk [tilespmem:v2+s2+$0x0], $0xffff  }
0xec: {  	_ =	sdelay $0x1  }
0xed: {  	s9 =	sadd.s32 $0x1, s9  }
0xee: {  	p0 =	sne.s32 s9, s6  }
.Ltmp1:
0xef: {  	[tilespmem:s14+$0x470] =	vst v1;
	(pc) =	sbr.rel @p0 .LBB2_1-.Ltmp1, $4  }
0xf0: {  	[hbm4b:s5+s2] =	stream.linear.scatter [tilespmem:s8], [sflag:$0x1], $0x2000, $0x38;
	[tilespmem:$0x13000] =	vst v63  }
0xf1: {  	_ =	swait.ge [sflag:s7], $0x2000  }
0xf2: {  	[sflag:s7] =	ssyncset.done $0x0  }
0xf3: {  	[sflag:s7] =	ssyncadd.s32 $0xFFFFE000  }
0xf4: {  	_ =	sfence.sel $0x180000  }
0xf5: {  	[bflag:$0x0] =	sbarrier.arrive $0xFFFF  }
0xf6: {  	p0 =	sne.s32 s0, $0x0;
	_ =	strace $0x9000004A  }
0xf7: {  	s0 =	sadd.s32 @!p0 $0x100000, s1;
	[bflag:$0x2] =	sbarrier.arrive $0xFFFF  }
0xf8: {  	[sflag:s0] =	ssyncadd.tile.s32 @!p0 $0x1;
	_ =	shalt  }
.Lfunc_end2:
_tile_overlayer_lowered:
.L_overlay_start_2:
0xf9: {  	(tag) =	ssettag $0x2  }
0xfa: {  	s0 =	rddreg [dreg:$0x0];
	s2 =	stileid.u32  }
0xfb: {  	s1 =	rddreg [dreg:$0x1];
	p0 =	sne.s32 s2, $0x0  }
0xfc: {  	s3 =	rddreg [dreg:$0x2];
	[bflag:$0x3] =	sbarrier.arrive $0xFFFF;
	s2 =	simm.s32 @!p0 $0x1C01  }
0xfd: {  	[timem:s3], [sflag:s2] =	dma.local @!p0 [hbm:s0], s1  }
0xfe: {  	s0 =	simm.s32 @!p0 $0x1  }
0xff: {  	_ =	swait.ge @!p0 [sflag:s0], s1  }
0x100: {  	s1 =	ssub.s32 @!p0 $0x0, s1;
	[sflag:s0] =	ssyncset.done @!p0 $0x0  }
0x101: {  	[sflag:s0] =	ssyncadd.s32 @!p0 s1  }
0x102: {  	[bflag:$0x3] =	sbarrier.arrive $0xFFFF  }
0x103: {  	_ =	shalt  }

// kernel: kernel.15.cloned.1.call-start
scs
__scs_entry_jumppad:
0x0: {  	(pc) =	sbr.rel $0x88, $3  }
0x1: {  	(tag) =	ssettag $0x0;
	lr =	simm.s32 $0x1  }
0x2: {  	[smem:$0x3F9E] =	sst lr;
	_ =	strace $0xD0000000  }
0x3: {  	_ = 	snop  }
0x4: {  	_ = 	snop  }
0x5: {  	_ = 	snop  }
0x6: {  	_ = 	snop  }
0x7: {  	_ = 	snop  }
__scs_overlays_trampoline_lowered:
0x8: {  	[smem:$0x3FAD] =	sst s0  }
0x9: {  	[smem:$0x3FAE] =	sst s1  }
0xa: {  	[smem:$0x3FAF] =	sst s2  }
0xb: {  	[smem:$0x3FB0] =	sst s3  }
0xc: {  	[smem:$0x3FB1] =	sst s4  }
0xd: {  	[smem:$0x3FB2] =	sst s5  }
0xe: {  	[smem:$0x3FB3] =	sst s6  }
0xf: {  	[smem:$0x3FB4] =	sst s7  }
0x10: {  	[smem:$0x3FB5] =	sst s8  }
0x11: {  	[smem:$0x3FB6] =	sst s9;
	s0 =	simm.s32 @!p0 $0x0  }
0x12: {  	s1 =	sld [smem:$0x3F9C];
	s0 =	simm.s32 @p0 $0x1  }
0x13: {  	[smem:$0x3FB7] =	sst s0;
	s0 =	simm.s32 @!p1 $0x0  }
0x14: {  	s2 =	sld [smem:$0x3F9B];
	s0 =	simm.s32 @p1 $0x1  }
0x15: {  	[smem:$0x3FB8] =	sst s0;
	s0 =	simm.s32 @!p2 $0x0  }
0x16: {  	s3 =	sld [smem:$0x3FDB];
	s0 =	simm.s32 @p2 $0x1  }
0x17: {  	s4 =	simm.s32 $0x1BF5;
	[smem:$0x3FBA] =	sst s0  }
0x18: {  	s0 =	sld [smem:$0x3F9D];
	_ =	swait.ge [sflag:s4], $0x0  }
0x19: {  	s7 =	sld [smem:$0x3F9E]  }
0x1a: {  	s8 =	sadd.s32 $0xFFFFE003, lr  }
0x1b: {  	s9 =	sadd.s32 $0xFFFFFEF7, lr;
	s5 =	simm.s32 $0xFFFFFFFF;
	p2 =	slt.u32 s8, $0xFFFFF086  }
0x1c: {  	p1 =	slt.u32 s9, $0xF7A;
	s5 =	simm.s32 @!p2 $0x0  }
0x1d: {  	s5 =	simm.s32 @p1 $0x1;
	p0 =	seq.s32 s7, s2  }
0x1e: {  	s7 =	smul.u32 @!p0 $0xF7A, s2;
	p2 =	seq.s32 @!p0 s5, $0x0  }
0x1f: {  	s9 =	smul.u32 $0xF7A, s1;
	s8 =	simm.s32 @!p0 $0x1BF5;
	p2 =	por !p2, p0  }
0x20: {  	[sflag:s8] =	ssyncset.s32 @!p0 $0xFFFFF086;
	s6 =	sadd.s32 @!p0 s3, s7;
	s7 =	simm.s32 @!p0 $0x108  }
0x21: {  	s3 =	sadd.s32 s3, s9;
	s6 =	sadd.s32 @!p0 $0x88, s6;
	s7 =	simm.s32 @p2 $0x1082  }
0x22: {  	[simem:s7], [sflag:s8] =	dma.local @!p0 [hbm:s6], $0xF7A  }
0x23: {  	s9 =	sor.u32 $0xD0000000, s2;
	s6 =	simm.s32 $0x108;
	_ =	swait.ge @!p0 [sflag:s8], $0x0  }
0x24: {  	s3 =	sadd.s32 $0x88, s3;
	s6 =	simm.s32 @!p1 $0x1082;
	[sflag:s4] =	ssyncset.s32 $0xFFFFF086  }
0x25: {  	[simem:s6], [sflag:s4] =	dma.local [hbm:s3], $0xF7A  }
0x26: {  	[smem:$0x3F9E] =	sst s1;
	(tag) =	ssettag s2;
	_ =	strace s9  }
0x27: {  	s1 =	sld [smem:$0x3FAE]  }
0x28: {  	s2 =	sld [smem:$0x3FAF]  }
0x29: {  	s4 =	sld [smem:$0x3FB1]  }
0x2a: {  	p0 =	seq.s32 s5, $0x0;
	s5 =	sld [smem:$0x3FB2]  }
0x2b: {  	s6 =	sld [smem:$0x3FB3]  }
0x2c: {  	s7 =	sld [smem:$0x3FB4]  }
0x2d: {  	s3 =	simm.s32 $0x108;
	s8 =	sld [smem:$0x3FB5]  }
0x2e: {  	s3 =	simm.s32 @!p0 $0x1082;
	s9 =	sld [smem:$0x3FB6]  }
0x2f: {  	lr =	sadd.s32 s0, s3;
	s0 =	sld [smem:$0x3FAD]  }
0x30: {  	s3 =	sld [smem:$0x3FB0]  }
0x31: {  	[smem:$0x3FB9] =	sst s10  }
0x32: {  	s10 =	sld [smem:$0x3FB7];
	_ =	sdelay $0x3  }
0x33: {  	p0 =	seq.s32 s10, $0x1;
	s10 =	sld [smem:$0x3FB9];
	_ =	sdelay $0x3  }
0x34: {  	[smem:$0x3FB9] =	sst s10  }
0x35: {  	s10 =	sld [smem:$0x3FB8];
	_ =	sdelay $0x3  }
0x36: {  	p1 =	seq.s32 s10, $0x1;
	s10 =	sld [smem:$0x3FB9];
	_ =	sdelay $0x3  }
0x37: {  	[smem:$0x3FB9] =	sst s10  }
0x38: {  	s10 =	sld [smem:$0x3FBA]  }
0x39: {  	_ = 	snop;
	(pc) =	sbr.ind lr, $3  }
0x3a: {  	_ = 	snop  }
0x3b: {  	_ = 	snop  }
0x3c: {  	p2 =	seq.s32 s10, $0x1;
	s10 =	sld [smem:$0x3FB9]  }
0x3d: {  	_ =	shalt  }
0x3e: {  	_ =	shalt  }
0x3f: {  	_ =	shalt  }
0x40: {  	_ =	shalt  }
0x41: {  	_ =	shalt  }
0x42: {  	_ =	shalt  }
0x43: {  	_ =	shalt  }
0x44: {  	_ =	shalt  }
0x45: {  	_ =	shalt  }
0x46: {  	_ =	shalt  }
0x47: {  	_ =	shalt  }
0x48: {  	_ =	shalt  }
0x49: {  	_ =	shalt  }
0x4a: {  	_ =	shalt  }
0x4b: {  	_ =	shalt  }
0x4c: {  	_ =	shalt  }
0x4d: {  	_ =	shalt  }
0x4e: {  	_ =	shalt  }
0x4f: {  	_ =	shalt  }
0x50: {  	_ =	shalt  }
0x51: {  	_ =	shalt  }
0x52: {  	_ =	shalt  }
0x53: {  	_ =	shalt  }
0x54: {  	_ =	shalt  }
0x55: {  	_ =	shalt  }
0x56: {  	_ =	shalt  }
0x57: {  	_ =	shalt  }
0x58: {  	_ =	shalt  }
0x59: {  	_ =	shalt  }
0x5a: {  	_ =	shalt  }
0x5b: {  	_ =	shalt  }
0x5c: {  	_ =	shalt  }
0x5d: {  	_ =	shalt  }
0x5e: {  	_ =	shalt  }
0x5f: {  	_ =	shalt  }
0x60: {  	_ =	shalt  }
0x61: {  	_ =	shalt  }
0x62: {  	_ =	shalt  }
0x63: {  	_ =	shalt  }
0x64: {  	_ =	shalt  }
0x65: {  	_ =	shalt  }
0x66: {  	_ =	shalt  }
0x67: {  	_ =	shalt  }
0x68: {  	_ =	shalt  }
0x69: {  	_ =	shalt  }
0x6a: {  	_ =	shalt  }
0x6b: {  	_ =	shalt  }
0x6c: {  	_ =	shalt  }
0x6d: {  	_ =	shalt  }
0x6e: {  	_ =	shalt  }
0x6f: {  	_ =	shalt  }
0x70: {  	_ =	shalt  }
0x71: {  	_ =	shalt  }
0x72: {  	_ =	shalt  }
0x73: {  	_ =	shalt  }
0x74: {  	_ =	shalt  }
0x75: {  	_ =	shalt  }
0x76: {  	_ =	shalt  }
0x77: {  	_ =	shalt  }
0x78: {  	_ =	shalt  }
0x79: {  	_ =	shalt  }
0x7a: {  	_ =	shalt  }
0x7b: {  	_ =	shalt  }
0x7c: {  	_ =	shalt  }
0x7d: {  	_ =	shalt  }
0x7e: {  	_ =	shalt  }
0x7f: {  	_ =	shalt  }
0x80: {  	_ =	shalt  }
0x81: {  	_ =	shalt  }
0x82: {  	_ =	shalt  }
0x83: {  	_ =	shalt  }
0x84: {  	_ =	shalt  }
0x85: {  	_ =	shalt  }
0x86: {  	_ =	shalt  }
0x87: {  	_ =	shalt  }
.Lfunc_end0:
.L_simem_size_0:
called_computation.2_lowered:
.L_overlay_start_0:
0x88: {  	s2 =	sld [smem:$0x3FD9]  }
0x89: {  	s3 =	sld [smem:$0x3FFE];
	_ =	sdelay $0x1  }
0x8a: {  	s1 =	srdreg.scid  }
0x8b: {  	s0 =	sand.u32 $0x1, s1  }
0x8c: {  	s17 =	sshll.u32 s0, $0xA;
	s2 =	sadd.s32 s3, s2  }
0x8d: {  	s2 =	sadd.s32 s2, s17  }
0x8e: {  	[smem:$0x3FC5] =	sst s2  }
0x8f: {  	_ = 	snop  }
0x90: {  	s2 =	sld [smem:$0x3FC7]  }
0x91: {  	s18 =	sld [smem:$0x3FD0];
	(tm) =	ssettm $0x1  }
0x92: {  	s4 =	sld [smem:$0x3FFB];
	_ =	sdelay $0x3  }
0x93: {  	_ =	strace s4  }
0x94: {  	s4 =	sld [smem:$0x3FFC];
	_ =	sdelay $0x3  }
0x95: {  	_ =	strace s4  }
0x96: {  	s4 =	sld [smem:$0x3FFD];
	_ =	sdelay $0x3  }
0x97: {  	_ =	strace s4  }
0x98: {  	_ =	strace $0x8FFFFFFF  }
0x99: {  	s19 =	sld [smem:$0x3FDB];
	_ =	sdelay $0x1  }
0x9a: {  	s5 =	simm.s32 $_scs_section_size  }
0x9b: {  	s6 =	simm.s32 $_size__tile_overlayer_lowered;
	s7 =	simm.s32 $_tile_overlayer_lowered  }
0x9c: {  	s22 =	simm.s32 $0x1BFF;
	s21 =	sshll.u32 s7, $0x1;
	s4 =	sadd.s32 s5, s19  }
0x9d: {  	s8 =	simm.s32 $0x0;
	s20 =	sshll.u32 s6, $0x1;
	s6 =	sadd.s32 s21, s4  }
0x9e: {  	[timem:s8], [sflag:s22] =	dma.local [hbm:s6], s20  }
0x9f: {  	_ =	swait.ge [sflag:s22], s20  }
0xa0: {  	s5 =	ssub.s32 $0x0, s20;
	[sflag:s22] =	ssyncset.done $0x0  }
0xa1: {  	[sflag:s22] =	ssyncadd.s32 s5;
	_ =	sdelay $0x1  }
0xa2: {  	s23 =	simm.s32 $0x1B8B  }
0xa3: {  	_ =	swait.ge [sflag:s23], $0x1  }
0xa4: {  	[sflag:s23] =	ssyncset.done $0x0  }
0xa5: {  	s25 =	simm.s32 $0x1B8E;
	s24 =	sld [smem:$0x3FFE];
	[sflag:s23] =	ssyncadd.s32 $0xFFFFFFFF  }
0xa6: {  	s26 =	simm.s32 $execute0_lowered;
	[smem:$0x3FD2] =	sst s25  }
0xa7: {  	s6 =	sshll.u32 s26, $0x1;
	_ =	strace $0x8000004C;
	[dreg:$0x1] =	wrdreg $0xFFFFFFFF  }
0xa8: {  	s28 =	simm.s32 $_size_execute0_lowered;
	s4 =	sadd.s32 s4, s6;
	[dreg:$0x0] =	wrdreg $0x0  }
0xa9: {  	s6 =	sshll.u32 s28, $0x1;
	[dreg:$0x2] =	wrdreg s4  }
0xaa: {  	[dreg:$0x3] =	wrdreg s6  }
0xab: {  	[dreg:$0x4] =	wrdreg $0xC0  }
0xac: {  	_ =	task [dreg:s8], $0x5FFFF  }
0xad: {  	[dreg:$0x1] =	wrdreg $0xFFFFFFFF  }
0xae: {  	[dreg:$0x0] =	wrdreg $0x60  }
0xaf: {  	[dreg:$0x2] =	wrdreg s24  }
0xb0: {  	[dreg:$0x3] =	wrdreg s2  }
0xb1: {  	[dreg:$0x4] =	wrdreg s18  }
0xb2: {  	[dreg:$0x5] =	wrdreg $0x9  }
0xb3: {  	_ =	task.clear_ibuf [dreg:s8], $0x6FFFF;
	_ =	strace $0x9000004C  }
0xb4: {  	s29 =	simm.s32 $0x9;
	_ =	strace $0x8000004E  }
0xb5: {  	_ =	swait.ge [sflag:s29], $0x1  }
0xb6: {  	[sflag:s29] =	ssyncadd.s32 $0xFFFFFFFF  }
0xb7: {  	_ =	strace $0x9000004E  }
0xb8: {  	_ =	sfence  }
0xb9: {  	s30 =	sld [smem:$0x0];
	_ =	sdelay $0x2  }
0xba: {  	s31 =	sshll.u32 s1, $0xD;
	s1 =	sshrl.u32 s1, $0x2  }
0xbb: {  	s3 =	sand.u32 $0x4000, s31;
	s1 =	sadd.s32 s1, s30  }
0xbc: {  	s0 =	sor.u32 s3, s0;
	s1 =	sshll.u32 s1, $0x11  }
0xbd: {  	s0 =	sor.u32 s1, s0  }
0xbe: {  	s0 =	sadd.s32 $0x8F2B, s0  }
0xbf: {  	[sflag:s0] =	ssyncadd.remote.s32 $0x1  }
0xc0: {  	_ =	sfence.sel $0xFFFF  }
0xc1: {  	[dreg:$0x0] =	wrdreg $0xFFFFFFFF;
	(pc) =	sbr.abs _section_cstart, $3  }
0xc2: {  	[dreg:$0x1] =	wrdreg $0xFFFFFFFF  }
0xc3: {  	_ =	task.clear_ibuf [dreg:s8], $0x2FFFF;
	_ =	strace $0x9FFFFFFF  }
0xc4: {  	(tm) =	ssettm $0x7FFFFFFF  }
0xc5: {  	_ =	shalt  }
tec
execute0_lowered:
.L_overlay_start_1:
0x0: {  	(tag) =	ssettag $0x1  }
0x1: {  	s5 =	rddreg [dreg:$0x0]  }
0x2: {  	s2 =	rddreg [dreg:$0x1];
	s0 =	srdreg.scid  }
0x3: {  	s3 =	rddreg [dreg:$0x2];
	s1 =	stileid.u32;
	s4 =	simm.s32 $0x0  }
0x4: {  	v0 =	vlaneseq.u32;
	v1 =	vimm.f32 $0.0e+00;
	s11 =	simm.s32 $0x18900;
	s12 =	simm.s32 $0x18B00;
	s13 =	simm.s32 $0x80  }
0x5: {  	vm0 =	vmmov $0x1;
	vm1 =	vcmask $0x308;
	vm2 =	vcmask $0x70C;
	s14 =	simm.s32 $0x400;
	s7 =	sand.u32 $0x1, s0;
	s0 =	rddreg [dreg:$0x3]  }
0x6: {  	vm3 =	vcmask $0xB10;
	vm4 =	vcmask $0xF14;
	vm5 =	vcmask $0x1318;
	s15 =	simm.s32 $0x0;
	s6 =	sshll.u32 s1, $0x7;
	[smem:$0x7FF] =	sst s4  }
0x7: {  	vm6 =	vcmask $0x171C;
	vm7 =	vcmask $0x1B20;
	v3 =	vimm.s32 $0x0;
	s9 =	sshll.u32 s1, $0x6;
	s8 =	sshll.u32 s7, $0x6;
	s30 =	ssub.s32 $0x2, s7  }
0x8: {  	vm8 =	vcmask $0x1F24;
	vm9 =	vcmask $0x2328;
	v3 =	vsel vm0, $0xFFFFFFFF, v3;
	_ =	strace $0x8000004D;
	s6 =	sor.u32 s8, s6;
	s31 =	sshrl.u32 s30, $0x1  }
0x9: {  	vm10 =	vcmask $0x272C;
	vm15 =	vmmov $0x7fff;
	s10 =	sshll.u32 s7, $0x5;
	[tilespmem:$0x1FFE0] =	vst v3;
	v3 =	vimm.s32 $0x0;
	s6 =	sadd.s32 s6, s5;
	s8 =	ssub.s32 s30, s31  }
0xa: {  	vm11 =	vcmask $0x2B30;
	vm12 =	vcmask $0x2F34;
	v3 =	vsel vm15, $0xFFFFFFFF, v3;
	s5 =	sadd.s32 $0x2000, s6;
	s6 =	sadd.s32 $0x2800, s6;
	s7 =	smax.u32 s8, $0x1  }
0xb: {  	vm13 =	vcmask $0x3338;
	vm14 =	vcmask $0x373C;
	v2 =	vor.u32 $0x80000000, v0;
	[tilespmem:$0x1FFF0] =	vst v3;
	s8 =	sor.u32 s10, s9;
	s9 =	simm.s32 $0x1;
	s10 =	simm.s32 $0x18700  }
.LBB2_1:
0xc: {  	[tilespmem:s4], [sflag:$0x1] =	stream.linear.gather [hbm4b:s2+s4], $0x18700, $0x38;
	[tilespmem:$0x1C980] =	vst v63  }
0xd: {  	_ =	swait.ge [sflag:s9], $0x18700  }
0xe: {  	[sflag:s9] =	ssyncset.done $0x0  }
0xf: {  	[sflag:s9] =	ssyncadd.s32 $0xFFFE7900  }
0x10: {  	[tilespmem:s10], [sflag:$0x1] =	stream.linear.gather [hbm4b:s5+s4], $0x200, $0x38;
	[tilespmem:$0x1C980] =	vst v63  }
0x11: {  	_ =	swait.ge [sflag:s9], $0x200  }
0x12: {  	[sflag:s9] =	ssyncset.done $0x0  }
0x13: {  	[sflag:s9] =	ssyncadd.s32 $0xFFFFFE00  }
0x14: {  	[tilespmem:s11], [sflag:$0x1] =	stream.linear.gather [hbm4b:s6+s4], $0x200, $0x38;
	[tilespmem:$0x1C980] =	vst v63  }
0x15: {  	_ =	swait.ge [sflag:s9], $0x200  }
0x16: {  	[sflag:s9] =	ssyncset.done $0x0  }
0x17: {  	s16 =	simm.s32 $0x0;
	[sflag:s9] =	ssyncadd.s32 $0xFFFFFE00  }
.LBB2_2:
0x18: {  	p0 =	sne.s32 s16, $0xF9C0  }
.Ltmp0:
0x19: {  	_ = 	snop;
	(pc) =	sbr.rel @p0 .LBB2_2-.Ltmp0, $3  }
0x1a: {  	_ =	sdelay $0x1  }
0x1b: {  	s17 =	sshra.s32 s16, $0x2  }
0x1c: {  	s16 =	sadd.s32 $0x40, s16;
	[tilespmem:s17+$0x18B00] =	vst v1  }
0x1d: {  	s16 =	simm.s32 $0x18700  }
0x1e: {  	v3 =	vld [tilespmem:s16+$0x0];
	_ =	sdelay $0x7  }
0x1f: {  	v3 =	vld.idx.msk [tilespmem:v3+s4+$0x0], $0xffff;
	_ =	sdelay $0x4  }
0x20: {  	v4 =	vsel vm2, $0xFFFFFFFF, v3  }
0x21: {  	v5 =	vnsel vm0, $0xFFFFFFFF, v3;
	v4 =	vxor.u32 $0x80000000, v4  }
0x22: {  	v6 =	vsel vm1, $0xFFFFFFFF, v3;
	v5 =	vxor.u32 $0x80000000, v5;
	(xrf0) =	vmax.scan.msk.u32 $0xffff, v4  }
0x23: {  	v4 =	vxor.u32 $0x80000000, v6;
	v6 =	vsel vm3, $0xFFFFFFFF, v3;
	(xrf0) =	vmax.scan.msk.u32 $0xffff, v5  }
0x24: {  	v5 =	vsel vm4, $0xFFFFFFFF, v3;
	v6 =	vxor.u32 $0x80000000, v6;
	(xrf0) =	vmax.scan.msk.u32 $0xffff, v4  }
0x25: {  	v4 =	vsel vm5, $0xFFFFFFFF, v3;
	v5 =	vxor.u32 $0x80000000, v5;
	(xrf0) =	vmax.scan.msk.u32 $0xffff, v6  }
0x26: {  	v4 =	vxor.u32 $0x80000000, v4;
	v6 =	vsel vm6, $0xFFFFFFFF, v3;
	(xrf0) =	vmax.scan.msk.u32 $0xffff, v5  }
0x27: {  	v5 =	vsel vm7, $0xFFFFFFFF, v3;
	v6 =	vxor.u32 $0x80000000, v6;
	(xrf0) =	vmax.scan.msk.u32 $0xffff, v4  }
0x28: {  	v4 =	vsel vm8, $0xFFFFFFFF, v3;
	v5 =	vxor.u32 $0x80000000, v5;
	v7, _, _ =	vpop (xrf0);
	(xrf0) =	vmax.scan.msk.u32 $0xffff, v6  }
0x29: {  	v4 =	vxor.u32 $0x80000000, v4;
	v6 =	vsel vm9, $0xFFFFFFFF, v3;
	v8, _, _ =	vpop (xrf0);
	(v2sf) =	vpush v7, $0xF;
	(xrf0) =	vmax.scan.msk.u32 $0xffff, v5  }
0x2a: {  	v5 =	vsel vm10, $0xFFFFFFFF, v3;
	v6 =	vxor.u32 $0x80000000, v6;
	(v2sf) =	vpush v8, $0xF;
	v7, _, _ =	vpop (xrf0);
	(xrf0) =	vmax.scan.msk.u32 $0xffff, v4  }
0x2b: {  	v4 =	vsel vm11, $0xFFFFFFFF, v3;
	(v2sf) =	vpush v7, $0xF;
	v7, _, _ =	vpop (xrf0);
	(xrf0) =	vmax.scan.msk.u32 $0xffff, v6;
	v6 =	vsel vm12, $0xFFFFFFFF, v3  }
0x2c: {  	v5 =	vxor.u32 $0x80000000, v5;
	v4 =	vxor.u32 $0x80000000, v4  }
0x2d: {  	(v2sf) =	vpush v7, $0xF;
	v7, _, _ =	vpop (xrf0);
	(xrf0) =	vmax.scan.msk.u32 $0xffff, v5  }
0x2e: {  	v5 =	vxor.u32 $0x80000000, v6;
	(v2sf) =	vpush v7, $0xF;
	v6, _, _ =	vpop (xrf0);
	(xrf0) =	vmax.scan.msk.u32 $0xffff, v4  }
0x2f: {  	(v2sf) =	vpush v6, $0xF;
	v4, _, _ =	vpop (xrf0);
	(xrf0) =	vmax.scan.msk.u32 $0xffff, v5  }
0x30: {  	v5 =	vsel vm13, $0xFFFFFFFF, v3;
	(v2sf) =	vpush v4, $0xF;
	v4, _, _ =	vpop (xrf0)  }
0x31: {  	v6 =	vsel vm14, $0xFFFFFFFF, v3;
	v5 =	vxor.u32 $0x80000000, v5;
	(v2sf) =	vpush v4, $0xF;
	v4, _, _ =	vpop (xrf0)  }
0x32: {  	v6 =	vxor.u32 $0x80000000, v6;
	(xrf0) =	vmax.scan.msk.u32 $0xffff, v5;
	(v2sf) =	vpush v4, $0xF;
	v4, _, _ =	vpop (xrf0)  }
0x33: {  	(xrf0) =	vmax.scan.msk.u32 $0xffff, v6;
	(v2sf) =	vpush v4, $0xF;
	v4, _, _ =	vpop (xrf0)  }
0x34: {  	(v2sf) =	vpush v4, $0xF;
	v4, _, _ =	vpop (xrf0)  }
0x35: {  	(v2sf) =	vpush v4, $0xF;
	v4, _, _ =	vpop (xrf0)  }
0x36: {  	(v2sf) =	vpush v4, $0xF;
	_ =	sdelay $0x1  }
0x37: {  	v4 =	vsel vm15, $0xFFFFFFFF, v3;
	v5, _, _ =	vpop (xrf0)  }
0x38: {  	v4 =	vxor.u32 $0x80000000, v4;
	(v2sf) =	vpush v5, $0xF;
	v5, _, _ =	vpop (xrf0);
	s17 =	spop (v2sf)  }
0x39: {  	(xrf0) =	vmax.scan.msk.u32 $0xffff, v4;
	(v2sf) =	vpush v5, $0xF;
	s18 =	spop (v2sf)  }
0x3a: {  	s17 =	sxor.u32 $0x80000000, s17;
	s19 =	spop (v2sf)  }
0x3b: {  	vm3 =	veq.s32 v3, s17;
	s20 =	spop (v2sf)  }
0x3c: {  	s18 =	sxor.u32 $0x80000000, s18;
	s17 =	simm.s32 $0x18900;
	v5 =	vnsel vm3, $0x80000063, v2;
	s21 =	spop (v2sf)  }
0x3d: {  	vm2 =	veq.s32 v3, s18;
	s22 =	sxor.u32 $0x80000000, s19;
	v4 =	vld [tilespmem:s17+$0x0];
	s23 =	spop (v2sf)  }
0x3e: {  	v6 =	vnsel vm2, $0x80000063, v2;
	vm1 =	veq.s32 v3, s22;
	s24 =	sxor.u32 $0x80000000, s20;
	(xrf0) =	vmin.scan.msk.u32 $0xffff, v5;
	s25 =	spop (v2sf)  }
0x3f: {  	v7 =	vnsel vm1, $0x80000063, v2;
	vm4 =	veq.s32 v3, s24;
	s26 =	sxor.u32 $0x80000000, s21;
	(xrf0) =	vmin.scan.msk.u32 $0xffff, v6;
	v5, _, _ =	vpop (xrf0);
	s28 =	spop (v2sf)  }
0x40: {  	vm0 =	veq.s32 v3, s26;
	(xrf0) =	vmin.scan.msk.u32 $0xffff, v7;
	(v2sf) =	vpush v5, $0xF;
	v5 =	vnsel vm4, $0x80000063, v2;
	s29 =	spop (v2sf)  }
0x41: {  	v6 =	vnsel vm0, $0x80000063, v2;
	s19 =	sxor.u32 $0x80000000, s23;
	(xrf0) =	vmin.scan.msk.u32 $0xffff, v5;
	s22 =	spop (v2sf)  }
0x42: {  	v5 =	vnsel vm4, $0x0, v4;
	vm7 =	veq.s32 v3, s19;
	(xrf0) =	vmin.scan.msk.u32 $0xffff, v6;
	s23 =	spop (v2sf)  }
0x43: {  	(xrf2) =	vadd.scan.msk.f32 $0xffff, v5;
	v5 =	vnsel vm7, $0x80000063, v2;
	s30 =	sxor.u32 $0x80000000, s23;
	s31 =	spop (v2sf)  }
0x44: {  	s20 =	sxor.u32 $0x80000000, s25;
	vm4 =	veq.s32 v3, s30;
	s24 =	spop (v2sf)  }
0x45: {  	vm12 =	veq.s32 v3, s20;
	v6, _, _ =	vpop (xrf0);
	(xrf0) =	vmin.scan.msk.u32 $0xffff, v5;
	v7 =	vnsel vm4, $0x80000063, v2;
	s19 =	sxor.u32 $0x80000000, s24  }
0x46: {  	v8 =	vnsel vm12, $0x80000063, v2;
	s25 =	sxor.u32 $0x80000000, s22;
	v5, _, _ =	vpop (xrf0);
	vm5 =	veq.s32 v3, s19;
	(xrf0) =	vmin.scan.msk.u32 $0xffff, v7  }
0x47: {  	s26 =	sxor.u32 $0x80000000, s28;
	(v2sf) =	vpush v6, $0xF;
	vm6 =	veq.s32 v3, s25;
	v6, _, _ =	vpop (xrf0);
	s28 =	spop (v2sf);
	v7 =	vnsel vm5, $0x80000063, v2;
	(xrf0) =	vmin.scan.msk.u32 $0xffff, v8  }
0x48: {  	vm13 =	veq.s32 v3, s26;
	s18 =	sxor.u32 $0x80000000, s29;
	(v2sf) =	vpush v6, $0xF;
	v6, _, _ =	vpop (xrf0);
	v8 =	vnsel vm6, $0x80000063, v2;
	s29 =	spop (v2sf);
	(xrf0) =	vmin.scan.msk.u32 $0xffff, v7  }
0x49: {  	vm9 =	veq.s32 v3, s18;
	v9, _, _ =	vpop (xrf0);
	(v2sf) =	vpush v6, $0xF;
	v6 =	vnsel vm13, $0x80000063, v2;
	s30 =	sxor.u32 $0x80000000, s29;
	(xrf0) =	vmin.scan.msk.u32 $0xffff, v8  }
0x4a: {  	s31 =	sxor.u32 $0x80000000, s31;
	(v2sf) =	vpush v9, $0xF;
	v7 =	vnsel vm9, $0x80000063, v2;
	vm8 =	veq.s32 v3, s30;
	(xrf0) =	vmin.scan.msk.u32 $0xffff, v6  }
0x4b: {  	vm10 =	veq.s32 v3, s31;
	s21 =	sxor.u32 $0x80000000, s28;
	(v2sf) =	vpush v5, $0xF;
	v5, _, _ =	vpop (xrf0);
	v6 =	vnsel vm8, $0x80000063, v2;
	(xrf0) =	vmin.scan.msk.u32 $0xffff, v7  }
0x4c: {  	vm11 =	veq.s32 v3, s21;
	v7 =	vnsel vm10, $0x80000063, v2;
	v8, _, _ =	vpop (xrf0);
	(xrf0) =	vmin.scan.msk.u32 $0xffff, v6  }
0x4d: {  	(v2sf) =	vpush v5, $0xF;
	v6 =	vnsel vm11, $0x80000063, v2;
	v5, _, _ =	vpop (xrf0);
	(xrf0) =	vmin.scan.msk.u32 $0xffff, v7;
	v7 =	vnsel vm12, $0x0, v4  }
0x4e: {  	(v2sf) =	vpush v5, $0xF;
	v5, _, _ =	vpop (xrf0);
	(xrf0) =	vmin.scan.msk.u32 $0xffff, v6;
	v6 =	vnsel vm13, $0x0, v4  }
0x4f: {  	s22 =	spop (v2sf)  }
0x50: {  	(xrf2) =	vadd.scan.msk.f32 $0xffff, v7;
	s18 =	sxor.u32 $0x80000000, s22;
	(v2sf) =	vpush v8, $0xF;
	v8 =	vnsel vm7, $0x0, v4;
	v7, _, _ =	vpop (xrf0)  }
0x51: {  	(xrf2) =	vadd.scan.msk.f32 $0xffff, v6;
	(v2sf) =	vpush v5, $0xF;
	v5 =	vnsel vm3, $0x0, v4;
	vm3 =	veq.s32 v3, s18;
	v6, _, _ =	vpop (xrf0)  }
0x52: {  	(xrf2) =	vadd.scan.msk.f32 $0xffff, v8;
	(v2sf) =	vpush v6, $0xF;
	v6 =	vnsel vm3, $0x80000063, v2  }
0x53: {  	v8, _, _ =	vpop (xrf0);
	(xrf0) =	vmin.scan.msk.u32 $0xffff, v6;
	_ =	sdelay $0x1  }
0x54: {  	(xrf2) =	vadd.scan.msk.f32 $0xffff, v5;
	v5, _, _ =	vpop (xrf0);
	(v2sf) =	vpush v8, $0xF  }
0x55: {  	v8, _, _ =	vpop (xrf0);
	(v2sf) =	vpush v7, $0xF  }
0x56: {  	s23 =	spop (v2sf);
	v6 =	vnsel vm0, $0x0, v4;
	v7, _, _ =	vpop (xrf0);
	(v2sf) =	vpush v5, $0xF  }
0x57: {  	(xrf2) =	vadd.scan.msk.f32 $0xffff, v6;
	s24 =	spop (v2sf);
	v5 =	vnsel vm2, $0x0, v4;
	(v2sf) =	vpush v7, $0xF  }
0x58: {  	v10 =	vnsel vm10, $0x0, v4;
	v6 =	vnsel vm9, $0x0, v4;
	s25 =	spop (v2sf);
	(xrf2) =	vadd.scan.msk.f32 $0xffff, v5;
	(v2sf) =	vpush v8, $0xF;
	v13, _, _ =	vpop (xrf0)  }
0x59: {  	v11 =	vnsel vm5, $0x0, v4;
	v15 =	vnsel vm11, $0x0, v4;
	v9, _, _ =	vpop (xrf2);
	s26 =	spop (v2sf);
	(xrf2) =	vadd.scan.msk.f32 $0xffff, v6;
	(v2sf) =	vpush v13, $0xF  }
0x5a: {  	v12 =	vnsel vm8, $0x0, v4;
	v17 =	vnsel vm3, $0x0, v4;
	s18 =	sxor.u32 $0x80000000, s23;
	v5 =	vnsel vm1, $0x0, v4;
	s28 =	spop (v2sf)  }
0x5b: {  	s29 =	sxor.u32 $0x80000000, s24;
	v7 =	vnsel vm6, $0x0, v4;
	v8 =	vnsel vm4, $0x0, v4;
	v4 =	vmov s18;
	s30 =	sxor.u32 $0x80000000, s28  }
0x5c: {  	s31 =	sxor.u32 $0x80000000, s25;
	v6 =	vmov s29;
	v14, _, _ =	vpop (xrf2);
	vm1 =	veq.s32 v4, v0;
	v4 =	vmov s30  }
0x5d: {  	v18 =	vmov s31;
	vm2 =	veq.s32 v6, v0;
	v13, _, _ =	vpop (xrf2);
	(xrf2) =	vadd.scan.msk.f32 $0xffff, v7;
	vm0 =	veq.s32 v4, v0  }
0x5e: {  	s20 =	sxor.u32 $0x80000000, s26;
	s21 =	spop (v2sf);
	vm4 =	veq.s32 v18, v0;
	v4 =	vbroadcast v9, $0xF;
	v16, _, _ =	vpop (xrf2);
	vm3 =	vmor vm0, vm2;
	(xrf2) =	vadd.scan.msk.f32 $0xffff, v8  }
0x5f: {  	s19 =	sxor.u32 $0x80000000, s21;
	v7 =	vmov s20;
	v9 =	vbroadcast v13, $0xF;
	vm5 =	vmor vm1, vm3;
	s22 =	spop (v2sf)  }
0x60: {  	v6, _, _ =	vpop (xrf2);
	vm3 =	veq.s32 v7, v0;
	v7 =	vmov s19;
	(xrf2) =	vadd.scan.msk.f32 $0xffff, v10;
	vm6 =	vmor vm4, vm5;
	s23 =	spop (v2sf)  }
0x61: {  	v6 =	vbroadcast v6, $0xF;
	vm5 =	veq.s32 v7, v0;
	v18, _, _ =	vpop (xrf2);
	s18 =	sxor.u32 $0x80000000, s22;
	vm6 =	vmor vm3, vm6;
	(xrf2) =	vadd.scan.msk.f32 $0xffff, v11;
	s24 =	spop (v2sf)  }
0x62: {  	v7 =	vmov s18;
	vm7 =	vmor vm5, vm6;
	v13 =	vbroadcast v18, $0xF;
	v8, _, _ =	vpop (xrf2);
	(xrf2) =	vadd.scan.msk.f32 $0xffff, v12;
	s25 =	spop (v2sf)  }
0x63: {  	vm6 =	veq.s32 v7, v0;
	v7 =	vbroadcast v16, $0xF;
	v10 =	vbroadcast v8, $0xF;
	(xrf2) =	vadd.scan.msk.f32 $0xffff, v5;
	v5, _, _ =	vpop (xrf2);
	s26 =	spop (v2sf)  }
0x64: {  	s20 =	sxor.u32 $0x80000000, s23;
	v8 =	vbroadcast v14, $0xF;
	vm9 =	vmor vm6, vm7;
	s18 =	sxor.u32 $0x80000000, s25;
	v12 =	vbroadcast v5, $0xF;
	s28 =	spop (v2sf)  }
0x65: {  	s19 =	sxor.u32 $0x80000000, s24;
	v14 =	vnsel vm0, $0x0, v10;
	v10 =	vmov s20;
	s29 =	sxor.u32 $0x80000000, s26;
	v11 =	vmov s18;
	s30 =	spop (v2sf)  }
0x66: {  	v16 =	vmov s29;
	s23 =	sxor.u32 $0x80000000, s28;
	vm7 =	veq.s32 v11, v0;
	v11 =	vmov s19;
	s31 =	spop (v2sf)  }
0x67: {  	v5, _, _ =	vpop (xrf2);
	vm8 =	veq.s32 v16, v0;
	v16 =	vmov s23;
	vm0 =	vmor vm7, vm9;
	s24 =	spop (v2sf)  }
0x68: {  	s26 =	sxor.u32 $0x80000000, s30;
	v5 =	vbroadcast v5, $0xF;
	vm9 =	veq.s32 v10, v0;
	v18, _, _ =	vpop (xrf2);
	vm10 =	veq.s32 v11, v0;
	s30 =	spop (v2sf)  }
0x69: {  	s28 =	sshrl.u32 s8, $0x3;
	s29 =	simm.s32 $0x0;
	v19 =	vmov s26;
	v11 =	vbroadcast v18, $0xF;
	vm14 =	veq.s32 v16, v0;
	s20 =	sxor.u32 $0x80000000, s30  }
0x6a: {  	s19 =	smul.u32 $0x3E800, s28;
	s18 =	sxor.u32 $0x80000000, s31;
	v21, _, _ =	vpop (xrf2);
	vm0 =	vmor vm8, vm0;
	s25 =	sxor.u32 $0x80000000, s24;
	vm12 =	veq.s32 v19, v0;
	v19 =	vmov s20  }
0x6b: {  	v20 =	vmov s18;
	s18 =	sand.u32 $0x380, s29;
	vm13 =	vmor vm14, vm0;
	v10 =	vmov s25;
	v18, _, _ =	vpop (xrf2)  }
0x6c: {  	vm11 =	veq.s32 v20, v0;
	s18 =	sor.u32 s18, s19;
	vm15 =	vmor vm9, vm13;
	vm0 =	veq.s32 v10, v0;
	v16, _, _ =	vpop (xrf2)  }
0x6d: {  	s21 =	smov.u32 s8;
	s31 =	sadd.s32 $0x1F400, s18;
	v10 =	vbroadcast v21, $0xF;
	(xrf2) =	vadd.scan.msk.f32 $0xffff, v15;
	vm15 =	vmor vm0, vm15;
	vm13 =	veq.s32 v19, v0;
	v19, _, _ =	vpop (xrf2)  }
0x6e: {  	s19 =	sshrl.u32 s18, $0x3;
	s18 =	sshrl.u32 s31, $0x3;
	v15 =	vbroadcast v18, $0xF;
	(xrf2) =	vadd.scan.msk.f32 $0xffff, v17;
	s20 =	simm.s32 $0x80;
	vm15 =	vmor vm10, vm15;
	v17 =	vbroadcast v19, $0xF  }
.LBB2_4:
0x6f: {  	_ = 	snop  }
0x70: {  	v14 =	vsel vm2, v17, v14  }
0x71: {  	v6 =	vsel vm1, v6, v14  }
0x72: {  	v4 =	vsel vm4, v4, v6  }
0x73: {  	v4 =	vsel vm3, v13, v4  }
0x74: {  	v4 =	vsel vm5, v7, v4  }
0x75: {  	v4 =	vsel vm6, v8, v4  }
0x76: {  	vm15 =	vmor vm11, vm15;
	v4 =	vsel vm7, v9, v4  }
0x77: {  	vm2 =	vmor vm12, vm15;
	v4 =	vsel vm8, v12, v4  }
0x78: {  	vm15 =	vlt.u32 v3, $0x3E80;
	vm2 =	vmor vm13, vm2;
	v4 =	vsel vm14, v5, v4  }
0x79: {  	vm1 =	vmand vm15, vm2;
	v17, _, _ =	vpop (xrf2);
	v4 =	vsel vm9, v11, v4  }
0x7a: {  	v13 =	vnsel vm1, $0x0, v3;
	v14 =	vbroadcast v17, $0xF;
	v4 =	vsel vm0, v10, v4  }
0x7b: {  	v6 =	vbroadcast v16, $0xF;
	v16, _, _ =	vpop (xrf2);
	v4 =	vsel vm10, v15, v4  }
0x7c: {  	v5 =	vbroadcast v16, $0xF;
	v4 =	vsel vm11, v14, v4  }
0x7d: {  	v3 =	vadd.s32 $0xFFFFC180, v3;
	v4 =	vsel vm12, v6, v4  }
0x7e: {  	vm3 =	vlt.u32 v3, $0x3E80;
	v4 =	vsel vm13, v5, v4  }
0x7f: {  	s24 =	sadd.s32 s3, s19;
	vm2 =	vmand vm3, vm2;
	[tilespmem:v13+s12+$0x0] =	vst.idx.add.f32.msk vm1, v4  }
0x80: {  	v3 =	vnsel vm2, $0x0, v3;
	[hbm4b:s24+s13] =	stream.strided.scatter [tilespmem:s12], [sflag:$0x1], $0x3E80, s14, s13, $0x38;
	[tilespmem:$0x1C980] =	vst v63  }
0x81: {  	_ =	swait.ge [sflag:s9], $0x3E80  }
0x82: {  	v5 =	vsub.f32 $0.0e+00, v4;
	[sflag:s9] =	ssyncset.done $0x0  }
0x83: {  	[sflag:s9] =	ssyncadd.s32 $0xFFFFC180  }
0x84: {  	[tilespmem:v13+s12+$0x0] =	vst.idx.add.f32.msk vm1, v5  }
0x85: {  	s26 =	sadd.s32 s3, s18;
	[tilespmem:v3+s12+$0x0] =	vst.idx.add.f32.msk vm2, v4  }
0x86: {  	[hbm4b:s26+s13] =	stream.strided.scatter [tilespmem:s12], [sflag:$0x1], $0x3E80, s14, s13, $0x38;
	[tilespmem:$0x1C980] =	vst v63  }
0x87: {  	_ =	swait.ge [sflag:s9], $0x3E80  }
0x88: {  	[sflag:s9] =	ssyncset.done $0x0  }
0x89: {  	[sflag:s9] =	ssyncadd.s32 $0xFFFFC180  }
0x8a: {  	s16 =	sadd.s32 $0x10, s16;
	[tilespmem:v3+s12+$0x0] =	vst.idx.add.f32.msk vm2, v5  }
0x8b: {  	v3 =	vld [tilespmem:s16+$0x0];
	_ =	sdelay $0x6  }
0x8c: {  	v4 =	vld [tilespmem:$0x1FFE0]  }
0x8d: {  	v3 =	vld.idx.msk [tilespmem:v3+s4+$0x0], $0xffff;
	_ =	sdelay $0x3  }
0x8e: {  	vm0 =	vnez.u8 v4  }
0x8f: {  	v4 =	vnsel vm0, $0xFFFFFFFF, v3;
	vm0 =	vcmask $0x308  }
0x90: {  	v5 =	vsel vm0, $0xFFFFFFFF, v3;
	vm0 =	vcmask $0x70C  }
0x91: {  	v4 =	vxor.u32 $0x80000000, v4;
	v6 =	vsel vm0, $0xFFFFFFFF, v3;
	vm0 =	vcmask $0xB10  }
0x92: {  	v5 =	vxor.u32 $0x80000000, v5;
	v7 =	vsel vm0, $0xFFFFFFFF, v3;
	vm0 =	vcmask $0xF14  }
0x93: {  	v6 =	vxor.u32 $0x80000000, v6;
	v8 =	vsel vm0, $0xFFFFFFFF, v3;
	vm0 =	vcmask $0x1318  }
0x94: {  	(xrf0) =	vmax.scan.msk.u32 $0xffff, v6;
	v6 =	vxor.u32 $0x80000000, v7;
	v9 =	vsel vm0, $0xFFFFFFFF, v3;
	vm0 =	vcmask $0x171C  }
0x95: {  	v7 =	vxor.u32 $0x80000000, v8;
	(xrf0) =	vmax.scan.msk.u32 $0xffff, v4;
	v4 =	vsel vm0, $0xFFFFFFFF, v3;
	vm0 =	vcmask $0x1B20  }
0x96: {  	v8 =	vxor.u32 $0x80000000, v9;
	v9 =	vsel vm0, $0xFFFFFFFF, v3;
	vm0 =	vcmask $0x1F24  }
0x97: {  	(xrf0) =	vmax.scan.msk.u32 $0xffff, v5;
	v10 =	vsel vm0, $0xFFFFFFFF, v3;
	vm0 =	vcmask $0x2328  }
0x98: {  	(xrf0) =	vmax.scan.msk.u32 $0xffff, v6;
	v5 =	vxor.u32 $0x80000000, v9;
	v6 =	vsel vm0, $0xFFFFFFFF, v3;
	vm0 =	vcmask $0x272C  }
0x99: {  	v9 =	vxor.u32 $0x80000000, v10;
	v10 =	vsel vm0, $0xFFFFFFFF, v3;
	vm0 =	vcmask $0x2B30  }
0x9a: {  	v4 =	vxor.u32 $0x80000000, v4;
	(xrf0) =	vmax.scan.msk.u32 $0xffff, v7;
	v11 =	vsel vm0, $0xFFFFFFFF, v3;
	vm0 =	vcmask $0x2F34  }
0x9b: {  	(xrf0) =	vmax.scan.msk.u32 $0xffff, v8;
	v6 =	vxor.u32 $0x80000000, v6;
	v8 =	vsel vm0, $0xFFFFFFFF, v3;
	vm0 =	vcmask $0x3338  }
0x9c: {  	v13, _, _ =	vpop (xrf0);
	(xrf0) =	vmax.scan.msk.u32 $0xffff, v4;
	v7 =	vxor.u32 $0x80000000, v10;
	v14 =	vsel vm0, $0xFFFFFFFF, v3;
	vm0 =	vcmask $0x373C  }
0x9d: {  	(v2sf) =	vpush v13, $0xF;
	v10 =	vxor.u32 $0x80000000, v11;
	v12 =	vsel vm0, $0xFFFFFFFF, v3;
	v11, _, _ =	vpop (xrf0);
	(xrf0) =	vmax.scan.msk.u32 $0xffff, v5  }
0x9e: {  	v5 =	vxor.u32 $0x80000000, v12;
	v12 =	vld [tilespmem:$0x1FFF0];
	(v2sf) =	vpush v11, $0xF;
	v11, _, _ =	vpop (xrf0);
	(xrf0) =	vmax.scan.msk.u32 $0xffff, v9  }
0x9f: {  	(v2sf) =	vpush v11, $0xF;
	v11, _, _ =	vpop (xrf0);
	(xrf0) =	vmax.scan.msk.u32 $0xffff, v6  }
0xa0: {  	v4 =	vxor.u32 $0x80000000, v8;
	(v2sf) =	vpush v11, $0xF;
	v6, _, _ =	vpop (xrf0);
	(xrf0) =	vmax.scan.msk.u32 $0xffff, v7  }
0xa1: {  	(v2sf) =	vpush v6, $0xF;
	v6, _, _ =	vpop (xrf0)  }
0xa2: {  	(xrf0) =	vmax.scan.msk.u32 $0xffff, v10;
	(v2sf) =	vpush v6, $0xF;
	v6, _, _ =	vpop (xrf0)  }
0xa3: {  	v8 =	vxor.u32 $0x80000000, v14;
	(xrf0) =	vmax.scan.msk.u32 $0xffff, v4;
	vm0 =	vnez.u8 v12;
	(v2sf) =	vpush v6, $0xF;
	v4, _, _ =	vpop (xrf0)  }
0xa4: {  	(xrf0) =	vmax.scan.msk.u32 $0xffff, v8;
	v12 =	vsel vm0, $0xFFFFFFFF, v3;
	(v2sf) =	vpush v4, $0xF;
	v4, _, _ =	vpop (xrf0)  }
0xa5: {  	(xrf0) =	vmax.scan.msk.u32 $0xffff, v5;
	v9 =	vxor.u32 $0x80000000, v12;
	(v2sf) =	vpush v4, $0xF;
	v4, _, _ =	vpop (xrf0)  }
0xa6: {  	s21 =	sadd.s32 $0x1, s21;
	(xrf0) =	vmax.scan.msk.u32 $0xffff, v9;
	(v2sf) =	vpush v4, $0xF;
	v4, _, _ =	vpop (xrf0)  }
0xa7: {  	s23 =	sshrl.u32 s21, $0x3;
	(v2sf) =	vpush v4, $0xF  }
0xa8: {  	s22 =	smov.u32 s20;
	s23 =	smul.u32 $0x3E800, s23;
	v4, _, _ =	vpop (xrf0)  }
0xa9: {  	s22 =	sand.u32 $0x380, s22;
	(v2sf) =	vpush v4, $0xF;
	v4, _, _ =	vpop (xrf0)  }
0xaa: {  	s17 =	sadd.s32 $0x10, s17;
	s22 =	sor.u32 s22, s23;
	(v2sf) =	vpush v4, $0xF;
	v4, _, _ =	vpop (xrf0)  }
0xab: {  	s23 =	sshrl.u32 s22, $0x3;
	s22 =	sadd.s32 $0x1F400, s22;
	v6 =	vld [tilespmem:s17+$0x0];
	(v2sf) =	vpush v4, $0xF;
	v4, _, _ =	vpop (xrf0)  }
0xac: {  	s22 =	sshrl.u32 s22, $0x3;
	s28 =	spop (v2sf);
	(v2sf) =	vpush v4, $0xF;
	v4, _, _ =	vpop (xrf0)  }
0xad: {  	s18 =	smov.u32 s22;
	s22 =	sxor.u32 $0x80000000, s28;
	(v2sf) =	vpush v4, $0xF;
	s29 =	spop (v2sf)  }
0xae: {  	s19 =	smov.u32 s23;
	vm0 =	veq.s32 v3, s22;
	s23 =	sxor.u32 $0x80000000, s29;
	s30 =	spop (v2sf)  }
0xaf: {  	v5 =	vnsel vm0, $0x80000063, v2;
	vm1 =	veq.s32 v3, s23;
	s22 =	sxor.u32 $0x80000000, s30;
	s31 =	spop (v2sf)  }
0xb0: {  	v7 =	vnsel vm0, $0x0, v6;
	(xrf0) =	vmin.scan.msk.u32 $0xffff, v5;
	v8 =	vnsel vm1, $0x80000063, v2;
	vm0 =	veq.s32 v3, s22;
	s23 =	sxor.u32 $0x80000000, s31;
	s24 =	spop (v2sf)  }
0xb1: {  	v9 =	vnsel vm0, $0x80000063, v2;
	v5 =	vnsel vm0, $0x0, v6;
	vm0 =	veq.s32 v3, s23;
	(xrf0) =	vmin.scan.msk.u32 $0xffff, v8;
	s26 =	spop (v2sf)  }
0xb2: {  	s25 =	sxor.u32 $0x80000000, s24;
	v10 =	vnsel vm0, $0x0, v6;
	(xrf0) =	vmin.scan.msk.u32 $0xffff, v9;
	s29 =	spop (v2sf)  }
0xb3: {  	v8 =	vnsel vm0, $0x80000063, v2;
	vm0 =	veq.s32 v3, s25;
	s28 =	sxor.u32 $0x80000000, s26;
	(xrf2) =	vadd.scan.msk.f32 $0xffff, v10;
	s31 =	spop (v2sf)  }
0xb4: {  	v9 =	vnsel vm0, $0x80000063, v2;
	v12 =	vnsel vm0, $0x0, v6;
	vm0 =	veq.s32 v3, s28;
	s30 =	sxor.u32 $0x80000000, s29;
	(xrf0) =	vmin.scan.msk.u32 $0xffff, v8;
	s24 =	spop (v2sf)  }
0xb5: {  	v10 =	vnsel vm0, $0x80000063, v2;
	v11 =	vnsel vm0, $0x0, v6;
	vm0 =	veq.s32 v3, s30;
	(xrf0) =	vmin.scan.msk.u32 $0xffff, v9;
	s26 =	spop (v2sf)  }
0xb6: {  	v15, _, _ =	vpop (xrf0);
	s23 =	sxor.u32 $0x80000000, s31;
	v13 =	vnsel vm0, $0x0, v6;
	(xrf0) =	vmin.scan.msk.u32 $0xffff, v10;
	s29 =	spop (v2sf)  }
0xb7: {  	v4 =	vnsel vm1, $0x0, v6;
	v8 =	vnsel vm0, $0x80000063, v2;
	vm0 =	veq.s32 v3, s23;
	(xrf2) =	vadd.scan.msk.f32 $0xffff, v13;
	s30 =	sxor.u32 $0x80000000, s29  }
0xb8: {  	s25 =	sxor.u32 $0x80000000, s24;
	v9 =	vnsel vm0, $0x80000063, v2;
	(v2sf) =	vpush v15, $0xF;
	v10, _, _ =	vpop (xrf0);
	s31 =	spop (v2sf);
	vm2 =	veq.s32 v3, s30  }
0xb9: {  	v14 =	vnsel vm0, $0x0, v6;
	vm0 =	veq.s32 v3, s25;
	s28 =	sxor.u32 $0x80000000, s26;
	v17, _, _ =	vpop (xrf0);
	s24 =	spop (v2sf);
	v19 =	vnsel vm2, $0x80000063, v2  }
0xba: {  	v16 =	vnsel vm0, $0x80000063, v2;
	vm1 =	veq.s32 v3, s28;
	s25 =	sxor.u32 $0x80000000, s24;
	s26 =	spop (v2sf);
	(v2sf) =	vpush v17, $0xF;
	v17, _, _ =	vpop (xrf0);
	(xrf0) =	vmin.scan.msk.u32 $0xffff, v19  }
0xbb: {  	(xrf2) =	vadd.scan.msk.f32 $0xffff, v14;
	v15 =	vnsel vm1, $0x80000063, v2;
	v18 =	vnsel vm1, $0x0, v6;
	vm1 =	veq.s32 v3, s25;
	s29 =	spop (v2sf);
	v22, _, _ =	vpop (xrf0)  }
0xbc: {  	v13 =	vnsel vm0, $0x0, v6;
	s23 =	sxor.u32 $0x80000000, s31;
	v21 =	vnsel vm1, $0x80000063, v2;
	s31 =	spop (v2sf);
	(v2sf) =	vpush v17, $0xF;
	v17, _, _ =	vpop (xrf0);
	(xrf0) =	vmin.scan.msk.u32 $0xffff, v8  }
0xbd: {  	vm0 =	veq.s32 v3, s23;
	s28 =	sxor.u32 $0x80000000, s26;
	v19 =	vnsel vm2, $0x0, v6;
	(v2sf) =	vpush v22, $0xF;
	(xrf0) =	vmin.scan.msk.u32 $0xffff, v21  }
0xbe: {  	v60 =	vnsel vm0, $0x0, v6;
	vm2 =	veq.s32 v3, s28;
	s30 =	sxor.u32 $0x80000000, s29;
	s24 =	sxor.u32 $0x80000000, s31;
	v23, _, _ =	vpop (xrf2);
	(xrf2) =	vadd.scan.msk.f32 $0xffff, v11;
	(v2sf) =	vpush v10, $0xF  }
0xbf: {  	v24 =	vnsel vm1, $0x0, v6;
	vm3 =	veq.s32 v3, s30;
	vm4 =	veq.s32 v3, s24  }
0xc0: {  	v11 =	vnsel vm2, $0x0, v6;
	v25 =	vnsel vm3, $0x0, v6;
	(xrf0) =	vmin.scan.msk.u32 $0xffff, v15;
	v10 =	vnsel vm4, $0x0, v6;
	v6, _, _ =	vpop (xrf0)  }
0xc1: {  	(v2sf) =	vpush v17, $0xF;
	v15, _, _ =	vpop (xrf2);
	(xrf0) =	vmin.scan.msk.u32 $0xffff, v9  }
0xc2: {  	(xrf2) =	vadd.scan.msk.f32 $0xffff, v7;
	v7, _, _ =	vpop (xrf0)  }
0xc3: {  	v8 =	vnsel vm3, $0x80000063, v2;
	(xrf0) =	vmin.scan.msk.u32 $0xffff, v16;
	(v2sf) =	vpush v7, $0xF  }
0xc4: {  	v20 =	vnsel vm0, $0x80000063, v2;
	v7, _, _ =	vpop (xrf0);
	(xrf0) =	vmin.scan.msk.u32 $0xffff, v8  }
0xc5: {  	v9, _, _ =	vpop (xrf2);
	(xrf0) =	vmin.scan.msk.u32 $0xffff, v20  }
0xc6: {  	(xrf2) =	vadd.scan.msk.f32 $0xffff, v12;
	v8, _, _ =	vpop (xrf0)  }
0xc7: {  	v14 =	vnsel vm2, $0x80000063, v2;
	s25 =	spop (v2sf);
	v12, _, _ =	vpop (xrf0)  }
0xc8: {  	s22 =	sxor.u32 $0x80000000, s25;
	(xrf0) =	vmin.scan.msk.u32 $0xffff, v14;
	v16, _, _ =	vpop (xrf2)  }
0xc9: {  	(v2sf) =	vpush v6, $0xF;
	v14 =	vmov s22;
	(xrf2) =	vadd.scan.msk.f32 $0xffff, v4;
	v4, _, _ =	vpop (xrf0)  }
0xca: {  	v61 =	vnsel vm4, $0x80000063, v2;
	s26 =	spop (v2sf);
	(v2sf) =	vpush v7, $0xF;
	v6, _, _ =	vpop (xrf0)  }
0xcb: {  	s28 =	spop (v2sf);
	(v2sf) =	vpush v12, $0xF;
	v12, _, _ =	vpop (xrf0);
	(xrf0) =	vmin.scan.msk.u32 $0xffff, v61  }
0xcc: {  	vm1 =	veq.s32 v14, v0;
	v14, _, _ =	vpop (xrf2);
	(xrf2) =	vadd.scan.msk.f32 $0xffff, v13;
	s29 =	spop (v2sf);
	(v2sf) =	vpush v4, $0xF  }
0xcd: {  	s31 =	spop (v2sf);
	(v2sf) =	vpush v8, $0xF;
	_ =	sdelay $0x1  }
0xce: {  	(xrf2) =	vadd.scan.msk.f32 $0xffff, v18;
	v8, _, _ =	vpop (xrf0);
	(v2sf) =	vpush v6, $0xF  }
0xcf: {  	v17, _, _ =	vpop (xrf2);
	(xrf2) =	vadd.scan.msk.f32 $0xffff, v19;
	s24 =	spop (v2sf);
	(v2sf) =	vpush v8, $0xF  }
0xd0: {  	s22 =	sxor.u32 $0x80000000, s26;
	s23 =	sxor.u32 $0x80000000, s31;
	(v2sf) =	vpush v12, $0xF;
	v8, _, _ =	vpop (xrf0)  }
0xd1: {  	v7 =	vmov s22;
	v6 =	vmov s23;
	s25 =	spop (v2sf);
	(v2sf) =	vpush v8, $0xF  }
0xd2: {  	vm2 =	veq.s32 v7, v0;
	s22 =	sxor.u32 $0x80000000, s28;
	vm0 =	veq.s32 v6, v0;
	v12, _, _ =	vpop (xrf2);
	(xrf2) =	vadd.scan.msk.f32 $0xffff, v60  }
0xd3: {  	v13 =	vmov s22;
	s22 =	sxor.u32 $0x80000000, s24;
	vm4 =	vmor vm0, vm2  }
0xd4: {  	vm5 =	vmor vm1, vm4;
	vm4 =	veq.s32 v13, v0;
	v8 =	vmov s22  }
0xd5: {  	s30 =	sxor.u32 $0x80000000, s29;
	vm6 =	vmor vm4, vm5;
	vm5 =	veq.s32 v8, v0;
	v8 =	vbroadcast v15, $0xF;
	v15, _, _ =	vpop (xrf2);
	(xrf2) =	vadd.scan.msk.f32 $0xffff, v24  }
0xd6: {  	v9 =	vbroadcast v9, $0xF;
	v7 =	vmov s30  }
0xd7: {  	v4 =	vbroadcast v23, $0xF;
	vm3 =	veq.s32 v7, v0;
	v7 =	vbroadcast v16, $0xF;
	s26 =	sxor.u32 $0x80000000, s25;
	s28 =	spop (v2sf)  }
0xd8: {  	v12 =	vbroadcast v12, $0xF;
	vm6 =	vmor vm3, vm6;
	v13 =	vmov s26;
	v16, _, _ =	vpop (xrf2);
	(xrf2) =	vadd.scan.msk.f32 $0xffff, v25;
	s29 =	spop (v2sf)  }
0xd9: {  	vm7 =	vmor vm5, vm6;
	vm6 =	veq.s32 v13, v0;
	s22 =	sxor.u32 $0x80000000, s28;
	v13 =	vbroadcast v17, $0xF;
	v17, _, _ =	vpop (xrf2);
	(xrf2) =	vadd.scan.msk.f32 $0xffff, v5;
	s30 =	spop (v2sf)  }
0xda: {  	v6 =	vbroadcast v14, $0xF;
	v14 =	vnsel vm0, $0x0, v12;
	v18 =	vmov s22;
	s22 =	sxor.u32 $0x80000000, s30;
	s31 =	spop (v2sf)  }
0xdb: {  	vm9 =	vmor vm6, vm7;
	v5 =	vbroadcast v16, $0xF;
	s24 =	sxor.u32 $0x80000000, s31;
	s25 =	spop (v2sf);
	v12 =	vmov s22  }
0xdc: {  	v62, _, _ =	vpop (xrf2);
	(xrf2) =	vadd.scan.msk.f32 $0xffff, v11;
	v11 =	vbroadcast v17, $0xF;
	v19 =	vmov s24;
	s25 =	sxor.u32 $0x80000000, s25;
	vm7 =	veq.s32 v12, v0  }
0xdd: {  	s23 =	sxor.u32 $0x80000000, s29;
	s26 =	spop (v2sf);
	v12 =	vbroadcast v15, $0xF;
	vm8 =	veq.s32 v19, v0;
	v15 =	vmov s25  }
0xde: {  	s24 =	sxor.u32 $0x80000000, s26;
	s28 =	spop (v2sf);
	v19 =	vmov s23;
	vm0 =	vmor vm7, vm9;
	vm9 =	veq.s32 v18, v0  }
0xdf: {  	p0 =	sne.s32 s20, $0xF80;
	v63, _, _ =	vpop (xrf2);
	(xrf2) =	vadd.scan.msk.f32 $0xffff, v10;
	v10 =	vbroadcast v62, $0xF;
	s29 =	sxor.u32 $0x80000000, s28;
	s30 =	spop (v2sf);
	v16 =	vmov s24;
	vm10 =	veq.s32 v19, v0  }
.Ltmp1:
0xe0: {  	vm14 =	veq.s32 v15, v0;
	vm0 =	vmor vm8, vm0;
	s23 =	sxor.u32 $0x80000000, s30;
	v19 =	vmov s29;
	s31 =	spop (v2sf);
	(pc) =	sbr.rel @p0 .LBB2_4-.Ltmp1, $4  }
0xe1: {  	vm12 =	veq.s32 v16, v0;
	vm13 =	vmor vm14, vm0;
	v18 =	vmov s23;
	s22 =	sxor.u32 $0x80000000, s31  }
0xe2: {  	vm15 =	vmor vm9, vm13;
	v16, _, _ =	vpop (xrf2);
	vm0 =	veq.s32 v18, v0;
	v15 =	vmov s22  }
0xe3: {  	vm11 =	veq.s32 v19, v0;
	vm15 =	vmor vm0, vm15;
	v17, _, _ =	vpop (xrf2);
	vm13 =	veq.s32 v15, v0  }
0xe4: {  	s20 =	sadd.s32 $0x80, s20;
	v15 =	vbroadcast v63, $0xF;
	v17 =	vbroadcast v17, $0xF;
	vm15 =	vmor vm10, vm15  }
0xe5: {  	_ = 	snop  }
0xe6: {  	v14 =	vsel vm2, v17, v14  }
0xe7: {  	v6 =	vsel vm1, v6, v14  }
0xe8: {  	v4 =	vsel vm4, v4, v6  }
0xe9: {  	v4 =	vsel vm3, v13, v4  }
0xea: {  	v4 =	vsel vm5, v7, v4  }
0xeb: {  	v4 =	vsel vm6, v8, v4  }
0xec: {  	vm1 =	vmor vm11, vm15;
	v4 =	vsel vm7, v9, v4  }
0xed: {  	vm1 =	vmor vm12, vm1;
	v4 =	vsel vm8, v12, v4  }
0xee: {  	vm2 =	vlt.u32 v3, $0x3E80;
	vm1 =	vmor vm13, vm1;
	v4 =	vsel vm14, v5, v4  }
0xef: {  	v59, _, _ =	vpop (xrf2);
	vm2 =	vmand vm2, vm1;
	v4 =	vsel vm9, v11, v4  }
0xf0: {  	v60 =	vnsel vm2, $0x0, v3;
	v5 =	vbroadcast v59, $0xF;
	v4 =	vsel vm0, v10, v4  }
0xf1: {  	v61 =	vbroadcast v16, $0xF;
	v62, _, _ =	vpop (xrf2);
	v4 =	vsel vm10, v15, v4  }
0xf2: {  	v8 =	vbroadcast v62, $0xF;
	v4 =	vsel vm11, v5, v4  }
0xf3: {  	v3 =	vadd.s32 $0xFFFFC180, v3;
	v4 =	vsel vm12, v61, v4  }
0xf4: {  	vm0 =	vlt.u32 v3, $0x3E80;
	v4 =	vsel vm13, v8, v4  }
0xf5: {  	s16 =	sadd.s32 s3, s19;
	vm0 =	vmand vm0, vm1;
	[tilespmem:v60+s12+$0x0] =	vst.idx.add.f32.msk vm2, v4  }
0xf6: {  	v3 =	vnsel vm0, $0x0, v3;
	[hbm4b:s16+s13] =	stream.strided.scatter [tilespmem:s12], [sflag:$0x1], $0x3E80, s14, s13, $0x38;
	[tilespmem:$0x1C980] =	vst v63  }
0xf7: {  	_ =	swait.ge [sflag:s9], $0x3E80  }
0xf8: {  	v63 =	vsub.f32 $0.0e+00, v4;
	[sflag:s9] =	ssyncset.done $0x0  }
0xf9: {  	[sflag:s9] =	ssyncadd.s32 $0xFFFFC180  }
0xfa: {  	[tilespmem:v60+s12+$0x0] =	vst.idx.add.f32.msk vm2, v63  }
0xfb: {  	s31 =	sadd.s32 s3, s18;
	[tilespmem:v3+s12+$0x0] =	vst.idx.add.f32.msk vm0, v4  }
0xfc: {  	[hbm4b:s31+s13] =	stream.strided.scatter [tilespmem:s12], [sflag:$0x1], $0x3E80, s14, s13, $0x38;
	[tilespmem:$0x1C980] =	vst v63  }
0xfd: {  	_ =	swait.ge [sflag:s9], $0x3E80  }
0xfe: {  	[sflag:s9] =	ssyncset.done $0x0  }
0xff: {  	[sflag:s9] =	ssyncadd.s32 $0xFFFFC180  }
0x100: {  	[tilespmem:v3+s12+$0x0] =	vst.idx.add.f32.msk vm0, v63  }
0x101: {  	v3 =	vld [tilespmem:$0x1FFE0];
	_ =	sdelay $0x3  }
0x102: {  	s15 =	sadd.s32 $0x1, s15  }
0x103: {  	p0 =	sne.s32 s15, s7;
	vm0 =	vnez.u8 v3;
	v3 =	vld [tilespmem:$0x1FFF0]  }
.Ltmp2:
0x104: {  	vm4 =	vcmask $0xF14;
	vm3 =	vcmask $0xB10;
	vm5 =	vcmask $0x1318;
	(pc) =	sbr.rel @p0 .LBB2_1-.Ltmp2, $4  }
0x105: {  	vm6 =	vcmask $0x171C;
	vm7 =	vcmask $0x1B20;
	vm8 =	vcmask $0x1F24  }
0x106: {  	vm14 =	vcmask $0x373C;
	vm9 =	vcmask $0x2328;
	vm1 =	vcmask $0x308  }
0x107: {  	vm10 =	vcmask $0x272C;
	vm11 =	vcmask $0x2B30;
	vm12 =	vcmask $0x2F34  }
0x108: {  	vm13 =	vcmask $0x3338;
	vm2 =	vcmask $0x70C;
	vm15 =	vnez.u8 v3  }
0x109: {  	_ =	sfence.sel $0x180000  }
0x10a: {  	[bflag:$0x0] =	sbarrier.arrive $0xFFFF  }
0x10b: {  	p0 =	sne.s32 s1, $0x0;
	_ =	strace $0x9000004D  }
0x10c: {  	s0 =	sadd.s32 @!p0 $0x100000, s0;
	[bflag:$0x2] =	sbarrier.arrive $0xFFFF  }
0x10d: {  	[sflag:s0] =	ssyncadd.tile.s32 @!p0 $0x1;
	_ =	shalt  }
.Lfunc_end2:
_tile_overlayer_lowered:
.L_overlay_start_2:
0x10e: {  	(tag) =	ssettag $0x2  }
0x10f: {  	s0 =	rddreg [dreg:$0x0];
	s2 =	stileid.u32  }
0x110: {  	s1 =	rddreg [dreg:$0x1];
	p0 =	sne.s32 s2, $0x0  }
0x111: {  	s3 =	rddreg [dreg:$0x2];
	[bflag:$0x3] =	sbarrier.arrive $0xFFFF;
	s2 =	simm.s32 @!p0 $0x1C01  }
0x112: {  	[timem:s3], [sflag:s2] =	dma.local @!p0 [hbm:s0], s1  }
0x113: {  	s0 =	simm.s32 @!p0 $0x1  }
0x114: {  	_ =	swait.ge @!p0 [sflag:s0], s1  }
0x115: {  	s1 =	ssub.s32 @!p0 $0x0, s1;
	[sflag:s0] =	ssyncset.done @!p0 $0x0  }
0x116: {  	[sflag:s0] =	ssyncadd.s32 @!p0 s1  }
0x117: {  	[bflag:$0x3] =	sbarrier.arrive $0xFFFF  }
0x118: {  	_ =	shalt  }

// kernel: kernel.9.cloned.1.call-start
scs
__scs_entry_jumppad:
0x0: {  	(pc) =	sbr.rel $0x88, $3  }
0x1: {  	(tag) =	ssettag $0x0;
	lr =	simm.s32 $0x1  }
0x2: {  	[smem:$0x3F9E] =	sst lr;
	_ =	strace $0xD0000000  }
0x3: {  	_ = 	snop  }
0x4: {  	_ = 	snop  }
0x5: {  	_ = 	snop  }
0x6: {  	_ = 	snop  }
0x7: {  	_ = 	snop  }
__scs_overlays_trampoline_lowered:
0x8: {  	[smem:$0x3FAD] =	sst s0  }
0x9: {  	[smem:$0x3FAE] =	sst s1  }
0xa: {  	[smem:$0x3FAF] =	sst s2  }
0xb: {  	[smem:$0x3FB0] =	sst s3  }
0xc: {  	[smem:$0x3FB1] =	sst s4  }
0xd: {  	[smem:$0x3FB2] =	sst s5  }
0xe: {  	[smem:$0x3FB3] =	sst s6  }
0xf: {  	[smem:$0x3FB4] =	sst s7  }
0x10: {  	[smem:$0x3FB5] =	sst s8  }
0x11: {  	[smem:$0x3FB6] =	sst s9;
	s0 =	simm.s32 @!p0 $0x0  }
0x12: {  	s1 =	sld [smem:$0x3F9C];
	s0 =	simm.s32 @p0 $0x1  }
0x13: {  	[smem:$0x3FB7] =	sst s0;
	s0 =	simm.s32 @!p1 $0x0  }
0x14: {  	s2 =	sld [smem:$0x3F9B];
	s0 =	simm.s32 @p1 $0x1  }
0x15: {  	[smem:$0x3FB8] =	sst s0;
	s0 =	simm.s32 @!p2 $0x0  }
0x16: {  	s3 =	sld [smem:$0x3FDB];
	s0 =	simm.s32 @p2 $0x1  }
0x17: {  	s4 =	simm.s32 $0x1BF5;
	[smem:$0x3FBA] =	sst s0  }
0x18: {  	s0 =	sld [smem:$0x3F9D];
	_ =	swait.ge [sflag:s4], $0x0  }
0x19: {  	s7 =	sld [smem:$0x3F9E]  }
0x1a: {  	s8 =	sadd.s32 $0xFFFFE003, lr  }
0x1b: {  	s9 =	sadd.s32 $0xFFFFFEF7, lr;
	s5 =	simm.s32 $0xFFFFFFFF;
	p2 =	slt.u32 s8, $0xFFFFF086  }
0x1c: {  	p1 =	slt.u32 s9, $0xF7A;
	s5 =	simm.s32 @!p2 $0x0  }
0x1d: {  	s5 =	simm.s32 @p1 $0x1;
	p0 =	seq.s32 s7, s2  }
0x1e: {  	s7 =	smul.u32 @!p0 $0xF7A, s2;
	p2 =	seq.s32 @!p0 s5, $0x0  }
0x1f: {  	s9 =	smul.u32 $0xF7A, s1;
	s8 =	simm.s32 @!p0 $0x1BF5;
	p2 =	por !p2, p0  }
0x20: {  	[sflag:s8] =	ssyncset.s32 @!p0 $0xFFFFF086;
	s6 =	sadd.s32 @!p0 s3, s7;
	s7 =	simm.s32 @!p0 $0x108  }
0x21: {  	s3 =	sadd.s32 s3, s9;
	s6 =	sadd.s32 @!p0 $0x88, s6;
	s7 =	simm.s32 @p2 $0x1082  }
0x22: {  	[simem:s7], [sflag:s8] =	dma.local @!p0 [hbm:s6], $0xF7A  }
0x23: {  	s9 =	sor.u32 $0xD0000000, s2;
	s6 =	simm.s32 $0x108;
	_ =	swait.ge @!p0 [sflag:s8], $0x0  }
0x24: {  	s3 =	sadd.s32 $0x88, s3;
	s6 =	simm.s32 @!p1 $0x1082;
	[sflag:s4] =	ssyncset.s32 $0xFFFFF086  }
0x25: {  	[simem:s6], [sflag:s4] =	dma.local [hbm:s3], $0xF7A  }
0x26: {  	[smem:$0x3F9E] =	sst s1;
	(tag) =	ssettag s2;
	_ =	strace s9  }
0x27: {  	s1 =	sld [smem:$0x3FAE]  }
0x28: {  	s2 =	sld [smem:$0x3FAF]  }
0x29: {  	s4 =	sld [smem:$0x3FB1]  }
0x2a: {  	p0 =	seq.s32 s5, $0x0;
	s5 =	sld [smem:$0x3FB2]  }
0x2b: {  	s6 =	sld [smem:$0x3FB3]  }
0x2c: {  	s7 =	sld [smem:$0x3FB4]  }
0x2d: {  	s3 =	simm.s32 $0x108;
	s8 =	sld [smem:$0x3FB5]  }
0x2e: {  	s3 =	simm.s32 @!p0 $0x1082;
	s9 =	sld [smem:$0x3FB6]  }
0x2f: {  	lr =	sadd.s32 s0, s3;
	s0 =	sld [smem:$0x3FAD]  }
0x30: {  	s3 =	sld [smem:$0x3FB0]  }
0x31: {  	[smem:$0x3FB9] =	sst s10  }
0x32: {  	s10 =	sld [smem:$0x3FB7];
	_ =	sdelay $0x3  }
0x33: {  	p0 =	seq.s32 s10, $0x1;
	s10 =	sld [smem:$0x3FB9];
	_ =	sdelay $0x3  }
0x34: {  	[smem:$0x3FB9] =	sst s10  }
0x35: {  	s10 =	sld [smem:$0x3FB8];
	_ =	sdelay $0x3  }
0x36: {  	p1 =	seq.s32 s10, $0x1;
	s10 =	sld [smem:$0x3FB9];
	_ =	sdelay $0x3  }
0x37: {  	[smem:$0x3FB9] =	sst s10  }
0x38: {  	s10 =	sld [smem:$0x3FBA]  }
0x39: {  	_ = 	snop;
	(pc) =	sbr.ind lr, $3  }
0x3a: {  	_ = 	snop  }
0x3b: {  	_ = 	snop  }
0x3c: {  	p2 =	seq.s32 s10, $0x1;
	s10 =	sld [smem:$0x3FB9]  }
0x3d: {  	_ =	shalt  }
0x3e: {  	_ =	shalt  }
0x3f: {  	_ =	shalt  }
0x40: {  	_ =	shalt  }
0x41: {  	_ =	shalt  }
0x42: {  	_ =	shalt  }
0x43: {  	_ =	shalt  }
0x44: {  	_ =	shalt  }
0x45: {  	_ =	shalt  }
0x46: {  	_ =	shalt  }
0x47: {  	_ =	shalt  }
0x48: {  	_ =	shalt  }
0x49: {  	_ =	shalt  }
0x4a: {  	_ =	shalt  }
0x4b: {  	_ =	shalt  }
0x4c: {  	_ =	shalt  }
0x4d: {  	_ =	shalt  }
0x4e: {  	_ =	shalt  }
0x4f: {  	_ =	shalt  }
0x50: {  	_ =	shalt  }
0x51: {  	_ =	shalt  }
0x52: {  	_ =	shalt  }
0x53: {  	_ =	shalt  }
0x54: {  	_ =	shalt  }
0x55: {  	_ =	shalt  }
0x56: {  	_ =	shalt  }
0x57: {  	_ =	shalt  }
0x58: {  	_ =	shalt  }
0x59: {  	_ =	shalt  }
0x5a: {  	_ =	shalt  }
0x5b: {  	_ =	shalt  }
0x5c: {  	_ =	shalt  }
0x5d: {  	_ =	shalt  }
0x5e: {  	_ =	shalt  }
0x5f: {  	_ =	shalt  }
0x60: {  	_ =	shalt  }
0x61: {  	_ =	shalt  }
0x62: {  	_ =	shalt  }
0x63: {  	_ =	shalt  }
0x64: {  	_ =	shalt  }
0x65: {  	_ =	shalt  }
0x66: {  	_ =	shalt  }
0x67: {  	_ =	shalt  }
0x68: {  	_ =	shalt  }
0x69: {  	_ =	shalt  }
0x6a: {  	_ =	shalt  }
0x6b: {  	_ =	shalt  }
0x6c: {  	_ =	shalt  }
0x6d: {  	_ =	shalt  }
0x6e: {  	_ =	shalt  }
0x6f: {  	_ =	shalt  }
0x70: {  	_ =	shalt  }
0x71: {  	_ =	shalt  }
0x72: {  	_ =	shalt  }
0x73: {  	_ =	shalt  }
0x74: {  	_ =	shalt  }
0x75: {  	_ =	shalt  }
0x76: {  	_ =	shalt  }
0x77: {  	_ =	shalt  }
0x78: {  	_ =	shalt  }
0x79: {  	_ =	shalt  }
0x7a: {  	_ =	shalt  }
0x7b: {  	_ =	shalt  }
0x7c: {  	_ =	shalt  }
0x7d: {  	_ =	shalt  }
0x7e: {  	_ =	shalt  }
0x7f: {  	_ =	shalt  }
0x80: {  	_ =	shalt  }
0x81: {  	_ =	shalt  }
0x82: {  	_ =	shalt  }
0x83: {  	_ =	shalt  }
0x84: {  	_ =	shalt  }
0x85: {  	_ =	shalt  }
0x86: {  	_ =	shalt  }
0x87: {  	_ =	shalt  }
.Lfunc_end0:
.L_simem_size_0:
called_computation_lowered:
.L_overlay_start_0:
0x88: {  	s2 =	sld [smem:$0x3FD9]  }
0x89: {  	s3 =	sld [smem:$0x3FFE];
	_ =	sdelay $0x1  }
0x8a: {  	s1 =	srdreg.scid  }
0x8b: {  	s0 =	sand.u32 $0x1, s1  }
0x8c: {  	s17 =	sshll.u32 s0, $0xA;
	s2 =	sadd.s32 s3, s2  }
0x8d: {  	s2 =	sadd.s32 s2, s17  }
0x8e: {  	[smem:$0x3FC5] =	sst s2  }
0x8f: {  	_ = 	snop  }
0x90: {  	s2 =	sld [smem:$0x3FD0];
	(tm) =	ssettm $0x1  }
0x91: {  	s18 =	sld [smem:$0x3FFB];
	_ =	sdelay $0x3  }
0x92: {  	_ =	strace s18  }
0x93: {  	s3 =	sld [smem:$0x3FFC];
	_ =	sdelay $0x3  }
0x94: {  	_ =	strace s3  }
0x95: {  	s3 =	sld [smem:$0x3FFD];
	_ =	sdelay $0x3  }
0x96: {  	_ =	strace s3  }
0x97: {  	_ =	strace $0x8FFFFFFF  }
0x98: {  	s19 =	sld [smem:$0x3FDB];
	_ =	sdelay $0x1  }
0x99: {  	s4 =	simm.s32 $_scs_section_size  }
0x9a: {  	s5 =	simm.s32 $_size__tile_overlayer_lowered;
	s6 =	simm.s32 $_tile_overlayer_lowered  }
0x9b: {  	s22 =	simm.s32 $0x1BFF;
	s21 =	sshll.u32 s6, $0x1;
	s3 =	sadd.s32 s4, s19  }
0x9c: {  	s7 =	simm.s32 $0x0;
	s20 =	sshll.u32 s5, $0x1;
	s5 =	sadd.s32 s21, s3  }
0x9d: {  	[timem:s7], [sflag:s22] =	dma.local [hbm:s5], s20  }
0x9e: {  	_ =	swait.ge [sflag:s22], s20  }
0x9f: {  	s4 =	ssub.s32 $0x0, s20;
	[sflag:s22] =	ssyncset.done $0x0  }
0xa0: {  	[sflag:s22] =	ssyncadd.s32 s4;
	_ =	sdelay $0x1  }
0xa1: {  	s23 =	simm.s32 $0x1B8B  }
0xa2: {  	_ =	swait.ge [sflag:s23], $0x1  }
0xa3: {  	[sflag:s23] =	ssyncset.done $0x0  }
0xa4: {  	s25 =	simm.s32 $0x1B8E;
	s24 =	sld [smem:$0x3FFE];
	[sflag:s23] =	ssyncadd.s32 $0xFFFFFFFF  }
0xa5: {  	s26 =	simm.s32 $execute0_lowered;
	[smem:$0x3FD2] =	sst s25  }
0xa6: {  	s5 =	sshll.u32 s26, $0x1;
	_ =	strace $0x80000046;
	[dreg:$0x1] =	wrdreg $0xFFFFFFFF  }
0xa7: {  	s28 =	simm.s32 $_size_execute0_lowered;
	s3 =	sadd.s32 s3, s5;
	[dreg:$0x0] =	wrdreg $0x0  }
0xa8: {  	s5 =	sshll.u32 s28, $0x1;
	[dreg:$0x2] =	wrdreg s3  }
0xa9: {  	[dreg:$0x3] =	wrdreg s5  }
0xaa: {  	[dreg:$0x4] =	wrdreg $0xC0  }
0xab: {  	_ =	task [dreg:s7], $0x5FFFF  }
0xac: {  	[dreg:$0x1] =	wrdreg $0xFFFFFFFF  }
0xad: {  	[dreg:$0x0] =	wrdreg $0x60  }
0xae: {  	[dreg:$0x2] =	wrdreg s24  }
0xaf: {  	[dreg:$0x3] =	wrdreg s2  }
0xb0: {  	[dreg:$0x4] =	wrdreg $0x9  }
0xb1: {  	_ =	task.clear_ibuf [dreg:s7], $0x5FFFF;
	_ =	strace $0x90000046  }
0xb2: {  	s29 =	simm.s32 $0x9;
	_ =	strace $0x80000048  }
0xb3: {  	_ =	swait.ge [sflag:s29], $0x1  }
0xb4: {  	[sflag:s29] =	ssyncadd.s32 $0xFFFFFFFF  }
0xb5: {  	_ =	strace $0x90000048  }
0xb6: {  	_ =	sfence  }
0xb7: {  	s30 =	sld [smem:$0x0];
	_ =	sdelay $0x2  }
0xb8: {  	s31 =	sshll.u32 s1, $0xD;
	s1 =	sshrl.u32 s1, $0x2  }
0xb9: {  	s3 =	sand.u32 $0x4000, s31;
	s1 =	sadd.s32 s1, s30  }
0xba: {  	s0 =	sor.u32 s3, s0;
	s1 =	sshll.u32 s1, $0x11  }
0xbb: {  	s0 =	sor.u32 s1, s0  }
0xbc: {  	s0 =	sadd.s32 $0x8F2B, s0  }
0xbd: {  	[sflag:s0] =	ssyncadd.remote.s32 $0x1  }
0xbe: {  	_ =	sfence.sel $0xFFFF  }
0xbf: {  	[dreg:$0x0] =	wrdreg $0xFFFFFFFF;
	(pc) =	sbr.abs _section_cstart, $3  }
0xc0: {  	[dreg:$0x1] =	wrdreg $0xFFFFFFFF  }
0xc1: {  	_ =	task.clear_ibuf [dreg:s7], $0x2FFFF;
	_ =	strace $0x9FFFFFFF  }
0xc2: {  	(tm) =	ssettm $0x7FFFFFFF  }
0xc3: {  	_ =	shalt  }
tec
execute0_lowered:
.L_overlay_start_1:
0x0: {  	(tag) =	ssettag $0x1  }
0x1: {  	s5 =	rddreg [dreg:$0x0];
	s0 =	srdreg.scid  }
0x2: {  	s9 =	rddreg [dreg:$0x1];
	s13 =	sand.u32 $0x1, s0  }
0x3: {  	s1 =	stileid.u32;
	s2 =	simm.s32 $0x0;
	s3 =	sshll.u32 s13, $0x6  }
0x4: {  	s0 =	rddreg [dreg:$0x2];
	s4 =	sshll.u32 s1, $0x7;
	s3 =	sadd.s32 s3, s5  }
0x5: {  	[smem:$0x7FF] =	sst s2;
	s3 =	sadd.s32 s4, s3  }
0x6: {  	_ =	strace $0x80000047;
	s4 =	sadd.s32 $0x6000, s3;
	s3 =	simm.s32 $0x2  }
0x7: {  	[tilespmem:s2], [sflag:$0x2] =	stream.linear.gather [hbm4b:s4+s2], $0x200, $0x38;
	[tilespmem:$0x4200] =	vst v63  }
0x8: {  	_ =	swait.ge [sflag:s3], $0x200  }
0x9: {  	s6 =	simm.s32 $0x80;
	s7 =	simm.s32 $0x200;
	[sflag:s3] =	ssyncset.done $0x0  }
0xa: {  	s8 =	simm.s32 $0x1;
	s5 =	sadd.s32 $0xC6000, s5;
	[sflag:s3] =	ssyncadd.s32 $0xFFFFFE00  }
0xb: {  	[tilespmem:s7], [sflag:$0x1] =	stream.indirect.gather [hbm4b:s5+s6], $0x80, s2, s6, $0xb8;
	[tilespmem:$0x4200] =	vst v63  }
0xc: {  	s10 =	sshll.u32 s1, $0xE;
	s11 =	sshll.u32 s13, $0xD;
	_ =	swait.ge [sflag:s8], $0x4000  }
0xd: {  	s10 =	sor.u32 s11, s10;
	[sflag:s8] =	ssyncset.done $0x0  }
0xe: {  	s9 =	sadd.s32 s9, s10;
	[sflag:s8] =	ssyncadd.s32 $0xFFFFC000  }
0xf: {  	[hbm4b:s9+s2] =	stream.linear.scatter [tilespmem:s7], [sflag:$0x2], $0x4000, $0x38;
	[tilespmem:$0x4200] =	vst v63  }
0x10: {  	_ =	swait.ge [sflag:s3], $0x4000  }
0x11: {  	[sflag:s3] =	ssyncset.done $0x0  }
0x12: {  	[sflag:s3] =	ssyncadd.s32 $0xFFFFC000  }
0x13: {  	[tilespmem:s7], [sflag:$0x1] =	stream.indirect.gather [hbm4b:s5+s6], $0x80, s6, s6, $0xb8;
	[tilespmem:$0x4200] =	vst v63  }
0x14: {  	_ =	swait.ge [sflag:s8], $0x4000  }
0x15: {  	[sflag:s8] =	ssyncset.done $0x0  }
0x16: {  	s10 =	sadd.s32 $0x800, s9;
	[sflag:s8] =	ssyncadd.s32 $0xFFFFC000  }
0x17: {  	[hbm4b:s10+s2] =	stream.linear.scatter [tilespmem:s7], [sflag:$0x2], $0x4000, $0x38;
	[tilespmem:$0x4200] =	vst v63  }
0x18: {  	_ =	swait.ge [sflag:s3], $0x4000  }
0x19: {  	[sflag:s3] =	ssyncset.done $0x0  }
0x1a: {  	s11 =	simm.s32 $0x100;
	[sflag:s3] =	ssyncadd.s32 $0xFFFFC000  }
0x1b: {  	[tilespmem:s7], [sflag:$0x1] =	stream.indirect.gather [hbm4b:s5+s6], $0x80, s11, s6, $0xb8;
	[tilespmem:$0x4200] =	vst v63  }
0x1c: {  	_ =	swait.ge [sflag:s8], $0x4000  }
0x1d: {  	[sflag:s8] =	ssyncset.done $0x0  }
0x1e: {  	s14 =	ssub.s32 $0x2, s13;
	s12 =	sadd.s32 $0x1000, s9;
	[sflag:s8] =	ssyncadd.s32 $0xFFFFC000  }
0x1f: {  	[hbm4b:s12+s2] =	stream.linear.scatter [tilespmem:s7], [sflag:$0x2], $0x4000, $0x38;
	[tilespmem:$0x4200] =	vst v63  }
0x20: {  	s15 =	sshrl.u32 s14, $0x1;
	_ =	swait.ge [sflag:s3], $0x4000  }
0x21: {  	s15 =	ssub.s32 s14, s15;
	[sflag:s3] =	ssyncset.done $0x0  }
0x22: {  	s13 =	simm.s32 $0x180;
	s15 =	smax.u32 s15, $0x1;
	[sflag:s3] =	ssyncadd.s32 $0xFFFFC000  }
0x23: {  	[tilespmem:s7], [sflag:$0x1] =	stream.indirect.gather [hbm4b:s5+s6], $0x80, s13, s6, $0xb8;
	[tilespmem:$0x4200] =	vst v63  }
0x24: {  	p0 =	sne.s32 s15, $0x1;
	_ =	swait.ge [sflag:s8], $0x4000  }
.Ltmp0:
0x25: {  	[sflag:s8] =	ssyncset.done $0x0;
	(pc) =	sbr.rel @!p0 .LBB2_2-.Ltmp0, $4  }
0x26: {  	s14 =	sadd.s32 $0x1800, s9;
	[sflag:s8] =	ssyncadd.s32 $0xFFFFC000  }
0x27: {  	[hbm4b:s14+s2] =	stream.linear.scatter [tilespmem:s7], [sflag:$0x2], $0x4000, $0x38;
	[tilespmem:$0x4200] =	vst v63  }
0x28: {  	_ =	swait.ge [sflag:s3], $0x4000  }
0x29: {  	s15 =	sadd.s32 $0xFFFFFFFF, s15;
	[sflag:s3] =	ssyncset.done $0x0  }
.LBB2_1:
0x2a: {  	p0 =	sne.s32 s15, $0x1;
	s15 =	sadd.s32 $0xFFFFFFFF, s15;
	[sflag:s3] =	ssyncadd.s32 $0xFFFFC000  }
0x2b: {  	[tilespmem:s2], [sflag:$0x2] =	stream.linear.gather [hbm4b:s4+s2], $0x200, $0x38;
	[tilespmem:$0x4200] =	vst v63  }
0x2c: {  	_ =	swait.ge [sflag:s3], $0x200  }
0x2d: {  	[sflag:s3] =	ssyncset.done $0x0  }
0x2e: {  	[sflag:s3] =	ssyncadd.s32 $0xFFFFFE00  }
0x2f: {  	[tilespmem:s7], [sflag:$0x1] =	stream.indirect.gather [hbm4b:s5+s6], $0x80, s2, s6, $0xb8;
	[tilespmem:$0x4200] =	vst v63  }
0x30: {  	_ =	swait.ge [sflag:s8], $0x4000  }
0x31: {  	[sflag:s8] =	ssyncset.done $0x0  }
0x32: {  	[sflag:s8] =	ssyncadd.s32 $0xFFFFC000  }
0x33: {  	[hbm4b:s9+s2] =	stream.linear.scatter [tilespmem:s7], [sflag:$0x2], $0x4000, $0x38;
	[tilespmem:$0x4200] =	vst v63  }
0x34: {  	_ =	swait.ge [sflag:s3], $0x4000  }
0x35: {  	[sflag:s3] =	ssyncset.done $0x0  }
0x36: {  	[sflag:s3] =	ssyncadd.s32 $0xFFFFC000  }
0x37: {  	[tilespmem:s7], [sflag:$0x1] =	stream.indirect.gather [hbm4b:s5+s6], $0x80, s6, s6, $0xb8;
	[tilespmem:$0x4200] =	vst v63  }
0x38: {  	_ =	swait.ge [sflag:s8], $0x4000  }
0x39: {  	[sflag:s8] =	ssyncset.done $0x0  }
0x3a: {  	[sflag:s8] =	ssyncadd.s32 $0xFFFFC000  }
0x3b: {  	[hbm4b:s10+s2] =	stream.linear.scatter [tilespmem:s7], [sflag:$0x2], $0x4000, $0x38;
	[tilespmem:$0x4200] =	vst v63  }
0x3c: {  	_ =	swait.ge [sflag:s3], $0x4000  }
0x3d: {  	[sflag:s3] =	ssyncset.done $0x0  }
0x3e: {  	[sflag:s3] =	ssyncadd.s32 $0xFFFFC000  }
0x3f: {  	[tilespmem:s7], [sflag:$0x1] =	stream.indirect.gather [hbm4b:s5+s6], $0x80, s11, s6, $0xb8;
	[tilespmem:$0x4200] =	vst v63  }
0x40: {  	_ =	swait.ge [sflag:s8], $0x4000  }
0x41: {  	[sflag:s8] =	ssyncset.done $0x0  }
0x42: {  	[sflag:s8] =	ssyncadd.s32 $0xFFFFC000  }
0x43: {  	[hbm4b:s12+s2] =	stream.linear.scatter [tilespmem:s7], [sflag:$0x2], $0x4000, $0x38;
	[tilespmem:$0x4200] =	vst v63  }
0x44: {  	_ =	swait.ge [sflag:s3], $0x4000  }
0x45: {  	[sflag:s3] =	ssyncset.done $0x0  }
0x46: {  	[sflag:s3] =	ssyncadd.s32 $0xFFFFC000  }
0x47: {  	[tilespmem:s7], [sflag:$0x1] =	stream.indirect.gather [hbm4b:s5+s6], $0x80, s13, s6, $0xb8;
	[tilespmem:$0x4200] =	vst v63  }
0x48: {  	_ =	swait.ge [sflag:s8], $0x4000  }
.Ltmp1:
0x49: {  	[sflag:s8] =	ssyncset.done $0x0;
	(pc) =	sbr.rel @p0 .LBB2_1-.Ltmp1, $4  }
0x4a: {  	[sflag:s8] =	ssyncadd.s32 $0xFFFFC000  }
0x4b: {  	[hbm4b:s14+s2] =	stream.linear.scatter [tilespmem:s7], [sflag:$0x2], $0x4000, $0x38;
	[tilespmem:$0x4200] =	vst v63  }
0x4c: {  	_ =	swait.ge [sflag:s3], $0x4000  }
0x4d: {  	[sflag:s3] =	ssyncset.done $0x0  }
.LBB2_2:
0x4e: {  	[sflag:s3] =	ssyncadd.s32 $0xFFFFC000  }
0x4f: {  	_ =	sfence.sel $0x180000  }
0x50: {  	[bflag:$0x0] =	sbarrier.arrive $0xFFFF  }
0x51: {  	p0 =	sne.s32 s1, $0x0;
	_ =	strace $0x90000047  }
0x52: {  	s0 =	sadd.s32 @!p0 $0x100000, s0;
	[bflag:$0x2] =	sbarrier.arrive $0xFFFF  }
0x53: {  	[sflag:s0] =	ssyncadd.tile.s32 @!p0 $0x1;
	_ =	shalt  }
.Lfunc_end2:
_tile_overlayer_lowered:
.L_overlay_start_2:
0x54: {  	(tag) =	ssettag $0x2  }
0x55: {  	s0 =	rddreg [dreg:$0x0];
	s2 =	stileid.u32  }
0x56: {  	s1 =	rddreg [dreg:$0x1];
	p0 =	sne.s32 s2, $0x0  }
0x57: {  	s3 =	rddreg [dreg:$0x2];
	[bflag:$0x3] =	sbarrier.arrive $0xFFFF;
	s2 =	simm.s32 @!p0 $0x1C02  }
0x58: {  	[timem:s3], [sflag:s2] =	dma.local @!p0 [hbm:s0], s1  }
0x59: {  	s0 =	simm.s32 @!p0 $0x2  }
0x5a: {  	_ =	swait.ge @!p0 [sflag:s0], s1  }
0x5b: {  	s1 =	ssub.s32 @!p0 $0x0, s1;
	[sflag:s0] =	ssyncset.done @!p0 $0x0  }
0x5c: {  	[sflag:s0] =	ssyncadd.s32 @!p0 s1  }
0x5d: {  	[bflag:$0x3] =	sbarrier.arrive $0xFFFF  }
0x5e: {  	_ =	shalt  }

</sc_bundles>
